<compile_context>
chip_gen: v7x
topology: tpu7x:2x2x1
jax: 0.10.2.dev20260603
libtpu: 0.0.44.dev20260713+nightly
codegen_flags: <defaults>
</compile_context>

<pallas_src>
import functools

import jax
import jax.numpy as jnp
from jax import lax
from jax.experimental import pallas as pl
from jax.experimental.pallas import tpu as pltpu
from jax.experimental.pallas import tpu_sc as plsc

NC = 2
NS = 16
NW = NC * NS
LANES = 16
NBUF = 4

_SC_PARAMS = dict(compiler_params=pltpu.CompilerParams(
    use_tc_tiling_on_sc=False, needs_layout_passes=False))


@functools.lru_cache(maxsize=None)
def _build_gather(B, L, V, D):
    Nb = B // NW
    Lc = 2
    n_ch = L // Lc
    assert B % NW == 0 and L % (Lc * NBUF) == 0 and D == 2 * LANES
    assert Nb % LANES == 0

    mesh = plsc.VectorSubcoreMesh(core_axis_name="c", subcore_axis_name="s")

    @functools.partial(
        pl.kernel, mesh=mesh, **_SC_PARAMS,
        out_type=jax.ShapeDtypeStruct((L, D // 8, B // 128, 8, 128),
                                      jnp.float32),
        scratch_types=(
            [pltpu.VMEM((L, Nb), jnp.int32)]
            + [pltpu.VMEM((Nb, D), jnp.float32) for _ in range(Lc * NBUF)]
            + [pltpu.VMEM((D // 8, 8, Nb + 1), jnp.float32)
               for _ in range(Lc * NBUF)]
            + [pltpu.VMEM((L, D), jnp.float32)]
            + [pltpu.SemaphoreType.DMA for _ in range(2 * NBUF)]
        ),
    )
    def gk(trows, xT, pos_hbm, out, *refs):
        nslot = Lc * NBUF
        idx_all = refs[0]
        gbuf = refs[1:1 + nslot]
        tbuf = refs[1 + nslot:1 + 2 * nslot]
        pos_v = refs[1 + 2 * nslot]
        gsem = refs[2 + 2 * nslot:2 + 2 * nslot + NBUF]
        osem = refs[2 + 2 * nslot + NBUF:2 + 2 * nslot + 2 * NBUF]

        w = lax.axis_index("s") * NC + lax.axis_index("c")
        b0 = w * Nb
        pltpu.sync_copy(xT.at[:, pl.ds(b0, Nb)], idx_all)
        pltpu.sync_copy(pos_hbm, pos_v)
        dlo = lax.iota(jnp.int32, LANES)
        dhi = dlo + LANES
        dh_lo, dl_lo = dlo // 8, dlo % 8
        dh_hi, dl_hi = dhi // 8, dhi % 8

        def start_gathers(c, b):
            l0 = c * Lc
            for li in range(Lc):
                pltpu.make_async_copy(
                    trows.at[idx_all.at[l0 + li]], gbuf[Lc * b + li],
                    gsem[b]).start()

        def wait_gathers(c, b):
            l0 = c * Lc
            for li in range(Lc):
                pltpu.make_async_copy(
                    trows.at[idx_all.at[l0 + li]], gbuf[Lc * b + li],
                    gsem[b]).wait()

        def start_outs(c, b):
            l0 = c * Lc
            for li in range(Lc):
                pltpu.make_async_copy(
                    tbuf[Lc * b + li].at[:, :, pl.ds(0, Nb)],
                    out.at[l0 + li, :, w, :, :],
                    osem[b]).start()

        def wait_outs(c, b):
            l0 = c * Lc
            for li in range(Lc):
                pltpu.make_async_copy(
                    tbuf[Lc * b + li].at[:, :, pl.ds(0, Nb)],
                    out.at[l0 + li, :, w, :, :],
                    osem[b]).wait()

        start_gathers(0, 0)
        start_gathers(1, 1)

        def quad(pi, _):
            for b in range(NBUF):
                c = NBUF * pi + b
                wait_gathers(c, b)
                for li in range(Lc):
                    l = c * Lc + li
                    p0 = pos_v[l, pl.ds(0, LANES)]
                    p1 = pos_v[l, pl.ds(LANES, LANES)]
                    g2 = gbuf[Lc * b + li]
                    t2 = tbuf[Lc * b + li]

                    def jloop(j, _):
                        v0 = g2[j, pl.ds(0, LANES)] + p0
                        v1 = g2[j, pl.ds(LANES, LANES)] + p1
                        jsp = lax.broadcast(j, (LANES,)).astype(jnp.int32)
                        plsc.store_scatter(t2, [dh_lo, dl_lo, jsp], v0)
                        plsc.store_scatter(t2, [dh_hi, dl_hi, jsp], v1)
                        return 0

                    lax.fori_loop(0, Nb, jloop, 0, unroll=8)
                start_outs(c, b)
                b2 = (b + 2) % NBUF

                @pl.when(c >= 2)
                def _():
                    wait_outs(c - 2, b2)

                @pl.when(c + 2 < n_ch)
                def _():
                    start_gathers(c + 2, b2)
            return 0

        lax.fori_loop(0, n_ch // NBUF, quad, 0)
        for c in (n_ch - 2, n_ch - 1):
            wait_outs(c, c % NBUF)

    return gk


def kernel(x, token_table, pos_table):
    B, L = x.shape
    V, D = token_table.shape
    gk = _build_gather(B, L, V, D)
    x_T = jnp.swapaxes(x, 0, 1)
    out5 = gk(token_table, x_T, pos_table)
    return jnp.transpose(out5, (2, 4, 0, 1, 3)).reshape(B, L, D)

# --- scband reference (transcript-rebuilt; emitter-appended) ---
"""Pipeline reference for scband-token-and-position-embedding-5291399709123 (READ-ONLY COPY).

The authoritative reference and input builder live on the scoring server;
editing this copy changes nothing except your own understanding.
"""

import jax, jax.numpy as jnp
import numpy as np

MAXLEN = 200
VOCAB = 1000000
EMBED_DIM = 32
BATCH = 4096

def setup_inputs(seed: int = 0) -> dict:
    key = jax.random.key(seed)
    k1, k2, k3 = jax.random.split(key, 3)
    x = jax.random.randint(k1, (BATCH, MAXLEN), 0, VOCAB, dtype=jnp.int64 if jax.config.jax_enable_x64 else jnp.int32)
    token_table = jax.random.normal(k2, (VOCAB, EMBED_DIM), dtype=jnp.float32) * 0.02
    pos_table = jax.random.normal(k3, (MAXLEN, EMBED_DIM), dtype=jnp.float32) * 0.02
    return {"x": x, "token_table": token_table, "pos_table": pos_table}

def reference(x, token_table, pos_table):
    # token embedding: gather rows of token_table
    tok = jnp.take(token_table, x, axis=0)  # [B, L, D]
    # position embedding: gather rows of pos_table with arange(maxlen)
    positions = jnp.arange(x.shape[-1])
    pos = jnp.take(pos_table, positions, axis=0)  # [L, D]
    return tok + pos[None, :, :]

if __name__ == "__main__":
    import jax
    _d = setup_inputs()
    print(jax.jit(kernel)(*tuple(_d.values())))

</pallas_src>

<mosaic_0001>
#map = affine_map<(d0, d1) -> (0, 0)>
#map1 = affine_map<(d0, d1) -> (0, 0, 0, 0, 0)>
module attributes {stable_mosaic.version = 14 : i64} {
  func.func @gk(%arg0: i32, %arg1: i32, %arg2: memref<1000000x32xf32, #tpu.memory_space<hbm>>, %arg3: memref<200x4096xi32, #tpu.memory_space<hbm>>, %arg4: memref<200x32xf32, #tpu.memory_space<hbm>>, %arg5: memref<200x4x32x8x128xf32, #tpu.memory_space<hbm>>, %arg6: memref<200x128xi32, #tpu.memory_space<vmem>>, %arg7: memref<128x32xf32, #tpu.memory_space<vmem>>, %arg8: memref<128x32xf32, #tpu.memory_space<vmem>>, %arg9: memref<128x32xf32, #tpu.memory_space<vmem>>, %arg10: memref<128x32xf32, #tpu.memory_space<vmem>>, %arg11: memref<128x32xf32, #tpu.memory_space<vmem>>, %arg12: memref<128x32xf32, #tpu.memory_space<vmem>>, %arg13: memref<128x32xf32, #tpu.memory_space<vmem>>, %arg14: memref<128x32xf32, #tpu.memory_space<vmem>>, %arg15: memref<4x8x129xf32, #tpu.memory_space<vmem>>, %arg16: memref<4x8x129xf32, #tpu.memory_space<vmem>>, %arg17: memref<4x8x129xf32, #tpu.memory_space<vmem>>, %arg18: memref<4x8x129xf32, #tpu.memory_space<vmem>>, %arg19: memref<4x8x129xf32, #tpu.memory_space<vmem>>, %arg20: memref<4x8x129xf32, #tpu.memory_space<vmem>>, %arg21: memref<4x8x129xf32, #tpu.memory_space<vmem>>, %arg22: memref<4x8x129xf32, #tpu.memory_space<vmem>>, %arg23: memref<200x32xf32, #tpu.memory_space<vmem>>, %arg24: memref<!tpu.dma_semaphore, #tpu.memory_space<semaphore_mem>>, %arg25: memref<!tpu.dma_semaphore, #tpu.memory_space<semaphore_mem>>, %arg26: memref<!tpu.dma_semaphore, #tpu.memory_space<semaphore_mem>>, %arg27: memref<!tpu.dma_semaphore, #tpu.memory_space<semaphore_mem>>, %arg28: memref<!tpu.dma_semaphore, #tpu.memory_space<semaphore_mem>>, %arg29: memref<!tpu.dma_semaphore, #tpu.memory_space<semaphore_mem>>, %arg30: memref<!tpu.dma_semaphore, #tpu.memory_space<semaphore_mem>>, %arg31: memref<!tpu.dma_semaphore, #tpu.memory_space<semaphore_mem>>) attributes {dimension_semantics = [#tpu.dimension_semantics<core_parallel>, #tpu.dimension_semantics<subcore_parallel>], iteration_bounds = array<i64: 2, 16>, scalar_prefetch = 0 : i64, scratch_operands = 26 : i64, tpu.core_type = #tpu.core_type<sc_vector_subcore>, window_params = [{transform_indices = #map}, {transform_indices = #map}, {transform_indices = #map}, {transform_indices = #map1}]} {
    %mul3A = arith.constant 2 : i32
    %mul3A_0 = arith.muli %arg1, %mul3A : i32
    %add3A = arith.addi %mul3A_0, %arg0 : i32
    %mul3A_1 = arith.constant 128 : i32
    %mul3A_2 = arith.muli %add3A, %mul3A_1 : i32
    "tpu.region"() ({
      %run_scoped3A = tpu.sem_alloc : memref<!tpu.dma_semaphore, #tpu.memory_space<semaphore_mem>>
      %dma_start3A_210 = arith.constant 0 : i32
      %dma_start3A_211 = tpu.memref_slice %arg3[%dma_start3A_210, %mul3A_2] : memref<200x4096xi32, #tpu.memory_space<hbm>> -> memref<200x128xi32, #tpu.memory_space<hbm>>
      %dma_start3A_212 = arith.constant 0 : i32
      %dma_start3A_213 = tpu.memref_slice %arg3[%dma_start3A_212, %mul3A_2] : memref<200x4096xi32, #tpu.memory_space<hbm>> -> memref<200x128xi32, #tpu.memory_space<hbm>>
      tpu.enqueue_dma source(%dma_start3A_213 : memref<200x128xi32, #tpu.memory_space<hbm>>) target(%arg6 : memref<200x128xi32, #tpu.memory_space<vmem>>) target_semaphore(%run_scoped3A : memref<!tpu.dma_semaphore, #tpu.memory_space<semaphore_mem>>)
      %dma_wait3A_214 = arith.constant 0 : i32
      %dma_wait3A_215 = tpu.memref_slice %arg3[%dma_wait3A_214, %mul3A_2] : memref<200x4096xi32, #tpu.memory_space<hbm>> -> memref<200x128xi32, #tpu.memory_space<hbm>>
      %dma_wait3A_216 = arith.constant 0 : i32
      %dma_wait3A_217 = tpu.memref_slice %arg3[%dma_wait3A_216, %mul3A_2] : memref<200x4096xi32, #tpu.memory_space<hbm>> -> memref<200x128xi32, #tpu.memory_space<hbm>>
      tpu.wait_dma2 semaphore(%run_scoped3A : memref<!tpu.dma_semaphore, #tpu.memory_space<semaphore_mem>>) src(%dma_wait3A_217 : memref<200x128xi32, #tpu.memory_space<hbm>>) dst(%arg6 : memref<200x128xi32, #tpu.memory_space<vmem>>)
      tpu.yield
    }) : () -> ()
    "tpu.region"() ({
      %run_scoped3A = tpu.sem_alloc : memref<!tpu.dma_semaphore, #tpu.memory_space<semaphore_mem>>
      tpu.enqueue_dma source(%arg4 : memref<200x32xf32, #tpu.memory_space<hbm>>) target(%arg23 : memref<200x32xf32, #tpu.memory_space<vmem>>) target_semaphore(%run_scoped3A : memref<!tpu.dma_semaphore, #tpu.memory_space<semaphore_mem>>)
      tpu.wait_dma2 semaphore(%run_scoped3A : memref<!tpu.dma_semaphore, #tpu.memory_space<semaphore_mem>>) src(%arg4 : memref<200x32xf32, #tpu.memory_space<hbm>>) dst(%arg23 : memref<200x32xf32, #tpu.memory_space<vmem>>)
      tpu.yield
    }) : () -> ()
    %iota3A = tpu.iota {dimensions = array<i32: 0>} : vector<16xi32>
    %add3A_3 = arith.constant 16 : i32
    %add3A_4 = vector.broadcast %add3A_3 : i32 to vector<16xi32>
    %add3A_5 = arith.addi %iota3A, %add3A_4 : vector<16xi32>
    %jit3A = arith.constant 8 : i32
    %div3A = vector.broadcast %jit3A : i32 to vector<16xi32>
    %div3A_6 = arith.divsi %iota3A, %div3A : vector<16xi32>
    %sign3A = arith.constant 0 : i32
    %sign3A_7 = vector.broadcast %sign3A : i32 to vector<16xi32>
    %sign3A_8 = arith.cmpi sgt, %iota3A, %sign3A_7 : vector<16xi32>
    %sign3A_9 = arith.extui %sign3A_8 : vector<16xi1> to vector<16xi32>
    %sign3A_10 = arith.constant 0 : i32
    %sign3A_11 = vector.broadcast %sign3A_10 : i32 to vector<16xi32>
    %sign3A_12 = arith.cmpi slt, %iota3A, %sign3A_11 : vector<16xi32>
    %sign3A_13 = arith.extui %sign3A_12 : vector<16xi1> to vector<16xi32>
    %sign3A_14 = arith.subi %sign3A_9, %sign3A_13 : vector<16xi32>
    %sign3A_15 = arith.constant 0 : i32
    %sign3A_16 = arith.cmpi sgt, %jit3A, %sign3A_15 : i32
    %sign3A_17 = arith.extui %sign3A_16 : i1 to i32
    %sign3A_18 = arith.constant 0 : i32
    %sign3A_19 = arith.cmpi slt, %jit3A, %sign3A_18 : i32
    %sign3A_20 = arith.extui %sign3A_19 : i1 to i32
    %sign3A_21 = arith.subi %sign3A_17, %sign3A_20 : i32
    %ne3A = vector.broadcast %sign3A_21 : i32 to vector<16xi32>
    %ne3A_22 = arith.cmpi ne, %sign3A_14, %ne3A : vector<16xi32>
    %rem3A = vector.broadcast %jit3A : i32 to vector<16xi32>
    %rem3A_23 = arith.remsi %iota3A, %rem3A : vector<16xi32>
    %ne3A_24 = arith.constant 0 : i32
    %ne3A_25 = vector.broadcast %ne3A_24 : i32 to vector<16xi32>
    %ne3A_26 = arith.cmpi ne, %rem3A_23, %ne3A_25 : vector<16xi32>
    %and3A = arith.andi %ne3A_22, %ne3A_26 : vector<16xi1>
    %sub3A = arith.constant 1 : i32
    %sub3A_27 = vector.broadcast %sub3A : i32 to vector<16xi32>
    %sub3A_28 = arith.subi %div3A_6, %sub3A_27 : vector<16xi32>
    %select_n3A = arith.select %and3A, %sub3A_28, %div3A_6 : vector<16xi1>, vector<16xi32>
    %jit3A_29 = arith.constant 8 : i32
    %eq3A = arith.constant 0 : i32
    %eq3A_30 = arith.cmpi eq, %jit3A_29, %eq3A : i32
    %jit3A_31 = arith.constant 1 : i32
    %select_n3A_32 = arith.select %eq3A_30, %jit3A_31, %jit3A_29 : i32
    %rem3A_33 = vector.broadcast %select_n3A_32 : i32 to vector<16xi32>
    %rem3A_34 = arith.remsi %iota3A, %rem3A_33 : vector<16xi32>
    %ne3A_35 = arith.constant 0 : i32
    %ne3A_36 = vector.broadcast %ne3A_35 : i32 to vector<16xi32>
    %ne3A_37 = arith.cmpi ne, %rem3A_34, %ne3A_36 : vector<16xi32>
    %lt3A = arith.constant 0 : i32
    %lt3A_38 = vector.broadcast %lt3A : i32 to vector<16xi32>
    %lt3A_39 = arith.cmpi slt, %rem3A_34, %lt3A_38 : vector<16xi32>
    %lt3A_40 = arith.constant 0 : i32
    %lt3A_41 = arith.cmpi slt, %select_n3A_32, %lt3A_40 : i32
    %ne3A_42 = vector.broadcast %lt3A_41 : i1 to vector<16xi1>
    %ne3A_43 = vector.broadcast %ne3A_42 : vector<16xi1> to vector<16xi1>
    %ne3A_44 = arith.xori %lt3A_39, %ne3A_43 : vector<16xi1>
    %and3A_45 = arith.andi %ne3A_44, %ne3A_37 : vector<16xi1>
    %add3A_46 = vector.broadcast %select_n3A_32 : i32 to vector<16xi32>
    %add3A_47 = arith.addi %rem3A_34, %add3A_46 : vector<16xi32>
    %select_n3A_48 = arith.select %and3A_45, %add3A_47, %rem3A_34 : vector<16xi1>, vector<16xi32>
    %jit3A_49 = arith.constant 8 : i32
    %div3A_50 = vector.broadcast %jit3A_49 : i32 to vector<16xi32>
    %div3A_51 = arith.divsi %add3A_5, %div3A_50 : vector<16xi32>
    %sign3A_52 = arith.constant 0 : i32
    %sign3A_53 = vector.broadcast %sign3A_52 : i32 to vector<16xi32>
    %sign3A_54 = arith.cmpi sgt, %add3A_5, %sign3A_53 : vector<16xi32>
    %sign3A_55 = arith.extui %sign3A_54 : vector<16xi1> to vector<16xi32>
    %sign3A_56 = arith.constant 0 : i32
    %sign3A_57 = vector.broadcast %sign3A_56 : i32 to vector<16xi32>
    %sign3A_58 = arith.cmpi slt, %add3A_5, %sign3A_57 : vector<16xi32>
    %sign3A_59 = arith.extui %sign3A_58 : vector<16xi1> to vector<16xi32>
    %sign3A_60 = arith.subi %sign3A_55, %sign3A_59 : vector<16xi32>
    %sign3A_61 = arith.constant 0 : i32
    %sign3A_62 = arith.cmpi sgt, %jit3A_49, %sign3A_61 : i32
    %sign3A_63 = arith.extui %sign3A_62 : i1 to i32
    %sign3A_64 = arith.constant 0 : i32
    %sign3A_65 = arith.cmpi slt, %jit3A_49, %sign3A_64 : i32
    %sign3A_66 = arith.extui %sign3A_65 : i1 to i32
    %sign3A_67 = arith.subi %sign3A_63, %sign3A_66 : i32
    %ne3A_68 = vector.broadcast %sign3A_67 : i32 to vector<16xi32>
    %ne3A_69 = arith.cmpi ne, %sign3A_60, %ne3A_68 : vector<16xi32>
    %rem3A_70 = vector.broadcast %jit3A_49 : i32 to vector<16xi32>
    %rem3A_71 = arith.remsi %add3A_5, %rem3A_70 : vector<16xi32>
    %ne3A_72 = arith.constant 0 : i32
    %ne3A_73 = vector.broadcast %ne3A_72 : i32 to vector<16xi32>
    %ne3A_74 = arith.cmpi ne, %rem3A_71, %ne3A_73 : vector<16xi32>
    %and3A_75 = arith.andi %ne3A_69, %ne3A_74 : vector<16xi1>
    %sub3A_76 = arith.constant 1 : i32
    %sub3A_77 = vector.broadcast %sub3A_76 : i32 to vector<16xi32>
    %sub3A_78 = arith.subi %div3A_51, %sub3A_77 : vector<16xi32>
    %select_n3A_79 = arith.select %and3A_75, %sub3A_78, %div3A_51 : vector<16xi1>, vector<16xi32>
    %jit3A_80 = arith.constant 8 : i32
    %eq3A_81 = arith.constant 0 : i32
    %eq3A_82 = arith.cmpi eq, %jit3A_80, %eq3A_81 : i32
    %jit3A_83 = arith.constant 1 : i32
    %select_n3A_84 = arith.select %eq3A_82, %jit3A_83, %jit3A_80 : i32
    %rem3A_85 = vector.broadcast %select_n3A_84 : i32 to vector<16xi32>
    %rem3A_86 = arith.remsi %add3A_5, %rem3A_85 : vector<16xi32>
    %ne3A_87 = arith.constant 0 : i32
    %ne3A_88 = vector.broadcast %ne3A_87 : i32 to vector<16xi32>
    %ne3A_89 = arith.cmpi ne, %rem3A_86, %ne3A_88 : vector<16xi32>
    %lt3A_90 = arith.constant 0 : i32
    %lt3A_91 = vector.broadcast %lt3A_90 : i32 to vector<16xi32>
    %lt3A_92 = arith.cmpi slt, %rem3A_86, %lt3A_91 : vector<16xi32>
    %lt3A_93 = arith.constant 0 : i32
    %lt3A_94 = arith.cmpi slt, %select_n3A_84, %lt3A_93 : i32
    %ne3A_95 = vector.broadcast %lt3A_94 : i1 to vector<16xi1>
    %ne3A_96 = vector.broadcast %ne3A_95 : vector<16xi1> to vector<16xi1>
    %ne3A_97 = arith.xori %lt3A_92, %ne3A_96 : vector<16xi1>
    %and3A_98 = arith.andi %ne3A_97, %ne3A_89 : vector<16xi1>
    %add3A_99 = vector.broadcast %select_n3A_84 : i32 to vector<16xi32>
    %add3A_100 = arith.addi %rem3A_86, %add3A_99 : vector<16xi32>
    %select_n3A_101 = arith.select %and3A_98, %add3A_100, %rem3A_86 : vector<16xi1>, vector<16xi32>
    %dma_start3A = arith.constant 0 : i32
    %dma_start3A_102 = arith.constant 0 : i32
    %dma_start3A_103 = tpu.memref_slice %arg6[%dma_start3A, %dma_start3A_102] : memref<200x128xi32, #tpu.memory_space<vmem>> -> memref<1x128xi32, #tpu.memory_space<vmem>>
    %dma_start3A_104 = tpu.memref_squeeze %dma_start3A_103 : memref<1x128xi32, #tpu.memory_space<vmem>> -> memref<128xi32, #tpu.memory_space<vmem>>
    %dma_start3A_105 = arith.constant 0 : i32
    %dma_start3A_106 = arith.constant 0 : i32
    %dma_start3A_107 = tpu.memref_slice %arg2[%dma_start3A_105, %dma_start3A_106] : memref<1000000x32xf32, #tpu.memory_space<hbm>> -> memref<1000000x32xf32, #tpu.memory_space<hbm>>
    tpu.enqueue_indirect_dma source(%dma_start3A_107 : memref<1000000x32xf32, #tpu.memory_space<hbm>>) target(%arg7 : memref<128x32xf32, #tpu.memory_space<vmem>>) offsets(%dma_start3A_104 : memref<128xi32, #tpu.memory_space<vmem>>) semaphore(%arg24 : memref<!tpu.dma_semaphore, #tpu.memory_space<semaphore_mem>>)
    %dma_start3A_108 = arith.constant 1 : i32
    %dma_start3A_109 = arith.constant 0 : i32
    %dma_start3A_110 = tpu.memref_slice %arg6[%dma_start3A_108, %dma_start3A_109] : memref<200x128xi32, #tpu.memory_space<vmem>> -> memref<1x128xi32, #tpu.memory_space<vmem>>
    %dma_start3A_111 = tpu.memref_squeeze %dma_start3A_110 : memref<1x128xi32, #tpu.memory_space<vmem>> -> memref<128xi32, #tpu.memory_space<vmem>>
    %dma_start3A_112 = arith.constant 0 : i32
    %dma_start3A_113 = arith.constant 0 : i32
    %dma_start3A_114 = tpu.memref_slice %arg2[%dma_start3A_112, %dma_start3A_113] : memref<1000000x32xf32, #tpu.memory_space<hbm>> -> memref<1000000x32xf32, #tpu.memory_space<hbm>>
    tpu.enqueue_indirect_dma source(%dma_start3A_114 : memref<1000000x32xf32, #tpu.memory_space<hbm>>) target(%arg8 : memref<128x32xf32, #tpu.memory_space<vmem>>) offsets(%dma_start3A_111 : memref<128xi32, #tpu.memory_space<vmem>>) semaphore(%arg24 : memref<!tpu.dma_semaphore, #tpu.memory_space<semaphore_mem>>)
    %dma_start3A_115 = arith.constant 2 : i32
    %dma_start3A_116 = arith.constant 0 : i32
    %dma_start3A_117 = tpu.memref_slice %arg6[%dma_start3A_115, %dma_start3A_116] : memref<200x128xi32, #tpu.memory_space<vmem>> -> memref<1x128xi32, #tpu.memory_space<vmem>>
    %dma_start3A_118 = tpu.memref_squeeze %dma_start3A_117 : memref<1x128xi32, #tpu.memory_space<vmem>> -> memref<128xi32, #tpu.memory_space<vmem>>
    %dma_start3A_119 = arith.constant 0 : i32
    %dma_start3A_120 = arith.constant 0 : i32
    %dma_start3A_121 = tpu.memref_slice %arg2[%dma_start3A_119, %dma_start3A_120] : memref<1000000x32xf32, #tpu.memory_space<hbm>> -> memref<1000000x32xf32, #tpu.memory_space<hbm>>
    tpu.enqueue_indirect_dma source(%dma_start3A_121 : memref<1000000x32xf32, #tpu.memory_space<hbm>>) target(%arg9 : memref<128x32xf32, #tpu.memory_space<vmem>>) offsets(%dma_start3A_118 : memref<128xi32, #tpu.memory_space<vmem>>) semaphore(%arg25 : memref<!tpu.dma_semaphore, #tpu.memory_space<semaphore_mem>>)
    %dma_start3A_122 = arith.constant 3 : i32
    %dma_start3A_123 = arith.constant 0 : i32
    %dma_start3A_124 = tpu.memref_slice %arg6[%dma_start3A_122, %dma_start3A_123] : memref<200x128xi32, #tpu.memory_space<vmem>> -> memref<1x128xi32, #tpu.memory_space<vmem>>
    %dma_start3A_125 = tpu.memref_squeeze %dma_start3A_124 : memref<1x128xi32, #tpu.memory_space<vmem>> -> memref<128xi32, #tpu.memory_space<vmem>>
    %dma_start3A_126 = arith.constant 0 : i32
    %dma_start3A_127 = arith.constant 0 : i32
    %dma_start3A_128 = tpu.memref_slice %arg2[%dma_start3A_126, %dma_start3A_127] : memref<1000000x32xf32, #tpu.memory_space<hbm>> -> memref<1000000x32xf32, #tpu.memory_space<hbm>>
    tpu.enqueue_indirect_dma source(%dma_start3A_128 : memref<1000000x32xf32, #tpu.memory_space<hbm>>) target(%arg10 : memref<128x32xf32, #tpu.memory_space<vmem>>) offsets(%dma_start3A_125 : memref<128xi32, #tpu.memory_space<vmem>>) semaphore(%arg25 : memref<!tpu.dma_semaphore, #tpu.memory_space<semaphore_mem>>)
    %scan3A = arith.constant 0 : i32
    %scan3A_129 = arith.constant 0 : i32
    %scan3A_130 = arith.constant 25 : i32
    %scan3A_131 = arith.addi %scan3A_129, %scan3A_130 : i32
    %scan3A_132 = arith.constant 1 : i32
    %scan3A_133 = scf.for %scan3A_210 = %scan3A_129 to %scan3A_131 step %scan3A_132 iter_args(%scan3A_211 = %scan3A) -> (i32)  : i32 {
      %mul3A_212 = arith.constant 4 : i32
      %mul3A_213 = arith.muli %mul3A_212, %scan3A_210 : i32
      %add3A_214 = arith.constant 0 : i32
      %add3A_215 = arith.addi %mul3A_213, %add3A_214 : i32
      %mul3A_216 = arith.constant 2 : i32
      %mul3A_217 = arith.muli %add3A_215, %mul3A_216 : i32
      %add3A_218 = arith.constant 0 : i32
      %add3A_219 = arith.addi %mul3A_217, %add3A_218 : i32
      %dma_wait3A_220 = arith.constant 0 : i32
      %dma_wait3A_221 = tpu.memref_slice %arg6[%add3A_219, %dma_wait3A_220] : memref<200x128xi32, #tpu.memory_space<vmem>> -> memref<1x128xi32, #tpu.memory_space<vmem>>
      %dma_wait3A_222 = tpu.memref_squeeze %dma_wait3A_221 : memref<1x128xi32, #tpu.memory_space<vmem>> -> memref<128xi32, #tpu.memory_space<vmem>>
      %dma_wait3A_223 = arith.constant 0 : i32
      %dma_wait3A_224 = arith.constant 0 : i32
      %dma_wait3A_225 = tpu.memref_slice %arg2[%dma_wait3A_223, %dma_wait3A_224] : memref<1000000x32xf32, #tpu.memory_space<hbm>> -> memref<1000000x32xf32, #tpu.memory_space<hbm>>
      tpu.wait_indirect_dma semaphore(%arg24 : memref<!tpu.dma_semaphore, #tpu.memory_space<semaphore_mem>>) src(%dma_wait3A_225 : memref<1000000x32xf32, #tpu.memory_space<hbm>>) dst(%arg7 : memref<128x32xf32, #tpu.memory_space<vmem>>)
      %add3A_226 = arith.constant 1 : i32
      %add3A_227 = arith.addi %mul3A_217, %add3A_226 : i32
      %dma_wait3A_228 = arith.constant 0 : i32
      %dma_wait3A_229 = tpu.memref_slice %arg6[%add3A_227, %dma_wait3A_228] : memref<200x128xi32, #tpu.memory_space<vmem>> -> memref<1x128xi32, #tpu.memory_space<vmem>>
      %dma_wait3A_230 = tpu.memref_squeeze %dma_wait3A_229 : memref<1x128xi32, #tpu.memory_space<vmem>> -> memref<128xi32, #tpu.memory_space<vmem>>
      %dma_wait3A_231 = arith.constant 0 : i32
      %dma_wait3A_232 = arith.constant 0 : i32
      %dma_wait3A_233 = tpu.memref_slice %arg2[%dma_wait3A_231, %dma_wait3A_232] : memref<1000000x32xf32, #tpu.memory_space<hbm>> -> memref<1000000x32xf32, #tpu.memory_space<hbm>>
      tpu.wait_indirect_dma semaphore(%arg24 : memref<!tpu.dma_semaphore, #tpu.memory_space<semaphore_mem>>) src(%dma_wait3A_233 : memref<1000000x32xf32, #tpu.memory_space<hbm>>) dst(%arg8 : memref<128x32xf32, #tpu.memory_space<vmem>>)
      %mul3A_234 = arith.constant 2 : i32
      %mul3A_235 = arith.muli %add3A_215, %mul3A_234 : i32
      %add3A_236 = arith.constant 0 : i32
      %add3A_237 = arith.addi %mul3A_235, %add3A_236 : i32
      %get3A = arith.index_cast %add3A_237 : i32 to index
      %get3A_238 = arith.constant 0 : index
      %get3A_239 = tpu.vector_load %arg23[%get3A, %get3A_238] {strides = array<i32>} : memref<200x32xf32, #tpu.memory_space<vmem>>, vector<16xf32>,
      %get3A_240 = arith.index_cast %add3A_237 : i32 to index
      %get3A_241 = arith.constant 16 : index
      %get3A_242 = tpu.vector_load %arg23[%get3A_240, %get3A_241] {strides = array<i32>} : memref<200x32xf32, #tpu.memory_space<vmem>>, vector<16xf32>,
      %scan3A_243 = arith.constant 0 : i32
      %scan3A_244 = arith.constant 0 : i32
      %scan3A_245 = arith.constant 128 : i32
      %scan3A_246 = arith.addi %scan3A_244, %scan3A_245 : i32
      %scan3A_247 = arith.constant 8 : i32
      %scan3A_248 = scf.for %scan3A_649 = %scan3A_244 to %scan3A_246 step %scan3A_247 iter_args(%scan3A_650 = %scan3A_243) -> (i32)  : i32 {
        %get3A_651 = arith.index_cast %scan3A_649 : i32 to index
        %get3A_652 = arith.constant 0 : index
        %get3A_653 = tpu.vector_load %arg7[%get3A_651, %get3A_652] {strides = array<i32>} : memref<128x32xf32, #tpu.memory_space<vmem>>, vector<16xf32>,
        %add3A_654 = arith.addf %get3A_653, %get3A_239 : vector<16xf32>
        %get3A_655 = arith.index_cast %scan3A_649 : i32 to index
        %get3A_656 = arith.constant 16 : index
        %get3A_657 = tpu.vector_load %arg7[%get3A_655, %get3A_656] {strides = array<i32>} : memref<128x32xf32, #tpu.memory_space<vmem>>, vector<16xf32>,
        %add3A_658 = arith.addf %get3A_657, %get3A_242 : vector<16xf32>
        %broadcast_in_dim3A = vector.broadcast %scan3A_649 : i32 to vector<16xi32>
        tpu.vector_store_idx %arg15[%select_n3A, %select_n3A_48, %broadcast_in_dim3A], %add3A_654 : memref<4x8x129xf32, #tpu.memory_space<vmem>>[vector<16xi32>, vector<16xi32>, vector<16xi32>], vector<16xf32>,
        tpu.vector_store_idx %arg15[%select_n3A_79, %select_n3A_101, %broadcast_in_dim3A], %add3A_658 : memref<4x8x129xf32, #tpu.memory_space<vmem>>[vector<16xi32>, vector<16xi32>, vector<16xi32>], vector<16xf32>,
        %scan3A_659 = arith.constant 0 : i32
        %scan3A_660 = arith.constant 1 : i32
        %scan3A_661 = arith.addi %scan3A_649, %scan3A_660 : i32
        %get3A_662 = arith.index_cast %scan3A_661 : i32 to index
        %get3A_663 = arith.constant 0 : index
        %get3A_664 = tpu.vector_load %arg7[%get3A_662, %get3A_663] {strides = array<i32>} : memref<128x32xf32, #tpu.memory_space<vmem>>, vector<16xf32>,
        %add3A_665 = arith.addf %get3A_664, %get3A_239 : vector<16xf32>
        %get3A_666 = arith.index_cast %scan3A_661 : i32 to index
        %get3A_667 = arith.constant 16 : index
        %get3A_668 = tpu.vector_load %arg7[%get3A_666, %get3A_667] {strides = array<i32>} : memref<128x32xf32, #tpu.memory_space<vmem>>, vector<16xf32>,
        %add3A_669 = arith.addf %get3A_668, %get3A_242 : vector<16xf32>
        %broadcast_in_dim3A_670 = vector.broadcast %scan3A_661 : i32 to vector<16xi32>
        tpu.vector_store_idx %arg15[%select_n3A, %select_n3A_48, %broadcast_in_dim3A_670], %add3A_665 : memref<4x8x129xf32, #tpu.memory_space<vmem>>[vector<16xi32>, vector<16xi32>, vector<16xi32>], vector<16xf32>,
        tpu.vector_store_idx %arg15[%select_n3A_79, %select_n3A_101, %broadcast_in_dim3A_670], %add3A_669 : memref<4x8x129xf32, #tpu.memory_space<vmem>>[vector<16xi32>, vector<16xi32>, vector<16xi32>], vector<16xf32>,
        %scan3A_671 = arith.constant 0 : i32
        %scan3A_672 = arith.constant 2 : i32
        %scan3A_673 = arith.addi %scan3A_649, %scan3A_672 : i32
        %get3A_674 = arith.index_cast %scan3A_673 : i32 to index
        %get3A_675 = arith.constant 0 : index
        %get3A_676 = tpu.vector_load %arg7[%get3A_674, %get3A_675] {strides = array<i32>} : memref<128x32xf32, #tpu.memory_space<vmem>>, vector<16xf32>,
        %add3A_677 = arith.addf %get3A_676, %get3A_239 : vector<16xf32>
        %get3A_678 = arith.index_cast %scan3A_673 : i32 to index
        %get3A_679 = arith.constant 16 : index
        %get3A_680 = tpu.vector_load %arg7[%get3A_678, %get3A_679] {strides = array<i32>} : memref<128x32xf32, #tpu.memory_space<vmem>>, vector<16xf32>,
        %add3A_681 = arith.addf %get3A_680, %get3A_242 : vector<16xf32>
        %broadcast_in_dim3A_682 = vector.broadcast %scan3A_673 : i32 to vector<16xi32>
        tpu.vector_store_idx %arg15[%select_n3A, %select_n3A_48, %broadcast_in_dim3A_682], %add3A_677 : memref<4x8x129xf32, #tpu.memory_space<vmem>>[vector<16xi32>, vector<16xi32>, vector<16xi32>], vector<16xf32>,
        tpu.vector_store_idx %arg15[%select_n3A_79, %select_n3A_101, %broadcast_in_dim3A_682], %add3A_681 : memref<4x8x129xf32, #tpu.memory_space<vmem>>[vector<16xi32>, vector<16xi32>, vector<16xi32>], vector<16xf32>,
        %scan3A_683 = arith.constant 0 : i32
        %scan3A_684 = arith.constant 3 : i32
        %scan3A_685 = arith.addi %scan3A_649, %scan3A_684 : i32
        %get3A_686 = arith.index_cast %scan3A_685 : i32 to index
        %get3A_687 = arith.constant 0 : index
        %get3A_688 = tpu.vector_load %arg7[%get3A_686, %get3A_687] {strides = array<i32>} : memref<128x32xf32, #tpu.memory_space<vmem>>, vector<16xf32>,
        %add3A_689 = arith.addf %get3A_688, %get3A_239 : vector<16xf32>
        %get3A_690 = arith.index_cast %scan3A_685 : i32 to index
        %get3A_691 = arith.constant 16 : index
        %get3A_692 = tpu.vector_load %arg7[%get3A_690, %get3A_691] {strides = array<i32>} : memref<128x32xf32, #tpu.memory_space<vmem>>, vector<16xf32>,
        %add3A_693 = arith.addf %get3A_692, %get3A_242 : vector<16xf32>
        %broadcast_in_dim3A_694 = vector.broadcast %scan3A_685 : i32 to vector<16xi32>
        tpu.vector_store_idx %arg15[%select_n3A, %select_n3A_48, %broadcast_in_dim3A_694], %add3A_689 : memref<4x8x129xf32, #tpu.memory_space<vmem>>[vector<16xi32>, vector<16xi32>, vector<16xi32>], vector<16xf32>,
        tpu.vector_store_idx %arg15[%select_n3A_79, %select_n3A_101, %broadcast_in_dim3A_694], %add3A_693 : memref<4x8x129xf32, #tpu.memory_space<vmem>>[vector<16xi32>, vector<16xi32>, vector<16xi32>], vector<16xf32>,
        %scan3A_695 = arith.constant 0 : i32
        %scan3A_696 = arith.constant 4 : i32
        %scan3A_697 = arith.addi %scan3A_649, %scan3A_696 : i32
        %get3A_698 = arith.index_cast %scan3A_697 : i32 to index
        %get3A_699 = arith.constant 0 : index
        %get3A_700 = tpu.vector_load %arg7[%get3A_698, %get3A_699] {strides = array<i32>} : memref<128x32xf32, #tpu.memory_space<vmem>>, vector<16xf32>,
        %add3A_701 = arith.addf %get3A_700, %get3A_239 : vector<16xf32>
        %get3A_702 = arith.index_cast %scan3A_697 : i32 to index
        %get3A_703 = arith.constant 16 : index
        %get3A_704 = tpu.vector_load %arg7[%get3A_702, %get3A_703] {strides = array<i32>} : memref<128x32xf32, #tpu.memory_space<vmem>>, vector<16xf32>,
        %add3A_705 = arith.addf %get3A_704, %get3A_242 : vector<16xf32>
        %broadcast_in_dim3A_706 = vector.broadcast %scan3A_697 : i32 to vector<16xi32>
        tpu.vector_store_idx %arg15[%select_n3A, %select_n3A_48, %broadcast_in_dim3A_706], %add3A_701 : memref<4x8x129xf32, #tpu.memory_space<vmem>>[vector<16xi32>, vector<16xi32>, vector<16xi32>], vector<16xf32>,
        tpu.vector_store_idx %arg15[%select_n3A_79, %select_n3A_101, %broadcast_in_dim3A_706], %add3A_705 : memref<4x8x129xf32, #tpu.memory_space<vmem>>[vector<16xi32>, vector<16xi32>, vector<16xi32>], vector<16xf32>,
        %scan3A_707 = arith.constant 0 : i32
        %scan3A_708 = arith.constant 5 : i32
        %scan3A_709 = arith.addi %scan3A_649, %scan3A_708 : i32
        %get3A_710 = arith.index_cast %scan3A_709 : i32 to index
        %get3A_711 = arith.constant 0 : index
        %get3A_712 = tpu.vector_load %arg7[%get3A_710, %get3A_711] {strides = array<i32>} : memref<128x32xf32, #tpu.memory_space<vmem>>, vector<16xf32>,
        %add3A_713 = arith.addf %get3A_712, %get3A_239 : vector<16xf32>
        %get3A_714 = arith.index_cast %scan3A_709 : i32 to index
        %get3A_715 = arith.constant 16 : index
        %get3A_716 = tpu.vector_load %arg7[%get3A_714, %get3A_715] {strides = array<i32>} : memref<128x32xf32, #tpu.memory_space<vmem>>, vector<16xf32>,
        %add3A_717 = arith.addf %get3A_716, %get3A_242 : vector<16xf32>
        %broadcast_in_dim3A_718 = vector.broadcast %scan3A_709 : i32 to vector<16xi32>
        tpu.vector_store_idx %arg15[%select_n3A, %select_n3A_48, %broadcast_in_dim3A_718], %add3A_713 : memref<4x8x129xf32, #tpu.memory_space<vmem>>[vector<16xi32>, vector<16xi32>, vector<16xi32>], vector<16xf32>,
        tpu.vector_store_idx %arg15[%select_n3A_79, %select_n3A_101, %broadcast_in_dim3A_718], %add3A_717 : memref<4x8x129xf32, #tpu.memory_space<vmem>>[vector<16xi32>, vector<16xi32>, vector<16xi32>], vector<16xf32>,
        %scan3A_719 = arith.constant 0 : i32
        %scan3A_720 = arith.constant 6 : i32
        %scan3A_721 = arith.addi %scan3A_649, %scan3A_720 : i32
        %get3A_722 = arith.index_cast %scan3A_721 : i32 to index
        %get3A_723 = arith.constant 0 : index
        %get3A_724 = tpu.vector_load %arg7[%get3A_722, %get3A_723] {strides = array<i32>} : memref<128x32xf32, #tpu.memory_space<vmem>>, vector<16xf32>,
        %add3A_725 = arith.addf %get3A_724, %get3A_239 : vector<16xf32>
        %get3A_726 = arith.index_cast %scan3A_721 : i32 to index
        %get3A_727 = arith.constant 16 : index
        %get3A_728 = tpu.vector_load %arg7[%get3A_726, %get3A_727] {strides = array<i32>} : memref<128x32xf32, #tpu.memory_space<vmem>>, vector<16xf32>,
        %add3A_729 = arith.addf %get3A_728, %get3A_242 : vector<16xf32>
        %broadcast_in_dim3A_730 = vector.broadcast %scan3A_721 : i32 to vector<16xi32>
        tpu.vector_store_idx %arg15[%select_n3A, %select_n3A_48, %broadcast_in_dim3A_730], %add3A_725 : memref<4x8x129xf32, #tpu.memory_space<vmem>>[vector<16xi32>, vector<16xi32>, vector<16xi32>], vector<16xf32>,
        tpu.vector_store_idx %arg15[%select_n3A_79, %select_n3A_101, %broadcast_in_dim3A_730], %add3A_729 : memref<4x8x129xf32, #tpu.memory_space<vmem>>[vector<16xi32>, vector<16xi32>, vector<16xi32>], vector<16xf32>,
        %scan3A_731 = arith.constant 0 : i32
        %scan3A_732 = arith.constant 7 : i32
        %scan3A_733 = arith.addi %scan3A_649, %scan3A_732 : i32
        %get3A_734 = arith.index_cast %scan3A_733 : i32 to index
        %get3A_735 = arith.constant 0 : index
        %get3A_736 = tpu.vector_load %arg7[%get3A_734, %get3A_735] {strides = array<i32>} : memref<128x32xf32, #tpu.memory_space<vmem>>, vector<16xf32>,
        %add3A_737 = arith.addf %get3A_736, %get3A_239 : vector<16xf32>
        %get3A_738 = arith.index_cast %scan3A_733 : i32 to index
        %get3A_739 = arith.constant 16 : index
        %get3A_740 = tpu.vector_load %arg7[%get3A_738, %get3A_739] {strides = array<i32>} : memref<128x32xf32, #tpu.memory_space<vmem>>, vector<16xf32>,
        %add3A_741 = arith.addf %get3A_740, %get3A_242 : vector<16xf32>
        %broadcast_in_dim3A_742 = vector.broadcast %scan3A_733 : i32 to vector<16xi32>
        tpu.vector_store_idx %arg15[%select_n3A, %select_n3A_48, %broadcast_in_dim3A_742], %add3A_737 : memref<4x8x129xf32, #tpu.memory_space<vmem>>[vector<16xi32>, vector<16xi32>, vector<16xi32>], vector<16xf32>,
        tpu.vector_store_idx %arg15[%select_n3A_79, %select_n3A_101, %broadcast_in_dim3A_742], %add3A_741 : memref<4x8x129xf32, #tpu.memory_space<vmem>>[vector<16xi32>, vector<16xi32>, vector<16xi32>], vector<16xf32>,
        %scan3A_743 = arith.constant 0 : i32
        scf.yield %scan3A_743 : i32
      }
      %scan3A_249 = arith.constant 128 : i32
      %mul3A_250 = arith.constant 2 : i32
      %mul3A_251 = arith.muli %add3A_215, %mul3A_250 : i32
      %add3A_252 = arith.constant 1 : i32
      %add3A_253 = arith.addi %mul3A_251, %add3A_252 : i32
      %get3A_254 = arith.index_cast %add3A_253 : i32 to index
      %get3A_255 = arith.constant 0 : index
      %get3A_256 = tpu.vector_load %arg23[%get3A_254, %get3A_255] {strides = array<i32>} : memref<200x32xf32, #tpu.memory_space<vmem>>, vector<16xf32>,
      %get3A_257 = arith.index_cast %add3A_253 : i32 to index
      %get3A_258 = arith.constant 16 : index
      %get3A_259 = tpu.vector_load %arg23[%get3A_257, %get3A_258] {strides = array<i32>} : memref<200x32xf32, #tpu.memory_space<vmem>>, vector<16xf32>,
      %scan3A_260 = arith.constant 0 : i32
      %scan3A_261 = arith.constant 0 : i32
      %scan3A_262 = arith.constant 128 : i32
      %scan3A_263 = arith.addi %scan3A_261, %scan3A_262 : i32
      %scan3A_264 = arith.constant 8 : i32
      %scan3A_265 = scf.for %scan3A_649 = %scan3A_261 to %scan3A_263 step %scan3A_264 iter_args(%scan3A_650 = %scan3A_260) -> (i32)  : i32 {
        %get3A_651 = arith.index_cast %scan3A_649 : i32 to index
        %get3A_652 = arith.constant 0 : index
        %get3A_653 = tpu.vector_load %arg8[%get3A_651, %get3A_652] {strides = array<i32>} : memref<128x32xf32, #tpu.memory_space<vmem>>, vector<16xf32>,
        %add3A_654 = arith.addf %get3A_653, %get3A_256 : vector<16xf32>
        %get3A_655 = arith.index_cast %scan3A_649 : i32 to index
        %get3A_656 = arith.constant 16 : index
        %get3A_657 = tpu.vector_load %arg8[%get3A_655, %get3A_656] {strides = array<i32>} : memref<128x32xf32, #tpu.memory_space<vmem>>, vector<16xf32>,
        %add3A_658 = arith.addf %get3A_657, %get3A_259 : vector<16xf32>
        %broadcast_in_dim3A = vector.broadcast %scan3A_649 : i32 to vector<16xi32>
        tpu.vector_store_idx %arg16[%select_n3A, %select_n3A_48, %broadcast_in_dim3A], %add3A_654 : memref<4x8x129xf32, #tpu.memory_space<vmem>>[vector<16xi32>, vector<16xi32>, vector<16xi32>], vector<16xf32>,
        tpu.vector_store_idx %arg16[%select_n3A_79, %select_n3A_101, %broadcast_in_dim3A], %add3A_658 : memref<4x8x129xf32, #tpu.memory_space<vmem>>[vector<16xi32>, vector<16xi32>, vector<16xi32>], vector<16xf32>,
        %scan3A_659 = arith.constant 0 : i32
        %scan3A_660 = arith.constant 1 : i32
        %scan3A_661 = arith.addi %scan3A_649, %scan3A_660 : i32
        %get3A_662 = arith.index_cast %scan3A_661 : i32 to index
        %get3A_663 = arith.constant 0 : index
        %get3A_664 = tpu.vector_load %arg8[%get3A_662, %get3A_663] {strides = array<i32>} : memref<128x32xf32, #tpu.memory_space<vmem>>, vector<16xf32>,
        %add3A_665 = arith.addf %get3A_664, %get3A_256 : vector<16xf32>
        %get3A_666 = arith.index_cast %scan3A_661 : i32 to index
        %get3A_667 = arith.constant 16 : index
        %get3A_668 = tpu.vector_load %arg8[%get3A_666, %get3A_667] {strides = array<i32>} : memref<128x32xf32, #tpu.memory_space<vmem>>, vector<16xf32>,
        %add3A_669 = arith.addf %get3A_668, %get3A_259 : vector<16xf32>
        %broadcast_in_dim3A_670 = vector.broadcast %scan3A_661 : i32 to vector<16xi32>
        tpu.vector_store_idx %arg16[%select_n3A, %select_n3A_48, %broadcast_in_dim3A_670], %add3A_665 : memref<4x8x129xf32, #tpu.memory_space<vmem>>[vector<16xi32>, vector<16xi32>, vector<16xi32>], vector<16xf32>,
        tpu.vector_store_idx %arg16[%select_n3A_79, %select_n3A_101, %broadcast_in_dim3A_670], %add3A_669 : memref<4x8x129xf32, #tpu.memory_space<vmem>>[vector<16xi32>, vector<16xi32>, vector<16xi32>], vector<16xf32>,
        %scan3A_671 = arith.constant 0 : i32
        %scan3A_672 = arith.constant 2 : i32
        %scan3A_673 = arith.addi %scan3A_649, %scan3A_672 : i32
        %get3A_674 = arith.index_cast %scan3A_673 : i32 to index
        %get3A_675 = arith.constant 0 : index
        %get3A_676 = tpu.vector_load %arg8[%get3A_674, %get3A_675] {strides = array<i32>} : memref<128x32xf32, #tpu.memory_space<vmem>>, vector<16xf32>,
        %add3A_677 = arith.addf %get3A_676, %get3A_256 : vector<16xf32>
        %get3A_678 = arith.index_cast %scan3A_673 : i32 to index
        %get3A_679 = arith.constant 16 : index
        %get3A_680 = tpu.vector_load %arg8[%get3A_678, %get3A_679] {strides = array<i32>} : memref<128x32xf32, #tpu.memory_space<vmem>>, vector<16xf32>,
        %add3A_681 = arith.addf %get3A_680, %get3A_259 : vector<16xf32>
        %broadcast_in_dim3A_682 = vector.broadcast %scan3A_673 : i32 to vector<16xi32>
        tpu.vector_store_idx %arg16[%select_n3A, %select_n3A_48, %broadcast_in_dim3A_682], %add3A_677 : memref<4x8x129xf32, #tpu.memory_space<vmem>>[vector<16xi32>, vector<16xi32>, vector<16xi32>], vector<16xf32>,
        tpu.vector_store_idx %arg16[%select_n3A_79, %select_n3A_101, %broadcast_in_dim3A_682], %add3A_681 : memref<4x8x129xf32, #tpu.memory_space<vmem>>[vector<16xi32>, vector<16xi32>, vector<16xi32>], vector<16xf32>,
        %scan3A_683 = arith.constant 0 : i32
        %scan3A_684 = arith.constant 3 : i32
        %scan3A_685 = arith.addi %scan3A_649, %scan3A_684 : i32
        %get3A_686 = arith.index_cast %scan3A_685 : i32 to index
        %get3A_687 = arith.constant 0 : index
        %get3A_688 = tpu.vector_load %arg8[%get3A_686, %get3A_687] {strides = array<i32>} : memref<128x32xf32, #tpu.memory_space<vmem>>, vector<16xf32>,
        %add3A_689 = arith.addf %get3A_688, %get3A_256 : vector<16xf32>
        %get3A_690 = arith.index_cast %scan3A_685 : i32 to index
        %get3A_691 = arith.constant 16 : index
        %get3A_692 = tpu.vector_load %arg8[%get3A_690, %get3A_691] {strides = array<i32>} : memref<128x32xf32, #tpu.memory_space<vmem>>, vector<16xf32>,
        %add3A_693 = arith.addf %get3A_692, %get3A_259 : vector<16xf32>
        %broadcast_in_dim3A_694 = vector.broadcast %scan3A_685 : i32 to vector<16xi32>
        tpu.vector_store_idx %arg16[%select_n3A, %select_n3A_48, %broadcast_in_dim3A_694], %add3A_689 : memref<4x8x129xf32, #tpu.memory_space<vmem>>[vector<16xi32>, vector<16xi32>, vector<16xi32>], vector<16xf32>,
        tpu.vector_store_idx %arg16[%select_n3A_79, %select_n3A_101, %broadcast_in_dim3A_694], %add3A_693 : memref<4x8x129xf32, #tpu.memory_space<vmem>>[vector<16xi32>, vector<16xi32>, vector<16xi32>], vector<16xf32>,
        %scan3A_695 = arith.constant 0 : i32
        %scan3A_696 = arith.constant 4 : i32
        %scan3A_697 = arith.addi %scan3A_649, %scan3A_696 : i32
        %get3A_698 = arith.index_cast %scan3A_697 : i32 to index
        %get3A_699 = arith.constant 0 : index
        %get3A_700 = tpu.vector_load %arg8[%get3A_698, %get3A_699] {strides = array<i32>} : memref<128x32xf32, #tpu.memory_space<vmem>>, vector<16xf32>,
        %add3A_701 = arith.addf %get3A_700, %get3A_256 : vector<16xf32>
        %get3A_702 = arith.index_cast %scan3A_697 : i32 to index
        %get3A_703 = arith.constant 16 : index
        %get3A_704 = tpu.vector_load %arg8[%get3A_702, %get3A_703] {strides = array<i32>} : memref<128x32xf32, #tpu.memory_space<vmem>>, vector<16xf32>,
        %add3A_705 = arith.addf %get3A_704, %get3A_259 : vector<16xf32>
        %broadcast_in_dim3A_706 = vector.broadcast %scan3A_697 : i32 to vector<16xi32>
        tpu.vector_store_idx %arg16[%select_n3A, %select_n3A_48, %broadcast_in_dim3A_706], %add3A_701 : memref<4x8x129xf32, #tpu.memory_space<vmem>>[vector<16xi32>, vector<16xi32>, vector<16xi32>], vector<16xf32>,
        tpu.vector_store_idx %arg16[%select_n3A_79, %select_n3A_101, %broadcast_in_dim3A_706], %add3A_705 : memref<4x8x129xf32, #tpu.memory_space<vmem>>[vector<16xi32>, vector<16xi32>, vector<16xi32>], vector<16xf32>,
        %scan3A_707 = arith.constant 0 : i32
        %scan3A_708 = arith.constant 5 : i32
        %scan3A_709 = arith.addi %scan3A_649, %scan3A_708 : i32
        %get3A_710 = arith.index_cast %scan3A_709 : i32 to index
        %get3A_711 = arith.constant 0 : index
        %get3A_712 = tpu.vector_load %arg8[%get3A_710, %get3A_711] {strides = array<i32>} : memref<128x32xf32, #tpu.memory_space<vmem>>, vector<16xf32>,
        %add3A_713 = arith.addf %get3A_712, %get3A_256 : vector<16xf32>
        %get3A_714 = arith.index_cast %scan3A_709 : i32 to index
        %get3A_715 = arith.constant 16 : index
        %get3A_716 = tpu.vector_load %arg8[%get3A_714, %get3A_715] {strides = array<i32>} : memref<128x32xf32, #tpu.memory_space<vmem>>, vector<16xf32>,
        %add3A_717 = arith.addf %get3A_716, %get3A_259 : vector<16xf32>
        %broadcast_in_dim3A_718 = vector.broadcast %scan3A_709 : i32 to vector<16xi32>
        tpu.vector_store_idx %arg16[%select_n3A, %select_n3A_48, %broadcast_in_dim3A_718], %add3A_713 : memref<4x8x129xf32, #tpu.memory_space<vmem>>[vector<16xi32>, vector<16xi32>, vector<16xi32>], vector<16xf32>,
        tpu.vector_store_idx %arg16[%select_n3A_79, %select_n3A_101, %broadcast_in_dim3A_718], %add3A_717 : memref<4x8x129xf32, #tpu.memory_space<vmem>>[vector<16xi32>, vector<16xi32>, vector<16xi32>], vector<16xf32>,
        %scan3A_719 = arith.constant 0 : i32
        %scan3A_720 = arith.constant 6 : i32
        %scan3A_721 = arith.addi %scan3A_649, %scan3A_720 : i32
        %get3A_722 = arith.index_cast %scan3A_721 : i32 to index
        %get3A_723 = arith.constant 0 : index
        %get3A_724 = tpu.vector_load %arg8[%get3A_722, %get3A_723] {strides = array<i32>} : memref<128x32xf32, #tpu.memory_space<vmem>>, vector<16xf32>,
        %add3A_725 = arith.addf %get3A_724, %get3A_256 : vector<16xf32>
        %get3A_726 = arith.index_cast %scan3A_721 : i32 to index
        %get3A_727 = arith.constant 16 : index
        %get3A_728 = tpu.vector_load %arg8[%get3A_726, %get3A_727] {strides = array<i32>} : memref<128x32xf32, #tpu.memory_space<vmem>>, vector<16xf32>,
        %add3A_729 = arith.addf %get3A_728, %get3A_259 : vector<16xf32>
        %broadcast_in_dim3A_730 = vector.broadcast %scan3A_721 : i32 to vector<16xi32>
        tpu.vector_store_idx %arg16[%select_n3A, %select_n3A_48, %broadcast_in_dim3A_730], %add3A_725 : memref<4x8x129xf32, #tpu.memory_space<vmem>>[vector<16xi32>, vector<16xi32>, vector<16xi32>], vector<16xf32>,
        tpu.vector_store_idx %arg16[%select_n3A_79, %select_n3A_101, %broadcast_in_dim3A_730], %add3A_729 : memref<4x8x129xf32, #tpu.memory_space<vmem>>[vector<16xi32>, vector<16xi32>, vector<16xi32>], vector<16xf32>,
        %scan3A_731 = arith.constant 0 : i32
        %scan3A_732 = arith.constant 7 : i32
        %scan3A_733 = arith.addi %scan3A_649, %scan3A_732 : i32
        %get3A_734 = arith.index_cast %scan3A_733 : i32 to index
        %get3A_735 = arith.constant 0 : index
        %get3A_736 = tpu.vector_load %arg8[%get3A_734, %get3A_735] {strides = array<i32>} : memref<128x32xf32, #tpu.memory_space<vmem>>, vector<16xf32>,
        %add3A_737 = arith.addf %get3A_736, %get3A_256 : vector<16xf32>
        %get3A_738 = arith.index_cast %scan3A_733 : i32 to index
        %get3A_739 = arith.constant 16 : index
        %get3A_740 = tpu.vector_load %arg8[%get3A_738, %get3A_739] {strides = array<i32>} : memref<128x32xf32, #tpu.memory_space<vmem>>, vector<16xf32>,
        %add3A_741 = arith.addf %get3A_740, %get3A_259 : vector<16xf32>
        %broadcast_in_dim3A_742 = vector.broadcast %scan3A_733 : i32 to vector<16xi32>
        tpu.vector_store_idx %arg16[%select_n3A, %select_n3A_48, %broadcast_in_dim3A_742], %add3A_737 : memref<4x8x129xf32, #tpu.memory_space<vmem>>[vector<16xi32>, vector<16xi32>, vector<16xi32>], vector<16xf32>,
        tpu.vector_store_idx %arg16[%select_n3A_79, %select_n3A_101, %broadcast_in_dim3A_742], %add3A_741 : memref<4x8x129xf32, #tpu.memory_space<vmem>>[vector<16xi32>, vector<16xi32>, vector<16xi32>], vector<16xf32>,
        %scan3A_743 = arith.constant 0 : i32
        scf.yield %scan3A_743 : i32
      }
      %scan3A_266 = arith.constant 128 : i32
      %mul3A_267 = arith.constant 2 : i32
      %mul3A_268 = arith.muli %add3A_215, %mul3A_267 : i32
      %add3A_269 = arith.constant 0 : i32
      %add3A_270 = arith.addi %mul3A_268, %add3A_269 : i32
      %dma_start3A_271 = arith.constant 0 : i32
      %dma_start3A_272 = arith.constant 0 : i32
      %dma_start3A_273 = arith.constant 0 : i32
      %dma_start3A_274 = tpu.memref_slice %arg15[%dma_start3A_271, %dma_start3A_272, %dma_start3A_273] : memref<4x8x129xf32, #tpu.memory_space<vmem>> -> memref<4x8x128xf32, #tpu.memory_space<vmem>>
      %dma_start3A_275 = arith.constant 0 : i32
      %dma_start3A_276 = arith.constant 0 : i32
      %dma_start3A_277 = arith.constant 0 : i32
      %dma_start3A_278 = tpu.memref_slice %arg5[%add3A_270, %dma_start3A_275, %add3A, %dma_start3A_276, %dma_start3A_277] : memref<200x4x32x8x128xf32, #tpu.memory_space<hbm>> -> memref<1x4x1x8x128xf32, #tpu.memory_space<hbm>>
      %dma_start3A_279 = tpu.memref_squeeze %dma_start3A_278 : memref<1x4x1x8x128xf32, #tpu.memory_space<hbm>> -> memref<4x8x128xf32, #tpu.memory_space<hbm>>
      %dma_start3A_280 = arith.constant 0 : i32
      %dma_start3A_281 = arith.constant 0 : i32
      %dma_start3A_282 = arith.constant 0 : i32
      %dma_start3A_283 = tpu.memref_slice %arg5[%add3A_270, %dma_start3A_280, %add3A, %dma_start3A_281, %dma_start3A_282] : memref<200x4x32x8x128xf32, #tpu.memory_space<hbm>> -> memref<1x4x1x8x128xf32, #tpu.memory_space<hbm>>
      %dma_start3A_284 = tpu.memref_squeeze %dma_start3A_283 : memref<1x4x1x8x128xf32, #tpu.memory_space<hbm>> -> memref<4x8x128xf32, #tpu.memory_space<hbm>>
      %dma_start3A_285 = arith.constant 0 : i32
      %dma_start3A_286 = arith.constant 0 : i32
      %dma_start3A_287 = arith.constant 0 : i32
      %dma_start3A_288 = tpu.memref_slice %arg15[%dma_start3A_285, %dma_start3A_286, %dma_start3A_287] : memref<4x8x129xf32, #tpu.memory_space<vmem>> -> memref<4x8x128xf32, #tpu.memory_space<vmem>>
      tpu.enqueue_dma source(%dma_start3A_288 : memref<4x8x128xf32, #tpu.memory_space<vmem>>) target(%dma_start3A_284 : memref<4x8x128xf32, #tpu.memory_space<hbm>>) target_semaphore(%arg28 : memref<!tpu.dma_semaphore, #tpu.memory_space<semaphore_mem>>)
      %add3A_289 = arith.constant 1 : i32
      %add3A_290 = arith.addi %mul3A_268, %add3A_289 : i32
      %dma_start3A_291 = arith.constant 0 : i32
      %dma_start3A_292 = arith.constant 0 : i32
      %dma_start3A_293 = arith.constant 0 : i32
      %dma_start3A_294 = tpu.memref_slice %arg16[%dma_start3A_291, %dma_start3A_292, %dma_start3A_293] : memref<4x8x129xf32, #tpu.memory_space<vmem>> -> memref<4x8x128xf32, #tpu.memory_space<vmem>>
      %dma_start3A_295 = arith.constant 0 : i32
      %dma_start3A_296 = arith.constant 0 : i32
      %dma_start3A_297 = arith.constant 0 : i32
      %dma_start3A_298 = tpu.memref_slice %arg5[%add3A_290, %dma_start3A_295, %add3A, %dma_start3A_296, %dma_start3A_297] : memref<200x4x32x8x128xf32, #tpu.memory_space<hbm>> -> memref<1x4x1x8x128xf32, #tpu.memory_space<hbm>>
      %dma_start3A_299 = tpu.memref_squeeze %dma_start3A_298 : memref<1x4x1x8x128xf32, #tpu.memory_space<hbm>> -> memref<4x8x128xf32, #tpu.memory_space<hbm>>
      %dma_start3A_300 = arith.constant 0 : i32
      %dma_start3A_301 = arith.constant 0 : i32
      %dma_start3A_302 = arith.constant 0 : i32
      %dma_start3A_303 = tpu.memref_slice %arg5[%add3A_290, %dma_start3A_300, %add3A, %dma_start3A_301, %dma_start3A_302] : memref<200x4x32x8x128xf32, #tpu.memory_space<hbm>> -> memref<1x4x1x8x128xf32, #tpu.memory_space<hbm>>
      %dma_start3A_304 = tpu.memref_squeeze %dma_start3A_303 : memref<1x4x1x8x128xf32, #tpu.memory_space<hbm>> -> memref<4x8x128xf32, #tpu.memory_space<hbm>>
      %dma_start3A_305 = arith.constant 0 : i32
      %dma_start3A_306 = arith.constant 0 : i32
      %dma_start3A_307 = arith.constant 0 : i32
      %dma_start3A_308 = tpu.memref_slice %arg16[%dma_start3A_305, %dma_start3A_306, %dma_start3A_307] : memref<4x8x129xf32, #tpu.memory_space<vmem>> -> memref<4x8x128xf32, #tpu.memory_space<vmem>>
      tpu.enqueue_dma source(%dma_start3A_308 : memref<4x8x128xf32, #tpu.memory_space<vmem>>) target(%dma_start3A_304 : memref<4x8x128xf32, #tpu.memory_space<hbm>>) target_semaphore(%arg28 : memref<!tpu.dma_semaphore, #tpu.memory_space<semaphore_mem>>)
      %ge3A = arith.constant 2 : i32
      %ge3A_309 = arith.cmpi sge, %add3A_215, %ge3A : i32
      %convert_element_type3A = arith.extui %ge3A_309 : i1 to i32
      %cond3A = arith.constant 0 : i32
      %cond3A_310 = arith.cmpi ne, %convert_element_type3A, %cond3A : i32
      scf.if %cond3A_310 {
        %sub3A_649 = arith.constant 2 : i32
        %sub3A_650 = arith.subi %add3A_215, %sub3A_649 : i32
        %mul3A_651 = arith.constant 2 : i32
        %mul3A_652 = arith.muli %sub3A_650, %mul3A_651 : i32
        %add3A_653 = arith.constant 0 : i32
        %add3A_654 = arith.addi %mul3A_652, %add3A_653 : i32
        %dma_wait3A_655 = arith.constant 0 : i32
        %dma_wait3A_656 = arith.constant 0 : i32
        %dma_wait3A_657 = arith.constant 0 : i32
        %dma_wait3A_658 = tpu.memref_slice %arg19[%dma_wait3A_655, %dma_wait3A_656, %dma_wait3A_657] : memref<4x8x129xf32, #tpu.memory_space<vmem>> -> memref<4x8x128xf32, #tpu.memory_space<vmem>>
        %dma_wait3A_659 = arith.constant 0 : i32
        %dma_wait3A_660 = arith.constant 0 : i32
        %dma_wait3A_661 = arith.constant 0 : i32
        %dma_wait3A_662 = tpu.memref_slice %arg5[%add3A_654, %dma_wait3A_659, %add3A, %dma_wait3A_660, %dma_wait3A_661] : memref<200x4x32x8x128xf32, #tpu.memory_space<hbm>> -> memref<1x4x1x8x128xf32, #tpu.memory_space<hbm>>
        %dma_wait3A_663 = tpu.memref_squeeze %dma_wait3A_662 : memref<1x4x1x8x128xf32, #tpu.memory_space<hbm>> -> memref<4x8x128xf32, #tpu.memory_space<hbm>>
        %dma_wait3A_664 = arith.constant 0 : i32
        %dma_wait3A_665 = arith.constant 0 : i32
        %dma_wait3A_666 = arith.constant 0 : i32
        %dma_wait3A_667 = tpu.memref_slice %arg5[%add3A_654, %dma_wait3A_664, %add3A, %dma_wait3A_665, %dma_wait3A_666] : memref<200x4x32x8x128xf32, #tpu.memory_space<hbm>> -> memref<1x4x1x8x128xf32, #tpu.memory_space<hbm>>
        %dma_wait3A_668 = tpu.memref_squeeze %dma_wait3A_667 : memref<1x4x1x8x128xf32, #tpu.memory_space<hbm>> -> memref<4x8x128xf32, #tpu.memory_space<hbm>>
        %dma_wait3A_669 = arith.constant 0 : i32
        %dma_wait3A_670 = arith.constant 0 : i32
        %dma_wait3A_671 = arith.constant 0 : i32
        %dma_wait3A_672 = tpu.memref_slice %arg19[%dma_wait3A_669, %dma_wait3A_670, %dma_wait3A_671] : memref<4x8x129xf32, #tpu.memory_space<vmem>> -> memref<4x8x128xf32, #tpu.memory_space<vmem>>
        tpu.wait_dma2 semaphore(%arg30 : memref<!tpu.dma_semaphore, #tpu.memory_space<semaphore_mem>>) src(%dma_wait3A_672 : memref<4x8x128xf32, #tpu.memory_space<vmem>>) dst(%dma_wait3A_668 : memref<4x8x128xf32, #tpu.memory_space<hbm>>)
        %add3A_673 = arith.constant 1 : i32
        %add3A_674 = arith.addi %mul3A_652, %add3A_673 : i32
        %dma_wait3A_675 = arith.constant 0 : i32
        %dma_wait3A_676 = arith.constant 0 : i32
        %dma_wait3A_677 = arith.constant 0 : i32
        %dma_wait3A_678 = tpu.memref_slice %arg20[%dma_wait3A_675, %dma_wait3A_676, %dma_wait3A_677] : memref<4x8x129xf32, #tpu.memory_space<vmem>> -> memref<4x8x128xf32, #tpu.memory_space<vmem>>
        %dma_wait3A_679 = arith.constant 0 : i32
        %dma_wait3A_680 = arith.constant 0 : i32
        %dma_wait3A_681 = arith.constant 0 : i32
        %dma_wait3A_682 = tpu.memref_slice %arg5[%add3A_674, %dma_wait3A_679, %add3A, %dma_wait3A_680, %dma_wait3A_681] : memref<200x4x32x8x128xf32, #tpu.memory_space<hbm>> -> memref<1x4x1x8x128xf32, #tpu.memory_space<hbm>>
        %dma_wait3A_683 = tpu.memref_squeeze %dma_wait3A_682 : memref<1x4x1x8x128xf32, #tpu.memory_space<hbm>> -> memref<4x8x128xf32, #tpu.memory_space<hbm>>
        %dma_wait3A_684 = arith.constant 0 : i32
        %dma_wait3A_685 = arith.constant 0 : i32
        %dma_wait3A_686 = arith.constant 0 : i32
        %dma_wait3A_687 = tpu.memref_slice %arg5[%add3A_674, %dma_wait3A_684, %add3A, %dma_wait3A_685, %dma_wait3A_686] : memref<200x4x32x8x128xf32, #tpu.memory_space<hbm>> -> memref<1x4x1x8x128xf32, #tpu.memory_space<hbm>>
        %dma_wait3A_688 = tpu.memref_squeeze %dma_wait3A_687 : memref<1x4x1x8x128xf32, #tpu.memory_space<hbm>> -> memref<4x8x128xf32, #tpu.memory_space<hbm>>
        %dma_wait3A_689 = arith.constant 0 : i32
        %dma_wait3A_690 = arith.constant 0 : i32
        %dma_wait3A_691 = arith.constant 0 : i32
        %dma_wait3A_692 = tpu.memref_slice %arg20[%dma_wait3A_689, %dma_wait3A_690, %dma_wait3A_691] : memref<4x8x129xf32, #tpu.memory_space<vmem>> -> memref<4x8x128xf32, #tpu.memory_space<vmem>>
        tpu.wait_dma2 semaphore(%arg30 : memref<!tpu.dma_semaphore, #tpu.memory_space<semaphore_mem>>) src(%dma_wait3A_692 : memref<4x8x128xf32, #tpu.memory_space<vmem>>) dst(%dma_wait3A_688 : memref<4x8x128xf32, #tpu.memory_space<hbm>>)
      } else {
      }
      %add3A_311 = arith.constant 2 : i32
      %add3A_312 = arith.addi %add3A_215, %add3A_311 : i32
      %lt3A_313 = arith.constant 100 : i32
      %lt3A_314 = arith.cmpi slt, %add3A_312, %lt3A_313 : i32
      %convert_element_type3A_315 = arith.extui %lt3A_314 : i1 to i32
      %cond3A_316 = arith.constant 0 : i32
      %cond3A_317 = arith.cmpi ne, %convert_element_type3A_315, %cond3A_316 : i32
      scf.if %cond3A_317 {
        %add3A_649 = arith.constant 2 : i32
        %add3A_650 = arith.addi %add3A_215, %add3A_649 : i32
        %mul3A_651 = arith.constant 2 : i32
        %mul3A_652 = arith.muli %add3A_650, %mul3A_651 : i32
        %add3A_653 = arith.constant 0 : i32
        %add3A_654 = arith.addi %mul3A_652, %add3A_653 : i32
        %dma_start3A_655 = arith.constant 0 : i32
        %dma_start3A_656 = tpu.memref_slice %arg6[%add3A_654, %dma_start3A_655] : memref<200x128xi32, #tpu.memory_space<vmem>> -> memref<1x128xi32, #tpu.memory_space<vmem>>
        %dma_start3A_657 = tpu.memref_squeeze %dma_start3A_656 : memref<1x128xi32, #tpu.memory_space<vmem>> -> memref<128xi32, #tpu.memory_space<vmem>>
        %dma_start3A_658 = arith.constant 0 : i32
        %dma_start3A_659 = arith.constant 0 : i32
        %dma_start3A_660 = tpu.memref_slice %arg2[%dma_start3A_658, %dma_start3A_659] : memref<1000000x32xf32, #tpu.memory_space<hbm>> -> memref<1000000x32xf32, #tpu.memory_space<hbm>>
        tpu.enqueue_indirect_dma source(%dma_start3A_660 : memref<1000000x32xf32, #tpu.memory_space<hbm>>) target(%arg11 : memref<128x32xf32, #tpu.memory_space<vmem>>) offsets(%dma_start3A_657 : memref<128xi32, #tpu.memory_space<vmem>>) semaphore(%arg26 : memref<!tpu.dma_semaphore, #tpu.memory_space<semaphore_mem>>)
        %add3A_661 = arith.constant 1 : i32
        %add3A_662 = arith.addi %mul3A_652, %add3A_661 : i32
        %dma_start3A_663 = arith.constant 0 : i32
        %dma_start3A_664 = tpu.memref_slice %arg6[%add3A_662, %dma_start3A_663] : memref<200x128xi32, #tpu.memory_space<vmem>> -> memref<1x128xi32, #tpu.memory_space<vmem>>
        %dma_start3A_665 = tpu.memref_squeeze %dma_start3A_664 : memref<1x128xi32, #tpu.memory_space<vmem>> -> memref<128xi32, #tpu.memory_space<vmem>>
        %dma_start3A_666 = arith.constant 0 : i32
        %dma_start3A_667 = arith.constant 0 : i32
        %dma_start3A_668 = tpu.memref_slice %arg2[%dma_start3A_666, %dma_start3A_667] : memref<1000000x32xf32, #tpu.memory_space<hbm>> -> memref<1000000x32xf32, #tpu.memory_space<hbm>>
        tpu.enqueue_indirect_dma source(%dma_start3A_668 : memref<1000000x32xf32, #tpu.memory_space<hbm>>) target(%arg12 : memref<128x32xf32, #tpu.memory_space<vmem>>) offsets(%dma_start3A_665 : memref<128xi32, #tpu.memory_space<vmem>>) semaphore(%arg26 : memref<!tpu.dma_semaphore, #tpu.memory_space<semaphore_mem>>)
      } else {
      }
      %mul3A_318 = arith.constant 4 : i32
      %mul3A_319 = arith.muli %mul3A_318, %scan3A_210 : i32
      %add3A_320 = arith.constant 1 : i32
      %add3A_321 = arith.addi %mul3A_319, %add3A_320 : i32
      %mul3A_322 = arith.constant 2 : i32
      %mul3A_323 = arith.muli %add3A_321, %mul3A_322 : i32
      %add3A_324 = arith.constant 0 : i32
      %add3A_325 = arith.addi %mul3A_323, %add3A_324 : i32
      %dma_wait3A_326 = arith.constant 0 : i32
      %dma_wait3A_327 = tpu.memref_slice %arg6[%add3A_325, %dma_wait3A_326] : memref<200x128xi32, #tpu.memory_space<vmem>> -> memref<1x128xi32, #tpu.memory_space<vmem>>
      %dma_wait3A_328 = tpu.memref_squeeze %dma_wait3A_327 : memref<1x128xi32, #tpu.memory_space<vmem>> -> memref<128xi32, #tpu.memory_space<vmem>>
      %dma_wait3A_329 = arith.constant 0 : i32
      %dma_wait3A_330 = arith.constant 0 : i32
      %dma_wait3A_331 = tpu.memref_slice %arg2[%dma_wait3A_329, %dma_wait3A_330] : memref<1000000x32xf32, #tpu.memory_space<hbm>> -> memref<1000000x32xf32, #tpu.memory_space<hbm>>
      tpu.wait_indirect_dma semaphore(%arg25 : memref<!tpu.dma_semaphore, #tpu.memory_space<semaphore_mem>>) src(%dma_wait3A_331 : memref<1000000x32xf32, #tpu.memory_space<hbm>>) dst(%arg9 : memref<128x32xf32, #tpu.memory_space<vmem>>)
      %add3A_332 = arith.constant 1 : i32
      %add3A_333 = arith.addi %mul3A_323, %add3A_332 : i32
      %dma_wait3A_334 = arith.constant 0 : i32
      %dma_wait3A_335 = tpu.memref_slice %arg6[%add3A_333, %dma_wait3A_334] : memref<200x128xi32, #tpu.memory_space<vmem>> -> memref<1x128xi32, #tpu.memory_space<vmem>>
      %dma_wait3A_336 = tpu.memref_squeeze %dma_wait3A_335 : memref<1x128xi32, #tpu.memory_space<vmem>> -> memref<128xi32, #tpu.memory_space<vmem>>
      %dma_wait3A_337 = arith.constant 0 : i32
      %dma_wait3A_338 = arith.constant 0 : i32
      %dma_wait3A_339 = tpu.memref_slice %arg2[%dma_wait3A_337, %dma_wait3A_338] : memref<1000000x32xf32, #tpu.memory_space<hbm>> -> memref<1000000x32xf32, #tpu.memory_space<hbm>>
      tpu.wait_indirect_dma semaphore(%arg25 : memref<!tpu.dma_semaphore, #tpu.memory_space<semaphore_mem>>) src(%dma_wait3A_339 : memref<1000000x32xf32, #tpu.memory_space<hbm>>) dst(%arg10 : memref<128x32xf32, #tpu.memory_space<vmem>>)
      %mul3A_340 = arith.constant 2 : i32
      %mul3A_341 = arith.muli %add3A_321, %mul3A_340 : i32
      %add3A_342 = arith.constant 0 : i32
      %add3A_343 = arith.addi %mul3A_341, %add3A_342 : i32
      %get3A_344 = arith.index_cast %add3A_343 : i32 to index
      %get3A_345 = arith.constant 0 : index
      %get3A_346 = tpu.vector_load %arg23[%get3A_344, %get3A_345] {strides = array<i32>} : memref<200x32xf32, #tpu.memory_space<vmem>>, vector<16xf32>,
      %get3A_347 = arith.index_cast %add3A_343 : i32 to index
      %get3A_348 = arith.constant 16 : index
      %get3A_349 = tpu.vector_load %arg23[%get3A_347, %get3A_348] {strides = array<i32>} : memref<200x32xf32, #tpu.memory_space<vmem>>, vector<16xf32>,
      %scan3A_350 = arith.constant 0 : i32
      %scan3A_351 = arith.constant 0 : i32
      %scan3A_352 = arith.constant 128 : i32
      %scan3A_353 = arith.addi %scan3A_351, %scan3A_352 : i32
      %scan3A_354 = arith.constant 8 : i32
      %scan3A_355 = scf.for %scan3A_649 = %scan3A_351 to %scan3A_353 step %scan3A_354 iter_args(%scan3A_650 = %scan3A_350) -> (i32)  : i32 {
        %get3A_651 = arith.index_cast %scan3A_649 : i32 to index
        %get3A_652 = arith.constant 0 : index
        %get3A_653 = tpu.vector_load %arg9[%get3A_651, %get3A_652] {strides = array<i32>} : memref<128x32xf32, #tpu.memory_space<vmem>>, vector<16xf32>,
        %add3A_654 = arith.addf %get3A_653, %get3A_346 : vector<16xf32>
        %get3A_655 = arith.index_cast %scan3A_649 : i32 to index
        %get3A_656 = arith.constant 16 : index
        %get3A_657 = tpu.vector_load %arg9[%get3A_655, %get3A_656] {strides = array<i32>} : memref<128x32xf32, #tpu.memory_space<vmem>>, vector<16xf32>,
        %add3A_658 = arith.addf %get3A_657, %get3A_349 : vector<16xf32>
        %broadcast_in_dim3A = vector.broadcast %scan3A_649 : i32 to vector<16xi32>
        tpu.vector_store_idx %arg17[%select_n3A, %select_n3A_48, %broadcast_in_dim3A], %add3A_654 : memref<4x8x129xf32, #tpu.memory_space<vmem>>[vector<16xi32>, vector<16xi32>, vector<16xi32>], vector<16xf32>,
        tpu.vector_store_idx %arg17[%select_n3A_79, %select_n3A_101, %broadcast_in_dim3A], %add3A_658 : memref<4x8x129xf32, #tpu.memory_space<vmem>>[vector<16xi32>, vector<16xi32>, vector<16xi32>], vector<16xf32>,
        %scan3A_659 = arith.constant 0 : i32
        %scan3A_660 = arith.constant 1 : i32
        %scan3A_661 = arith.addi %scan3A_649, %scan3A_660 : i32
        %get3A_662 = arith.index_cast %scan3A_661 : i32 to index
        %get3A_663 = arith.constant 0 : index
        %get3A_664 = tpu.vector_load %arg9[%get3A_662, %get3A_663] {strides = array<i32>} : memref<128x32xf32, #tpu.memory_space<vmem>>, vector<16xf32>,
        %add3A_665 = arith.addf %get3A_664, %get3A_346 : vector<16xf32>
        %get3A_666 = arith.index_cast %scan3A_661 : i32 to index
        %get3A_667 = arith.constant 16 : index
        %get3A_668 = tpu.vector_load %arg9[%get3A_666, %get3A_667] {strides = array<i32>} : memref<128x32xf32, #tpu.memory_space<vmem>>, vector<16xf32>,
        %add3A_669 = arith.addf %get3A_668, %get3A_349 : vector<16xf32>
        %broadcast_in_dim3A_670 = vector.broadcast %scan3A_661 : i32 to vector<16xi32>
        tpu.vector_store_idx %arg17[%select_n3A, %select_n3A_48, %broadcast_in_dim3A_670], %add3A_665 : memref<4x8x129xf32, #tpu.memory_space<vmem>>[vector<16xi32>, vector<16xi32>, vector<16xi32>], vector<16xf32>,
        tpu.vector_store_idx %arg17[%select_n3A_79, %select_n3A_101, %broadcast_in_dim3A_670], %add3A_669 : memref<4x8x129xf32, #tpu.memory_space<vmem>>[vector<16xi32>, vector<16xi32>, vector<16xi32>], vector<16xf32>,
        %scan3A_671 = arith.constant 0 : i32
        %scan3A_672 = arith.constant 2 : i32
        %scan3A_673 = arith.addi %scan3A_649, %scan3A_672 : i32
        %get3A_674 = arith.index_cast %scan3A_673 : i32 to index
        %get3A_675 = arith.constant 0 : index
        %get3A_676 = tpu.vector_load %arg9[%get3A_674, %get3A_675] {strides = array<i32>} : memref<128x32xf32, #tpu.memory_space<vmem>>, vector<16xf32>,
        %add3A_677 = arith.addf %get3A_676, %get3A_346 : vector<16xf32>
        %get3A_678 = arith.index_cast %scan3A_673 : i32 to index
        %get3A_679 = arith.constant 16 : index
        %get3A_680 = tpu.vector_load %arg9[%get3A_678, %get3A_679] {strides = array<i32>} : memref<128x32xf32, #tpu.memory_space<vmem>>, vector<16xf32>,
        %add3A_681 = arith.addf %get3A_680, %get3A_349 : vector<16xf32>
        %broadcast_in_dim3A_682 = vector.broadcast %scan3A_673 : i32 to vector<16xi32>
        tpu.vector_store_idx %arg17[%select_n3A, %select_n3A_48, %broadcast_in_dim3A_682], %add3A_677 : memref<4x8x129xf32, #tpu.memory_space<vmem>>[vector<16xi32>, vector<16xi32>, vector<16xi32>], vector<16xf32>,
        tpu.vector_store_idx %arg17[%select_n3A_79, %select_n3A_101, %broadcast_in_dim3A_682], %add3A_681 : memref<4x8x129xf32, #tpu.memory_space<vmem>>[vector<16xi32>, vector<16xi32>, vector<16xi32>], vector<16xf32>,
        %scan3A_683 = arith.constant 0 : i32
        %scan3A_684 = arith.constant 3 : i32
        %scan3A_685 = arith.addi %scan3A_649, %scan3A_684 : i32
        %get3A_686 = arith.index_cast %scan3A_685 : i32 to index
        %get3A_687 = arith.constant 0 : index
        %get3A_688 = tpu.vector_load %arg9[%get3A_686, %get3A_687] {strides = array<i32>} : memref<128x32xf32, #tpu.memory_space<vmem>>, vector<16xf32>,
        %add3A_689 = arith.addf %get3A_688, %get3A_346 : vector<16xf32>
        %get3A_690 = arith.index_cast %scan3A_685 : i32 to index
        %get3A_691 = arith.constant 16 : index
        %get3A_692 = tpu.vector_load %arg9[%get3A_690, %get3A_691] {strides = array<i32>} : memref<128x32xf32, #tpu.memory_space<vmem>>, vector<16xf32>,
        %add3A_693 = arith.addf %get3A_692, %get3A_349 : vector<16xf32>
        %broadcast_in_dim3A_694 = vector.broadcast %scan3A_685 : i32 to vector<16xi32>
        tpu.vector_store_idx %arg17[%select_n3A, %select_n3A_48, %broadcast_in_dim3A_694], %add3A_689 : memref<4x8x129xf32, #tpu.memory_space<vmem>>[vector<16xi32>, vector<16xi32>, vector<16xi32>], vector<16xf32>,
        tpu.vector_store_idx %arg17[%select_n3A_79, %select_n3A_101, %broadcast_in_dim3A_694], %add3A_693 : memref<4x8x129xf32, #tpu.memory_space<vmem>>[vector<16xi32>, vector<16xi32>, vector<16xi32>], vector<16xf32>,
        %scan3A_695 = arith.constant 0 : i32
        %scan3A_696 = arith.constant 4 : i32
        %scan3A_697 = arith.addi %scan3A_649, %scan3A_696 : i32
        %get3A_698 = arith.index_cast %scan3A_697 : i32 to index
        %get3A_699 = arith.constant 0 : index
        %get3A_700 = tpu.vector_load %arg9[%get3A_698, %get3A_699] {strides = array<i32>} : memref<128x32xf32, #tpu.memory_space<vmem>>, vector<16xf32>,
        %add3A_701 = arith.addf %get3A_700, %get3A_346 : vector<16xf32>
        %get3A_702 = arith.index_cast %scan3A_697 : i32 to index
        %get3A_703 = arith.constant 16 : index
        %get3A_704 = tpu.vector_load %arg9[%get3A_702, %get3A_703] {strides = array<i32>} : memref<128x32xf32, #tpu.memory_space<vmem>>, vector<16xf32>,
        %add3A_705 = arith.addf %get3A_704, %get3A_349 : vector<16xf32>
        %broadcast_in_dim3A_706 = vector.broadcast %scan3A_697 : i32 to vector<16xi32>
        tpu.vector_store_idx %arg17[%select_n3A, %select_n3A_48, %broadcast_in_dim3A_706], %add3A_701 : memref<4x8x129xf32, #tpu.memory_space<vmem>>[vector<16xi32>, vector<16xi32>, vector<16xi32>], vector<16xf32>,
        tpu.vector_store_idx %arg17[%select_n3A_79, %select_n3A_101, %broadcast_in_dim3A_706], %add3A_705 : memref<4x8x129xf32, #tpu.memory_space<vmem>>[vector<16xi32>, vector<16xi32>, vector<16xi32>], vector<16xf32>,
        %scan3A_707 = arith.constant 0 : i32
        %scan3A_708 = arith.constant 5 : i32
        %scan3A_709 = arith.addi %scan3A_649, %scan3A_708 : i32
        %get3A_710 = arith.index_cast %scan3A_709 : i32 to index
        %get3A_711 = arith.constant 0 : index
        %get3A_712 = tpu.vector_load %arg9[%get3A_710, %get3A_711] {strides = array<i32>} : memref<128x32xf32, #tpu.memory_space<vmem>>, vector<16xf32>,
        %add3A_713 = arith.addf %get3A_712, %get3A_346 : vector<16xf32>
        %get3A_714 = arith.index_cast %scan3A_709 : i32 to index
        %get3A_715 = arith.constant 16 : index
        %get3A_716 = tpu.vector_load %arg9[%get3A_714, %get3A_715] {strides = array<i32>} : memref<128x32xf32, #tpu.memory_space<vmem>>, vector<16xf32>,
        %add3A_717 = arith.addf %get3A_716, %get3A_349 : vector<16xf32>
        %broadcast_in_dim3A_718 = vector.broadcast %scan3A_709 : i32 to vector<16xi32>
        tpu.vector_store_idx %arg17[%select_n3A, %select_n3A_48, %broadcast_in_dim3A_718], %add3A_713 : memref<4x8x129xf32, #tpu.memory_space<vmem>>[vector<16xi32>, vector<16xi32>, vector<16xi32>], vector<16xf32>,
        tpu.vector_store_idx %arg17[%select_n3A_79, %select_n3A_101, %broadcast_in_dim3A_718], %add3A_717 : memref<4x8x129xf32, #tpu.memory_space<vmem>>[vector<16xi32>, vector<16xi32>, vector<16xi32>], vector<16xf32>,
        %scan3A_719 = arith.constant 0 : i32
        %scan3A_720 = arith.constant 6 : i32
        %scan3A_721 = arith.addi %scan3A_649, %scan3A_720 : i32
        %get3A_722 = arith.index_cast %scan3A_721 : i32 to index
        %get3A_723 = arith.constant 0 : index
        %get3A_724 = tpu.vector_load %arg9[%get3A_722, %get3A_723] {strides = array<i32>} : memref<128x32xf32, #tpu.memory_space<vmem>>, vector<16xf32>,
        %add3A_725 = arith.addf %get3A_724, %get3A_346 : vector<16xf32>
        %get3A_726 = arith.index_cast %scan3A_721 : i32 to index
        %get3A_727 = arith.constant 16 : index
        %get3A_728 = tpu.vector_load %arg9[%get3A_726, %get3A_727] {strides = array<i32>} : memref<128x32xf32, #tpu.memory_space<vmem>>, vector<16xf32>,
        %add3A_729 = arith.addf %get3A_728, %get3A_349 : vector<16xf32>
        %broadcast_in_dim3A_730 = vector.broadcast %scan3A_721 : i32 to vector<16xi32>
        tpu.vector_store_idx %arg17[%select_n3A, %select_n3A_48, %broadcast_in_dim3A_730], %add3A_725 : memref<4x8x129xf32, #tpu.memory_space<vmem>>[vector<16xi32>, vector<16xi32>, vector<16xi32>], vector<16xf32>,
        tpu.vector_store_idx %arg17[%select_n3A_79, %select_n3A_101, %broadcast_in_dim3A_730], %add3A_729 : memref<4x8x129xf32, #tpu.memory_space<vmem>>[vector<16xi32>, vector<16xi32>, vector<16xi32>], vector<16xf32>,
        %scan3A_731 = arith.constant 0 : i32
        %scan3A_732 = arith.constant 7 : i32
        %scan3A_733 = arith.addi %scan3A_649, %scan3A_732 : i32
        %get3A_734 = arith.index_cast %scan3A_733 : i32 to index
        %get3A_735 = arith.constant 0 : index
        %get3A_736 = tpu.vector_load %arg9[%get3A_734, %get3A_735] {strides = array<i32>} : memref<128x32xf32, #tpu.memory_space<vmem>>, vector<16xf32>,
        %add3A_737 = arith.addf %get3A_736, %get3A_346 : vector<16xf32>
        %get3A_738 = arith.index_cast %scan3A_733 : i32 to index
        %get3A_739 = arith.constant 16 : index
        %get3A_740 = tpu.vector_load %arg9[%get3A_738, %get3A_739] {strides = array<i32>} : memref<128x32xf32, #tpu.memory_space<vmem>>, vector<16xf32>,
        %add3A_741 = arith.addf %get3A_740, %get3A_349 : vector<16xf32>
        %broadcast_in_dim3A_742 = vector.broadcast %scan3A_733 : i32 to vector<16xi32>
        tpu.vector_store_idx %arg17[%select_n3A, %select_n3A_48, %broadcast_in_dim3A_742], %add3A_737 : memref<4x8x129xf32, #tpu.memory_space<vmem>>[vector<16xi32>, vector<16xi32>, vector<16xi32>], vector<16xf32>,
        tpu.vector_store_idx %arg17[%select_n3A_79, %select_n3A_101, %broadcast_in_dim3A_742], %add3A_741 : memref<4x8x129xf32, #tpu.memory_space<vmem>>[vector<16xi32>, vector<16xi32>, vector<16xi32>], vector<16xf32>,
        %scan3A_743 = arith.constant 0 : i32
        scf.yield %scan3A_743 : i32
      }
      %scan3A_356 = arith.constant 128 : i32
      %mul3A_357 = arith.constant 2 : i32
      %mul3A_358 = arith.muli %add3A_321, %mul3A_357 : i32
      %add3A_359 = arith.constant 1 : i32
      %add3A_360 = arith.addi %mul3A_358, %add3A_359 : i32
      %get3A_361 = arith.index_cast %add3A_360 : i32 to index
      %get3A_362 = arith.constant 0 : index
      %get3A_363 = tpu.vector_load %arg23[%get3A_361, %get3A_362] {strides = array<i32>} : memref<200x32xf32, #tpu.memory_space<vmem>>, vector<16xf32>,
      %get3A_364 = arith.index_cast %add3A_360 : i32 to index
      %get3A_365 = arith.constant 16 : index
      %get3A_366 = tpu.vector_load %arg23[%get3A_364, %get3A_365] {strides = array<i32>} : memref<200x32xf32, #tpu.memory_space<vmem>>, vector<16xf32>,
      %scan3A_367 = arith.constant 0 : i32
      %scan3A_368 = arith.constant 0 : i32
      %scan3A_369 = arith.constant 128 : i32
      %scan3A_370 = arith.addi %scan3A_368, %scan3A_369 : i32
      %scan3A_371 = arith.constant 8 : i32
      %scan3A_372 = scf.for %scan3A_649 = %scan3A_368 to %scan3A_370 step %scan3A_371 iter_args(%scan3A_650 = %scan3A_367) -> (i32)  : i32 {
        %get3A_651 = arith.index_cast %scan3A_649 : i32 to index
        %get3A_652 = arith.constant 0 : index
        %get3A_653 = tpu.vector_load %arg10[%get3A_651, %get3A_652] {strides = array<i32>} : memref<128x32xf32, #tpu.memory_space<vmem>>, vector<16xf32>,
        %add3A_654 = arith.addf %get3A_653, %get3A_363 : vector<16xf32>
        %get3A_655 = arith.index_cast %scan3A_649 : i32 to index
        %get3A_656 = arith.constant 16 : index
        %get3A_657 = tpu.vector_load %arg10[%get3A_655, %get3A_656] {strides = array<i32>} : memref<128x32xf32, #tpu.memory_space<vmem>>, vector<16xf32>,
        %add3A_658 = arith.addf %get3A_657, %get3A_366 : vector<16xf32>
        %broadcast_in_dim3A = vector.broadcast %scan3A_649 : i32 to vector<16xi32>
        tpu.vector_store_idx %arg18[%select_n3A, %select_n3A_48, %broadcast_in_dim3A], %add3A_654 : memref<4x8x129xf32, #tpu.memory_space<vmem>>[vector<16xi32>, vector<16xi32>, vector<16xi32>], vector<16xf32>,
        tpu.vector_store_idx %arg18[%select_n3A_79, %select_n3A_101, %broadcast_in_dim3A], %add3A_658 : memref<4x8x129xf32, #tpu.memory_space<vmem>>[vector<16xi32>, vector<16xi32>, vector<16xi32>], vector<16xf32>,
        %scan3A_659 = arith.constant 0 : i32
        %scan3A_660 = arith.constant 1 : i32
        %scan3A_661 = arith.addi %scan3A_649, %scan3A_660 : i32
        %get3A_662 = arith.index_cast %scan3A_661 : i32 to index
        %get3A_663 = arith.constant 0 : index
        %get3A_664 = tpu.vector_load %arg10[%get3A_662, %get3A_663] {strides = array<i32>} : memref<128x32xf32, #tpu.memory_space<vmem>>, vector<16xf32>,
        %add3A_665 = arith.addf %get3A_664, %get3A_363 : vector<16xf32>
        %get3A_666 = arith.index_cast %scan3A_661 : i32 to index
        %get3A_667 = arith.constant 16 : index
        %get3A_668 = tpu.vector_load %arg10[%get3A_666, %get3A_667] {strides = array<i32>} : memref<128x32xf32, #tpu.memory_space<vmem>>, vector<16xf32>,
        %add3A_669 = arith.addf %get3A_668, %get3A_366 : vector<16xf32>
        %broadcast_in_dim3A_670 = vector.broadcast %scan3A_661 : i32 to vector<16xi32>
        tpu.vector_store_idx %arg18[%select_n3A, %select_n3A_48, %broadcast_in_dim3A_670], %add3A_665 : memref<4x8x129xf32, #tpu.memory_space<vmem>>[vector<16xi32>, vector<16xi32>, vector<16xi32>], vector<16xf32>,
        tpu.vector_store_idx %arg18[%select_n3A_79, %select_n3A_101, %broadcast_in_dim3A_670], %add3A_669 : memref<4x8x129xf32, #tpu.memory_space<vmem>>[vector<16xi32>, vector<16xi32>, vector<16xi32>], vector<16xf32>,
        %scan3A_671 = arith.constant 0 : i32
        %scan3A_672 = arith.constant 2 : i32
        %scan3A_673 = arith.addi %scan3A_649, %scan3A_672 : i32
        %get3A_674 = arith.index_cast %scan3A_673 : i32 to index
        %get3A_675 = arith.constant 0 : index
        %get3A_676 = tpu.vector_load %arg10[%get3A_674, %get3A_675] {strides = array<i32>} : memref<128x32xf32, #tpu.memory_space<vmem>>, vector<16xf32>,
        %add3A_677 = arith.addf %get3A_676, %get3A_363 : vector<16xf32>
        %get3A_678 = arith.index_cast %scan3A_673 : i32 to index
        %get3A_679 = arith.constant 16 : index
        %get3A_680 = tpu.vector_load %arg10[%get3A_678, %get3A_679] {strides = array<i32>} : memref<128x32xf32, #tpu.memory_space<vmem>>, vector<16xf32>,
        %add3A_681 = arith.addf %get3A_680, %get3A_366 : vector<16xf32>
        %broadcast_in_dim3A_682 = vector.broadcast %scan3A_673 : i32 to vector<16xi32>
        tpu.vector_store_idx %arg18[%select_n3A, %select_n3A_48, %broadcast_in_dim3A_682], %add3A_677 : memref<4x8x129xf32, #tpu.memory_space<vmem>>[vector<16xi32>, vector<16xi32>, vector<16xi32>], vector<16xf32>,
        tpu.vector_store_idx %arg18[%select_n3A_79, %select_n3A_101, %broadcast_in_dim3A_682], %add3A_681 : memref<4x8x129xf32, #tpu.memory_space<vmem>>[vector<16xi32>, vector<16xi32>, vector<16xi32>], vector<16xf32>,
        %scan3A_683 = arith.constant 0 : i32
        %scan3A_684 = arith.constant 3 : i32
        %scan3A_685 = arith.addi %scan3A_649, %scan3A_684 : i32
        %get3A_686 = arith.index_cast %scan3A_685 : i32 to index
        %get3A_687 = arith.constant 0 : index
        %get3A_688 = tpu.vector_load %arg10[%get3A_686, %get3A_687] {strides = array<i32>} : memref<128x32xf32, #tpu.memory_space<vmem>>, vector<16xf32>,
        %add3A_689 = arith.addf %get3A_688, %get3A_363 : vector<16xf32>
        %get3A_690 = arith.index_cast %scan3A_685 : i32 to index
        %get3A_691 = arith.constant 16 : index
        %get3A_692 = tpu.vector_load %arg10[%get3A_690, %get3A_691] {strides = array<i32>} : memref<128x32xf32, #tpu.memory_space<vmem>>, vector<16xf32>,
        %add3A_693 = arith.addf %get3A_692, %get3A_366 : vector<16xf32>
        %broadcast_in_dim3A_694 = vector.broadcast %scan3A_685 : i32 to vector<16xi32>
        tpu.vector_store_idx %arg18[%select_n3A, %select_n3A_48, %broadcast_in_dim3A_694], %add3A_689 : memref<4x8x129xf32, #tpu.memory_space<vmem>>[vector<16xi32>, vector<16xi32>, vector<16xi32>], vector<16xf32>,
        tpu.vector_store_idx %arg18[%select_n3A_79, %select_n3A_101, %broadcast_in_dim3A_694], %add3A_693 : memref<4x8x129xf32, #tpu.memory_space<vmem>>[vector<16xi32>, vector<16xi32>, vector<16xi32>], vector<16xf32>,
        %scan3A_695 = arith.constant 0 : i32
        %scan3A_696 = arith.constant 4 : i32
        %scan3A_697 = arith.addi %scan3A_649, %scan3A_696 : i32
        %get3A_698 = arith.index_cast %scan3A_697 : i32 to index
        %get3A_699 = arith.constant 0 : index
        %get3A_700 = tpu.vector_load %arg10[%get3A_698, %get3A_699] {strides = array<i32>} : memref<128x32xf32, #tpu.memory_space<vmem>>, vector<16xf32>,
        %add3A_701 = arith.addf %get3A_700, %get3A_363 : vector<16xf32>
        %get3A_702 = arith.index_cast %scan3A_697 : i32 to index
        %get3A_703 = arith.constant 16 : index
        %get3A_704 = tpu.vector_load %arg10[%get3A_702, %get3A_703] {strides = array<i32>} : memref<128x32xf32, #tpu.memory_space<vmem>>, vector<16xf32>,
        %add3A_705 = arith.addf %get3A_704, %get3A_366 : vector<16xf32>
        %broadcast_in_dim3A_706 = vector.broadcast %scan3A_697 : i32 to vector<16xi32>
        tpu.vector_store_idx %arg18[%select_n3A, %select_n3A_48, %broadcast_in_dim3A_706], %add3A_701 : memref<4x8x129xf32, #tpu.memory_space<vmem>>[vector<16xi32>, vector<16xi32>, vector<16xi32>], vector<16xf32>,
        tpu.vector_store_idx %arg18[%select_n3A_79, %select_n3A_101, %broadcast_in_dim3A_706], %add3A_705 : memref<4x8x129xf32, #tpu.memory_space<vmem>>[vector<16xi32>, vector<16xi32>, vector<16xi32>], vector<16xf32>,
        %scan3A_707 = arith.constant 0 : i32
        %scan3A_708 = arith.constant 5 : i32
        %scan3A_709 = arith.addi %scan3A_649, %scan3A_708 : i32
        %get3A_710 = arith.index_cast %scan3A_709 : i32 to index
        %get3A_711 = arith.constant 0 : index
        %get3A_712 = tpu.vector_load %arg10[%get3A_710, %get3A_711] {strides = array<i32>} : memref<128x32xf32, #tpu.memory_space<vmem>>, vector<16xf32>,
        %add3A_713 = arith.addf %get3A_712, %get3A_363 : vector<16xf32>
        %get3A_714 = arith.index_cast %scan3A_709 : i32 to index
        %get3A_715 = arith.constant 16 : index
        %get3A_716 = tpu.vector_load %arg10[%get3A_714, %get3A_715] {strides = array<i32>} : memref<128x32xf32, #tpu.memory_space<vmem>>, vector<16xf32>,
        %add3A_717 = arith.addf %get3A_716, %get3A_366 : vector<16xf32>
        %broadcast_in_dim3A_718 = vector.broadcast %scan3A_709 : i32 to vector<16xi32>
        tpu.vector_store_idx %arg18[%select_n3A, %select_n3A_48, %broadcast_in_dim3A_718], %add3A_713 : memref<4x8x129xf32, #tpu.memory_space<vmem>>[vector<16xi32>, vector<16xi32>, vector<16xi32>], vector<16xf32>,
        tpu.vector_store_idx %arg18[%select_n3A_79, %select_n3A_101, %broadcast_in_dim3A_718], %add3A_717 : memref<4x8x129xf32, #tpu.memory_space<vmem>>[vector<16xi32>, vector<16xi32>, vector<16xi32>], vector<16xf32>,
        %scan3A_719 = arith.constant 0 : i32
        %scan3A_720 = arith.constant 6 : i32
        %scan3A_721 = arith.addi %scan3A_649, %scan3A_720 : i32
        %get3A_722 = arith.index_cast %scan3A_721 : i32 to index
        %get3A_723 = arith.constant 0 : index
        %get3A_724 = tpu.vector_load %arg10[%get3A_722, %get3A_723] {strides = array<i32>} : memref<128x32xf32, #tpu.memory_space<vmem>>, vector<16xf32>,
        %add3A_725 = arith.addf %get3A_724, %get3A_363 : vector<16xf32>
        %get3A_726 = arith.index_cast %scan3A_721 : i32 to index
        %get3A_727 = arith.constant 16 : index
        %get3A_728 = tpu.vector_load %arg10[%get3A_726, %get3A_727] {strides = array<i32>} : memref<128x32xf32, #tpu.memory_space<vmem>>, vector<16xf32>,
        %add3A_729 = arith.addf %get3A_728, %get3A_366 : vector<16xf32>
        %broadcast_in_dim3A_730 = vector.broadcast %scan3A_721 : i32 to vector<16xi32>
        tpu.vector_store_idx %arg18[%select_n3A, %select_n3A_48, %broadcast_in_dim3A_730], %add3A_725 : memref<4x8x129xf32, #tpu.memory_space<vmem>>[vector<16xi32>, vector<16xi32>, vector<16xi32>], vector<16xf32>,
        tpu.vector_store_idx %arg18[%select_n3A_79, %select_n3A_101, %broadcast_in_dim3A_730], %add3A_729 : memref<4x8x129xf32, #tpu.memory_space<vmem>>[vector<16xi32>, vector<16xi32>, vector<16xi32>], vector<16xf32>,
        %scan3A_731 = arith.constant 0 : i32
        %scan3A_732 = arith.constant 7 : i32
        %scan3A_733 = arith.addi %scan3A_649, %scan3A_732 : i32
        %get3A_734 = arith.index_cast %scan3A_733 : i32 to index
        %get3A_735 = arith.constant 0 : index
        %get3A_736 = tpu.vector_load %arg10[%get3A_734, %get3A_735] {strides = array<i32>} : memref<128x32xf32, #tpu.memory_space<vmem>>, vector<16xf32>,
        %add3A_737 = arith.addf %get3A_736, %get3A_363 : vector<16xf32>
        %get3A_738 = arith.index_cast %scan3A_733 : i32 to index
        %get3A_739 = arith.constant 16 : index
        %get3A_740 = tpu.vector_load %arg10[%get3A_738, %get3A_739] {strides = array<i32>} : memref<128x32xf32, #tpu.memory_space<vmem>>, vector<16xf32>,
        %add3A_741 = arith.addf %get3A_740, %get3A_366 : vector<16xf32>
        %broadcast_in_dim3A_742 = vector.broadcast %scan3A_733 : i32 to vector<16xi32>
        tpu.vector_store_idx %arg18[%select_n3A, %select_n3A_48, %broadcast_in_dim3A_742], %add3A_737 : memref<4x8x129xf32, #tpu.memory_space<vmem>>[vector<16xi32>, vector<16xi32>, vector<16xi32>], vector<16xf32>,
        tpu.vector_store_idx %arg18[%select_n3A_79, %select_n3A_101, %broadcast_in_dim3A_742], %add3A_741 : memref<4x8x129xf32, #tpu.memory_space<vmem>>[vector<16xi32>, vector<16xi32>, vector<16xi32>], vector<16xf32>,
        %scan3A_743 = arith.constant 0 : i32
        scf.yield %scan3A_743 : i32
      }
      %scan3A_373 = arith.constant 128 : i32
      %mul3A_374 = arith.constant 2 : i32
      %mul3A_375 = arith.muli %add3A_321, %mul3A_374 : i32
      %add3A_376 = arith.constant 0 : i32
      %add3A_377 = arith.addi %mul3A_375, %add3A_376 : i32
      %dma_start3A_378 = arith.constant 0 : i32
      %dma_start3A_379 = arith.constant 0 : i32
      %dma_start3A_380 = arith.constant 0 : i32
      %dma_start3A_381 = tpu.memref_slice %arg17[%dma_start3A_378, %dma_start3A_379, %dma_start3A_380] : memref<4x8x129xf32, #tpu.memory_space<vmem>> -> memref<4x8x128xf32, #tpu.memory_space<vmem>>
      %dma_start3A_382 = arith.constant 0 : i32
      %dma_start3A_383 = arith.constant 0 : i32
      %dma_start3A_384 = arith.constant 0 : i32
      %dma_start3A_385 = tpu.memref_slice %arg5[%add3A_377, %dma_start3A_382, %add3A, %dma_start3A_383, %dma_start3A_384] : memref<200x4x32x8x128xf32, #tpu.memory_space<hbm>> -> memref<1x4x1x8x128xf32, #tpu.memory_space<hbm>>
      %dma_start3A_386 = tpu.memref_squeeze %dma_start3A_385 : memref<1x4x1x8x128xf32, #tpu.memory_space<hbm>> -> memref<4x8x128xf32, #tpu.memory_space<hbm>>
      %dma_start3A_387 = arith.constant 0 : i32
      %dma_start3A_388 = arith.constant 0 : i32
      %dma_start3A_389 = arith.constant 0 : i32
      %dma_start3A_390 = tpu.memref_slice %arg5[%add3A_377, %dma_start3A_387, %add3A, %dma_start3A_388, %dma_start3A_389] : memref<200x4x32x8x128xf32, #tpu.memory_space<hbm>> -> memref<1x4x1x8x128xf32, #tpu.memory_space<hbm>>
      %dma_start3A_391 = tpu.memref_squeeze %dma_start3A_390 : memref<1x4x1x8x128xf32, #tpu.memory_space<hbm>> -> memref<4x8x128xf32, #tpu.memory_space<hbm>>
      %dma_start3A_392 = arith.constant 0 : i32
      %dma_start3A_393 = arith.constant 0 : i32
      %dma_start3A_394 = arith.constant 0 : i32
      %dma_start3A_395 = tpu.memref_slice %arg17[%dma_start3A_392, %dma_start3A_393, %dma_start3A_394] : memref<4x8x129xf32, #tpu.memory_space<vmem>> -> memref<4x8x128xf32, #tpu.memory_space<vmem>>
      tpu.enqueue_dma source(%dma_start3A_395 : memref<4x8x128xf32, #tpu.memory_space<vmem>>) target(%dma_start3A_391 : memref<4x8x128xf32, #tpu.memory_space<hbm>>) target_semaphore(%arg29 : memref<!tpu.dma_semaphore, #tpu.memory_space<semaphore_mem>>)
      %add3A_396 = arith.constant 1 : i32
      %add3A_397 = arith.addi %mul3A_375, %add3A_396 : i32
      %dma_start3A_398 = arith.constant 0 : i32
      %dma_start3A_399 = arith.constant 0 : i32
      %dma_start3A_400 = arith.constant 0 : i32
      %dma_start3A_401 = tpu.memref_slice %arg18[%dma_start3A_398, %dma_start3A_399, %dma_start3A_400] : memref<4x8x129xf32, #tpu.memory_space<vmem>> -> memref<4x8x128xf32, #tpu.memory_space<vmem>>
      %dma_start3A_402 = arith.constant 0 : i32
      %dma_start3A_403 = arith.constant 0 : i32
      %dma_start3A_404 = arith.constant 0 : i32
      %dma_start3A_405 = tpu.memref_slice %arg5[%add3A_397, %dma_start3A_402, %add3A, %dma_start3A_403, %dma_start3A_404] : memref<200x4x32x8x128xf32, #tpu.memory_space<hbm>> -> memref<1x4x1x8x128xf32, #tpu.memory_space<hbm>>
      %dma_start3A_406 = tpu.memref_squeeze %dma_start3A_405 : memref<1x4x1x8x128xf32, #tpu.memory_space<hbm>> -> memref<4x8x128xf32, #tpu.memory_space<hbm>>
      %dma_start3A_407 = arith.constant 0 : i32
      %dma_start3A_408 = arith.constant 0 : i32
      %dma_start3A_409 = arith.constant 0 : i32
      %dma_start3A_410 = tpu.memref_slice %arg5[%add3A_397, %dma_start3A_407, %add3A, %dma_start3A_408, %dma_start3A_409] : memref<200x4x32x8x128xf32, #tpu.memory_space<hbm>> -> memref<1x4x1x8x128xf32, #tpu.memory_space<hbm>>
      %dma_start3A_411 = tpu.memref_squeeze %dma_start3A_410 : memref<1x4x1x8x128xf32, #tpu.memory_space<hbm>> -> memref<4x8x128xf32, #tpu.memory_space<hbm>>
      %dma_start3A_412 = arith.constant 0 : i32
      %dma_start3A_413 = arith.constant 0 : i32
      %dma_start3A_414 = arith.constant 0 : i32
      %dma_start3A_415 = tpu.memref_slice %arg18[%dma_start3A_412, %dma_start3A_413, %dma_start3A_414] : memref<4x8x129xf32, #tpu.memory_space<vmem>> -> memref<4x8x128xf32, #tpu.memory_space<vmem>>
      tpu.enqueue_dma source(%dma_start3A_415 : memref<4x8x128xf32, #tpu.memory_space<vmem>>) target(%dma_start3A_411 : memref<4x8x128xf32, #tpu.memory_space<hbm>>) target_semaphore(%arg29 : memref<!tpu.dma_semaphore, #tpu.memory_space<semaphore_mem>>)
      %ge3A_416 = arith.constant 2 : i32
      %ge3A_417 = arith.cmpi sge, %add3A_321, %ge3A_416 : i32
      %convert_element_type3A_418 = arith.extui %ge3A_417 : i1 to i32
      %cond3A_419 = arith.constant 0 : i32
      %cond3A_420 = arith.cmpi ne, %convert_element_type3A_418, %cond3A_419 : i32
      scf.if %cond3A_420 {
        %sub3A_649 = arith.constant 2 : i32
        %sub3A_650 = arith.subi %add3A_321, %sub3A_649 : i32
        %mul3A_651 = arith.constant 2 : i32
        %mul3A_652 = arith.muli %sub3A_650, %mul3A_651 : i32
        %add3A_653 = arith.constant 0 : i32
        %add3A_654 = arith.addi %mul3A_652, %add3A_653 : i32
        %dma_wait3A_655 = arith.constant 0 : i32
        %dma_wait3A_656 = arith.constant 0 : i32
        %dma_wait3A_657 = arith.constant 0 : i32
        %dma_wait3A_658 = tpu.memref_slice %arg21[%dma_wait3A_655, %dma_wait3A_656, %dma_wait3A_657] : memref<4x8x129xf32, #tpu.memory_space<vmem>> -> memref<4x8x128xf32, #tpu.memory_space<vmem>>
        %dma_wait3A_659 = arith.constant 0 : i32
        %dma_wait3A_660 = arith.constant 0 : i32
        %dma_wait3A_661 = arith.constant 0 : i32
        %dma_wait3A_662 = tpu.memref_slice %arg5[%add3A_654, %dma_wait3A_659, %add3A, %dma_wait3A_660, %dma_wait3A_661] : memref<200x4x32x8x128xf32, #tpu.memory_space<hbm>> -> memref<1x4x1x8x128xf32, #tpu.memory_space<hbm>>
        %dma_wait3A_663 = tpu.memref_squeeze %dma_wait3A_662 : memref<1x4x1x8x128xf32, #tpu.memory_space<hbm>> -> memref<4x8x128xf32, #tpu.memory_space<hbm>>
        %dma_wait3A_664 = arith.constant 0 : i32
        %dma_wait3A_665 = arith.constant 0 : i32
        %dma_wait3A_666 = arith.constant 0 : i32
        %dma_wait3A_667 = tpu.memref_slice %arg5[%add3A_654, %dma_wait3A_664, %add3A, %dma_wait3A_665, %dma_wait3A_666] : memref<200x4x32x8x128xf32, #tpu.memory_space<hbm>> -> memref<1x4x1x8x128xf32, #tpu.memory_space<hbm>>
        %dma_wait3A_668 = tpu.memref_squeeze %dma_wait3A_667 : memref<1x4x1x8x128xf32, #tpu.memory_space<hbm>> -> memref<4x8x128xf32, #tpu.memory_space<hbm>>
        %dma_wait3A_669 = arith.constant 0 : i32
        %dma_wait3A_670 = arith.constant 0 : i32
        %dma_wait3A_671 = arith.constant 0 : i32
        %dma_wait3A_672 = tpu.memref_slice %arg21[%dma_wait3A_669, %dma_wait3A_670, %dma_wait3A_671] : memref<4x8x129xf32, #tpu.memory_space<vmem>> -> memref<4x8x128xf32, #tpu.memory_space<vmem>>
        tpu.wait_dma2 semaphore(%arg31 : memref<!tpu.dma_semaphore, #tpu.memory_space<semaphore_mem>>) src(%dma_wait3A_672 : memref<4x8x128xf32, #tpu.memory_space<vmem>>) dst(%dma_wait3A_668 : memref<4x8x128xf32, #tpu.memory_space<hbm>>)
        %add3A_673 = arith.constant 1 : i32
        %add3A_674 = arith.addi %mul3A_652, %add3A_673 : i32
        %dma_wait3A_675 = arith.constant 0 : i32
        %dma_wait3A_676 = arith.constant 0 : i32
        %dma_wait3A_677 = arith.constant 0 : i32
        %dma_wait3A_678 = tpu.memref_slice %arg22[%dma_wait3A_675, %dma_wait3A_676, %dma_wait3A_677] : memref<4x8x129xf32, #tpu.memory_space<vmem>> -> memref<4x8x128xf32, #tpu.memory_space<vmem>>
        %dma_wait3A_679 = arith.constant 0 : i32
        %dma_wait3A_680 = arith.constant 0 : i32
        %dma_wait3A_681 = arith.constant 0 : i32
        %dma_wait3A_682 = tpu.memref_slice %arg5[%add3A_674, %dma_wait3A_679, %add3A, %dma_wait3A_680, %dma_wait3A_681] : memref<200x4x32x8x128xf32, #tpu.memory_space<hbm>> -> memref<1x4x1x8x128xf32, #tpu.memory_space<hbm>>
        %dma_wait3A_683 = tpu.memref_squeeze %dma_wait3A_682 : memref<1x4x1x8x128xf32, #tpu.memory_space<hbm>> -> memref<4x8x128xf32, #tpu.memory_space<hbm>>
        %dma_wait3A_684 = arith.constant 0 : i32
        %dma_wait3A_685 = arith.constant 0 : i32
        %dma_wait3A_686 = arith.constant 0 : i32
        %dma_wait3A_687 = tpu.memref_slice %arg5[%add3A_674, %dma_wait3A_684, %add3A, %dma_wait3A_685, %dma_wait3A_686] : memref<200x4x32x8x128xf32, #tpu.memory_space<hbm>> -> memref<1x4x1x8x128xf32, #tpu.memory_space<hbm>>
        %dma_wait3A_688 = tpu.memref_squeeze %dma_wait3A_687 : memref<1x4x1x8x128xf32, #tpu.memory_space<hbm>> -> memref<4x8x128xf32, #tpu.memory_space<hbm>>
        %dma_wait3A_689 = arith.constant 0 : i32
        %dma_wait3A_690 = arith.constant 0 : i32
        %dma_wait3A_691 = arith.constant 0 : i32
        %dma_wait3A_692 = tpu.memref_slice %arg22[%dma_wait3A_689, %dma_wait3A_690, %dma_wait3A_691] : memref<4x8x129xf32, #tpu.memory_space<vmem>> -> memref<4x8x128xf32, #tpu.memory_space<vmem>>
        tpu.wait_dma2 semaphore(%arg31 : memref<!tpu.dma_semaphore, #tpu.memory_space<semaphore_mem>>) src(%dma_wait3A_692 : memref<4x8x128xf32, #tpu.memory_space<vmem>>) dst(%dma_wait3A_688 : memref<4x8x128xf32, #tpu.memory_space<hbm>>)
      } else {
      }
      %add3A_421 = arith.constant 2 : i32
      %add3A_422 = arith.addi %add3A_321, %add3A_421 : i32
      %lt3A_423 = arith.constant 100 : i32
      %lt3A_424 = arith.cmpi slt, %add3A_422, %lt3A_423 : i32
      %convert_element_type3A_425 = arith.extui %lt3A_424 : i1 to i32
      %cond3A_426 = arith.constant 0 : i32
      %cond3A_427 = arith.cmpi ne, %convert_element_type3A_425, %cond3A_426 : i32
      scf.if %cond3A_427 {
        %add3A_649 = arith.constant 2 : i32
        %add3A_650 = arith.addi %add3A_321, %add3A_649 : i32
        %mul3A_651 = arith.constant 2 : i32
        %mul3A_652 = arith.muli %add3A_650, %mul3A_651 : i32
        %add3A_653 = arith.constant 0 : i32
        %add3A_654 = arith.addi %mul3A_652, %add3A_653 : i32
        %dma_start3A_655 = arith.constant 0 : i32
        %dma_start3A_656 = tpu.memref_slice %arg6[%add3A_654, %dma_start3A_655] : memref<200x128xi32, #tpu.memory_space<vmem>> -> memref<1x128xi32, #tpu.memory_space<vmem>>
        %dma_start3A_657 = tpu.memref_squeeze %dma_start3A_656 : memref<1x128xi32, #tpu.memory_space<vmem>> -> memref<128xi32, #tpu.memory_space<vmem>>
        %dma_start3A_658 = arith.constant 0 : i32
        %dma_start3A_659 = arith.constant 0 : i32
        %dma_start3A_660 = tpu.memref_slice %arg2[%dma_start3A_658, %dma_start3A_659] : memref<1000000x32xf32, #tpu.memory_space<hbm>> -> memref<1000000x32xf32, #tpu.memory_space<hbm>>
        tpu.enqueue_indirect_dma source(%dma_start3A_660 : memref<1000000x32xf32, #tpu.memory_space<hbm>>) target(%arg13 : memref<128x32xf32, #tpu.memory_space<vmem>>) offsets(%dma_start3A_657 : memref<128xi32, #tpu.memory_space<vmem>>) semaphore(%arg27 : memref<!tpu.dma_semaphore, #tpu.memory_space<semaphore_mem>>)
        %add3A_661 = arith.constant 1 : i32
        %add3A_662 = arith.addi %mul3A_652, %add3A_661 : i32
        %dma_start3A_663 = arith.constant 0 : i32
        %dma_start3A_664 = tpu.memref_slice %arg6[%add3A_662, %dma_start3A_663] : memref<200x128xi32, #tpu.memory_space<vmem>> -> memref<1x128xi32, #tpu.memory_space<vmem>>
        %dma_start3A_665 = tpu.memref_squeeze %dma_start3A_664 : memref<1x128xi32, #tpu.memory_space<vmem>> -> memref<128xi32, #tpu.memory_space<vmem>>
        %dma_start3A_666 = arith.constant 0 : i32
        %dma_start3A_667 = arith.constant 0 : i32
        %dma_start3A_668 = tpu.memref_slice %arg2[%dma_start3A_666, %dma_start3A_667] : memref<1000000x32xf32, #tpu.memory_space<hbm>> -> memref<1000000x32xf32, #tpu.memory_space<hbm>>
        tpu.enqueue_indirect_dma source(%dma_start3A_668 : memref<1000000x32xf32, #tpu.memory_space<hbm>>) target(%arg14 : memref<128x32xf32, #tpu.memory_space<vmem>>) offsets(%dma_start3A_665 : memref<128xi32, #tpu.memory_space<vmem>>) semaphore(%arg27 : memref<!tpu.dma_semaphore, #tpu.memory_space<semaphore_mem>>)
      } else {
      }
      %mul3A_428 = arith.constant 4 : i32
      %mul3A_429 = arith.muli %mul3A_428, %scan3A_210 : i32
      %add3A_430 = arith.constant 2 : i32
      %add3A_431 = arith.addi %mul3A_429, %add3A_430 : i32
      %mul3A_432 = arith.constant 2 : i32
      %mul3A_433 = arith.muli %add3A_431, %mul3A_432 : i32
      %add3A_434 = arith.constant 0 : i32
      %add3A_435 = arith.addi %mul3A_433, %add3A_434 : i32
      %dma_wait3A_436 = arith.constant 0 : i32
      %dma_wait3A_437 = tpu.memref_slice %arg6[%add3A_435, %dma_wait3A_436] : memref<200x128xi32, #tpu.memory_space<vmem>> -> memref<1x128xi32, #tpu.memory_space<vmem>>
      %dma_wait3A_438 = tpu.memref_squeeze %dma_wait3A_437 : memref<1x128xi32, #tpu.memory_space<vmem>> -> memref<128xi32, #tpu.memory_space<vmem>>
      %dma_wait3A_439 = arith.constant 0 : i32
      %dma_wait3A_440 = arith.constant 0 : i32
      %dma_wait3A_441 = tpu.memref_slice %arg2[%dma_wait3A_439, %dma_wait3A_440] : memref<1000000x32xf32, #tpu.memory_space<hbm>> -> memref<1000000x32xf32, #tpu.memory_space<hbm>>
      tpu.wait_indirect_dma semaphore(%arg26 : memref<!tpu.dma_semaphore, #tpu.memory_space<semaphore_mem>>) src(%dma_wait3A_441 : memref<1000000x32xf32, #tpu.memory_space<hbm>>) dst(%arg11 : memref<128x32xf32, #tpu.memory_space<vmem>>)
      %add3A_442 = arith.constant 1 : i32
      %add3A_443 = arith.addi %mul3A_433, %add3A_442 : i32
      %dma_wait3A_444 = arith.constant 0 : i32
      %dma_wait3A_445 = tpu.memref_slice %arg6[%add3A_443, %dma_wait3A_444] : memref<200x128xi32, #tpu.memory_space<vmem>> -> memref<1x128xi32, #tpu.memory_space<vmem>>
      %dma_wait3A_446 = tpu.memref_squeeze %dma_wait3A_445 : memref<1x128xi32, #tpu.memory_space<vmem>> -> memref<128xi32, #tpu.memory_space<vmem>>
      %dma_wait3A_447 = arith.constant 0 : i32
      %dma_wait3A_448 = arith.constant 0 : i32
      %dma_wait3A_449 = tpu.memref_slice %arg2[%dma_wait3A_447, %dma_wait3A_448] : memref<1000000x32xf32, #tpu.memory_space<hbm>> -> memref<1000000x32xf32, #tpu.memory_space<hbm>>
      tpu.wait_indirect_dma semaphore(%arg26 : memref<!tpu.dma_semaphore, #tpu.memory_space<semaphore_mem>>) src(%dma_wait3A_449 : memref<1000000x32xf32, #tpu.memory_space<hbm>>) dst(%arg12 : memref<128x32xf32, #tpu.memory_space<vmem>>)
      %mul3A_450 = arith.constant 2 : i32
      %mul3A_451 = arith.muli %add3A_431, %mul3A_450 : i32
      %add3A_452 = arith.constant 0 : i32
      %add3A_453 = arith.addi %mul3A_451, %add3A_452 : i32
      %get3A_454 = arith.index_cast %add3A_453 : i32 to index
      %get3A_455 = arith.constant 0 : index
      %get3A_456 = tpu.vector_load %arg23[%get3A_454, %get3A_455] {strides = array<i32>} : memref<200x32xf32, #tpu.memory_space<vmem>>, vector<16xf32>,
      %get3A_457 = arith.index_cast %add3A_453 : i32 to index
      %get3A_458 = arith.constant 16 : index
      %get3A_459 = tpu.vector_load %arg23[%get3A_457, %get3A_458] {strides = array<i32>} : memref<200x32xf32, #tpu.memory_space<vmem>>, vector<16xf32>,
      %scan3A_460 = arith.constant 0 : i32
      %scan3A_461 = arith.constant 0 : i32
      %scan3A_462 = arith.constant 128 : i32
      %scan3A_463 = arith.addi %scan3A_461, %scan3A_462 : i32
      %scan3A_464 = arith.constant 8 : i32
      %scan3A_465 = scf.for %scan3A_649 = %scan3A_461 to %scan3A_463 step %scan3A_464 iter_args(%scan3A_650 = %scan3A_460) -> (i32)  : i32 {
        %get3A_651 = arith.index_cast %scan3A_649 : i32 to index
        %get3A_652 = arith.constant 0 : index
        %get3A_653 = tpu.vector_load %arg11[%get3A_651, %get3A_652] {strides = array<i32>} : memref<128x32xf32, #tpu.memory_space<vmem>>, vector<16xf32>,
        %add3A_654 = arith.addf %get3A_653, %get3A_456 : vector<16xf32>
        %get3A_655 = arith.index_cast %scan3A_649 : i32 to index
        %get3A_656 = arith.constant 16 : index
        %get3A_657 = tpu.vector_load %arg11[%get3A_655, %get3A_656] {strides = array<i32>} : memref<128x32xf32, #tpu.memory_space<vmem>>, vector<16xf32>,
        %add3A_658 = arith.addf %get3A_657, %get3A_459 : vector<16xf32>
        %broadcast_in_dim3A = vector.broadcast %scan3A_649 : i32 to vector<16xi32>
        tpu.vector_store_idx %arg19[%select_n3A, %select_n3A_48, %broadcast_in_dim3A], %add3A_654 : memref<4x8x129xf32, #tpu.memory_space<vmem>>[vector<16xi32>, vector<16xi32>, vector<16xi32>], vector<16xf32>,
        tpu.vector_store_idx %arg19[%select_n3A_79, %select_n3A_101, %broadcast_in_dim3A], %add3A_658 : memref<4x8x129xf32, #tpu.memory_space<vmem>>[vector<16xi32>, vector<16xi32>, vector<16xi32>], vector<16xf32>,
        %scan3A_659 = arith.constant 0 : i32
        %scan3A_660 = arith.constant 1 : i32
        %scan3A_661 = arith.addi %scan3A_649, %scan3A_660 : i32
        %get3A_662 = arith.index_cast %scan3A_661 : i32 to index
        %get3A_663 = arith.constant 0 : index
        %get3A_664 = tpu.vector_load %arg11[%get3A_662, %get3A_663] {strides = array<i32>} : memref<128x32xf32, #tpu.memory_space<vmem>>, vector<16xf32>,
        %add3A_665 = arith.addf %get3A_664, %get3A_456 : vector<16xf32>
        %get3A_666 = arith.index_cast %scan3A_661 : i32 to index
        %get3A_667 = arith.constant 16 : index
        %get3A_668 = tpu.vector_load %arg11[%get3A_666, %get3A_667] {strides = array<i32>} : memref<128x32xf32, #tpu.memory_space<vmem>>, vector<16xf32>,
        %add3A_669 = arith.addf %get3A_668, %get3A_459 : vector<16xf32>
        %broadcast_in_dim3A_670 = vector.broadcast %scan3A_661 : i32 to vector<16xi32>
        tpu.vector_store_idx %arg19[%select_n3A, %select_n3A_48, %broadcast_in_dim3A_670], %add3A_665 : memref<4x8x129xf32, #tpu.memory_space<vmem>>[vector<16xi32>, vector<16xi32>, vector<16xi32>], vector<16xf32>,
        tpu.vector_store_idx %arg19[%select_n3A_79, %select_n3A_101, %broadcast_in_dim3A_670], %add3A_669 : memref<4x8x129xf32, #tpu.memory_space<vmem>>[vector<16xi32>, vector<16xi32>, vector<16xi32>], vector<16xf32>,
        %scan3A_671 = arith.constant 0 : i32
        %scan3A_672 = arith.constant 2 : i32
        %scan3A_673 = arith.addi %scan3A_649, %scan3A_672 : i32
        %get3A_674 = arith.index_cast %scan3A_673 : i32 to index
        %get3A_675 = arith.constant 0 : index
        %get3A_676 = tpu.vector_load %arg11[%get3A_674, %get3A_675] {strides = array<i32>} : memref<128x32xf32, #tpu.memory_space<vmem>>, vector<16xf32>,
        %add3A_677 = arith.addf %get3A_676, %get3A_456 : vector<16xf32>
        %get3A_678 = arith.index_cast %scan3A_673 : i32 to index
        %get3A_679 = arith.constant 16 : index
        %get3A_680 = tpu.vector_load %arg11[%get3A_678, %get3A_679] {strides = array<i32>} : memref<128x32xf32, #tpu.memory_space<vmem>>, vector<16xf32>,
        %add3A_681 = arith.addf %get3A_680, %get3A_459 : vector<16xf32>
        %broadcast_in_dim3A_682 = vector.broadcast %scan3A_673 : i32 to vector<16xi32>
        tpu.vector_store_idx %arg19[%select_n3A, %select_n3A_48, %broadcast_in_dim3A_682], %add3A_677 : memref<4x8x129xf32, #tpu.memory_space<vmem>>[vector<16xi32>, vector<16xi32>, vector<16xi32>], vector<16xf32>,
        tpu.vector_store_idx %arg19[%select_n3A_79, %select_n3A_101, %broadcast_in_dim3A_682], %add3A_681 : memref<4x8x129xf32, #tpu.memory_space<vmem>>[vector<16xi32>, vector<16xi32>, vector<16xi32>], vector<16xf32>,
        %scan3A_683 = arith.constant 0 : i32
        %scan3A_684 = arith.constant 3 : i32
        %scan3A_685 = arith.addi %scan3A_649, %scan3A_684 : i32
        %get3A_686 = arith.index_cast %scan3A_685 : i32 to index
        %get3A_687 = arith.constant 0 : index
        %get3A_688 = tpu.vector_load %arg11[%get3A_686, %get3A_687] {strides = array<i32>} : memref<128x32xf32, #tpu.memory_space<vmem>>, vector<16xf32>,
        %add3A_689 = arith.addf %get3A_688, %get3A_456 : vector<16xf32>
        %get3A_690 = arith.index_cast %scan3A_685 : i32 to index
        %get3A_691 = arith.constant 16 : index
        %get3A_692 = tpu.vector_load %arg11[%get3A_690, %get3A_691] {strides = array<i32>} : memref<128x32xf32, #tpu.memory_space<vmem>>, vector<16xf32>,
        %add3A_693 = arith.addf %get3A_692, %get3A_459 : vector<16xf32>
        %broadcast_in_dim3A_694 = vector.broadcast %scan3A_685 : i32 to vector<16xi32>
        tpu.vector_store_idx %arg19[%select_n3A, %select_n3A_48, %broadcast_in_dim3A_694], %add3A_689 : memref<4x8x129xf32, #tpu.memory_space<vmem>>[vector<16xi32>, vector<16xi32>, vector<16xi32>], vector<16xf32>,
        tpu.vector_store_idx %arg19[%select_n3A_79, %select_n3A_101, %broadcast_in_dim3A_694], %add3A_693 : memref<4x8x129xf32, #tpu.memory_space<vmem>>[vector<16xi32>, vector<16xi32>, vector<16xi32>], vector<16xf32>,
        %scan3A_695 = arith.constant 0 : i32
        %scan3A_696 = arith.constant 4 : i32
        %scan3A_697 = arith.addi %scan3A_649, %scan3A_696 : i32
        %get3A_698 = arith.index_cast %scan3A_697 : i32 to index
        %get3A_699 = arith.constant 0 : index
        %get3A_700 = tpu.vector_load %arg11[%get3A_698, %get3A_699] {strides = array<i32>} : memref<128x32xf32, #tpu.memory_space<vmem>>, vector<16xf32>,
        %add3A_701 = arith.addf %get3A_700, %get3A_456 : vector<16xf32>
        %get3A_702 = arith.index_cast %scan3A_697 : i32 to index
        %get3A_703 = arith.constant 16 : index
        %get3A_704 = tpu.vector_load %arg11[%get3A_702, %get3A_703] {strides = array<i32>} : memref<128x32xf32, #tpu.memory_space<vmem>>, vector<16xf32>,
        %add3A_705 = arith.addf %get3A_704, %get3A_459 : vector<16xf32>
        %broadcast_in_dim3A_706 = vector.broadcast %scan3A_697 : i32 to vector<16xi32>
        tpu.vector_store_idx %arg19[%select_n3A, %select_n3A_48, %broadcast_in_dim3A_706], %add3A_701 : memref<4x8x129xf32, #tpu.memory_space<vmem>>[vector<16xi32>, vector<16xi32>, vector<16xi32>], vector<16xf32>,
        tpu.vector_store_idx %arg19[%select_n3A_79, %select_n3A_101, %broadcast_in_dim3A_706], %add3A_705 : memref<4x8x129xf32, #tpu.memory_space<vmem>>[vector<16xi32>, vector<16xi32>, vector<16xi32>], vector<16xf32>,
        %scan3A_707 = arith.constant 0 : i32
        %scan3A_708 = arith.constant 5 : i32
        %scan3A_709 = arith.addi %scan3A_649, %scan3A_708 : i32
        %get3A_710 = arith.index_cast %scan3A_709 : i32 to index
        %get3A_711 = arith.constant 0 : index
        %get3A_712 = tpu.vector_load %arg11[%get3A_710, %get3A_711] {strides = array<i32>} : memref<128x32xf32, #tpu.memory_space<vmem>>, vector<16xf32>,
        %add3A_713 = arith.addf %get3A_712, %get3A_456 : vector<16xf32>
        %get3A_714 = arith.index_cast %scan3A_709 : i32 to index
        %get3A_715 = arith.constant 16 : index
        %get3A_716 = tpu.vector_load %arg11[%get3A_714, %get3A_715] {strides = array<i32>} : memref<128x32xf32, #tpu.memory_space<vmem>>, vector<16xf32>,
        %add3A_717 = arith.addf %get3A_716, %get3A_459 : vector<16xf32>
        %broadcast_in_dim3A_718 = vector.broadcast %scan3A_709 : i32 to vector<16xi32>
        tpu.vector_store_idx %arg19[%select_n3A, %select_n3A_48, %broadcast_in_dim3A_718], %add3A_713 : memref<4x8x129xf32, #tpu.memory_space<vmem>>[vector<16xi32>, vector<16xi32>, vector<16xi32>], vector<16xf32>,
        tpu.vector_store_idx %arg19[%select_n3A_79, %select_n3A_101, %broadcast_in_dim3A_718], %add3A_717 : memref<4x8x129xf32, #tpu.memory_space<vmem>>[vector<16xi32>, vector<16xi32>, vector<16xi32>], vector<16xf32>,
        %scan3A_719 = arith.constant 0 : i32
        %scan3A_720 = arith.constant 6 : i32
        %scan3A_721 = arith.addi %scan3A_649, %scan3A_720 : i32
        %get3A_722 = arith.index_cast %scan3A_721 : i32 to index
        %get3A_723 = arith.constant 0 : index
        %get3A_724 = tpu.vector_load %arg11[%get3A_722, %get3A_723] {strides = array<i32>} : memref<128x32xf32, #tpu.memory_space<vmem>>, vector<16xf32>,
        %add3A_725 = arith.addf %get3A_724, %get3A_456 : vector<16xf32>
        %get3A_726 = arith.index_cast %scan3A_721 : i32 to index
        %get3A_727 = arith.constant 16 : index
        %get3A_728 = tpu.vector_load %arg11[%get3A_726, %get3A_727] {strides = array<i32>} : memref<128x32xf32, #tpu.memory_space<vmem>>, vector<16xf32>,
        %add3A_729 = arith.addf %get3A_728, %get3A_459 : vector<16xf32>
        %broadcast_in_dim3A_730 = vector.broadcast %scan3A_721 : i32 to vector<16xi32>
        tpu.vector_store_idx %arg19[%select_n3A, %select_n3A_48, %broadcast_in_dim3A_730], %add3A_725 : memref<4x8x129xf32, #tpu.memory_space<vmem>>[vector<16xi32>, vector<16xi32>, vector<16xi32>], vector<16xf32>,
        tpu.vector_store_idx %arg19[%select_n3A_79, %select_n3A_101, %broadcast_in_dim3A_730], %add3A_729 : memref<4x8x129xf32, #tpu.memory_space<vmem>>[vector<16xi32>, vector<16xi32>, vector<16xi32>], vector<16xf32>,
        %scan3A_731 = arith.constant 0 : i32
        %scan3A_732 = arith.constant 7 : i32
        %scan3A_733 = arith.addi %scan3A_649, %scan3A_732 : i32
        %get3A_734 = arith.index_cast %scan3A_733 : i32 to index
        %get3A_735 = arith.constant 0 : index
        %get3A_736 = tpu.vector_load %arg11[%get3A_734, %get3A_735] {strides = array<i32>} : memref<128x32xf32, #tpu.memory_space<vmem>>, vector<16xf32>,
        %add3A_737 = arith.addf %get3A_736, %get3A_456 : vector<16xf32>
        %get3A_738 = arith.index_cast %scan3A_733 : i32 to index
        %get3A_739 = arith.constant 16 : index
        %get3A_740 = tpu.vector_load %arg11[%get3A_738, %get3A_739] {strides = array<i32>} : memref<128x32xf32, #tpu.memory_space<vmem>>, vector<16xf32>,
        %add3A_741 = arith.addf %get3A_740, %get3A_459 : vector<16xf32>
        %broadcast_in_dim3A_742 = vector.broadcast %scan3A_733 : i32 to vector<16xi32>
        tpu.vector_store_idx %arg19[%select_n3A, %select_n3A_48, %broadcast_in_dim3A_742], %add3A_737 : memref<4x8x129xf32, #tpu.memory_space<vmem>>[vector<16xi32>, vector<16xi32>, vector<16xi32>], vector<16xf32>,
        tpu.vector_store_idx %arg19[%select_n3A_79, %select_n3A_101, %broadcast_in_dim3A_742], %add3A_741 : memref<4x8x129xf32, #tpu.memory_space<vmem>>[vector<16xi32>, vector<16xi32>, vector<16xi32>], vector<16xf32>,
        %scan3A_743 = arith.constant 0 : i32
        scf.yield %scan3A_743 : i32
      }
      %scan3A_466 = arith.constant 128 : i32
      %mul3A_467 = arith.constant 2 : i32
      %mul3A_468 = arith.muli %add3A_431, %mul3A_467 : i32
      %add3A_469 = arith.constant 1 : i32
      %add3A_470 = arith.addi %mul3A_468, %add3A_469 : i32
      %get3A_471 = arith.index_cast %add3A_470 : i32 to index
      %get3A_472 = arith.constant 0 : index
      %get3A_473 = tpu.vector_load %arg23[%get3A_471, %get3A_472] {strides = array<i32>} : memref<200x32xf32, #tpu.memory_space<vmem>>, vector<16xf32>,
      %get3A_474 = arith.index_cast %add3A_470 : i32 to index
      %get3A_475 = arith.constant 16 : index
      %get3A_476 = tpu.vector_load %arg23[%get3A_474, %get3A_475] {strides = array<i32>} : memref<200x32xf32, #tpu.memory_space<vmem>>, vector<16xf32>,
      %scan3A_477 = arith.constant 0 : i32
      %scan3A_478 = arith.constant 0 : i32
      %scan3A_479 = arith.constant 128 : i32
      %scan3A_480 = arith.addi %scan3A_478, %scan3A_479 : i32
      %scan3A_481 = arith.constant 8 : i32
      %scan3A_482 = scf.for %scan3A_649 = %scan3A_478 to %scan3A_480 step %scan3A_481 iter_args(%scan3A_650 = %scan3A_477) -> (i32)  : i32 {
        %get3A_651 = arith.index_cast %scan3A_649 : i32 to index
        %get3A_652 = arith.constant 0 : index
        %get3A_653 = tpu.vector_load %arg12[%get3A_651, %get3A_652] {strides = array<i32>} : memref<128x32xf32, #tpu.memory_space<vmem>>, vector<16xf32>,
        %add3A_654 = arith.addf %get3A_653, %get3A_473 : vector<16xf32>
        %get3A_655 = arith.index_cast %scan3A_649 : i32 to index
        %get3A_656 = arith.constant 16 : index
        %get3A_657 = tpu.vector_load %arg12[%get3A_655, %get3A_656] {strides = array<i32>} : memref<128x32xf32, #tpu.memory_space<vmem>>, vector<16xf32>,
        %add3A_658 = arith.addf %get3A_657, %get3A_476 : vector<16xf32>
        %broadcast_in_dim3A = vector.broadcast %scan3A_649 : i32 to vector<16xi32>
        tpu.vector_store_idx %arg20[%select_n3A, %select_n3A_48, %broadcast_in_dim3A], %add3A_654 : memref<4x8x129xf32, #tpu.memory_space<vmem>>[vector<16xi32>, vector<16xi32>, vector<16xi32>], vector<16xf32>,
        tpu.vector_store_idx %arg20[%select_n3A_79, %select_n3A_101, %broadcast_in_dim3A], %add3A_658 : memref<4x8x129xf32, #tpu.memory_space<vmem>>[vector<16xi32>, vector<16xi32>, vector<16xi32>], vector<16xf32>,
        %scan3A_659 = arith.constant 0 : i32
        %scan3A_660 = arith.constant 1 : i32
        %scan3A_661 = arith.addi %scan3A_649, %scan3A_660 : i32
        %get3A_662 = arith.index_cast %scan3A_661 : i32 to index
        %get3A_663 = arith.constant 0 : index
        %get3A_664 = tpu.vector_load %arg12[%get3A_662, %get3A_663] {strides = array<i32>} : memref<128x32xf32, #tpu.memory_space<vmem>>, vector<16xf32>,
        %add3A_665 = arith.addf %get3A_664, %get3A_473 : vector<16xf32>
        %get3A_666 = arith.index_cast %scan3A_661 : i32 to index
        %get3A_667 = arith.constant 16 : index
        %get3A_668 = tpu.vector_load %arg12[%get3A_666, %get3A_667] {strides = array<i32>} : memref<128x32xf32, #tpu.memory_space<vmem>>, vector<16xf32>,
        %add3A_669 = arith.addf %get3A_668, %get3A_476 : vector<16xf32>
        %broadcast_in_dim3A_670 = vector.broadcast %scan3A_661 : i32 to vector<16xi32>
        tpu.vector_store_idx %arg20[%select_n3A, %select_n3A_48, %broadcast_in_dim3A_670], %add3A_665 : memref<4x8x129xf32, #tpu.memory_space<vmem>>[vector<16xi32>, vector<16xi32>, vector<16xi32>], vector<16xf32>,
        tpu.vector_store_idx %arg20[%select_n3A_79, %select_n3A_101, %broadcast_in_dim3A_670], %add3A_669 : memref<4x8x129xf32, #tpu.memory_space<vmem>>[vector<16xi32>, vector<16xi32>, vector<16xi32>], vector<16xf32>,
        %scan3A_671 = arith.constant 0 : i32
        %scan3A_672 = arith.constant 2 : i32
        %scan3A_673 = arith.addi %scan3A_649, %scan3A_672 : i32
        %get3A_674 = arith.index_cast %scan3A_673 : i32 to index
        %get3A_675 = arith.constant 0 : index
        %get3A_676 = tpu.vector_load %arg12[%get3A_674, %get3A_675] {strides = array<i32>} : memref<128x32xf32, #tpu.memory_space<vmem>>, vector<16xf32>,
        %add3A_677 = arith.addf %get3A_676, %get3A_473 : vector<16xf32>
        %get3A_678 = arith.index_cast %scan3A_673 : i32 to index
        %get3A_679 = arith.constant 16 : index
        %get3A_680 = tpu.vector_load %arg12[%get3A_678, %get3A_679] {strides = array<i32>} : memref<128x32xf32, #tpu.memory_space<vmem>>, vector<16xf32>,
        %add3A_681 = arith.addf %get3A_680, %get3A_476 : vector<16xf32>
        %broadcast_in_dim3A_682 = vector.broadcast %scan3A_673 : i32 to vector<16xi32>
        tpu.vector_store_idx %arg20[%select_n3A, %select_n3A_48, %broadcast_in_dim3A_682], %add3A_677 : memref<4x8x129xf32, #tpu.memory_space<vmem>>[vector<16xi32>, vector<16xi32>, vector<16xi32>], vector<16xf32>,
        tpu.vector_store_idx %arg20[%select_n3A_79, %select_n3A_101, %broadcast_in_dim3A_682], %add3A_681 : memref<4x8x129xf32, #tpu.memory_space<vmem>>[vector<16xi32>, vector<16xi32>, vector<16xi32>], vector<16xf32>,
        %scan3A_683 = arith.constant 0 : i32
        %scan3A_684 = arith.constant 3 : i32
        %scan3A_685 = arith.addi %scan3A_649, %scan3A_684 : i32
        %get3A_686 = arith.index_cast %scan3A_685 : i32 to index
        %get3A_687 = arith.constant 0 : index
        %get3A_688 = tpu.vector_load %arg12[%get3A_686, %get3A_687] {strides = array<i32>} : memref<128x32xf32, #tpu.memory_space<vmem>>, vector<16xf32>,
        %add3A_689 = arith.addf %get3A_688, %get3A_473 : vector<16xf32>
        %get3A_690 = arith.index_cast %scan3A_685 : i32 to index
        %get3A_691 = arith.constant 16 : index
        %get3A_692 = tpu.vector_load %arg12[%get3A_690, %get3A_691] {strides = array<i32>} : memref<128x32xf32, #tpu.memory_space<vmem>>, vector<16xf32>,
        %add3A_693 = arith.addf %get3A_692, %get3A_476 : vector<16xf32>
        %broadcast_in_dim3A_694 = vector.broadcast %scan3A_685 : i32 to vector<16xi32>
        tpu.vector_store_idx %arg20[%select_n3A, %select_n3A_48, %broadcast_in_dim3A_694], %add3A_689 : memref<4x8x129xf32, #tpu.memory_space<vmem>>[vector<16xi32>, vector<16xi32>, vector<16xi32>], vector<16xf32>,
        tpu.vector_store_idx %arg20[%select_n3A_79, %select_n3A_101, %broadcast_in_dim3A_694], %add3A_693 : memref<4x8x129xf32, #tpu.memory_space<vmem>>[vector<16xi32>, vector<16xi32>, vector<16xi32>], vector<16xf32>,
        %scan3A_695 = arith.constant 0 : i32
        %scan3A_696 = arith.constant 4 : i32
        %scan3A_697 = arith.addi %scan3A_649, %scan3A_696 : i32
        %get3A_698 = arith.index_cast %scan3A_697 : i32 to index
        %get3A_699 = arith.constant 0 : index
        %get3A_700 = tpu.vector_load %arg12[%get3A_698, %get3A_699] {strides = array<i32>} : memref<128x32xf32, #tpu.memory_space<vmem>>, vector<16xf32>,
        %add3A_701 = arith.addf %get3A_700, %get3A_473 : vector<16xf32>
        %get3A_702 = arith.index_cast %scan3A_697 : i32 to index
        %get3A_703 = arith.constant 16 : index
        %get3A_704 = tpu.vector_load %arg12[%get3A_702, %get3A_703] {strides = array<i32>} : memref<128x32xf32, #tpu.memory_space<vmem>>, vector<16xf32>,
        %add3A_705 = arith.addf %get3A_704, %get3A_476 : vector<16xf32>
        %broadcast_in_dim3A_706 = vector.broadcast %scan3A_697 : i32 to vector<16xi32>
        tpu.vector_store_idx %arg20[%select_n3A, %select_n3A_48, %broadcast_in_dim3A_706], %add3A_701 : memref<4x8x129xf32, #tpu.memory_space<vmem>>[vector<16xi32>, vector<16xi32>, vector<16xi32>], vector<16xf32>,
        tpu.vector_store_idx %arg20[%select_n3A_79, %select_n3A_101, %broadcast_in_dim3A_706], %add3A_705 : memref<4x8x129xf32, #tpu.memory_space<vmem>>[vector<16xi32>, vector<16xi32>, vector<16xi32>], vector<16xf32>,
        %scan3A_707 = arith.constant 0 : i32
        %scan3A_708 = arith.constant 5 : i32
        %scan3A_709 = arith.addi %scan3A_649, %scan3A_708 : i32
        %get3A_710 = arith.index_cast %scan3A_709 : i32 to index
        %get3A_711 = arith.constant 0 : index
        %get3A_712 = tpu.vector_load %arg12[%get3A_710, %get3A_711] {strides = array<i32>} : memref<128x32xf32, #tpu.memory_space<vmem>>, vector<16xf32>,
        %add3A_713 = arith.addf %get3A_712, %get3A_473 : vector<16xf32>
        %get3A_714 = arith.index_cast %scan3A_709 : i32 to index
        %get3A_715 = arith.constant 16 : index
        %get3A_716 = tpu.vector_load %arg12[%get3A_714, %get3A_715] {strides = array<i32>} : memref<128x32xf32, #tpu.memory_space<vmem>>, vector<16xf32>,
        %add3A_717 = arith.addf %get3A_716, %get3A_476 : vector<16xf32>
        %broadcast_in_dim3A_718 = vector.broadcast %scan3A_709 : i32 to vector<16xi32>
        tpu.vector_store_idx %arg20[%select_n3A, %select_n3A_48, %broadcast_in_dim3A_718], %add3A_713 : memref<4x8x129xf32, #tpu.memory_space<vmem>>[vector<16xi32>, vector<16xi32>, vector<16xi32>], vector<16xf32>,
        tpu.vector_store_idx %arg20[%select_n3A_79, %select_n3A_101, %broadcast_in_dim3A_718], %add3A_717 : memref<4x8x129xf32, #tpu.memory_space<vmem>>[vector<16xi32>, vector<16xi32>, vector<16xi32>], vector<16xf32>,
        %scan3A_719 = arith.constant 0 : i32
        %scan3A_720 = arith.constant 6 : i32
        %scan3A_721 = arith.addi %scan3A_649, %scan3A_720 : i32
        %get3A_722 = arith.index_cast %scan3A_721 : i32 to index
        %get3A_723 = arith.constant 0 : index
        %get3A_724 = tpu.vector_load %arg12[%get3A_722, %get3A_723] {strides = array<i32>} : memref<128x32xf32, #tpu.memory_space<vmem>>, vector<16xf32>,
        %add3A_725 = arith.addf %get3A_724, %get3A_473 : vector<16xf32>
        %get3A_726 = arith.index_cast %scan3A_721 : i32 to index
        %get3A_727 = arith.constant 16 : index
        %get3A_728 = tpu.vector_load %arg12[%get3A_726, %get3A_727] {strides = array<i32>} : memref<128x32xf32, #tpu.memory_space<vmem>>, vector<16xf32>,
        %add3A_729 = arith.addf %get3A_728, %get3A_476 : vector<16xf32>
        %broadcast_in_dim3A_730 = vector.broadcast %scan3A_721 : i32 to vector<16xi32>
        tpu.vector_store_idx %arg20[%select_n3A, %select_n3A_48, %broadcast_in_dim3A_730], %add3A_725 : memref<4x8x129xf32, #tpu.memory_space<vmem>>[vector<16xi32>, vector<16xi32>, vector<16xi32>], vector<16xf32>,
        tpu.vector_store_idx %arg20[%select_n3A_79, %select_n3A_101, %broadcast_in_dim3A_730], %add3A_729 : memref<4x8x129xf32, #tpu.memory_space<vmem>>[vector<16xi32>, vector<16xi32>, vector<16xi32>], vector<16xf32>,
        %scan3A_731 = arith.constant 0 : i32
        %scan3A_732 = arith.constant 7 : i32
        %scan3A_733 = arith.addi %scan3A_649, %scan3A_732 : i32
        %get3A_734 = arith.index_cast %scan3A_733 : i32 to index
        %get3A_735 = arith.constant 0 : index
        %get3A_736 = tpu.vector_load %arg12[%get3A_734, %get3A_735] {strides = array<i32>} : memref<128x32xf32, #tpu.memory_space<vmem>>, vector<16xf32>,
        %add3A_737 = arith.addf %get3A_736, %get3A_473 : vector<16xf32>
        %get3A_738 = arith.index_cast %scan3A_733 : i32 to index
        %get3A_739 = arith.constant 16 : index
        %get3A_740 = tpu.vector_load %arg12[%get3A_738, %get3A_739] {strides = array<i32>} : memref<128x32xf32, #tpu.memory_space<vmem>>, vector<16xf32>,
        %add3A_741 = arith.addf %get3A_740, %get3A_476 : vector<16xf32>
        %broadcast_in_dim3A_742 = vector.broadcast %scan3A_733 : i32 to vector<16xi32>
        tpu.vector_store_idx %arg20[%select_n3A, %select_n3A_48, %broadcast_in_dim3A_742], %add3A_737 : memref<4x8x129xf32, #tpu.memory_space<vmem>>[vector<16xi32>, vector<16xi32>, vector<16xi32>], vector<16xf32>,
        tpu.vector_store_idx %arg20[%select_n3A_79, %select_n3A_101, %broadcast_in_dim3A_742], %add3A_741 : memref<4x8x129xf32, #tpu.memory_space<vmem>>[vector<16xi32>, vector<16xi32>, vector<16xi32>], vector<16xf32>,
        %scan3A_743 = arith.constant 0 : i32
        scf.yield %scan3A_743 : i32
      }
      %scan3A_483 = arith.constant 128 : i32
      %mul3A_484 = arith.constant 2 : i32
      %mul3A_485 = arith.muli %add3A_431, %mul3A_484 : i32
      %add3A_486 = arith.constant 0 : i32
      %add3A_487 = arith.addi %mul3A_485, %add3A_486 : i32
      %dma_start3A_488 = arith.constant 0 : i32
      %dma_start3A_489 = arith.constant 0 : i32
      %dma_start3A_490 = arith.constant 0 : i32
      %dma_start3A_491 = tpu.memref_slice %arg19[%dma_start3A_488, %dma_start3A_489, %dma_start3A_490] : memref<4x8x129xf32, #tpu.memory_space<vmem>> -> memref<4x8x128xf32, #tpu.memory_space<vmem>>
      %dma_start3A_492 = arith.constant 0 : i32
      %dma_start3A_493 = arith.constant 0 : i32
      %dma_start3A_494 = arith.constant 0 : i32
      %dma_start3A_495 = tpu.memref_slice %arg5[%add3A_487, %dma_start3A_492, %add3A, %dma_start3A_493, %dma_start3A_494] : memref<200x4x32x8x128xf32, #tpu.memory_space<hbm>> -> memref<1x4x1x8x128xf32, #tpu.memory_space<hbm>>
      %dma_start3A_496 = tpu.memref_squeeze %dma_start3A_495 : memref<1x4x1x8x128xf32, #tpu.memory_space<hbm>> -> memref<4x8x128xf32, #tpu.memory_space<hbm>>
      %dma_start3A_497 = arith.constant 0 : i32
      %dma_start3A_498 = arith.constant 0 : i32
      %dma_start3A_499 = arith.constant 0 : i32
      %dma_start3A_500 = tpu.memref_slice %arg5[%add3A_487, %dma_start3A_497, %add3A, %dma_start3A_498, %dma_start3A_499] : memref<200x4x32x8x128xf32, #tpu.memory_space<hbm>> -> memref<1x4x1x8x128xf32, #tpu.memory_space<hbm>>
      %dma_start3A_501 = tpu.memref_squeeze %dma_start3A_500 : memref<1x4x1x8x128xf32, #tpu.memory_space<hbm>> -> memref<4x8x128xf32, #tpu.memory_space<hbm>>
      %dma_start3A_502 = arith.constant 0 : i32
      %dma_start3A_503 = arith.constant 0 : i32
      %dma_start3A_504 = arith.constant 0 : i32
      %dma_start3A_505 = tpu.memref_slice %arg19[%dma_start3A_502, %dma_start3A_503, %dma_start3A_504] : memref<4x8x129xf32, #tpu.memory_space<vmem>> -> memref<4x8x128xf32, #tpu.memory_space<vmem>>
      tpu.enqueue_dma source(%dma_start3A_505 : memref<4x8x128xf32, #tpu.memory_space<vmem>>) target(%dma_start3A_501 : memref<4x8x128xf32, #tpu.memory_space<hbm>>) target_semaphore(%arg30 : memref<!tpu.dma_semaphore, #tpu.memory_space<semaphore_mem>>)
      %add3A_506 = arith.constant 1 : i32
      %add3A_507 = arith.addi %mul3A_485, %add3A_506 : i32
      %dma_start3A_508 = arith.constant 0 : i32
      %dma_start3A_509 = arith.constant 0 : i32
      %dma_start3A_510 = arith.constant 0 : i32
      %dma_start3A_511 = tpu.memref_slice %arg20[%dma_start3A_508, %dma_start3A_509, %dma_start3A_510] : memref<4x8x129xf32, #tpu.memory_space<vmem>> -> memref<4x8x128xf32, #tpu.memory_space<vmem>>
      %dma_start3A_512 = arith.constant 0 : i32
      %dma_start3A_513 = arith.constant 0 : i32
      %dma_start3A_514 = arith.constant 0 : i32
      %dma_start3A_515 = tpu.memref_slice %arg5[%add3A_507, %dma_start3A_512, %add3A, %dma_start3A_513, %dma_start3A_514] : memref<200x4x32x8x128xf32, #tpu.memory_space<hbm>> -> memref<1x4x1x8x128xf32, #tpu.memory_space<hbm>>
      %dma_start3A_516 = tpu.memref_squeeze %dma_start3A_515 : memref<1x4x1x8x128xf32, #tpu.memory_space<hbm>> -> memref<4x8x128xf32, #tpu.memory_space<hbm>>
      %dma_start3A_517 = arith.constant 0 : i32
      %dma_start3A_518 = arith.constant 0 : i32
      %dma_start3A_519 = arith.constant 0 : i32
      %dma_start3A_520 = tpu.memref_slice %arg5[%add3A_507, %dma_start3A_517, %add3A, %dma_start3A_518, %dma_start3A_519] : memref<200x4x32x8x128xf32, #tpu.memory_space<hbm>> -> memref<1x4x1x8x128xf32, #tpu.memory_space<hbm>>
      %dma_start3A_521 = tpu.memref_squeeze %dma_start3A_520 : memref<1x4x1x8x128xf32, #tpu.memory_space<hbm>> -> memref<4x8x128xf32, #tpu.memory_space<hbm>>
      %dma_start3A_522 = arith.constant 0 : i32
      %dma_start3A_523 = arith.constant 0 : i32
      %dma_start3A_524 = arith.constant 0 : i32
      %dma_start3A_525 = tpu.memref_slice %arg20[%dma_start3A_522, %dma_start3A_523, %dma_start3A_524] : memref<4x8x129xf32, #tpu.memory_space<vmem>> -> memref<4x8x128xf32, #tpu.memory_space<vmem>>
      tpu.enqueue_dma source(%dma_start3A_525 : memref<4x8x128xf32, #tpu.memory_space<vmem>>) target(%dma_start3A_521 : memref<4x8x128xf32, #tpu.memory_space<hbm>>) target_semaphore(%arg30 : memref<!tpu.dma_semaphore, #tpu.memory_space<semaphore_mem>>)
      %ge3A_526 = arith.constant 2 : i32
      %ge3A_527 = arith.cmpi sge, %add3A_431, %ge3A_526 : i32
      %convert_element_type3A_528 = arith.extui %ge3A_527 : i1 to i32
      %cond3A_529 = arith.constant 0 : i32
      %cond3A_530 = arith.cmpi ne, %convert_element_type3A_528, %cond3A_529 : i32
      scf.if %cond3A_530 {
        %sub3A_649 = arith.constant 2 : i32
        %sub3A_650 = arith.subi %add3A_431, %sub3A_649 : i32
        %mul3A_651 = arith.constant 2 : i32
        %mul3A_652 = arith.muli %sub3A_650, %mul3A_651 : i32
        %add3A_653 = arith.constant 0 : i32
        %add3A_654 = arith.addi %mul3A_652, %add3A_653 : i32
        %dma_wait3A_655 = arith.constant 0 : i32
        %dma_wait3A_656 = arith.constant 0 : i32
        %dma_wait3A_657 = arith.constant 0 : i32
        %dma_wait3A_658 = tpu.memref_slice %arg15[%dma_wait3A_655, %dma_wait3A_656, %dma_wait3A_657] : memref<4x8x129xf32, #tpu.memory_space<vmem>> -> memref<4x8x128xf32, #tpu.memory_space<vmem>>
        %dma_wait3A_659 = arith.constant 0 : i32
        %dma_wait3A_660 = arith.constant 0 : i32
        %dma_wait3A_661 = arith.constant 0 : i32
        %dma_wait3A_662 = tpu.memref_slice %arg5[%add3A_654, %dma_wait3A_659, %add3A, %dma_wait3A_660, %dma_wait3A_661] : memref<200x4x32x8x128xf32, #tpu.memory_space<hbm>> -> memref<1x4x1x8x128xf32, #tpu.memory_space<hbm>>
        %dma_wait3A_663 = tpu.memref_squeeze %dma_wait3A_662 : memref<1x4x1x8x128xf32, #tpu.memory_space<hbm>> -> memref<4x8x128xf32, #tpu.memory_space<hbm>>
        %dma_wait3A_664 = arith.constant 0 : i32
        %dma_wait3A_665 = arith.constant 0 : i32
        %dma_wait3A_666 = arith.constant 0 : i32
        %dma_wait3A_667 = tpu.memref_slice %arg5[%add3A_654, %dma_wait3A_664, %add3A, %dma_wait3A_665, %dma_wait3A_666] : memref<200x4x32x8x128xf32, #tpu.memory_space<hbm>> -> memref<1x4x1x8x128xf32, #tpu.memory_space<hbm>>
        %dma_wait3A_668 = tpu.memref_squeeze %dma_wait3A_667 : memref<1x4x1x8x128xf32, #tpu.memory_space<hbm>> -> memref<4x8x128xf32, #tpu.memory_space<hbm>>
        %dma_wait3A_669 = arith.constant 0 : i32
        %dma_wait3A_670 = arith.constant 0 : i32
        %dma_wait3A_671 = arith.constant 0 : i32
        %dma_wait3A_672 = tpu.memref_slice %arg15[%dma_wait3A_669, %dma_wait3A_670, %dma_wait3A_671] : memref<4x8x129xf32, #tpu.memory_space<vmem>> -> memref<4x8x128xf32, #tpu.memory_space<vmem>>
        tpu.wait_dma2 semaphore(%arg28 : memref<!tpu.dma_semaphore, #tpu.memory_space<semaphore_mem>>) src(%dma_wait3A_672 : memref<4x8x128xf32, #tpu.memory_space<vmem>>) dst(%dma_wait3A_668 : memref<4x8x128xf32, #tpu.memory_space<hbm>>)
        %add3A_673 = arith.constant 1 : i32
        %add3A_674 = arith.addi %mul3A_652, %add3A_673 : i32
        %dma_wait3A_675 = arith.constant 0 : i32
        %dma_wait3A_676 = arith.constant 0 : i32
        %dma_wait3A_677 = arith.constant 0 : i32
        %dma_wait3A_678 = tpu.memref_slice %arg16[%dma_wait3A_675, %dma_wait3A_676, %dma_wait3A_677] : memref<4x8x129xf32, #tpu.memory_space<vmem>> -> memref<4x8x128xf32, #tpu.memory_space<vmem>>
        %dma_wait3A_679 = arith.constant 0 : i32
        %dma_wait3A_680 = arith.constant 0 : i32
        %dma_wait3A_681 = arith.constant 0 : i32
        %dma_wait3A_682 = tpu.memref_slice %arg5[%add3A_674, %dma_wait3A_679, %add3A, %dma_wait3A_680, %dma_wait3A_681] : memref<200x4x32x8x128xf32, #tpu.memory_space<hbm>> -> memref<1x4x1x8x128xf32, #tpu.memory_space<hbm>>
        %dma_wait3A_683 = tpu.memref_squeeze %dma_wait3A_682 : memref<1x4x1x8x128xf32, #tpu.memory_space<hbm>> -> memref<4x8x128xf32, #tpu.memory_space<hbm>>
        %dma_wait3A_684 = arith.constant 0 : i32
        %dma_wait3A_685 = arith.constant 0 : i32
        %dma_wait3A_686 = arith.constant 0 : i32
        %dma_wait3A_687 = tpu.memref_slice %arg5[%add3A_674, %dma_wait3A_684, %add3A, %dma_wait3A_685, %dma_wait3A_686] : memref<200x4x32x8x128xf32, #tpu.memory_space<hbm>> -> memref<1x4x1x8x128xf32, #tpu.memory_space<hbm>>
        %dma_wait3A_688 = tpu.memref_squeeze %dma_wait3A_687 : memref<1x4x1x8x128xf32, #tpu.memory_space<hbm>> -> memref<4x8x128xf32, #tpu.memory_space<hbm>>
        %dma_wait3A_689 = arith.constant 0 : i32
        %dma_wait3A_690 = arith.constant 0 : i32
        %dma_wait3A_691 = arith.constant 0 : i32
        %dma_wait3A_692 = tpu.memref_slice %arg16[%dma_wait3A_689, %dma_wait3A_690, %dma_wait3A_691] : memref<4x8x129xf32, #tpu.memory_space<vmem>> -> memref<4x8x128xf32, #tpu.memory_space<vmem>>
        tpu.wait_dma2 semaphore(%arg28 : memref<!tpu.dma_semaphore, #tpu.memory_space<semaphore_mem>>) src(%dma_wait3A_692 : memref<4x8x128xf32, #tpu.memory_space<vmem>>) dst(%dma_wait3A_688 : memref<4x8x128xf32, #tpu.memory_space<hbm>>)
      } else {
      }
      %add3A_531 = arith.constant 2 : i32
      %add3A_532 = arith.addi %add3A_431, %add3A_531 : i32
      %lt3A_533 = arith.constant 100 : i32
      %lt3A_534 = arith.cmpi slt, %add3A_532, %lt3A_533 : i32
      %convert_element_type3A_535 = arith.extui %lt3A_534 : i1 to i32
      %cond3A_536 = arith.constant 0 : i32
      %cond3A_537 = arith.cmpi ne, %convert_element_type3A_535, %cond3A_536 : i32
      scf.if %cond3A_537 {
        %add3A_649 = arith.constant 2 : i32
        %add3A_650 = arith.addi %add3A_431, %add3A_649 : i32
        %mul3A_651 = arith.constant 2 : i32
        %mul3A_652 = arith.muli %add3A_650, %mul3A_651 : i32
        %add3A_653 = arith.constant 0 : i32
        %add3A_654 = arith.addi %mul3A_652, %add3A_653 : i32
        %dma_start3A_655 = arith.constant 0 : i32
        %dma_start3A_656 = tpu.memref_slice %arg6[%add3A_654, %dma_start3A_655] : memref<200x128xi32, #tpu.memory_space<vmem>> -> memref<1x128xi32, #tpu.memory_space<vmem>>
        %dma_start3A_657 = tpu.memref_squeeze %dma_start3A_656 : memref<1x128xi32, #tpu.memory_space<vmem>> -> memref<128xi32, #tpu.memory_space<vmem>>
        %dma_start3A_658 = arith.constant 0 : i32
        %dma_start3A_659 = arith.constant 0 : i32
        %dma_start3A_660 = tpu.memref_slice %arg2[%dma_start3A_658, %dma_start3A_659] : memref<1000000x32xf32, #tpu.memory_space<hbm>> -> memref<1000000x32xf32, #tpu.memory_space<hbm>>
        tpu.enqueue_indirect_dma source(%dma_start3A_660 : memref<1000000x32xf32, #tpu.memory_space<hbm>>) target(%arg7 : memref<128x32xf32, #tpu.memory_space<vmem>>) offsets(%dma_start3A_657 : memref<128xi32, #tpu.memory_space<vmem>>) semaphore(%arg24 : memref<!tpu.dma_semaphore, #tpu.memory_space<semaphore_mem>>)
        %add3A_661 = arith.constant 1 : i32
        %add3A_662 = arith.addi %mul3A_652, %add3A_661 : i32
        %dma_start3A_663 = arith.constant 0 : i32
        %dma_start3A_664 = tpu.memref_slice %arg6[%add3A_662, %dma_start3A_663] : memref<200x128xi32, #tpu.memory_space<vmem>> -> memref<1x128xi32, #tpu.memory_space<vmem>>
        %dma_start3A_665 = tpu.memref_squeeze %dma_start3A_664 : memref<1x128xi32, #tpu.memory_space<vmem>> -> memref<128xi32, #tpu.memory_space<vmem>>
        %dma_start3A_666 = arith.constant 0 : i32
        %dma_start3A_667 = arith.constant 0 : i32
        %dma_start3A_668 = tpu.memref_slice %arg2[%dma_start3A_666, %dma_start3A_667] : memref<1000000x32xf32, #tpu.memory_space<hbm>> -> memref<1000000x32xf32, #tpu.memory_space<hbm>>
        tpu.enqueue_indirect_dma source(%dma_start3A_668 : memref<1000000x32xf32, #tpu.memory_space<hbm>>) target(%arg8 : memref<128x32xf32, #tpu.memory_space<vmem>>) offsets(%dma_start3A_665 : memref<128xi32, #tpu.memory_space<vmem>>) semaphore(%arg24 : memref<!tpu.dma_semaphore, #tpu.memory_space<semaphore_mem>>)
      } else {
      }
      %mul3A_538 = arith.constant 4 : i32
      %mul3A_539 = arith.muli %mul3A_538, %scan3A_210 : i32
      %add3A_540 = arith.constant 3 : i32
      %add3A_541 = arith.addi %mul3A_539, %add3A_540 : i32
      %mul3A_542 = arith.constant 2 : i32
      %mul3A_543 = arith.muli %add3A_541, %mul3A_542 : i32
      %add3A_544 = arith.constant 0 : i32
      %add3A_545 = arith.addi %mul3A_543, %add3A_544 : i32
      %dma_wait3A_546 = arith.constant 0 : i32
      %dma_wait3A_547 = tpu.memref_slice %arg6[%add3A_545, %dma_wait3A_546] : memref<200x128xi32, #tpu.memory_space<vmem>> -> memref<1x128xi32, #tpu.memory_space<vmem>>
      %dma_wait3A_548 = tpu.memref_squeeze %dma_wait3A_547 : memref<1x128xi32, #tpu.memory_space<vmem>> -> memref<128xi32, #tpu.memory_space<vmem>>
      %dma_wait3A_549 = arith.constant 0 : i32
      %dma_wait3A_550 = arith.constant 0 : i32
      %dma_wait3A_551 = tpu.memref_slice %arg2[%dma_wait3A_549, %dma_wait3A_550] : memref<1000000x32xf32, #tpu.memory_space<hbm>> -> memref<1000000x32xf32, #tpu.memory_space<hbm>>
      tpu.wait_indirect_dma semaphore(%arg27 : memref<!tpu.dma_semaphore, #tpu.memory_space<semaphore_mem>>) src(%dma_wait3A_551 : memref<1000000x32xf32, #tpu.memory_space<hbm>>) dst(%arg13 : memref<128x32xf32, #tpu.memory_space<vmem>>)
      %add3A_552 = arith.constant 1 : i32
      %add3A_553 = arith.addi %mul3A_543, %add3A_552 : i32
      %dma_wait3A_554 = arith.constant 0 : i32
      %dma_wait3A_555 = tpu.memref_slice %arg6[%add3A_553, %dma_wait3A_554] : memref<200x128xi32, #tpu.memory_space<vmem>> -> memref<1x128xi32, #tpu.memory_space<vmem>>
      %dma_wait3A_556 = tpu.memref_squeeze %dma_wait3A_555 : memref<1x128xi32, #tpu.memory_space<vmem>> -> memref<128xi32, #tpu.memory_space<vmem>>
      %dma_wait3A_557 = arith.constant 0 : i32
      %dma_wait3A_558 = arith.constant 0 : i32
      %dma_wait3A_559 = tpu.memref_slice %arg2[%dma_wait3A_557, %dma_wait3A_558] : memref<1000000x32xf32, #tpu.memory_space<hbm>> -> memref<1000000x32xf32, #tpu.memory_space<hbm>>
      tpu.wait_indirect_dma semaphore(%arg27 : memref<!tpu.dma_semaphore, #tpu.memory_space<semaphore_mem>>) src(%dma_wait3A_559 : memref<1000000x32xf32, #tpu.memory_space<hbm>>) dst(%arg14 : memref<128x32xf32, #tpu.memory_space<vmem>>)
      %mul3A_560 = arith.constant 2 : i32
      %mul3A_561 = arith.muli %add3A_541, %mul3A_560 : i32
      %add3A_562 = arith.constant 0 : i32
      %add3A_563 = arith.addi %mul3A_561, %add3A_562 : i32
      %get3A_564 = arith.index_cast %add3A_563 : i32 to index
      %get3A_565 = arith.constant 0 : index
      %get3A_566 = tpu.vector_load %arg23[%get3A_564, %get3A_565] {strides = array<i32>} : memref<200x32xf32, #tpu.memory_space<vmem>>, vector<16xf32>,
      %get3A_567 = arith.index_cast %add3A_563 : i32 to index
      %get3A_568 = arith.constant 16 : index
      %get3A_569 = tpu.vector_load %arg23[%get3A_567, %get3A_568] {strides = array<i32>} : memref<200x32xf32, #tpu.memory_space<vmem>>, vector<16xf32>,
      %scan3A_570 = arith.constant 0 : i32
      %scan3A_571 = arith.constant 0 : i32
      %scan3A_572 = arith.constant 128 : i32
      %scan3A_573 = arith.addi %scan3A_571, %scan3A_572 : i32
      %scan3A_574 = arith.constant 8 : i32
      %scan3A_575 = scf.for %scan3A_649 = %scan3A_571 to %scan3A_573 step %scan3A_574 iter_args(%scan3A_650 = %scan3A_570) -> (i32)  : i32 {
        %get3A_651 = arith.index_cast %scan3A_649 : i32 to index
        %get3A_652 = arith.constant 0 : index
        %get3A_653 = tpu.vector_load %arg13[%get3A_651, %get3A_652] {strides = array<i32>} : memref<128x32xf32, #tpu.memory_space<vmem>>, vector<16xf32>,
        %add3A_654 = arith.addf %get3A_653, %get3A_566 : vector<16xf32>
        %get3A_655 = arith.index_cast %scan3A_649 : i32 to index
        %get3A_656 = arith.constant 16 : index
        %get3A_657 = tpu.vector_load %arg13[%get3A_655, %get3A_656] {strides = array<i32>} : memref<128x32xf32, #tpu.memory_space<vmem>>, vector<16xf32>,
        %add3A_658 = arith.addf %get3A_657, %get3A_569 : vector<16xf32>
        %broadcast_in_dim3A = vector.broadcast %scan3A_649 : i32 to vector<16xi32>
        tpu.vector_store_idx %arg21[%select_n3A, %select_n3A_48, %broadcast_in_dim3A], %add3A_654 : memref<4x8x129xf32, #tpu.memory_space<vmem>>[vector<16xi32>, vector<16xi32>, vector<16xi32>], vector<16xf32>,
        tpu.vector_store_idx %arg21[%select_n3A_79, %select_n3A_101, %broadcast_in_dim3A], %add3A_658 : memref<4x8x129xf32, #tpu.memory_space<vmem>>[vector<16xi32>, vector<16xi32>, vector<16xi32>], vector<16xf32>,
        %scan3A_659 = arith.constant 0 : i32
        %scan3A_660 = arith.constant 1 : i32
        %scan3A_661 = arith.addi %scan3A_649, %scan3A_660 : i32
        %get3A_662 = arith.index_cast %scan3A_661 : i32 to index
        %get3A_663 = arith.constant 0 : index
        %get3A_664 = tpu.vector_load %arg13[%get3A_662, %get3A_663] {strides = array<i32>} : memref<128x32xf32, #tpu.memory_space<vmem>>, vector<16xf32>,
        %add3A_665 = arith.addf %get3A_664, %get3A_566 : vector<16xf32>
        %get3A_666 = arith.index_cast %scan3A_661 : i32 to index
        %get3A_667 = arith.constant 16 : index
        %get3A_668 = tpu.vector_load %arg13[%get3A_666, %get3A_667] {strides = array<i32>} : memref<128x32xf32, #tpu.memory_space<vmem>>, vector<16xf32>,
        %add3A_669 = arith.addf %get3A_668, %get3A_569 : vector<16xf32>
        %broadcast_in_dim3A_670 = vector.broadcast %scan3A_661 : i32 to vector<16xi32>
        tpu.vector_store_idx %arg21[%select_n3A, %select_n3A_48, %broadcast_in_dim3A_670], %add3A_665 : memref<4x8x129xf32, #tpu.memory_space<vmem>>[vector<16xi32>, vector<16xi32>, vector<16xi32>], vector<16xf32>,
        tpu.vector_store_idx %arg21[%select_n3A_79, %select_n3A_101, %broadcast_in_dim3A_670], %add3A_669 : memref<4x8x129xf32, #tpu.memory_space<vmem>>[vector<16xi32>, vector<16xi32>, vector<16xi32>], vector<16xf32>,
        %scan3A_671 = arith.constant 0 : i32
        %scan3A_672 = arith.constant 2 : i32
        %scan3A_673 = arith.addi %scan3A_649, %scan3A_672 : i32
        %get3A_674 = arith.index_cast %scan3A_673 : i32 to index
        %get3A_675 = arith.constant 0 : index
        %get3A_676 = tpu.vector_load %arg13[%get3A_674, %get3A_675] {strides = array<i32>} : memref<128x32xf32, #tpu.memory_space<vmem>>, vector<16xf32>,
        %add3A_677 = arith.addf %get3A_676, %get3A_566 : vector<16xf32>
        %get3A_678 = arith.index_cast %scan3A_673 : i32 to index
        %get3A_679 = arith.constant 16 : index
        %get3A_680 = tpu.vector_load %arg13[%get3A_678, %get3A_679] {strides = array<i32>} : memref<128x32xf32, #tpu.memory_space<vmem>>, vector<16xf32>,
        %add3A_681 = arith.addf %get3A_680, %get3A_569 : vector<16xf32>
        %broadcast_in_dim3A_682 = vector.broadcast %scan3A_673 : i32 to vector<16xi32>
        tpu.vector_store_idx %arg21[%select_n3A, %select_n3A_48, %broadcast_in_dim3A_682], %add3A_677 : memref<4x8x129xf32, #tpu.memory_space<vmem>>[vector<16xi32>, vector<16xi32>, vector<16xi32>], vector<16xf32>,
        tpu.vector_store_idx %arg21[%select_n3A_79, %select_n3A_101, %broadcast_in_dim3A_682], %add3A_681 : memref<4x8x129xf32, #tpu.memory_space<vmem>>[vector<16xi32>, vector<16xi32>, vector<16xi32>], vector<16xf32>,
        %scan3A_683 = arith.constant 0 : i32
        %scan3A_684 = arith.constant 3 : i32
        %scan3A_685 = arith.addi %scan3A_649, %scan3A_684 : i32
        %get3A_686 = arith.index_cast %scan3A_685 : i32 to index
        %get3A_687 = arith.constant 0 : index
        %get3A_688 = tpu.vector_load %arg13[%get3A_686, %get3A_687] {strides = array<i32>} : memref<128x32xf32, #tpu.memory_space<vmem>>, vector<16xf32>,
        %add3A_689 = arith.addf %get3A_688, %get3A_566 : vector<16xf32>
        %get3A_690 = arith.index_cast %scan3A_685 : i32 to index
        %get3A_691 = arith.constant 16 : index
        %get3A_692 = tpu.vector_load %arg13[%get3A_690, %get3A_691] {strides = array<i32>} : memref<128x32xf32, #tpu.memory_space<vmem>>, vector<16xf32>,
        %add3A_693 = arith.addf %get3A_692, %get3A_569 : vector<16xf32>
        %broadcast_in_dim3A_694 = vector.broadcast %scan3A_685 : i32 to vector<16xi32>
        tpu.vector_store_idx %arg21[%select_n3A, %select_n3A_48, %broadcast_in_dim3A_694], %add3A_689 : memref<4x8x129xf32, #tpu.memory_space<vmem>>[vector<16xi32>, vector<16xi32>, vector<16xi32>], vector<16xf32>,
        tpu.vector_store_idx %arg21[%select_n3A_79, %select_n3A_101, %broadcast_in_dim3A_694], %add3A_693 : memref<4x8x129xf32, #tpu.memory_space<vmem>>[vector<16xi32>, vector<16xi32>, vector<16xi32>], vector<16xf32>,
        %scan3A_695 = arith.constant 0 : i32
        %scan3A_696 = arith.constant 4 : i32
        %scan3A_697 = arith.addi %scan3A_649, %scan3A_696 : i32
        %get3A_698 = arith.index_cast %scan3A_697 : i32 to index
        %get3A_699 = arith.constant 0 : index
        %get3A_700 = tpu.vector_load %arg13[%get3A_698, %get3A_699] {strides = array<i32>} : memref<128x32xf32, #tpu.memory_space<vmem>>, vector<16xf32>,
        %add3A_701 = arith.addf %get3A_700, %get3A_566 : vector<16xf32>
        %get3A_702 = arith.index_cast %scan3A_697 : i32 to index
        %get3A_703 = arith.constant 16 : index
        %get3A_704 = tpu.vector_load %arg13[%get3A_702, %get3A_703] {strides = array<i32>} : memref<128x32xf32, #tpu.memory_space<vmem>>, vector<16xf32>,
        %add3A_705 = arith.addf %get3A_704, %get3A_569 : vector<16xf32>
        %broadcast_in_dim3A_706 = vector.broadcast %scan3A_697 : i32 to vector<16xi32>
        tpu.vector_store_idx %arg21[%select_n3A, %select_n3A_48, %broadcast_in_dim3A_706], %add3A_701 : memref<4x8x129xf32, #tpu.memory_space<vmem>>[vector<16xi32>, vector<16xi32>, vector<16xi32>], vector<16xf32>,
        tpu.vector_store_idx %arg21[%select_n3A_79, %select_n3A_101, %broadcast_in_dim3A_706], %add3A_705 : memref<4x8x129xf32, #tpu.memory_space<vmem>>[vector<16xi32>, vector<16xi32>, vector<16xi32>], vector<16xf32>,
        %scan3A_707 = arith.constant 0 : i32
        %scan3A_708 = arith.constant 5 : i32
        %scan3A_709 = arith.addi %scan3A_649, %scan3A_708 : i32
        %get3A_710 = arith.index_cast %scan3A_709 : i32 to index
        %get3A_711 = arith.constant 0 : index
        %get3A_712 = tpu.vector_load %arg13[%get3A_710, %get3A_711] {strides = array<i32>} : memref<128x32xf32, #tpu.memory_space<vmem>>, vector<16xf32>,
        %add3A_713 = arith.addf %get3A_712, %get3A_566 : vector<16xf32>
        %get3A_714 = arith.index_cast %scan3A_709 : i32 to index
        %get3A_715 = arith.constant 16 : index
        %get3A_716 = tpu.vector_load %arg13[%get3A_714, %get3A_715] {strides = array<i32>} : memref<128x32xf32, #tpu.memory_space<vmem>>, vector<16xf32>,
        %add3A_717 = arith.addf %get3A_716, %get3A_569 : vector<16xf32>
        %broadcast_in_dim3A_718 = vector.broadcast %scan3A_709 : i32 to vector<16xi32>
        tpu.vector_store_idx %arg21[%select_n3A, %select_n3A_48, %broadcast_in_dim3A_718], %add3A_713 : memref<4x8x129xf32, #tpu.memory_space<vmem>>[vector<16xi32>, vector<16xi32>, vector<16xi32>], vector<16xf32>,
        tpu.vector_store_idx %arg21[%select_n3A_79, %select_n3A_101, %broadcast_in_dim3A_718], %add3A_717 : memref<4x8x129xf32, #tpu.memory_space<vmem>>[vector<16xi32>, vector<16xi32>, vector<16xi32>], vector<16xf32>,
        %scan3A_719 = arith.constant 0 : i32
        %scan3A_720 = arith.constant 6 : i32
        %scan3A_721 = arith.addi %scan3A_649, %scan3A_720 : i32
        %get3A_722 = arith.index_cast %scan3A_721 : i32 to index
        %get3A_723 = arith.constant 0 : index
        %get3A_724 = tpu.vector_load %arg13[%get3A_722, %get3A_723] {strides = array<i32>} : memref<128x32xf32, #tpu.memory_space<vmem>>, vector<16xf32>,
        %add3A_725 = arith.addf %get3A_724, %get3A_566 : vector<16xf32>
        %get3A_726 = arith.index_cast %scan3A_721 : i32 to index
        %get3A_727 = arith.constant 16 : index
        %get3A_728 = tpu.vector_load %arg13[%get3A_726, %get3A_727] {strides = array<i32>} : memref<128x32xf32, #tpu.memory_space<vmem>>, vector<16xf32>,
        %add3A_729 = arith.addf %get3A_728, %get3A_569 : vector<16xf32>
        %broadcast_in_dim3A_730 = vector.broadcast %scan3A_721 : i32 to vector<16xi32>
        tpu.vector_store_idx %arg21[%select_n3A, %select_n3A_48, %broadcast_in_dim3A_730], %add3A_725 : memref<4x8x129xf32, #tpu.memory_space<vmem>>[vector<16xi32>, vector<16xi32>, vector<16xi32>], vector<16xf32>,
        tpu.vector_store_idx %arg21[%select_n3A_79, %select_n3A_101, %broadcast_in_dim3A_730], %add3A_729 : memref<4x8x129xf32, #tpu.memory_space<vmem>>[vector<16xi32>, vector<16xi32>, vector<16xi32>], vector<16xf32>,
        %scan3A_731 = arith.constant 0 : i32
        %scan3A_732 = arith.constant 7 : i32
        %scan3A_733 = arith.addi %scan3A_649, %scan3A_732 : i32
        %get3A_734 = arith.index_cast %scan3A_733 : i32 to index
        %get3A_735 = arith.constant 0 : index
        %get3A_736 = tpu.vector_load %arg13[%get3A_734, %get3A_735] {strides = array<i32>} : memref<128x32xf32, #tpu.memory_space<vmem>>, vector<16xf32>,
        %add3A_737 = arith.addf %get3A_736, %get3A_566 : vector<16xf32>
        %get3A_738 = arith.index_cast %scan3A_733 : i32 to index
        %get3A_739 = arith.constant 16 : index
        %get3A_740 = tpu.vector_load %arg13[%get3A_738, %get3A_739] {strides = array<i32>} : memref<128x32xf32, #tpu.memory_space<vmem>>, vector<16xf32>,
        %add3A_741 = arith.addf %get3A_740, %get3A_569 : vector<16xf32>
        %broadcast_in_dim3A_742 = vector.broadcast %scan3A_733 : i32 to vector<16xi32>
        tpu.vector_store_idx %arg21[%select_n3A, %select_n3A_48, %broadcast_in_dim3A_742], %add3A_737 : memref<4x8x129xf32, #tpu.memory_space<vmem>>[vector<16xi32>, vector<16xi32>, vector<16xi32>], vector<16xf32>,
        tpu.vector_store_idx %arg21[%select_n3A_79, %select_n3A_101, %broadcast_in_dim3A_742], %add3A_741 : memref<4x8x129xf32, #tpu.memory_space<vmem>>[vector<16xi32>, vector<16xi32>, vector<16xi32>], vector<16xf32>,
        %scan3A_743 = arith.constant 0 : i32
        scf.yield %scan3A_743 : i32
      }
      %scan3A_576 = arith.constant 128 : i32
      %mul3A_577 = arith.constant 2 : i32
      %mul3A_578 = arith.muli %add3A_541, %mul3A_577 : i32
      %add3A_579 = arith.constant 1 : i32
      %add3A_580 = arith.addi %mul3A_578, %add3A_579 : i32
      %get3A_581 = arith.index_cast %add3A_580 : i32 to index
      %get3A_582 = arith.constant 0 : index
      %get3A_583 = tpu.vector_load %arg23[%get3A_581, %get3A_582] {strides = array<i32>} : memref<200x32xf32, #tpu.memory_space<vmem>>, vector<16xf32>,
      %get3A_584 = arith.index_cast %add3A_580 : i32 to index
      %get3A_585 = arith.constant 16 : index
      %get3A_586 = tpu.vector_load %arg23[%get3A_584, %get3A_585] {strides = array<i32>} : memref<200x32xf32, #tpu.memory_space<vmem>>, vector<16xf32>,
      %scan3A_587 = arith.constant 0 : i32
      %scan3A_588 = arith.constant 0 : i32
      %scan3A_589 = arith.constant 128 : i32
      %scan3A_590 = arith.addi %scan3A_588, %scan3A_589 : i32
      %scan3A_591 = arith.constant 8 : i32
      %scan3A_592 = scf.for %scan3A_649 = %scan3A_588 to %scan3A_590 step %scan3A_591 iter_args(%scan3A_650 = %scan3A_587) -> (i32)  : i32 {
        %get3A_651 = arith.index_cast %scan3A_649 : i32 to index
        %get3A_652 = arith.constant 0 : index
        %get3A_653 = tpu.vector_load %arg14[%get3A_651, %get3A_652] {strides = array<i32>} : memref<128x32xf32, #tpu.memory_space<vmem>>, vector<16xf32>,
        %add3A_654 = arith.addf %get3A_653, %get3A_583 : vector<16xf32>
        %get3A_655 = arith.index_cast %scan3A_649 : i32 to index
        %get3A_656 = arith.constant 16 : index
        %get3A_657 = tpu.vector_load %arg14[%get3A_655, %get3A_656] {strides = array<i32>} : memref<128x32xf32, #tpu.memory_space<vmem>>, vector<16xf32>,
        %add3A_658 = arith.addf %get3A_657, %get3A_586 : vector<16xf32>
        %broadcast_in_dim3A = vector.broadcast %scan3A_649 : i32 to vector<16xi32>
        tpu.vector_store_idx %arg22[%select_n3A, %select_n3A_48, %broadcast_in_dim3A], %add3A_654 : memref<4x8x129xf32, #tpu.memory_space<vmem>>[vector<16xi32>, vector<16xi32>, vector<16xi32>], vector<16xf32>,
        tpu.vector_store_idx %arg22[%select_n3A_79, %select_n3A_101, %broadcast_in_dim3A], %add3A_658 : memref<4x8x129xf32, #tpu.memory_space<vmem>>[vector<16xi32>, vector<16xi32>, vector<16xi32>], vector<16xf32>,
        %scan3A_659 = arith.constant 0 : i32
        %scan3A_660 = arith.constant 1 : i32
        %scan3A_661 = arith.addi %scan3A_649, %scan3A_660 : i32
        %get3A_662 = arith.index_cast %scan3A_661 : i32 to index
        %get3A_663 = arith.constant 0 : index
        %get3A_664 = tpu.vector_load %arg14[%get3A_662, %get3A_663] {strides = array<i32>} : memref<128x32xf32, #tpu.memory_space<vmem>>, vector<16xf32>,
        %add3A_665 = arith.addf %get3A_664, %get3A_583 : vector<16xf32>
        %get3A_666 = arith.index_cast %scan3A_661 : i32 to index
        %get3A_667 = arith.constant 16 : index
        %get3A_668 = tpu.vector_load %arg14[%get3A_666, %get3A_667] {strides = array<i32>} : memref<128x32xf32, #tpu.memory_space<vmem>>, vector<16xf32>,
        %add3A_669 = arith.addf %get3A_668, %get3A_586 : vector<16xf32>
        %broadcast_in_dim3A_670 = vector.broadcast %scan3A_661 : i32 to vector<16xi32>
        tpu.vector_store_idx %arg22[%select_n3A, %select_n3A_48, %broadcast_in_dim3A_670], %add3A_665 : memref<4x8x129xf32, #tpu.memory_space<vmem>>[vector<16xi32>, vector<16xi32>, vector<16xi32>], vector<16xf32>,
        tpu.vector_store_idx %arg22[%select_n3A_79, %select_n3A_101, %broadcast_in_dim3A_670], %add3A_669 : memref<4x8x129xf32, #tpu.memory_space<vmem>>[vector<16xi32>, vector<16xi32>, vector<16xi32>], vector<16xf32>,
        %scan3A_671 = arith.constant 0 : i32
        %scan3A_672 = arith.constant 2 : i32
        %scan3A_673 = arith.addi %scan3A_649, %scan3A_672 : i32
        %get3A_674 = arith.index_cast %scan3A_673 : i32 to index
        %get3A_675 = arith.constant 0 : index
        %get3A_676 = tpu.vector_load %arg14[%get3A_674, %get3A_675] {strides = array<i32>} : memref<128x32xf32, #tpu.memory_space<vmem>>, vector<16xf32>,
        %add3A_677 = arith.addf %get3A_676, %get3A_583 : vector<16xf32>
        %get3A_678 = arith.index_cast %scan3A_673 : i32 to index
        %get3A_679 = arith.constant 16 : index
        %get3A_680 = tpu.vector_load %arg14[%get3A_678, %get3A_679] {strides = array<i32>} : memref<128x32xf32, #tpu.memory_space<vmem>>, vector<16xf32>,
        %add3A_681 = arith.addf %get3A_680, %get3A_586 : vector<16xf32>
        %broadcast_in_dim3A_682 = vector.broadcast %scan3A_673 : i32 to vector<16xi32>
        tpu.vector_store_idx %arg22[%select_n3A, %select_n3A_48, %broadcast_in_dim3A_682], %add3A_677 : memref<4x8x129xf32, #tpu.memory_space<vmem>>[vector<16xi32>, vector<16xi32>, vector<16xi32>], vector<16xf32>,
        tpu.vector_store_idx %arg22[%select_n3A_79, %select_n3A_101, %broadcast_in_dim3A_682], %add3A_681 : memref<4x8x129xf32, #tpu.memory_space<vmem>>[vector<16xi32>, vector<16xi32>, vector<16xi32>], vector<16xf32>,
        %scan3A_683 = arith.constant 0 : i32
        %scan3A_684 = arith.constant 3 : i32
        %scan3A_685 = arith.addi %scan3A_649, %scan3A_684 : i32
        %get3A_686 = arith.index_cast %scan3A_685 : i32 to index
        %get3A_687 = arith.constant 0 : index
        %get3A_688 = tpu.vector_load %arg14[%get3A_686, %get3A_687] {strides = array<i32>} : memref<128x32xf32, #tpu.memory_space<vmem>>, vector<16xf32>,
        %add3A_689 = arith.addf %get3A_688, %get3A_583 : vector<16xf32>
        %get3A_690 = arith.index_cast %scan3A_685 : i32 to index
        %get3A_691 = arith.constant 16 : index
        %get3A_692 = tpu.vector_load %arg14[%get3A_690, %get3A_691] {strides = array<i32>} : memref<128x32xf32, #tpu.memory_space<vmem>>, vector<16xf32>,
        %add3A_693 = arith.addf %get3A_692, %get3A_586 : vector<16xf32>
        %broadcast_in_dim3A_694 = vector.broadcast %scan3A_685 : i32 to vector<16xi32>
        tpu.vector_store_idx %arg22[%select_n3A, %select_n3A_48, %broadcast_in_dim3A_694], %add3A_689 : memref<4x8x129xf32, #tpu.memory_space<vmem>>[vector<16xi32>, vector<16xi32>, vector<16xi32>], vector<16xf32>,
        tpu.vector_store_idx %arg22[%select_n3A_79, %select_n3A_101, %broadcast_in_dim3A_694], %add3A_693 : memref<4x8x129xf32, #tpu.memory_space<vmem>>[vector<16xi32>, vector<16xi32>, vector<16xi32>], vector<16xf32>,
        %scan3A_695 = arith.constant 0 : i32
        %scan3A_696 = arith.constant 4 : i32
        %scan3A_697 = arith.addi %scan3A_649, %scan3A_696 : i32
        %get3A_698 = arith.index_cast %scan3A_697 : i32 to index
        %get3A_699 = arith.constant 0 : index
        %get3A_700 = tpu.vector_load %arg14[%get3A_698, %get3A_699] {strides = array<i32>} : memref<128x32xf32, #tpu.memory_space<vmem>>, vector<16xf32>,
        %add3A_701 = arith.addf %get3A_700, %get3A_583 : vector<16xf32>
        %get3A_702 = arith.index_cast %scan3A_697 : i32 to index
        %get3A_703 = arith.constant 16 : index
        %get3A_704 = tpu.vector_load %arg14[%get3A_702, %get3A_703] {strides = array<i32>} : memref<128x32xf32, #tpu.memory_space<vmem>>, vector<16xf32>,
        %add3A_705 = arith.addf %get3A_704, %get3A_586 : vector<16xf32>
        %broadcast_in_dim3A_706 = vector.broadcast %scan3A_697 : i32 to vector<16xi32>
        tpu.vector_store_idx %arg22[%select_n3A, %select_n3A_48, %broadcast_in_dim3A_706], %add3A_701 : memref<4x8x129xf32, #tpu.memory_space<vmem>>[vector<16xi32>, vector<16xi32>, vector<16xi32>], vector<16xf32>,
        tpu.vector_store_idx %arg22[%select_n3A_79, %select_n3A_101, %broadcast_in_dim3A_706], %add3A_705 : memref<4x8x129xf32, #tpu.memory_space<vmem>>[vector<16xi32>, vector<16xi32>, vector<16xi32>], vector<16xf32>,
        %scan3A_707 = arith.constant 0 : i32
        %scan3A_708 = arith.constant 5 : i32
        %scan3A_709 = arith.addi %scan3A_649, %scan3A_708 : i32
        %get3A_710 = arith.index_cast %scan3A_709 : i32 to index
        %get3A_711 = arith.constant 0 : index
        %get3A_712 = tpu.vector_load %arg14[%get3A_710, %get3A_711] {strides = array<i32>} : memref<128x32xf32, #tpu.memory_space<vmem>>, vector<16xf32>,
        %add3A_713 = arith.addf %get3A_712, %get3A_583 : vector<16xf32>
        %get3A_714 = arith.index_cast %scan3A_709 : i32 to index
        %get3A_715 = arith.constant 16 : index
        %get3A_716 = tpu.vector_load %arg14[%get3A_714, %get3A_715] {strides = array<i32>} : memref<128x32xf32, #tpu.memory_space<vmem>>, vector<16xf32>,
        %add3A_717 = arith.addf %get3A_716, %get3A_586 : vector<16xf32>
        %broadcast_in_dim3A_718 = vector.broadcast %scan3A_709 : i32 to vector<16xi32>
        tpu.vector_store_idx %arg22[%select_n3A, %select_n3A_48, %broadcast_in_dim3A_718], %add3A_713 : memref<4x8x129xf32, #tpu.memory_space<vmem>>[vector<16xi32>, vector<16xi32>, vector<16xi32>], vector<16xf32>,
        tpu.vector_store_idx %arg22[%select_n3A_79, %select_n3A_101, %broadcast_in_dim3A_718], %add3A_717 : memref<4x8x129xf32, #tpu.memory_space<vmem>>[vector<16xi32>, vector<16xi32>, vector<16xi32>], vector<16xf32>,
        %scan3A_719 = arith.constant 0 : i32
        %scan3A_720 = arith.constant 6 : i32
        %scan3A_721 = arith.addi %scan3A_649, %scan3A_720 : i32
        %get3A_722 = arith.index_cast %scan3A_721 : i32 to index
        %get3A_723 = arith.constant 0 : index
        %get3A_724 = tpu.vector_load %arg14[%get3A_722, %get3A_723] {strides = array<i32>} : memref<128x32xf32, #tpu.memory_space<vmem>>, vector<16xf32>,
        %add3A_725 = arith.addf %get3A_724, %get3A_583 : vector<16xf32>
        %get3A_726 = arith.index_cast %scan3A_721 : i32 to index
        %get3A_727 = arith.constant 16 : index
        %get3A_728 = tpu.vector_load %arg14[%get3A_726, %get3A_727] {strides = array<i32>} : memref<128x32xf32, #tpu.memory_space<vmem>>, vector<16xf32>,
        %add3A_729 = arith.addf %get3A_728, %get3A_586 : vector<16xf32>
        %broadcast_in_dim3A_730 = vector.broadcast %scan3A_721 : i32 to vector<16xi32>
        tpu.vector_store_idx %arg22[%select_n3A, %select_n3A_48, %broadcast_in_dim3A_730], %add3A_725 : memref<4x8x129xf32, #tpu.memory_space<vmem>>[vector<16xi32>, vector<16xi32>, vector<16xi32>], vector<16xf32>,
        tpu.vector_store_idx %arg22[%select_n3A_79, %select_n3A_101, %broadcast_in_dim3A_730], %add3A_729 : memref<4x8x129xf32, #tpu.memory_space<vmem>>[vector<16xi32>, vector<16xi32>, vector<16xi32>], vector<16xf32>,
        %scan3A_731 = arith.constant 0 : i32
        %scan3A_732 = arith.constant 7 : i32
        %scan3A_733 = arith.addi %scan3A_649, %scan3A_732 : i32
        %get3A_734 = arith.index_cast %scan3A_733 : i32 to index
        %get3A_735 = arith.constant 0 : index
        %get3A_736 = tpu.vector_load %arg14[%get3A_734, %get3A_735] {strides = array<i32>} : memref<128x32xf32, #tpu.memory_space<vmem>>, vector<16xf32>,
        %add3A_737 = arith.addf %get3A_736, %get3A_583 : vector<16xf32>
        %get3A_738 = arith.index_cast %scan3A_733 : i32 to index
        %get3A_739 = arith.constant 16 : index
        %get3A_740 = tpu.vector_load %arg14[%get3A_738, %get3A_739] {strides = array<i32>} : memref<128x32xf32, #tpu.memory_space<vmem>>, vector<16xf32>,
        %add3A_741 = arith.addf %get3A_740, %get3A_586 : vector<16xf32>
        %broadcast_in_dim3A_742 = vector.broadcast %scan3A_733 : i32 to vector<16xi32>
        tpu.vector_store_idx %arg22[%select_n3A, %select_n3A_48, %broadcast_in_dim3A_742], %add3A_737 : memref<4x8x129xf32, #tpu.memory_space<vmem>>[vector<16xi32>, vector<16xi32>, vector<16xi32>], vector<16xf32>,
        tpu.vector_store_idx %arg22[%select_n3A_79, %select_n3A_101, %broadcast_in_dim3A_742], %add3A_741 : memref<4x8x129xf32, #tpu.memory_space<vmem>>[vector<16xi32>, vector<16xi32>, vector<16xi32>], vector<16xf32>,
        %scan3A_743 = arith.constant 0 : i32
        scf.yield %scan3A_743 : i32
      }
      %scan3A_593 = arith.constant 128 : i32
      %mul3A_594 = arith.constant 2 : i32
      %mul3A_595 = arith.muli %add3A_541, %mul3A_594 : i32
      %add3A_596 = arith.constant 0 : i32
      %add3A_597 = arith.addi %mul3A_595, %add3A_596 : i32
      %dma_start3A_598 = arith.constant 0 : i32
      %dma_start3A_599 = arith.constant 0 : i32
      %dma_start3A_600 = arith.constant 0 : i32
      %dma_start3A_601 = tpu.memref_slice %arg21[%dma_start3A_598, %dma_start3A_599, %dma_start3A_600] : memref<4x8x129xf32, #tpu.memory_space<vmem>> -> memref<4x8x128xf32, #tpu.memory_space<vmem>>
      %dma_start3A_602 = arith.constant 0 : i32
      %dma_start3A_603 = arith.constant 0 : i32
      %dma_start3A_604 = arith.constant 0 : i32
      %dma_start3A_605 = tpu.memref_slice %arg5[%add3A_597, %dma_start3A_602, %add3A, %dma_start3A_603, %dma_start3A_604] : memref<200x4x32x8x128xf32, #tpu.memory_space<hbm>> -> memref<1x4x1x8x128xf32, #tpu.memory_space<hbm>>
      %dma_start3A_606 = tpu.memref_squeeze %dma_start3A_605 : memref<1x4x1x8x128xf32, #tpu.memory_space<hbm>> -> memref<4x8x128xf32, #tpu.memory_space<hbm>>
      %dma_start3A_607 = arith.constant 0 : i32
      %dma_start3A_608 = arith.constant 0 : i32
      %dma_start3A_609 = arith.constant 0 : i32
      %dma_start3A_610 = tpu.memref_slice %arg5[%add3A_597, %dma_start3A_607, %add3A, %dma_start3A_608, %dma_start3A_609] : memref<200x4x32x8x128xf32, #tpu.memory_space<hbm>> -> memref<1x4x1x8x128xf32, #tpu.memory_space<hbm>>
      %dma_start3A_611 = tpu.memref_squeeze %dma_start3A_610 : memref<1x4x1x8x128xf32, #tpu.memory_space<hbm>> -> memref<4x8x128xf32, #tpu.memory_space<hbm>>
      %dma_start3A_612 = arith.constant 0 : i32
      %dma_start3A_613 = arith.constant 0 : i32
      %dma_start3A_614 = arith.constant 0 : i32
      %dma_start3A_615 = tpu.memref_slice %arg21[%dma_start3A_612, %dma_start3A_613, %dma_start3A_614] : memref<4x8x129xf32, #tpu.memory_space<vmem>> -> memref<4x8x128xf32, #tpu.memory_space<vmem>>
      tpu.enqueue_dma source(%dma_start3A_615 : memref<4x8x128xf32, #tpu.memory_space<vmem>>) target(%dma_start3A_611 : memref<4x8x128xf32, #tpu.memory_space<hbm>>) target_semaphore(%arg31 : memref<!tpu.dma_semaphore, #tpu.memory_space<semaphore_mem>>)
      %add3A_616 = arith.constant 1 : i32
      %add3A_617 = arith.addi %mul3A_595, %add3A_616 : i32
      %dma_start3A_618 = arith.constant 0 : i32
      %dma_start3A_619 = arith.constant 0 : i32
      %dma_start3A_620 = arith.constant 0 : i32
      %dma_start3A_621 = tpu.memref_slice %arg22[%dma_start3A_618, %dma_start3A_619, %dma_start3A_620] : memref<4x8x129xf32, #tpu.memory_space<vmem>> -> memref<4x8x128xf32, #tpu.memory_space<vmem>>
      %dma_start3A_622 = arith.constant 0 : i32
      %dma_start3A_623 = arith.constant 0 : i32
      %dma_start3A_624 = arith.constant 0 : i32
      %dma_start3A_625 = tpu.memref_slice %arg5[%add3A_617, %dma_start3A_622, %add3A, %dma_start3A_623, %dma_start3A_624] : memref<200x4x32x8x128xf32, #tpu.memory_space<hbm>> -> memref<1x4x1x8x128xf32, #tpu.memory_space<hbm>>
      %dma_start3A_626 = tpu.memref_squeeze %dma_start3A_625 : memref<1x4x1x8x128xf32, #tpu.memory_space<hbm>> -> memref<4x8x128xf32, #tpu.memory_space<hbm>>
      %dma_start3A_627 = arith.constant 0 : i32
      %dma_start3A_628 = arith.constant 0 : i32
      %dma_start3A_629 = arith.constant 0 : i32
      %dma_start3A_630 = tpu.memref_slice %arg5[%add3A_617, %dma_start3A_627, %add3A, %dma_start3A_628, %dma_start3A_629] : memref<200x4x32x8x128xf32, #tpu.memory_space<hbm>> -> memref<1x4x1x8x128xf32, #tpu.memory_space<hbm>>
      %dma_start3A_631 = tpu.memref_squeeze %dma_start3A_630 : memref<1x4x1x8x128xf32, #tpu.memory_space<hbm>> -> memref<4x8x128xf32, #tpu.memory_space<hbm>>
      %dma_start3A_632 = arith.constant 0 : i32
      %dma_start3A_633 = arith.constant 0 : i32
      %dma_start3A_634 = arith.constant 0 : i32
      %dma_start3A_635 = tpu.memref_slice %arg22[%dma_start3A_632, %dma_start3A_633, %dma_start3A_634] : memref<4x8x129xf32, #tpu.memory_space<vmem>> -> memref<4x8x128xf32, #tpu.memory_space<vmem>>
      tpu.enqueue_dma source(%dma_start3A_635 : memref<4x8x128xf32, #tpu.memory_space<vmem>>) target(%dma_start3A_631 : memref<4x8x128xf32, #tpu.memory_space<hbm>>) target_semaphore(%arg31 : memref<!tpu.dma_semaphore, #tpu.memory_space<semaphore_mem>>)
      %ge3A_636 = arith.constant 2 : i32
      %ge3A_637 = arith.cmpi sge, %add3A_541, %ge3A_636 : i32
      %convert_element_type3A_638 = arith.extui %ge3A_637 : i1 to i32
      %cond3A_639 = arith.constant 0 : i32
      %cond3A_640 = arith.cmpi ne, %convert_element_type3A_638, %cond3A_639 : i32
      scf.if %cond3A_640 {
        %sub3A_649 = arith.constant 2 : i32
        %sub3A_650 = arith.subi %add3A_541, %sub3A_649 : i32
        %mul3A_651 = arith.constant 2 : i32
        %mul3A_652 = arith.muli %sub3A_650, %mul3A_651 : i32
        %add3A_653 = arith.constant 0 : i32
        %add3A_654 = arith.addi %mul3A_652, %add3A_653 : i32
        %dma_wait3A_655 = arith.constant 0 : i32
        %dma_wait3A_656 = arith.constant 0 : i32
        %dma_wait3A_657 = arith.constant 0 : i32
        %dma_wait3A_658 = tpu.memref_slice %arg17[%dma_wait3A_655, %dma_wait3A_656, %dma_wait3A_657] : memref<4x8x129xf32, #tpu.memory_space<vmem>> -> memref<4x8x128xf32, #tpu.memory_space<vmem>>
        %dma_wait3A_659 = arith.constant 0 : i32
        %dma_wait3A_660 = arith.constant 0 : i32
        %dma_wait3A_661 = arith.constant 0 : i32
        %dma_wait3A_662 = tpu.memref_slice %arg5[%add3A_654, %dma_wait3A_659, %add3A, %dma_wait3A_660, %dma_wait3A_661] : memref<200x4x32x8x128xf32, #tpu.memory_space<hbm>> -> memref<1x4x1x8x128xf32, #tpu.memory_space<hbm>>
        %dma_wait3A_663 = tpu.memref_squeeze %dma_wait3A_662 : memref<1x4x1x8x128xf32, #tpu.memory_space<hbm>> -> memref<4x8x128xf32, #tpu.memory_space<hbm>>
        %dma_wait3A_664 = arith.constant 0 : i32
        %dma_wait3A_665 = arith.constant 0 : i32
        %dma_wait3A_666 = arith.constant 0 : i32
        %dma_wait3A_667 = tpu.memref_slice %arg5[%add3A_654, %dma_wait3A_664, %add3A, %dma_wait3A_665, %dma_wait3A_666] : memref<200x4x32x8x128xf32, #tpu.memory_space<hbm>> -> memref<1x4x1x8x128xf32, #tpu.memory_space<hbm>>
        %dma_wait3A_668 = tpu.memref_squeeze %dma_wait3A_667 : memref<1x4x1x8x128xf32, #tpu.memory_space<hbm>> -> memref<4x8x128xf32, #tpu.memory_space<hbm>>
        %dma_wait3A_669 = arith.constant 0 : i32
        %dma_wait3A_670 = arith.constant 0 : i32
        %dma_wait3A_671 = arith.constant 0 : i32
        %dma_wait3A_672 = tpu.memref_slice %arg17[%dma_wait3A_669, %dma_wait3A_670, %dma_wait3A_671] : memref<4x8x129xf32, #tpu.memory_space<vmem>> -> memref<4x8x128xf32, #tpu.memory_space<vmem>>
        tpu.wait_dma2 semaphore(%arg29 : memref<!tpu.dma_semaphore, #tpu.memory_space<semaphore_mem>>) src(%dma_wait3A_672 : memref<4x8x128xf32, #tpu.memory_space<vmem>>) dst(%dma_wait3A_668 : memref<4x8x128xf32, #tpu.memory_space<hbm>>)
        %add3A_673 = arith.constant 1 : i32
        %add3A_674 = arith.addi %mul3A_652, %add3A_673 : i32
        %dma_wait3A_675 = arith.constant 0 : i32
        %dma_wait3A_676 = arith.constant 0 : i32
        %dma_wait3A_677 = arith.constant 0 : i32
        %dma_wait3A_678 = tpu.memref_slice %arg18[%dma_wait3A_675, %dma_wait3A_676, %dma_wait3A_677] : memref<4x8x129xf32, #tpu.memory_space<vmem>> -> memref<4x8x128xf32, #tpu.memory_space<vmem>>
        %dma_wait3A_679 = arith.constant 0 : i32
        %dma_wait3A_680 = arith.constant 0 : i32
        %dma_wait3A_681 = arith.constant 0 : i32
        %dma_wait3A_682 = tpu.memref_slice %arg5[%add3A_674, %dma_wait3A_679, %add3A, %dma_wait3A_680, %dma_wait3A_681] : memref<200x4x32x8x128xf32, #tpu.memory_space<hbm>> -> memref<1x4x1x8x128xf32, #tpu.memory_space<hbm>>
        %dma_wait3A_683 = tpu.memref_squeeze %dma_wait3A_682 : memref<1x4x1x8x128xf32, #tpu.memory_space<hbm>> -> memref<4x8x128xf32, #tpu.memory_space<hbm>>
        %dma_wait3A_684 = arith.constant 0 : i32
        %dma_wait3A_685 = arith.constant 0 : i32
        %dma_wait3A_686 = arith.constant 0 : i32
        %dma_wait3A_687 = tpu.memref_slice %arg5[%add3A_674, %dma_wait3A_684, %add3A, %dma_wait3A_685, %dma_wait3A_686] : memref<200x4x32x8x128xf32, #tpu.memory_space<hbm>> -> memref<1x4x1x8x128xf32, #tpu.memory_space<hbm>>
        %dma_wait3A_688 = tpu.memref_squeeze %dma_wait3A_687 : memref<1x4x1x8x128xf32, #tpu.memory_space<hbm>> -> memref<4x8x128xf32, #tpu.memory_space<hbm>>
        %dma_wait3A_689 = arith.constant 0 : i32
        %dma_wait3A_690 = arith.constant 0 : i32
        %dma_wait3A_691 = arith.constant 0 : i32
        %dma_wait3A_692 = tpu.memref_slice %arg18[%dma_wait3A_689, %dma_wait3A_690, %dma_wait3A_691] : memref<4x8x129xf32, #tpu.memory_space<vmem>> -> memref<4x8x128xf32, #tpu.memory_space<vmem>>
        tpu.wait_dma2 semaphore(%arg29 : memref<!tpu.dma_semaphore, #tpu.memory_space<semaphore_mem>>) src(%dma_wait3A_692 : memref<4x8x128xf32, #tpu.memory_space<vmem>>) dst(%dma_wait3A_688 : memref<4x8x128xf32, #tpu.memory_space<hbm>>)
      } else {
      }
      %add3A_641 = arith.constant 2 : i32
      %add3A_642 = arith.addi %add3A_541, %add3A_641 : i32
      %lt3A_643 = arith.constant 100 : i32
      %lt3A_644 = arith.cmpi slt, %add3A_642, %lt3A_643 : i32
      %convert_element_type3A_645 = arith.extui %lt3A_644 : i1 to i32
      %cond3A_646 = arith.constant 0 : i32
      %cond3A_647 = arith.cmpi ne, %convert_element_type3A_645, %cond3A_646 : i32
      scf.if %cond3A_647 {
        %add3A_649 = arith.constant 2 : i32
        %add3A_650 = arith.addi %add3A_541, %add3A_649 : i32
        %mul3A_651 = arith.constant 2 : i32
        %mul3A_652 = arith.muli %add3A_650, %mul3A_651 : i32
        %add3A_653 = arith.constant 0 : i32
        %add3A_654 = arith.addi %mul3A_652, %add3A_653 : i32
        %dma_start3A_655 = arith.constant 0 : i32
        %dma_start3A_656 = tpu.memref_slice %arg6[%add3A_654, %dma_start3A_655] : memref<200x128xi32, #tpu.memory_space<vmem>> -> memref<1x128xi32, #tpu.memory_space<vmem>>
        %dma_start3A_657 = tpu.memref_squeeze %dma_start3A_656 : memref<1x128xi32, #tpu.memory_space<vmem>> -> memref<128xi32, #tpu.memory_space<vmem>>
        %dma_start3A_658 = arith.constant 0 : i32
        %dma_start3A_659 = arith.constant 0 : i32
        %dma_start3A_660 = tpu.memref_slice %arg2[%dma_start3A_658, %dma_start3A_659] : memref<1000000x32xf32, #tpu.memory_space<hbm>> -> memref<1000000x32xf32, #tpu.memory_space<hbm>>
        tpu.enqueue_indirect_dma source(%dma_start3A_660 : memref<1000000x32xf32, #tpu.memory_space<hbm>>) target(%arg9 : memref<128x32xf32, #tpu.memory_space<vmem>>) offsets(%dma_start3A_657 : memref<128xi32, #tpu.memory_space<vmem>>) semaphore(%arg25 : memref<!tpu.dma_semaphore, #tpu.memory_space<semaphore_mem>>)
        %add3A_661 = arith.constant 1 : i32
        %add3A_662 = arith.addi %mul3A_652, %add3A_661 : i32
        %dma_start3A_663 = arith.constant 0 : i32
        %dma_start3A_664 = tpu.memref_slice %arg6[%add3A_662, %dma_start3A_663] : memref<200x128xi32, #tpu.memory_space<vmem>> -> memref<1x128xi32, #tpu.memory_space<vmem>>
        %dma_start3A_665 = tpu.memref_squeeze %dma_start3A_664 : memref<1x128xi32, #tpu.memory_space<vmem>> -> memref<128xi32, #tpu.memory_space<vmem>>
        %dma_start3A_666 = arith.constant 0 : i32
        %dma_start3A_667 = arith.constant 0 : i32
        %dma_start3A_668 = tpu.memref_slice %arg2[%dma_start3A_666, %dma_start3A_667] : memref<1000000x32xf32, #tpu.memory_space<hbm>> -> memref<1000000x32xf32, #tpu.memory_space<hbm>>
        tpu.enqueue_indirect_dma source(%dma_start3A_668 : memref<1000000x32xf32, #tpu.memory_space<hbm>>) target(%arg10 : memref<128x32xf32, #tpu.memory_space<vmem>>) offsets(%dma_start3A_665 : memref<128xi32, #tpu.memory_space<vmem>>) semaphore(%arg25 : memref<!tpu.dma_semaphore, #tpu.memory_space<semaphore_mem>>)
      } else {
      }
      %scan3A_648 = arith.constant 0 : i32
      scf.yield %scan3A_648 : i32
    }
    %scan3A_134 = arith.constant 25 : i32
    %dma_wait3A = arith.constant 196 : i32
    %dma_wait3A_135 = arith.constant 0 : i32
    %dma_wait3A_136 = arith.constant 0 : i32
    %dma_wait3A_137 = arith.constant 0 : i32
    %dma_wait3A_138 = tpu.memref_slice %arg19[%dma_wait3A_135, %dma_wait3A_136, %dma_wait3A_137] : memref<4x8x129xf32, #tpu.memory_space<vmem>> -> memref<4x8x128xf32, #tpu.memory_space<vmem>>
    %dma_wait3A_139 = arith.constant 0 : i32
    %dma_wait3A_140 = arith.constant 0 : i32
    %dma_wait3A_141 = arith.constant 0 : i32
    %dma_wait3A_142 = tpu.memref_slice %arg5[%dma_wait3A, %dma_wait3A_139, %add3A, %dma_wait3A_140, %dma_wait3A_141] : memref<200x4x32x8x128xf32, #tpu.memory_space<hbm>> -> memref<1x4x1x8x128xf32, #tpu.memory_space<hbm>>
    %dma_wait3A_143 = tpu.memref_squeeze %dma_wait3A_142 : memref<1x4x1x8x128xf32, #tpu.memory_space<hbm>> -> memref<4x8x128xf32, #tpu.memory_space<hbm>>
    %dma_wait3A_144 = arith.constant 0 : i32
    %dma_wait3A_145 = arith.constant 0 : i32
    %dma_wait3A_146 = arith.constant 0 : i32
    %dma_wait3A_147 = tpu.memref_slice %arg5[%dma_wait3A, %dma_wait3A_144, %add3A, %dma_wait3A_145, %dma_wait3A_146] : memref<200x4x32x8x128xf32, #tpu.memory_space<hbm>> -> memref<1x4x1x8x128xf32, #tpu.memory_space<hbm>>
    %dma_wait3A_148 = tpu.memref_squeeze %dma_wait3A_147 : memref<1x4x1x8x128xf32, #tpu.memory_space<hbm>> -> memref<4x8x128xf32, #tpu.memory_space<hbm>>
    %dma_wait3A_149 = arith.constant 0 : i32
    %dma_wait3A_150 = arith.constant 0 : i32
    %dma_wait3A_151 = arith.constant 0 : i32
    %dma_wait3A_152 = tpu.memref_slice %arg19[%dma_wait3A_149, %dma_wait3A_150, %dma_wait3A_151] : memref<4x8x129xf32, #tpu.memory_space<vmem>> -> memref<4x8x128xf32, #tpu.memory_space<vmem>>
    tpu.wait_dma2 semaphore(%arg30 : memref<!tpu.dma_semaphore, #tpu.memory_space<semaphore_mem>>) src(%dma_wait3A_152 : memref<4x8x128xf32, #tpu.memory_space<vmem>>) dst(%dma_wait3A_148 : memref<4x8x128xf32, #tpu.memory_space<hbm>>)
    %dma_wait3A_153 = arith.constant 197 : i32
    %dma_wait3A_154 = arith.constant 0 : i32
    %dma_wait3A_155 = arith.constant 0 : i32
    %dma_wait3A_156 = arith.constant 0 : i32
    %dma_wait3A_157 = tpu.memref_slice %arg20[%dma_wait3A_154, %dma_wait3A_155, %dma_wait3A_156] : memref<4x8x129xf32, #tpu.memory_space<vmem>> -> memref<4x8x128xf32, #tpu.memory_space<vmem>>
    %dma_wait3A_158 = arith.constant 0 : i32
    %dma_wait3A_159 = arith.constant 0 : i32
    %dma_wait3A_160 = arith.constant 0 : i32
    %dma_wait3A_161 = tpu.memref_slice %arg5[%dma_wait3A_153, %dma_wait3A_158, %add3A, %dma_wait3A_159, %dma_wait3A_160] : memref<200x4x32x8x128xf32, #tpu.memory_space<hbm>> -> memref<1x4x1x8x128xf32, #tpu.memory_space<hbm>>
    %dma_wait3A_162 = tpu.memref_squeeze %dma_wait3A_161 : memref<1x4x1x8x128xf32, #tpu.memory_space<hbm>> -> memref<4x8x128xf32, #tpu.memory_space<hbm>>
    %dma_wait3A_163 = arith.constant 0 : i32
    %dma_wait3A_164 = arith.constant 0 : i32
    %dma_wait3A_165 = arith.constant 0 : i32
    %dma_wait3A_166 = tpu.memref_slice %arg5[%dma_wait3A_153, %dma_wait3A_163, %add3A, %dma_wait3A_164, %dma_wait3A_165] : memref<200x4x32x8x128xf32, #tpu.memory_space<hbm>> -> memref<1x4x1x8x128xf32, #tpu.memory_space<hbm>>
    %dma_wait3A_167 = tpu.memref_squeeze %dma_wait3A_166 : memref<1x4x1x8x128xf32, #tpu.memory_space<hbm>> -> memref<4x8x128xf32, #tpu.memory_space<hbm>>
    %dma_wait3A_168 = arith.constant 0 : i32
    %dma_wait3A_169 = arith.constant 0 : i32
    %dma_wait3A_170 = arith.constant 0 : i32
    %dma_wait3A_171 = tpu.memref_slice %arg20[%dma_wait3A_168, %dma_wait3A_169, %dma_wait3A_170] : memref<4x8x129xf32, #tpu.memory_space<vmem>> -> memref<4x8x128xf32, #tpu.memory_space<vmem>>
    tpu.wait_dma2 semaphore(%arg30 : memref<!tpu.dma_semaphore, #tpu.memory_space<semaphore_mem>>) src(%dma_wait3A_171 : memref<4x8x128xf32, #tpu.memory_space<vmem>>) dst(%dma_wait3A_167 : memref<4x8x128xf32, #tpu.memory_space<hbm>>)
    %dma_wait3A_172 = arith.constant 198 : i32
    %dma_wait3A_173 = arith.constant 0 : i32
    %dma_wait3A_174 = arith.constant 0 : i32
    %dma_wait3A_175 = arith.constant 0 : i32
    %dma_wait3A_176 = tpu.memref_slice %arg21[%dma_wait3A_173, %dma_wait3A_174, %dma_wait3A_175] : memref<4x8x129xf32, #tpu.memory_space<vmem>> -> memref<4x8x128xf32, #tpu.memory_space<vmem>>
    %dma_wait3A_177 = arith.constant 0 : i32
    %dma_wait3A_178 = arith.constant 0 : i32
    %dma_wait3A_179 = arith.constant 0 : i32
    %dma_wait3A_180 = tpu.memref_slice %arg5[%dma_wait3A_172, %dma_wait3A_177, %add3A, %dma_wait3A_178, %dma_wait3A_179] : memref<200x4x32x8x128xf32, #tpu.memory_space<hbm>> -> memref<1x4x1x8x128xf32, #tpu.memory_space<hbm>>
    %dma_wait3A_181 = tpu.memref_squeeze %dma_wait3A_180 : memref<1x4x1x8x128xf32, #tpu.memory_space<hbm>> -> memref<4x8x128xf32, #tpu.memory_space<hbm>>
    %dma_wait3A_182 = arith.constant 0 : i32
    %dma_wait3A_183 = arith.constant 0 : i32
    %dma_wait3A_184 = arith.constant 0 : i32
    %dma_wait3A_185 = tpu.memref_slice %arg5[%dma_wait3A_172, %dma_wait3A_182, %add3A, %dma_wait3A_183, %dma_wait3A_184] : memref<200x4x32x8x128xf32, #tpu.memory_space<hbm>> -> memref<1x4x1x8x128xf32, #tpu.memory_space<hbm>>
    %dma_wait3A_186 = tpu.memref_squeeze %dma_wait3A_185 : memref<1x4x1x8x128xf32, #tpu.memory_space<hbm>> -> memref<4x8x128xf32, #tpu.memory_space<hbm>>
    %dma_wait3A_187 = arith.constant 0 : i32
    %dma_wait3A_188 = arith.constant 0 : i32
    %dma_wait3A_189 = arith.constant 0 : i32
    %dma_wait3A_190 = tpu.memref_slice %arg21[%dma_wait3A_187, %dma_wait3A_188, %dma_wait3A_189] : memref<4x8x129xf32, #tpu.memory_space<vmem>> -> memref<4x8x128xf32, #tpu.memory_space<vmem>>
    tpu.wait_dma2 semaphore(%arg31 : memref<!tpu.dma_semaphore, #tpu.memory_space<semaphore_mem>>) src(%dma_wait3A_190 : memref<4x8x128xf32, #tpu.memory_space<vmem>>) dst(%dma_wait3A_186 : memref<4x8x128xf32, #tpu.memory_space<hbm>>)
    %dma_wait3A_191 = arith.constant 199 : i32
    %dma_wait3A_192 = arith.constant 0 : i32
    %dma_wait3A_193 = arith.constant 0 : i32
    %dma_wait3A_194 = arith.constant 0 : i32
    %dma_wait3A_195 = tpu.memref_slice %arg22[%dma_wait3A_192, %dma_wait3A_193, %dma_wait3A_194] : memref<4x8x129xf32, #tpu.memory_space<vmem>> -> memref<4x8x128xf32, #tpu.memory_space<vmem>>
    %dma_wait3A_196 = arith.constant 0 : i32
    %dma_wait3A_197 = arith.constant 0 : i32
    %dma_wait3A_198 = arith.constant 0 : i32
    %dma_wait3A_199 = tpu.memref_slice %arg5[%dma_wait3A_191, %dma_wait3A_196, %add3A, %dma_wait3A_197, %dma_wait3A_198] : memref<200x4x32x8x128xf32, #tpu.memory_space<hbm>> -> memref<1x4x1x8x128xf32, #tpu.memory_space<hbm>>
    %dma_wait3A_200 = tpu.memref_squeeze %dma_wait3A_199 : memref<1x4x1x8x128xf32, #tpu.memory_space<hbm>> -> memref<4x8x128xf32, #tpu.memory_space<hbm>>
    %dma_wait3A_201 = arith.constant 0 : i32
    %dma_wait3A_202 = arith.constant 0 : i32
    %dma_wait3A_203 = arith.constant 0 : i32
    %dma_wait3A_204 = tpu.memref_slice %arg5[%dma_wait3A_191, %dma_wait3A_201, %add3A, %dma_wait3A_202, %dma_wait3A_203] : memref<200x4x32x8x128xf32, #tpu.memory_space<hbm>> -> memref<1x4x1x8x128xf32, #tpu.memory_space<hbm>>
    %dma_wait3A_205 = tpu.memref_squeeze %dma_wait3A_204 : memref<1x4x1x8x128xf32, #tpu.memory_space<hbm>> -> memref<4x8x128xf32, #tpu.memory_space<hbm>>
    %dma_wait3A_206 = arith.constant 0 : i32
    %dma_wait3A_207 = arith.constant 0 : i32
    %dma_wait3A_208 = arith.constant 0 : i32
    %dma_wait3A_209 = tpu.memref_slice %arg22[%dma_wait3A_206, %dma_wait3A_207, %dma_wait3A_208] : memref<4x8x129xf32, #tpu.memory_space<vmem>> -> memref<4x8x128xf32, #tpu.memory_space<vmem>>
    tpu.wait_dma2 semaphore(%arg31 : memref<!tpu.dma_semaphore, #tpu.memory_space<semaphore_mem>>) src(%dma_wait3A_209 : memref<4x8x128xf32, #tpu.memory_space<vmem>>) dst(%dma_wait3A_205 : memref<4x8x128xf32, #tpu.memory_space<hbm>>)
    return
  }
}

</mosaic_0001>

<sc_bundles>
// kernel: kernel.3.cloned.1.call-start
scs
__scs_entry_jumppad:
0x0: {  	(pc) =	sbr.rel $0x88, $3  }
0x1: {  	(tag) =	ssettag $0x0;
	lr =	simm.s32 $0x1  }
0x2: {  	[smem:$0x3F9E] =	sst lr;
	_ =	strace $0xD0000000  }
0x3: {  	_ = 	snop  }
0x4: {  	_ = 	snop  }
0x5: {  	_ = 	snop  }
0x6: {  	_ = 	snop  }
0x7: {  	_ = 	snop  }
__scs_overlays_trampoline_lowered:
0x8: {  	[smem:$0x3FAD] =	sst s0  }
0x9: {  	[smem:$0x3FAE] =	sst s1  }
0xa: {  	[smem:$0x3FAF] =	sst s2  }
0xb: {  	[smem:$0x3FB0] =	sst s3  }
0xc: {  	[smem:$0x3FB1] =	sst s4  }
0xd: {  	[smem:$0x3FB2] =	sst s5  }
0xe: {  	[smem:$0x3FB3] =	sst s6  }
0xf: {  	[smem:$0x3FB4] =	sst s7  }
0x10: {  	[smem:$0x3FB5] =	sst s8  }
0x11: {  	[smem:$0x3FB6] =	sst s9;
	s0 =	simm.s32 @!p0 $0x0  }
0x12: {  	s1 =	sld [smem:$0x3F9C];
	s0 =	simm.s32 @p0 $0x1  }
0x13: {  	[smem:$0x3FB7] =	sst s0;
	s0 =	simm.s32 @!p1 $0x0  }
0x14: {  	s2 =	sld [smem:$0x3F9B];
	s0 =	simm.s32 @p1 $0x1  }
0x15: {  	[smem:$0x3FB8] =	sst s0;
	s0 =	simm.s32 @!p2 $0x0  }
0x16: {  	s3 =	sld [smem:$0x3FDB];
	s0 =	simm.s32 @p2 $0x1  }
0x17: {  	s4 =	simm.s32 $0x1BF5;
	[smem:$0x3FBA] =	sst s0  }
0x18: {  	s0 =	sld [smem:$0x3F9D];
	_ =	swait.ge [sflag:s4], $0x0  }
0x19: {  	s7 =	sld [smem:$0x3F9E]  }
0x1a: {  	s8 =	sadd.s32 $0xFFFFE003, lr  }
0x1b: {  	s9 =	sadd.s32 $0xFFFFFEF7, lr;
	s5 =	simm.s32 $0xFFFFFFFF;
	p2 =	slt.u32 s8, $0xFFFFF086  }
0x1c: {  	p1 =	slt.u32 s9, $0xF7A;
	s5 =	simm.s32 @!p2 $0x0  }
0x1d: {  	s5 =	simm.s32 @p1 $0x1;
	p0 =	seq.s32 s7, s2  }
0x1e: {  	s7 =	smul.u32 @!p0 $0xF7A, s2;
	p2 =	seq.s32 @!p0 s5, $0x0  }
0x1f: {  	s9 =	smul.u32 $0xF7A, s1;
	s8 =	simm.s32 @!p0 $0x1BF5;
	p2 =	por !p2, p0  }
0x20: {  	[sflag:s8] =	ssyncset.s32 @!p0 $0xFFFFF086;
	s6 =	sadd.s32 @!p0 s3, s7;
	s7 =	simm.s32 @!p0 $0x108  }
0x21: {  	s3 =	sadd.s32 s3, s9;
	s6 =	sadd.s32 @!p0 $0x88, s6;
	s7 =	simm.s32 @p2 $0x1082  }
0x22: {  	[simem:s7], [sflag:s8] =	dma.local @!p0 [hbm:s6], $0xF7A  }
0x23: {  	s9 =	sor.u32 $0xD0000000, s2;
	s6 =	simm.s32 $0x108;
	_ =	swait.ge @!p0 [sflag:s8], $0x0  }
0x24: {  	s3 =	sadd.s32 $0x88, s3;
	s6 =	simm.s32 @!p1 $0x1082;
	[sflag:s4] =	ssyncset.s32 $0xFFFFF086  }
0x25: {  	[simem:s6], [sflag:s4] =	dma.local [hbm:s3], $0xF7A  }
0x26: {  	[smem:$0x3F9E] =	sst s1;
	(tag) =	ssettag s2;
	_ =	strace s9  }
0x27: {  	s1 =	sld [smem:$0x3FAE]  }
0x28: {  	s2 =	sld [smem:$0x3FAF]  }
0x29: {  	s4 =	sld [smem:$0x3FB1]  }
0x2a: {  	p0 =	seq.s32 s5, $0x0;
	s5 =	sld [smem:$0x3FB2]  }
0x2b: {  	s6 =	sld [smem:$0x3FB3]  }
0x2c: {  	s7 =	sld [smem:$0x3FB4]  }
0x2d: {  	s3 =	simm.s32 $0x108;
	s8 =	sld [smem:$0x3FB5]  }
0x2e: {  	s3 =	simm.s32 @!p0 $0x1082;
	s9 =	sld [smem:$0x3FB6]  }
0x2f: {  	lr =	sadd.s32 s0, s3;
	s0 =	sld [smem:$0x3FAD]  }
0x30: {  	s3 =	sld [smem:$0x3FB0]  }
0x31: {  	[smem:$0x3FB9] =	sst s10  }
0x32: {  	s10 =	sld [smem:$0x3FB7];
	_ =	sdelay $0x3  }
0x33: {  	p0 =	seq.s32 s10, $0x1;
	s10 =	sld [smem:$0x3FB9];
	_ =	sdelay $0x3  }
0x34: {  	[smem:$0x3FB9] =	sst s10  }
0x35: {  	s10 =	sld [smem:$0x3FB8];
	_ =	sdelay $0x3  }
0x36: {  	p1 =	seq.s32 s10, $0x1;
	s10 =	sld [smem:$0x3FB9];
	_ =	sdelay $0x3  }
0x37: {  	[smem:$0x3FB9] =	sst s10  }
0x38: {  	s10 =	sld [smem:$0x3FBA]  }
0x39: {  	_ = 	snop;
	(pc) =	sbr.ind lr, $3  }
0x3a: {  	_ = 	snop  }
0x3b: {  	_ = 	snop  }
0x3c: {  	p2 =	seq.s32 s10, $0x1;
	s10 =	sld [smem:$0x3FB9]  }
0x3d: {  	_ =	shalt  }
0x3e: {  	_ =	shalt  }
0x3f: {  	_ =	shalt  }
0x40: {  	_ =	shalt  }
0x41: {  	_ =	shalt  }
0x42: {  	_ =	shalt  }
0x43: {  	_ =	shalt  }
0x44: {  	_ =	shalt  }
0x45: {  	_ =	shalt  }
0x46: {  	_ =	shalt  }
0x47: {  	_ =	shalt  }
0x48: {  	_ =	shalt  }
0x49: {  	_ =	shalt  }
0x4a: {  	_ =	shalt  }
0x4b: {  	_ =	shalt  }
0x4c: {  	_ =	shalt  }
0x4d: {  	_ =	shalt  }
0x4e: {  	_ =	shalt  }
0x4f: {  	_ =	shalt  }
0x50: {  	_ =	shalt  }
0x51: {  	_ =	shalt  }
0x52: {  	_ =	shalt  }
0x53: {  	_ =	shalt  }
0x54: {  	_ =	shalt  }
0x55: {  	_ =	shalt  }
0x56: {  	_ =	shalt  }
0x57: {  	_ =	shalt  }
0x58: {  	_ =	shalt  }
0x59: {  	_ =	shalt  }
0x5a: {  	_ =	shalt  }
0x5b: {  	_ =	shalt  }
0x5c: {  	_ =	shalt  }
0x5d: {  	_ =	shalt  }
0x5e: {  	_ =	shalt  }
0x5f: {  	_ =	shalt  }
0x60: {  	_ =	shalt  }
0x61: {  	_ =	shalt  }
0x62: {  	_ =	shalt  }
0x63: {  	_ =	shalt  }
0x64: {  	_ =	shalt  }
0x65: {  	_ =	shalt  }
0x66: {  	_ =	shalt  }
0x67: {  	_ =	shalt  }
0x68: {  	_ =	shalt  }
0x69: {  	_ =	shalt  }
0x6a: {  	_ =	shalt  }
0x6b: {  	_ =	shalt  }
0x6c: {  	_ =	shalt  }
0x6d: {  	_ =	shalt  }
0x6e: {  	_ =	shalt  }
0x6f: {  	_ =	shalt  }
0x70: {  	_ =	shalt  }
0x71: {  	_ =	shalt  }
0x72: {  	_ =	shalt  }
0x73: {  	_ =	shalt  }
0x74: {  	_ =	shalt  }
0x75: {  	_ =	shalt  }
0x76: {  	_ =	shalt  }
0x77: {  	_ =	shalt  }
0x78: {  	_ =	shalt  }
0x79: {  	_ =	shalt  }
0x7a: {  	_ =	shalt  }
0x7b: {  	_ =	shalt  }
0x7c: {  	_ =	shalt  }
0x7d: {  	_ =	shalt  }
0x7e: {  	_ =	shalt  }
0x7f: {  	_ =	shalt  }
0x80: {  	_ =	shalt  }
0x81: {  	_ =	shalt  }
0x82: {  	_ =	shalt  }
0x83: {  	_ =	shalt  }
0x84: {  	_ =	shalt  }
0x85: {  	_ =	shalt  }
0x86: {  	_ =	shalt  }
0x87: {  	_ =	shalt  }
.Lfunc_end0:
.L_simem_size_0:
called_computation_lowered:
.L_overlay_start_0:
0x88: {  	s2 =	sld [smem:$0x3FD9]  }
0x89: {  	s3 =	sld [smem:$0x3FFE];
	_ =	sdelay $0x1  }
0x8a: {  	s1 =	srdreg.scid  }
0x8b: {  	s0 =	sand.u32 $0x1, s1  }
0x8c: {  	s17 =	sshll.u32 s0, $0xA;
	s2 =	sadd.s32 s3, s2  }
0x8d: {  	s2 =	sadd.s32 s2, s17  }
0x8e: {  	[smem:$0x3FC5] =	sst s2  }
0x8f: {  	_ = 	snop  }
0x90: {  	s2 =	sld [smem:$0x3FD0];
	(tm) =	ssettm $0x1  }
0x91: {  	s18 =	sld [smem:$0x3FFB];
	_ =	sdelay $0x3  }
0x92: {  	_ =	strace s18  }
0x93: {  	s3 =	sld [smem:$0x3FFC];
	_ =	sdelay $0x3  }
0x94: {  	_ =	strace s3  }
0x95: {  	s3 =	sld [smem:$0x3FFD];
	_ =	sdelay $0x3  }
0x96: {  	_ =	strace s3  }
0x97: {  	_ =	strace $0x8FFFFFFF  }
0x98: {  	s19 =	sld [smem:$0x3FDB];
	_ =	sdelay $0x1  }
0x99: {  	s4 =	simm.s32 $_scs_section_size  }
0x9a: {  	s5 =	simm.s32 $_size__tile_overlayer_lowered;
	s6 =	simm.s32 $_tile_overlayer_lowered  }
0x9b: {  	s22 =	simm.s32 $0x1BFF;
	s21 =	sshll.u32 s6, $0x1;
	s3 =	sadd.s32 s4, s19  }
0x9c: {  	s7 =	simm.s32 $0x0;
	s20 =	sshll.u32 s5, $0x1;
	s5 =	sadd.s32 s21, s3  }
0x9d: {  	[timem:s7], [sflag:s22] =	dma.local [hbm:s5], s20  }
0x9e: {  	_ =	swait.ge [sflag:s22], s20  }
0x9f: {  	s4 =	ssub.s32 $0x0, s20;
	[sflag:s22] =	ssyncset.done $0x0  }
0xa0: {  	[sflag:s22] =	ssyncadd.s32 s4;
	_ =	sdelay $0x1  }
0xa1: {  	s23 =	simm.s32 $0x1B8B  }
0xa2: {  	_ =	swait.ge [sflag:s23], $0x1  }
0xa3: {  	[sflag:s23] =	ssyncset.done $0x0  }
0xa4: {  	s25 =	simm.s32 $0x1B8E;
	s24 =	sld [smem:$0x3FFE];
	[sflag:s23] =	ssyncadd.s32 $0xFFFFFFFF  }
0xa5: {  	s26 =	simm.s32 $execute0_lowered;
	[smem:$0x3FD2] =	sst s25  }
0xa6: {  	s5 =	sshll.u32 s26, $0x1;
	_ =	strace $0x80000046;
	[dreg:$0x1] =	wrdreg $0xFFFFFFFF  }
0xa7: {  	s28 =	simm.s32 $_size_execute0_lowered;
	s3 =	sadd.s32 s3, s5;
	[dreg:$0x0] =	wrdreg $0x0  }
0xa8: {  	s5 =	sshll.u32 s28, $0x1;
	[dreg:$0x2] =	wrdreg s3  }
0xa9: {  	[dreg:$0x3] =	wrdreg s5  }
0xaa: {  	[dreg:$0x4] =	wrdreg $0xC0  }
0xab: {  	_ =	task [dreg:s7], $0x5FFFF  }
0xac: {  	[dreg:$0x1] =	wrdreg $0xFFFFFFFF  }
0xad: {  	[dreg:$0x0] =	wrdreg $0x60  }
0xae: {  	[dreg:$0x2] =	wrdreg s24  }
0xaf: {  	[dreg:$0x3] =	wrdreg s2  }
0xb0: {  	[dreg:$0x4] =	wrdreg $0x9  }
0xb1: {  	_ =	task.clear_ibuf [dreg:s7], $0x5FFFF;
	_ =	strace $0x90000046  }
0xb2: {  	s29 =	simm.s32 $0x9;
	_ =	strace $0x80000048  }
0xb3: {  	_ =	swait.ge [sflag:s29], $0x1  }
0xb4: {  	[sflag:s29] =	ssyncadd.s32 $0xFFFFFFFF  }
0xb5: {  	_ =	strace $0x90000048  }
0xb6: {  	_ =	sfence  }
0xb7: {  	s30 =	sld [smem:$0x0];
	_ =	sdelay $0x2  }
0xb8: {  	s31 =	sshll.u32 s1, $0xD;
	s1 =	sshrl.u32 s1, $0x2  }
0xb9: {  	s3 =	sand.u32 $0x4000, s31;
	s1 =	sadd.s32 s1, s30  }
0xba: {  	s0 =	sor.u32 s3, s0;
	s1 =	sshll.u32 s1, $0x11  }
0xbb: {  	s0 =	sor.u32 s1, s0  }
0xbc: {  	s0 =	sadd.s32 $0x8F2B, s0  }
0xbd: {  	[sflag:s0] =	ssyncadd.remote.s32 $0x1  }
0xbe: {  	_ =	sfence.sel $0xFFFF  }
0xbf: {  	[dreg:$0x0] =	wrdreg $0xFFFFFFFF;
	(pc) =	sbr.abs _section_cstart, $3  }
0xc0: {  	[dreg:$0x1] =	wrdreg $0xFFFFFFFF  }
0xc1: {  	_ =	task.clear_ibuf [dreg:s7], $0x2FFFF;
	_ =	strace $0x9FFFFFFF  }
0xc2: {  	(tm) =	ssettm $0x7FFFFFFF  }
0xc3: {  	_ =	shalt  }
tec
execute0_lowered:
.L_overlay_start_1:
0x0: {  	(tag) =	ssettag $0x1  }
0x1: {  	s0 =	rddreg [dreg:$0x0]  }
0x2: {  	s2 =	rddreg [dreg:$0x1];
	s3 =	simm.s32 $0x0  }
0x3: {  	s1 =	srdreg.scid;
	s4 =	stileid.u32;
	s9 =	simm.s32 $0x80  }
0x4: {  	s19 =	simm.s32 $0x1;
	s20 =	simm.s32 $0xE400;
	s21 =	simm.s32 $0xF500  }
0x5: {  	s8 =	simm.s32 $0x10600;
	s11 =	simm.s32 $0x11700;
	s24 =	simm.s32 $0x3  }
0x6: {  	s25 =	simm.s32 $0x12800;
	s26 =	simm.s32 $0x13900;
	s17 =	simm.s32 $0x5  }
0x7: {  	s16 =	simm.s32 $0x14A00;
	s18 =	simm.s32 $0x15B00;
	s13 =	simm.s32 $0x16408  }
0x8: {  	v0 =	vlaneseq.u32;
	s14 =	simm.s32 $0x16490;
	s12 =	simm.s32 $0x0;
	[smem:$0x7FF] =	sst s3  }
0x9: {  	v1 =	vimm.s32 $0x0;
	vm0 =	vcmask $0x300;
	s1 =	sand.u32 $0x1, s1;
	s4 =	sshll.u32 s4, $0x1;
	v0 =	vmul.u32 $0x88, v0;
	_ =	strace $0x80000047  }
0xa: {  	v1 =	vsel vm0, $0x3, v1;
	s5 =	sor.u32 s1, s4;
	s1 =	ssub.s32 $0x2, s1;
	s4 =	sadd.s32 $0xF42C00, s0  }
.Ltmp0:
0xb: {  	s6 =	sshll.u32 s5, $0x4;
	s7 =	sshrl.u32 s1, $0x1;
	v2 =	vadd.s32 $0x880, v0;
	v3 =	vor.u32 $0x1, v0;
	v4 =	vadd.s32 $0x881, v0;
	(pc) =	sbr.rel .LBB2_1-.Ltmp0, $4  }
0xc: {  	v5 =	vor.u32 $0x2, v0;
	v6 =	vadd.s32 $0x882, v0;
	v7 =	vor.u32 $0x3, v0;
	s6 =	sadd.s32 s6, s0;
	s0 =	sadd.s32 $0x19800, s0;
	s30 =	ssub.s32 s1, s7  }
0xd: {  	v8 =	vadd.s32 $0x883, v0;
	v9 =	vor.u32 $0x4, v0;
	v10 =	vadd.s32 $0x884, v0;
	s7 =	sshll.u32 s5, $0xA;
	[dreg:$0x3] =	wrdreg s0;
	s31 =	sadd.s32 $0x800, s6  }
0xe: {  	v11 =	vor.u32 $0x5, v0;
	v12 =	vadd.s32 $0x885, v0;
	v13 =	vor.u32 $0x6, v0;
	s5 =	simm.s32 $0x4;
	s0 =	smax.u32 s30, $0x1;
	[dreg:$0x4] =	wrdreg s31  }
0xf: {  	v14 =	vadd.s32 $0x886, v0;
	v15 =	vor.u32 $0x7, v0;
	v16 =	vadd.s32 $0x887, v0;
	s6 =	simm.s32 $0x2;
	[dreg:$0x5] =	wrdreg s0;
	s0 =	simm.s32 $0x6  }
.LBB2_20:
0x10: {  	s1 =	simm.s32 $0x7  }
0x11: {  	_ =	swait.ge [sflag:s1], $0x1000  }
0x12: {  	[sflag:s1] =	ssyncset.done $0x0  }
0x13: {  	[sflag:s1] =	ssyncadd.s32 $0xFFFFF000  }
0x14: {  	_ =	swait.ge [sflag:s1], $0x1000  }
0x15: {  	[sflag:s1] =	ssyncset.done $0x0  }
0x16: {  	s10 =	simm.s32 $0x8;
	[sflag:s1] =	ssyncadd.s32 $0xFFFFF000  }
0x17: {  	_ =	swait.ge [sflag:s10], $0x1000  }
0x18: {  	[sflag:s10] =	ssyncset.done $0x0  }
0x19: {  	[sflag:s10] =	ssyncadd.s32 $0xFFFFF000  }
0x1a: {  	_ =	swait.ge [sflag:s10], $0x1000  }
0x1b: {  	s12 =	rddreg [dreg:$0x6]  }
0x1c: {  	s31 =	rddreg [dreg:$0x5];
	s12 =	sadd.s32 $0x1, s12  }
0x1d: {  	p0 =	sne.s32 s12, s31  }
.Ltmp1:
0x1e: {  	_ = 	snop;
	(pc) =	sbr.rel @!p0 .LBB2_21-.Ltmp1, $3  }
0x1f: {  	_ =	sdelay $0x1  }
0x20: {  	[sflag:s10] =	ssyncset.done $0x0  }
0x21: {  	[sflag:s10] =	ssyncadd.s32 $0xFFFFF000  }
.LBB2_1:
0x22: {  	[dreg:$0x6] =	wrdreg s12  }
0x23: {  	s1 =	rddreg [dreg:$0x4];
	s10 =	simm.s32 $0x1000;
	s31 =	simm.s32 $0x9  }
0x24: {  	[tilespmem:s3], [sflag:$0x9] =	stream.strided.gather [hbm4b:s1+s9], $0x6400, s10, s9, $0x38;
	[tilespmem:$0x18500] =	vst v63  }
0x25: {  	_ =	swait.ge [sflag:s31], $0x6400  }
0x26: {  	[sflag:s31] =	ssyncset.done $0x0  }
0x27: {  	s15 =	simm.s32 $0x16C00;
	s12 =	rddreg [dreg:$0x3];
	[sflag:s31] =	ssyncadd.s32 $0xFFFF9C00  }
0x28: {  	[tilespmem:s15], [sflag:$0x9] =	stream.linear.gather [hbm4b:s12+s3], $0x1900, $0x38;
	[tilespmem:$0x18500] =	vst v63  }
0x29: {  	_ =	swait.ge [sflag:s31], $0x1900  }
0x2a: {  	[sflag:s31] =	ssyncset.done $0x0  }
0x2b: {  	s22 =	simm.s32 $0x6400;
	[sflag:s31] =	ssyncadd.s32 $0xFFFFE700  }
0x2c: {  	[tilespmem:s22], [sflag:$0x1] =	stream.indirect.gather [hbm4b:s4+s9], $0x20, s3, s9, $0xb8;
	[tilespmem:$0x18500] =	vst v63  }
0x2d: {  	s23 =	simm.s32 $0x7400  }
0x2e: {  	[tilespmem:s23], [sflag:$0x1] =	stream.indirect.gather [hbm4b:s4+s9], $0x20, s9, s9, $0xb8;
	[tilespmem:$0x18500] =	vst v63  }
0x2f: {  	s28 =	simm.s32 $0x100;
	s29 =	simm.s32 $0x8400  }
0x30: {  	[tilespmem:s29], [sflag:$0x2] =	stream.indirect.gather [hbm4b:s4+s9], $0x20, s28, s9, $0xb8;
	[tilespmem:$0x18500] =	vst v63  }
0x31: {  	s30 =	simm.s32 $0x180;
	s15 =	simm.s32 $0x0;
	s31 =	simm.s32 $0x9400  }
0x32: {  	[tilespmem:s31], [sflag:$0x2] =	stream.indirect.gather [hbm4b:s4+s9], $0x20, s30, s9, $0xb8;
	[tilespmem:$0x18500] =	vst v63  }
.LBB2_2:
0x33: {  	_ =	swait.ge [sflag:s19], $0x1000  }
0x34: {  	[sflag:s19] =	ssyncset.done $0x0  }
0x35: {  	[sflag:s19] =	ssyncadd.s32 $0xFFFFF000  }
0x36: {  	_ =	swait.ge [sflag:s19], $0x1000  }
0x37: {  	s1 =	sshll.u32 s15, $0x8;
	s10 =	simm.s32 $0x0;
	[sflag:s19] =	ssyncset.done $0x0  }
0x38: {  	s1 =	sand.u32 $0x3FFFFF00, s1;
	v18 =	vmov s10;
	[sflag:s19] =	ssyncadd.s32 $0xFFFFF000  }
0x39: {  	v19 =	vshrl.u32 v18, $0x3;
	v17 =	vld [tilespmem:s1+$0x16C00]  }
0x3a: {  	s22 =	simm.s32 $0x6480;
	v19 =	vshll.u32 v19, v1;
	v18 =	vld [tilespmem:s1+$0x16C10]  }
0x3b: {  	v19 =	vbroadcast v19, $0x0;
	v20 =	vld [tilespmem:s22+$0xFFFFFF80]  }
0x3c: {  	v21 =	vld [tilespmem:s22+$0xFFFFFF90]  }
0x3d: {  	v22 =	vadd.s32 v0, v19  }
0x3e: {  	v19 =	vadd.s32 v2, v19;
	_ =	sdelay $0x1  }
0x3f: {  	s31 =	simm.s32 $0x1;
	v20 =	vadd.f32 v20, v17  }
0x40: {  	v23 =	vmov s31;
	v21 =	vadd.f32 v21, v18  }
0x41: {  	[tilespmem:v22+s20+$0x0] =	vst.idx.msk $0xffff, v20;
	v20 =	vshrl.u32 v23, $0x3  }
0x42: {  	[tilespmem:v19+s20+$0x0] =	vst.idx.msk $0xffff, v21;
	v19 =	vshll.u32 v20, v1  }
0x43: {  	v20 =	vld [tilespmem:s22+$0xFFFFFFA0];
	v19 =	vbroadcast v19, $0x0  }
0x44: {  	v21 =	vld [tilespmem:s22+$0xFFFFFFB0]  }
0x45: {  	v22 =	vadd.s32 v3, v19  }
0x46: {  	v19 =	vadd.s32 v4, v19;
	_ =	sdelay $0x1  }
0x47: {  	s10 =	simm.s32 $0x2;
	v20 =	vadd.f32 v20, v17  }
0x48: {  	v23 =	vmov s10;
	v21 =	vadd.f32 v21, v18  }
0x49: {  	[tilespmem:v22+s20+$0x0] =	vst.idx.msk $0xffff, v20;
	v20 =	vshrl.u32 v23, $0x3  }
0x4a: {  	[tilespmem:v19+s20+$0x0] =	vst.idx.msk $0xffff, v21;
	v19 =	vshll.u32 v20, v1  }
0x4b: {  	v20 =	vld [tilespmem:s22+$0xFFFFFFC0];
	v19 =	vbroadcast v19, $0x0  }
0x4c: {  	v21 =	vld [tilespmem:s22+$0xFFFFFFD0]  }
0x4d: {  	v22 =	vadd.s32 v5, v19  }
0x4e: {  	v19 =	vadd.s32 v6, v19;
	_ =	sdelay $0x1  }
0x4f: {  	s12 =	simm.s32 $0x3;
	v20 =	vadd.f32 v20, v17  }
0x50: {  	v23 =	vmov s12;
	v21 =	vadd.f32 v21, v18  }
0x51: {  	[tilespmem:v22+s20+$0x0] =	vst.idx.msk $0xffff, v20;
	v20 =	vshrl.u32 v23, $0x3  }
0x52: {  	[tilespmem:v19+s20+$0x0] =	vst.idx.msk $0xffff, v21;
	v19 =	vshll.u32 v20, v1  }
0x53: {  	v20 =	vld [tilespmem:s22+$0xFFFFFFE0];
	v19 =	vbroadcast v19, $0x0  }
0x54: {  	v21 =	vld [tilespmem:s22+$0xFFFFFFF0]  }
0x55: {  	v22 =	vadd.s32 v7, v19  }
0x56: {  	v19 =	vadd.s32 v8, v19;
	_ =	sdelay $0x1  }
0x57: {  	s23 =	simm.s32 $0x4;
	v20 =	vadd.f32 v20, v17  }
0x58: {  	v23 =	vmov s23;
	v21 =	vadd.f32 v21, v18  }
0x59: {  	[tilespmem:v22+s20+$0x0] =	vst.idx.msk $0xffff, v20;
	v20 =	vshrl.u32 v23, $0x3  }
0x5a: {  	[tilespmem:v19+s20+$0x0] =	vst.idx.msk $0xffff, v21;
	v19 =	vshll.u32 v20, v1  }
0x5b: {  	v20 =	vld [tilespmem:s22+$0x0];
	v19 =	vbroadcast v19, $0x0  }
0x5c: {  	v21 =	vld [tilespmem:s22+$0x10]  }
0x5d: {  	v22 =	vadd.s32 v9, v19  }
0x5e: {  	v19 =	vadd.s32 v10, v19;
	_ =	sdelay $0x1  }
0x5f: {  	s29 =	simm.s32 $0x5;
	v20 =	vadd.f32 v20, v17  }
0x60: {  	v23 =	vmov s29;
	v21 =	vadd.f32 v21, v18  }
0x61: {  	[tilespmem:v22+s20+$0x0] =	vst.idx.msk $0xffff, v20;
	v20 =	vshrl.u32 v23, $0x3  }
0x62: {  	[tilespmem:v19+s20+$0x0] =	vst.idx.msk $0xffff, v21;
	v19 =	vshll.u32 v20, v1  }
0x63: {  	v20 =	vld [tilespmem:s22+$0x20];
	v19 =	vbroadcast v19, $0x0  }
0x64: {  	v21 =	vld [tilespmem:s22+$0x30]  }
0x65: {  	v22 =	vadd.s32 v11, v19  }
0x66: {  	v19 =	vadd.s32 v12, v19;
	_ =	sdelay $0x1  }
0x67: {  	s30 =	simm.s32 $0x6;
	v20 =	vadd.f32 v20, v17  }
0x68: {  	v23 =	vmov s30;
	v21 =	vadd.f32 v21, v18  }
0x69: {  	[tilespmem:v22+s20+$0x0] =	vst.idx.msk $0xffff, v20;
	v20 =	vshrl.u32 v23, $0x3  }
0x6a: {  	[tilespmem:v19+s20+$0x0] =	vst.idx.msk $0xffff, v21;
	v19 =	vshll.u32 v20, v1  }
0x6b: {  	v20 =	vld [tilespmem:s22+$0x40];
	v19 =	vbroadcast v19, $0x0  }
0x6c: {  	v21 =	vld [tilespmem:s22+$0x50]  }
0x6d: {  	v22 =	vadd.s32 v13, v19  }
0x6e: {  	v19 =	vadd.s32 v14, v19;
	_ =	sdelay $0x1  }
0x6f: {  	s31 =	simm.s32 $0x7;
	v20 =	vadd.f32 v20, v17  }
0x70: {  	v23 =	vmov s31;
	v21 =	vadd.f32 v21, v18  }
0x71: {  	[tilespmem:v22+s20+$0x0] =	vst.idx.msk $0xffff, v20;
	v20 =	vshrl.u32 v23, $0x3  }
0x72: {  	[tilespmem:v19+s20+$0x0] =	vst.idx.msk $0xffff, v21;
	v19 =	vshll.u32 v20, v1  }
0x73: {  	v20 =	vld [tilespmem:s22+$0x60];
	v19 =	vbroadcast v19, $0x0;
	_ =	sdelay $0x1  }
0x74: {  	v21 =	vld [tilespmem:s22+$0x70];
	v22 =	vadd.s32 v15, v19;
	_ =	sdelay $0x1  }
0x75: {  	v19 =	vadd.s32 v16, v19  }
0x76: {  	s23 =	simm.s32 $0x8;
	v23 =	vadd.f32 v20, v17  }
0x77: {  	v24 =	vmov s23  }
0x78: {  	s28 =	simm.s32 $0x10;
	v20 =	vadd.f32 v21, v18;
	v21 =	vshrl.u32 v24, $0x3;
	[tilespmem:v22+s20+$0x0] =	vst.idx.msk $0xffff, v23  }
.LBB2_3:
0x79: {  	p0 =	slt.u32 s28, $0x78  }
0x7a: {  	v21 =	vshll.u32 v21, v1;
	[tilespmem:v19+s20+$0x0] =	vst.idx.msk $0xffff, v20;
	s22 =	sadd.s32 $0x100, s22;
	s1 =	smov.u32 s28;
	s28 =	sadd.s32 $0x8, s28  }
0x7b: {  	v19 =	vld [tilespmem:s22+$0xFFFFFF80];
	v20 =	vbroadcast v21, $0x0  }
0x7c: {  	v21 =	vld [tilespmem:s22+$0xFFFFFF90]  }
0x7d: {  	v22 =	vadd.s32 v0, v20  }
0x7e: {  	v20 =	vadd.s32 v2, v20;
	_ =	sdelay $0x1  }
0x7f: {  	s10 =	sadd.s32 $0x1, s23;
	v19 =	vadd.f32 v19, v17  }
0x80: {  	v23 =	vmov s10;
	v21 =	vadd.f32 v21, v18  }
0x81: {  	[tilespmem:v22+s20+$0x0] =	vst.idx.msk $0xffff, v19;
	v19 =	vshrl.u32 v23, $0x3  }
0x82: {  	[tilespmem:v20+s20+$0x0] =	vst.idx.msk $0xffff, v21;
	v19 =	vshll.u32 v19, v1  }
0x83: {  	v20 =	vld [tilespmem:s22+$0xFFFFFFA0];
	v19 =	vbroadcast v19, $0x0  }
0x84: {  	v21 =	vld [tilespmem:s22+$0xFFFFFFB0]  }
0x85: {  	v22 =	vadd.s32 v3, v19  }
0x86: {  	v19 =	vadd.s32 v4, v19;
	_ =	sdelay $0x1  }
0x87: {  	s10 =	sadd.s32 $0x2, s23;
	v20 =	vadd.f32 v20, v17  }
0x88: {  	v23 =	vmov s10;
	v21 =	vadd.f32 v21, v18  }
0x89: {  	[tilespmem:v22+s20+$0x0] =	vst.idx.msk $0xffff, v20;
	v20 =	vshrl.u32 v23, $0x3  }
0x8a: {  	[tilespmem:v19+s20+$0x0] =	vst.idx.msk $0xffff, v21;
	v19 =	vshll.u32 v20, v1  }
0x8b: {  	v20 =	vld [tilespmem:s22+$0xFFFFFFC0];
	v19 =	vbroadcast v19, $0x0  }
0x8c: {  	v21 =	vld [tilespmem:s22+$0xFFFFFFD0]  }
0x8d: {  	v22 =	vadd.s32 v5, v19  }
0x8e: {  	v19 =	vadd.s32 v6, v19;
	_ =	sdelay $0x1  }
0x8f: {  	s10 =	sadd.s32 $0x3, s23;
	v20 =	vadd.f32 v20, v17  }
0x90: {  	v23 =	vmov s10;
	v21 =	vadd.f32 v21, v18  }
0x91: {  	[tilespmem:v22+s20+$0x0] =	vst.idx.msk $0xffff, v20;
	v20 =	vshrl.u32 v23, $0x3  }
0x92: {  	[tilespmem:v19+s20+$0x0] =	vst.idx.msk $0xffff, v21;
	v19 =	vshll.u32 v20, v1  }
0x93: {  	v20 =	vld [tilespmem:s22+$0xFFFFFFE0];
	v19 =	vbroadcast v19, $0x0  }
0x94: {  	v21 =	vld [tilespmem:s22+$0xFFFFFFF0]  }
0x95: {  	v22 =	vadd.s32 v7, v19  }
0x96: {  	v19 =	vadd.s32 v8, v19;
	_ =	sdelay $0x1  }
0x97: {  	s10 =	sadd.s32 $0x4, s23;
	v20 =	vadd.f32 v20, v17  }
0x98: {  	v23 =	vmov s10;
	v21 =	vadd.f32 v21, v18  }
0x99: {  	[tilespmem:v22+s20+$0x0] =	vst.idx.msk $0xffff, v20;
	v20 =	vshrl.u32 v23, $0x3  }
0x9a: {  	[tilespmem:v19+s20+$0x0] =	vst.idx.msk $0xffff, v21;
	v19 =	vshll.u32 v20, v1  }
0x9b: {  	v20 =	vld [tilespmem:s22+$0x0];
	v19 =	vbroadcast v19, $0x0  }
0x9c: {  	v21 =	vld [tilespmem:s22+$0x10]  }
0x9d: {  	v22 =	vadd.s32 v9, v19  }
0x9e: {  	v19 =	vadd.s32 v10, v19;
	_ =	sdelay $0x1  }
0x9f: {  	s10 =	sadd.s32 $0x5, s23;
	v20 =	vadd.f32 v20, v17  }
0xa0: {  	v23 =	vmov s10;
	v21 =	vadd.f32 v21, v18  }
0xa1: {  	[tilespmem:v22+s20+$0x0] =	vst.idx.msk $0xffff, v20;
	v20 =	vshrl.u32 v23, $0x3  }
0xa2: {  	[tilespmem:v19+s20+$0x0] =	vst.idx.msk $0xffff, v21;
	v19 =	vshll.u32 v20, v1  }
0xa3: {  	v20 =	vld [tilespmem:s22+$0x20];
	v19 =	vbroadcast v19, $0x0  }
0xa4: {  	v21 =	vld [tilespmem:s22+$0x30]  }
0xa5: {  	v22 =	vadd.s32 v11, v19  }
0xa6: {  	v19 =	vadd.s32 v12, v19;
	_ =	sdelay $0x1  }
0xa7: {  	s10 =	sadd.s32 $0x6, s23;
	v20 =	vadd.f32 v20, v17  }
0xa8: {  	v23 =	vmov s10;
	v21 =	vadd.f32 v21, v18  }
0xa9: {  	[tilespmem:v22+s20+$0x0] =	vst.idx.msk $0xffff, v20;
	v20 =	vshrl.u32 v23, $0x3  }
0xaa: {  	[tilespmem:v19+s20+$0x0] =	vst.idx.msk $0xffff, v21;
	v19 =	vshll.u32 v20, v1  }
0xab: {  	v20 =	vld [tilespmem:s22+$0x40];
	v19 =	vbroadcast v19, $0x0  }
0xac: {  	v21 =	vld [tilespmem:s22+$0x50]  }
0xad: {  	v22 =	vadd.s32 v13, v19  }
0xae: {  	v19 =	vadd.s32 v14, v19;
	_ =	sdelay $0x1  }
0xaf: {  	s10 =	sadd.s32 $0x7, s23;
	s23 =	smov.u32 s1;
	v20 =	vadd.f32 v20, v17  }
0xb0: {  	v23 =	vmov s10;
	v21 =	vadd.f32 v21, v18  }
0xb1: {  	[tilespmem:v22+s20+$0x0] =	vst.idx.msk $0xffff, v20;
	v20 =	vshrl.u32 v23, $0x3  }
0xb2: {  	[tilespmem:v19+s20+$0x0] =	vst.idx.msk $0xffff, v21;
	v19 =	vshll.u32 v20, v1  }
0xb3: {  	v20 =	vld [tilespmem:s22+$0x60];
	v19 =	vbroadcast v19, $0x0  }
0xb4: {  	v21 =	vld [tilespmem:s22+$0x70]  }
0xb5: {  	v22 =	vadd.s32 v15, v19  }
.Ltmp2:
0xb6: {  	v19 =	vadd.s32 v16, v19;
	(pc) =	sbr.rel @p0 .LBB2_3-.Ltmp2, $4  }
0xb7: {  	_ = 	snop  }
0xb8: {  	v23 =	vadd.f32 v20, v17  }
0xb9: {  	v24 =	vmov s23;
	v20 =	vadd.f32 v21, v18  }
0xba: {  	v21 =	vshrl.u32 v24, $0x3;
	[tilespmem:v22+s20+$0x0] =	vst.idx.msk $0xffff, v23  }
0xbb: {  	_ =	sdelay $0x3  }
0xbc: {  	v21 =	vshll.u32 v21, v1;
	[tilespmem:v19+s20+$0x0] =	vst.idx.msk $0xffff, v20;
	s1 =	sadd.s32 $0x100, s22  }
0xbd: {  	v19 =	vld [tilespmem:s1+$0xFFFFFF80];
	v20 =	vbroadcast v21, $0x0  }
0xbe: {  	v21 =	vld [tilespmem:s1+$0xFFFFFF90]  }
0xbf: {  	v22 =	vadd.s32 v0, v20  }
0xc0: {  	v20 =	vadd.s32 v2, v20;
	_ =	sdelay $0x1  }
0xc1: {  	s10 =	sadd.s32 $0x1, s23;
	v19 =	vadd.f32 v19, v17  }
0xc2: {  	v23 =	vmov s10;
	v21 =	vadd.f32 v21, v18  }
0xc3: {  	[tilespmem:v22+s20+$0x0] =	vst.idx.msk $0xffff, v19;
	v19 =	vshrl.u32 v23, $0x3  }
0xc4: {  	[tilespmem:v20+s20+$0x0] =	vst.idx.msk $0xffff, v21;
	v19 =	vshll.u32 v19, v1  }
0xc5: {  	v20 =	vld [tilespmem:s1+$0xFFFFFFA0];
	v19 =	vbroadcast v19, $0x0  }
0xc6: {  	v21 =	vld [tilespmem:s1+$0xFFFFFFB0]  }
0xc7: {  	v22 =	vadd.s32 v3, v19  }
0xc8: {  	v19 =	vadd.s32 v4, v19;
	_ =	sdelay $0x1  }
0xc9: {  	s22 =	sadd.s32 $0x2, s23;
	v20 =	vadd.f32 v20, v17  }
0xca: {  	v23 =	vmov s22;
	v21 =	vadd.f32 v21, v18  }
0xcb: {  	[tilespmem:v22+s20+$0x0] =	vst.idx.msk $0xffff, v20;
	v20 =	vshrl.u32 v23, $0x3  }
0xcc: {  	[tilespmem:v19+s20+$0x0] =	vst.idx.msk $0xffff, v21;
	v19 =	vshll.u32 v20, v1  }
0xcd: {  	v20 =	vld [tilespmem:s1+$0xFFFFFFC0];
	v19 =	vbroadcast v19, $0x0  }
0xce: {  	v21 =	vld [tilespmem:s1+$0xFFFFFFD0]  }
0xcf: {  	v22 =	vadd.s32 v5, v19  }
0xd0: {  	v19 =	vadd.s32 v6, v19;
	_ =	sdelay $0x1  }
0xd1: {  	s30 =	sadd.s32 $0x3, s23;
	v20 =	vadd.f32 v20, v17  }
0xd2: {  	v23 =	vmov s30;
	v21 =	vadd.f32 v21, v18  }
0xd3: {  	[tilespmem:v22+s20+$0x0] =	vst.idx.msk $0xffff, v20;
	v20 =	vshrl.u32 v23, $0x3  }
0xd4: {  	[tilespmem:v19+s20+$0x0] =	vst.idx.msk $0xffff, v21;
	v19 =	vshll.u32 v20, v1  }
0xd5: {  	v20 =	vld [tilespmem:s1+$0xFFFFFFE0];
	v19 =	vbroadcast v19, $0x0  }
0xd6: {  	v21 =	vld [tilespmem:s1+$0xFFFFFFF0]  }
0xd7: {  	v22 =	vadd.s32 v7, v19  }
0xd8: {  	v19 =	vadd.s32 v8, v19;
	_ =	sdelay $0x1  }
0xd9: {  	s31 =	sadd.s32 $0x4, s23;
	v20 =	vadd.f32 v20, v17  }
0xda: {  	v23 =	vmov s31;
	v21 =	vadd.f32 v21, v18  }
0xdb: {  	[tilespmem:v22+s20+$0x0] =	vst.idx.msk $0xffff, v20;
	v20 =	vshrl.u32 v23, $0x3  }
0xdc: {  	[tilespmem:v19+s20+$0x0] =	vst.idx.msk $0xffff, v21;
	v19 =	vshll.u32 v20, v1  }
0xdd: {  	v20 =	vld [tilespmem:s1+$0x0];
	v19 =	vbroadcast v19, $0x0  }
0xde: {  	v21 =	vld [tilespmem:s1+$0x10]  }
0xdf: {  	v22 =	vadd.s32 v9, v19  }
0xe0: {  	v19 =	vadd.s32 v10, v19;
	_ =	sdelay $0x1  }
0xe1: {  	s12 =	sadd.s32 $0x5, s23;
	v20 =	vadd.f32 v20, v17  }
0xe2: {  	v23 =	vmov s12;
	v21 =	vadd.f32 v21, v18  }
0xe3: {  	[tilespmem:v22+s20+$0x0] =	vst.idx.msk $0xffff, v20;
	v20 =	vshrl.u32 v23, $0x3  }
0xe4: {  	[tilespmem:v19+s20+$0x0] =	vst.idx.msk $0xffff, v21;
	v19 =	vshll.u32 v20, v1  }
0xe5: {  	v20 =	vld [tilespmem:s1+$0x20];
	v19 =	vbroadcast v19, $0x0  }
0xe6: {  	v21 =	vld [tilespmem:s1+$0x30]  }
0xe7: {  	v22 =	vadd.s32 v11, v19  }
0xe8: {  	v19 =	vadd.s32 v12, v19;
	_ =	sdelay $0x1  }
0xe9: {  	s22 =	sadd.s32 $0x6, s23;
	v20 =	vadd.f32 v20, v17  }
0xea: {  	v23 =	vmov s22;
	v21 =	vadd.f32 v21, v18  }
0xeb: {  	[tilespmem:v22+s20+$0x0] =	vst.idx.msk $0xffff, v20;
	v20 =	vshrl.u32 v23, $0x3  }
0xec: {  	[tilespmem:v19+s20+$0x0] =	vst.idx.msk $0xffff, v21;
	v19 =	vshll.u32 v20, v1  }
0xed: {  	v20 =	vld [tilespmem:s1+$0x40];
	v19 =	vbroadcast v19, $0x0  }
0xee: {  	v21 =	vld [tilespmem:s1+$0x50]  }
0xef: {  	v22 =	vadd.s32 v13, v19  }
0xf0: {  	v19 =	vadd.s32 v14, v19;
	_ =	sdelay $0x1  }
0xf1: {  	s23 =	sadd.s32 $0x7, s23;
	v20 =	vadd.f32 v20, v17  }
0xf2: {  	v23 =	vmov s23;
	v21 =	vadd.f32 v21, v18  }
0xf3: {  	[tilespmem:v22+s20+$0x0] =	vst.idx.msk $0xffff, v20;
	v20 =	vshrl.u32 v23, $0x3  }
0xf4: {  	[tilespmem:v19+s20+$0x0] =	vst.idx.msk $0xffff, v21;
	v19 =	vshll.u32 v20, v1  }
0xf5: {  	v20 =	vld [tilespmem:s1+$0x60];
	v19 =	vbroadcast v19, $0x0  }
0xf6: {  	v21 =	vld [tilespmem:s1+$0x70]  }
0xf7: {  	v22 =	vadd.s32 v15, v19  }
0xf8: {  	v19 =	vadd.s32 v16, v19;
	_ =	sdelay $0x1  }
0xf9: {  	s30 =	sshll.u32 s15, $0x3;
	v17 =	vadd.f32 v20, v17  }
0xfa: {  	s22 =	sor.u32 $0x1, s30;
	v18 =	vadd.f32 v21, v18  }
0xfb: {  	s31 =	simm.s32 $0x0;
	s1 =	sshll.u32 s22, $0x5;
	[tilespmem:v22+s20+$0x0] =	vst.idx.msk $0xffff, v17  }
0xfc: {  	s1 =	sand.u32 $0x3FFFFF20, s1;
	[tilespmem:v19+s20+$0x0] =	vst.idx.msk $0xffff, v18;
	v18 =	vmov s31  }
0xfd: {  	v17 =	vld [tilespmem:s1+$0x16C00];
	v19 =	vshrl.u32 v18, $0x3  }
0xfe: {  	s23 =	simm.s32 $0x7480;
	v18 =	vld [tilespmem:s1+$0x16C10];
	v19 =	vshll.u32 v19, v1  }
0xff: {  	v20 =	vld [tilespmem:s23+$0xFFFFFF80];
	v19 =	vbroadcast v19, $0x0  }
0x100: {  	v21 =	vld [tilespmem:s23+$0xFFFFFF90]  }
0x101: {  	v22 =	vadd.s32 v0, v19  }
0x102: {  	v19 =	vadd.s32 v2, v19;
	_ =	sdelay $0x1  }
0x103: {  	s12 =	simm.s32 $0x1;
	v20 =	vadd.f32 v20, v17  }
0x104: {  	v23 =	vmov s12;
	v21 =	vadd.f32 v21, v18  }
0x105: {  	[tilespmem:v22+s21+$0x0] =	vst.idx.msk $0xffff, v20;
	v20 =	vshrl.u32 v23, $0x3  }
0x106: {  	[tilespmem:v19+s21+$0x0] =	vst.idx.msk $0xffff, v21;
	v19 =	vshll.u32 v20, v1  }
0x107: {  	v20 =	vld [tilespmem:s23+$0xFFFFFFA0];
	v19 =	vbroadcast v19, $0x0  }
0x108: {  	v21 =	vld [tilespmem:s23+$0xFFFFFFB0]  }
0x109: {  	v22 =	vadd.s32 v3, v19  }
0x10a: {  	v19 =	vadd.s32 v4, v19;
	_ =	sdelay $0x1  }
0x10b: {  	s30 =	simm.s32 $0x2;
	v20 =	vadd.f32 v20, v17  }
0x10c: {  	v23 =	vmov s30;
	v21 =	vadd.f32 v21, v18  }
0x10d: {  	[tilespmem:v22+s21+$0x0] =	vst.idx.msk $0xffff, v20;
	v20 =	vshrl.u32 v23, $0x3  }
0x10e: {  	[tilespmem:v19+s21+$0x0] =	vst.idx.msk $0xffff, v21;
	v19 =	vshll.u32 v20, v1  }
0x10f: {  	v20 =	vld [tilespmem:s23+$0xFFFFFFC0];
	v19 =	vbroadcast v19, $0x0  }
0x110: {  	v21 =	vld [tilespmem:s23+$0xFFFFFFD0]  }
0x111: {  	v22 =	vadd.s32 v5, v19  }
0x112: {  	v19 =	vadd.s32 v6, v19;
	_ =	sdelay $0x1  }
0x113: {  	s31 =	simm.s32 $0x3;
	v20 =	vadd.f32 v20, v17  }
0x114: {  	v23 =	vmov s31;
	v21 =	vadd.f32 v21, v18  }
0x115: {  	[tilespmem:v22+s21+$0x0] =	vst.idx.msk $0xffff, v20;
	v20 =	vshrl.u32 v23, $0x3  }
0x116: {  	[tilespmem:v19+s21+$0x0] =	vst.idx.msk $0xffff, v21;
	v19 =	vshll.u32 v20, v1  }
0x117: {  	v20 =	vld [tilespmem:s23+$0xFFFFFFE0];
	v19 =	vbroadcast v19, $0x0  }
0x118: {  	v21 =	vld [tilespmem:s23+$0xFFFFFFF0]  }
0x119: {  	v22 =	vadd.s32 v7, v19  }
0x11a: {  	v19 =	vadd.s32 v8, v19;
	_ =	sdelay $0x1  }
0x11b: {  	s10 =	simm.s32 $0x4;
	v20 =	vadd.f32 v20, v17  }
0x11c: {  	v23 =	vmov s10;
	v21 =	vadd.f32 v21, v18  }
0x11d: {  	[tilespmem:v22+s21+$0x0] =	vst.idx.msk $0xffff, v20;
	v20 =	vshrl.u32 v23, $0x3  }
0x11e: {  	[tilespmem:v19+s21+$0x0] =	vst.idx.msk $0xffff, v21;
	v19 =	vshll.u32 v20, v1  }
0x11f: {  	v20 =	vld [tilespmem:s23+$0x0];
	v19 =	vbroadcast v19, $0x0  }
0x120: {  	v21 =	vld [tilespmem:s23+$0x10]  }
0x121: {  	v22 =	vadd.s32 v9, v19  }
0x122: {  	v19 =	vadd.s32 v10, v19;
	_ =	sdelay $0x1  }
0x123: {  	s12 =	simm.s32 $0x5;
	v20 =	vadd.f32 v20, v17  }
0x124: {  	v23 =	vmov s12;
	v21 =	vadd.f32 v21, v18  }
0x125: {  	[tilespmem:v22+s21+$0x0] =	vst.idx.msk $0xffff, v20;
	v20 =	vshrl.u32 v23, $0x3  }
0x126: {  	[tilespmem:v19+s21+$0x0] =	vst.idx.msk $0xffff, v21;
	v19 =	vshll.u32 v20, v1  }
0x127: {  	v20 =	vld [tilespmem:s23+$0x20];
	v19 =	vbroadcast v19, $0x0  }
0x128: {  	v21 =	vld [tilespmem:s23+$0x30]  }
0x129: {  	v22 =	vadd.s32 v11, v19  }
0x12a: {  	v19 =	vadd.s32 v12, v19;
	_ =	sdelay $0x1  }
0x12b: {  	s30 =	simm.s32 $0x6;
	v20 =	vadd.f32 v20, v17  }
0x12c: {  	v23 =	vmov s30;
	v21 =	vadd.f32 v21, v18  }
0x12d: {  	[tilespmem:v22+s21+$0x0] =	vst.idx.msk $0xffff, v20;
	v20 =	vshrl.u32 v23, $0x3  }
0x12e: {  	[tilespmem:v19+s21+$0x0] =	vst.idx.msk $0xffff, v21;
	v19 =	vshll.u32 v20, v1  }
0x12f: {  	v20 =	vld [tilespmem:s23+$0x40];
	v19 =	vbroadcast v19, $0x0  }
0x130: {  	v21 =	vld [tilespmem:s23+$0x50]  }
0x131: {  	v22 =	vadd.s32 v13, v19  }
0x132: {  	v19 =	vadd.s32 v14, v19;
	_ =	sdelay $0x1  }
0x133: {  	s31 =	simm.s32 $0x7;
	v20 =	vadd.f32 v20, v17  }
0x134: {  	v23 =	vmov s31;
	v21 =	vadd.f32 v21, v18  }
0x135: {  	[tilespmem:v22+s21+$0x0] =	vst.idx.msk $0xffff, v20;
	v20 =	vshrl.u32 v23, $0x3  }
0x136: {  	[tilespmem:v19+s21+$0x0] =	vst.idx.msk $0xffff, v21;
	v19 =	vshll.u32 v20, v1  }
0x137: {  	v20 =	vld [tilespmem:s23+$0x60];
	v19 =	vbroadcast v19, $0x0;
	_ =	sdelay $0x1  }
0x138: {  	v21 =	vld [tilespmem:s23+$0x70];
	v22 =	vadd.s32 v15, v19;
	_ =	sdelay $0x1  }
0x139: {  	v19 =	vadd.s32 v16, v19  }
0x13a: {  	s28 =	simm.s32 $0x8;
	v23 =	vadd.f32 v20, v17  }
0x13b: {  	v24 =	vmov s28  }
0x13c: {  	s29 =	simm.s32 $0x10;
	v20 =	vadd.f32 v21, v18;
	v21 =	vshrl.u32 v24, $0x3;
	[tilespmem:v22+s21+$0x0] =	vst.idx.msk $0xffff, v23  }
.LBB2_5:
0x13d: {  	p0 =	slt.u32 s29, $0x78  }
0x13e: {  	v21 =	vshll.u32 v21, v1;
	[tilespmem:v19+s21+$0x0] =	vst.idx.msk $0xffff, v20;
	s23 =	sadd.s32 $0x100, s23;
	s1 =	smov.u32 s29;
	s29 =	sadd.s32 $0x8, s29  }
0x13f: {  	v19 =	vld [tilespmem:s23+$0xFFFFFF80];
	v20 =	vbroadcast v21, $0x0  }
0x140: {  	v21 =	vld [tilespmem:s23+$0xFFFFFF90]  }
0x141: {  	v22 =	vadd.s32 v0, v20  }
0x142: {  	v20 =	vadd.s32 v2, v20;
	_ =	sdelay $0x1  }
0x143: {  	s10 =	sadd.s32 $0x1, s28;
	v19 =	vadd.f32 v19, v17  }
0x144: {  	v23 =	vmov s10;
	v21 =	vadd.f32 v21, v18  }
0x145: {  	[tilespmem:v22+s21+$0x0] =	vst.idx.msk $0xffff, v19;
	v19 =	vshrl.u32 v23, $0x3  }
0x146: {  	[tilespmem:v20+s21+$0x0] =	vst.idx.msk $0xffff, v21;
	v19 =	vshll.u32 v19, v1  }
0x147: {  	v20 =	vld [tilespmem:s23+$0xFFFFFFA0];
	v19 =	vbroadcast v19, $0x0  }
0x148: {  	v21 =	vld [tilespmem:s23+$0xFFFFFFB0]  }
0x149: {  	v22 =	vadd.s32 v3, v19  }
0x14a: {  	v19 =	vadd.s32 v4, v19;
	_ =	sdelay $0x1  }
0x14b: {  	s10 =	sadd.s32 $0x2, s28;
	v20 =	vadd.f32 v20, v17  }
0x14c: {  	v23 =	vmov s10;
	v21 =	vadd.f32 v21, v18  }
0x14d: {  	[tilespmem:v22+s21+$0x0] =	vst.idx.msk $0xffff, v20;
	v20 =	vshrl.u32 v23, $0x3  }
0x14e: {  	[tilespmem:v19+s21+$0x0] =	vst.idx.msk $0xffff, v21;
	v19 =	vshll.u32 v20, v1  }
0x14f: {  	v20 =	vld [tilespmem:s23+$0xFFFFFFC0];
	v19 =	vbroadcast v19, $0x0  }
0x150: {  	v21 =	vld [tilespmem:s23+$0xFFFFFFD0]  }
0x151: {  	v22 =	vadd.s32 v5, v19  }
0x152: {  	v19 =	vadd.s32 v6, v19;
	_ =	sdelay $0x1  }
0x153: {  	s10 =	sadd.s32 $0x3, s28;
	v20 =	vadd.f32 v20, v17  }
0x154: {  	v23 =	vmov s10;
	v21 =	vadd.f32 v21, v18  }
0x155: {  	[tilespmem:v22+s21+$0x0] =	vst.idx.msk $0xffff, v20;
	v20 =	vshrl.u32 v23, $0x3  }
0x156: {  	[tilespmem:v19+s21+$0x0] =	vst.idx.msk $0xffff, v21;
	v19 =	vshll.u32 v20, v1  }
0x157: {  	v20 =	vld [tilespmem:s23+$0xFFFFFFE0];
	v19 =	vbroadcast v19, $0x0  }
0x158: {  	v21 =	vld [tilespmem:s23+$0xFFFFFFF0]  }
0x159: {  	v22 =	vadd.s32 v7, v19  }
0x15a: {  	v19 =	vadd.s32 v8, v19;
	_ =	sdelay $0x1  }
0x15b: {  	s10 =	sadd.s32 $0x4, s28;
	v20 =	vadd.f32 v20, v17  }
0x15c: {  	v23 =	vmov s10;
	v21 =	vadd.f32 v21, v18  }
0x15d: {  	[tilespmem:v22+s21+$0x0] =	vst.idx.msk $0xffff, v20;
	v20 =	vshrl.u32 v23, $0x3  }
0x15e: {  	[tilespmem:v19+s21+$0x0] =	vst.idx.msk $0xffff, v21;
	v19 =	vshll.u32 v20, v1  }
0x15f: {  	v20 =	vld [tilespmem:s23+$0x0];
	v19 =	vbroadcast v19, $0x0  }
0x160: {  	v21 =	vld [tilespmem:s23+$0x10]  }
0x161: {  	v22 =	vadd.s32 v9, v19  }
0x162: {  	v19 =	vadd.s32 v10, v19;
	_ =	sdelay $0x1  }
0x163: {  	s10 =	sadd.s32 $0x5, s28;
	v20 =	vadd.f32 v20, v17  }
0x164: {  	v23 =	vmov s10;
	v21 =	vadd.f32 v21, v18  }
0x165: {  	[tilespmem:v22+s21+$0x0] =	vst.idx.msk $0xffff, v20;
	v20 =	vshrl.u32 v23, $0x3  }
0x166: {  	[tilespmem:v19+s21+$0x0] =	vst.idx.msk $0xffff, v21;
	v19 =	vshll.u32 v20, v1  }
0x167: {  	v20 =	vld [tilespmem:s23+$0x20];
	v19 =	vbroadcast v19, $0x0  }
0x168: {  	v21 =	vld [tilespmem:s23+$0x30]  }
0x169: {  	v22 =	vadd.s32 v11, v19  }
0x16a: {  	v19 =	vadd.s32 v12, v19;
	_ =	sdelay $0x1  }
0x16b: {  	s10 =	sadd.s32 $0x6, s28;
	v20 =	vadd.f32 v20, v17  }
0x16c: {  	v23 =	vmov s10;
	v21 =	vadd.f32 v21, v18  }
0x16d: {  	[tilespmem:v22+s21+$0x0] =	vst.idx.msk $0xffff, v20;
	v20 =	vshrl.u32 v23, $0x3  }
0x16e: {  	[tilespmem:v19+s21+$0x0] =	vst.idx.msk $0xffff, v21;
	v19 =	vshll.u32 v20, v1  }
0x16f: {  	v20 =	vld [tilespmem:s23+$0x40];
	v19 =	vbroadcast v19, $0x0  }
0x170: {  	v21 =	vld [tilespmem:s23+$0x50]  }
0x171: {  	v22 =	vadd.s32 v13, v19  }
0x172: {  	v19 =	vadd.s32 v14, v19;
	_ =	sdelay $0x1  }
0x173: {  	s10 =	sadd.s32 $0x7, s28;
	s28 =	smov.u32 s1;
	v20 =	vadd.f32 v20, v17  }
0x174: {  	v23 =	vmov s10;
	v21 =	vadd.f32 v21, v18  }
0x175: {  	[tilespmem:v22+s21+$0x0] =	vst.idx.msk $0xffff, v20;
	v20 =	vshrl.u32 v23, $0x3  }
0x176: {  	[tilespmem:v19+s21+$0x0] =	vst.idx.msk $0xffff, v21;
	v19 =	vshll.u32 v20, v1  }
0x177: {  	v20 =	vld [tilespmem:s23+$0x60];
	v19 =	vbroadcast v19, $0x0  }
0x178: {  	v21 =	vld [tilespmem:s23+$0x70]  }
0x179: {  	v22 =	vadd.s32 v15, v19  }
.Ltmp3:
0x17a: {  	v19 =	vadd.s32 v16, v19;
	(pc) =	sbr.rel @p0 .LBB2_5-.Ltmp3, $4  }
0x17b: {  	_ = 	snop  }
0x17c: {  	v23 =	vadd.f32 v20, v17  }
0x17d: {  	v24 =	vmov s28;
	v20 =	vadd.f32 v21, v18  }
0x17e: {  	v21 =	vshrl.u32 v24, $0x3;
	[tilespmem:v22+s21+$0x0] =	vst.idx.msk $0xffff, v23  }
0x17f: {  	_ =	sdelay $0x3  }
0x180: {  	v21 =	vshll.u32 v21, v1;
	[tilespmem:v19+s21+$0x0] =	vst.idx.msk $0xffff, v20;
	s1 =	sadd.s32 $0x100, s23  }
0x181: {  	v19 =	vld [tilespmem:s1+$0xFFFFFF80];
	v20 =	vbroadcast v21, $0x0  }
0x182: {  	v21 =	vld [tilespmem:s1+$0xFFFFFF90]  }
0x183: {  	v22 =	vadd.s32 v0, v20  }
0x184: {  	v20 =	vadd.s32 v2, v20;
	_ =	sdelay $0x1  }
0x185: {  	s10 =	sadd.s32 $0x1, s28;
	v19 =	vadd.f32 v19, v17  }
0x186: {  	v23 =	vmov s10;
	v21 =	vadd.f32 v21, v18  }
0x187: {  	[tilespmem:v22+s21+$0x0] =	vst.idx.msk $0xffff, v19;
	v19 =	vshrl.u32 v23, $0x3  }
0x188: {  	[tilespmem:v20+s21+$0x0] =	vst.idx.msk $0xffff, v21;
	v19 =	vshll.u32 v19, v1  }
0x189: {  	v20 =	vld [tilespmem:s1+$0xFFFFFFA0];
	v19 =	vbroadcast v19, $0x0  }
0x18a: {  	v21 =	vld [tilespmem:s1+$0xFFFFFFB0]  }
0x18b: {  	v22 =	vadd.s32 v3, v19  }
0x18c: {  	v19 =	vadd.s32 v4, v19;
	_ =	sdelay $0x1  }
0x18d: {  	s12 =	sadd.s32 $0x2, s28;
	v20 =	vadd.f32 v20, v17  }
0x18e: {  	v23 =	vmov s12;
	v21 =	vadd.f32 v21, v18  }
0x18f: {  	[tilespmem:v22+s21+$0x0] =	vst.idx.msk $0xffff, v20;
	v20 =	vshrl.u32 v23, $0x3  }
0x190: {  	[tilespmem:v19+s21+$0x0] =	vst.idx.msk $0xffff, v21;
	v19 =	vshll.u32 v20, v1  }
0x191: {  	v20 =	vld [tilespmem:s1+$0xFFFFFFC0];
	v19 =	vbroadcast v19, $0x0  }
0x192: {  	v21 =	vld [tilespmem:s1+$0xFFFFFFD0]  }
0x193: {  	v22 =	vadd.s32 v5, v19  }
0x194: {  	v19 =	vadd.s32 v6, v19;
	_ =	sdelay $0x1  }
0x195: {  	s23 =	sadd.s32 $0x3, s28;
	v20 =	vadd.f32 v20, v17  }
0x196: {  	v23 =	vmov s23;
	v21 =	vadd.f32 v21, v18  }
0x197: {  	[tilespmem:v22+s21+$0x0] =	vst.idx.msk $0xffff, v20;
	v20 =	vshrl.u32 v23, $0x3  }
0x198: {  	[tilespmem:v19+s21+$0x0] =	vst.idx.msk $0xffff, v21;
	v19 =	vshll.u32 v20, v1  }
0x199: {  	v20 =	vld [tilespmem:s1+$0xFFFFFFE0];
	v19 =	vbroadcast v19, $0x0  }
0x19a: {  	v21 =	vld [tilespmem:s1+$0xFFFFFFF0]  }
0x19b: {  	v22 =	vadd.s32 v7, v19  }
0x19c: {  	v19 =	vadd.s32 v8, v19;
	_ =	sdelay $0x1  }
0x19d: {  	s12 =	sadd.s32 $0x4, s28;
	v20 =	vadd.f32 v20, v17  }
0x19e: {  	v23 =	vmov s12;
	v21 =	vadd.f32 v21, v18  }
0x19f: {  	[tilespmem:v22+s21+$0x0] =	vst.idx.msk $0xffff, v20;
	v20 =	vshrl.u32 v23, $0x3  }
0x1a0: {  	[tilespmem:v19+s21+$0x0] =	vst.idx.msk $0xffff, v21;
	v19 =	vshll.u32 v20, v1  }
0x1a1: {  	v20 =	vld [tilespmem:s1+$0x0];
	v19 =	vbroadcast v19, $0x0  }
0x1a2: {  	v21 =	vld [tilespmem:s1+$0x10]  }
0x1a3: {  	v22 =	vadd.s32 v9, v19  }
0x1a4: {  	v19 =	vadd.s32 v10, v19;
	_ =	sdelay $0x1  }
0x1a5: {  	s23 =	sadd.s32 $0x5, s28;
	v20 =	vadd.f32 v20, v17  }
0x1a6: {  	v23 =	vmov s23;
	v21 =	vadd.f32 v21, v18  }
0x1a7: {  	[tilespmem:v22+s21+$0x0] =	vst.idx.msk $0xffff, v20;
	v20 =	vshrl.u32 v23, $0x3  }
0x1a8: {  	[tilespmem:v19+s21+$0x0] =	vst.idx.msk $0xffff, v21;
	v19 =	vshll.u32 v20, v1  }
0x1a9: {  	v20 =	vld [tilespmem:s1+$0x20];
	v19 =	vbroadcast v19, $0x0  }
0x1aa: {  	v21 =	vld [tilespmem:s1+$0x30]  }
0x1ab: {  	v22 =	vadd.s32 v11, v19  }
0x1ac: {  	v19 =	vadd.s32 v12, v19;
	_ =	sdelay $0x1  }
0x1ad: {  	s12 =	sadd.s32 $0x6, s28;
	v20 =	vadd.f32 v20, v17  }
0x1ae: {  	v23 =	vmov s12;
	v21 =	vadd.f32 v21, v18  }
0x1af: {  	[tilespmem:v22+s21+$0x0] =	vst.idx.msk $0xffff, v20;
	v20 =	vshrl.u32 v23, $0x3  }
0x1b0: {  	[tilespmem:v19+s21+$0x0] =	vst.idx.msk $0xffff, v21;
	v19 =	vshll.u32 v20, v1  }
0x1b1: {  	v20 =	vld [tilespmem:s1+$0x40];
	v19 =	vbroadcast v19, $0x0  }
0x1b2: {  	v21 =	vld [tilespmem:s1+$0x50]  }
0x1b3: {  	v22 =	vadd.s32 v13, v19  }
0x1b4: {  	v19 =	vadd.s32 v14, v19;
	_ =	sdelay $0x1  }
0x1b5: {  	s23 =	sadd.s32 $0x7, s28;
	v20 =	vadd.f32 v20, v17  }
0x1b6: {  	v23 =	vmov s23;
	v21 =	vadd.f32 v21, v18  }
0x1b7: {  	[tilespmem:v22+s21+$0x0] =	vst.idx.msk $0xffff, v20;
	v20 =	vshrl.u32 v23, $0x3  }
0x1b8: {  	[tilespmem:v19+s21+$0x0] =	vst.idx.msk $0xffff, v21;
	v19 =	vshll.u32 v20, v1  }
0x1b9: {  	v20 =	vld [tilespmem:s1+$0x60];
	v19 =	vbroadcast v19, $0x0  }
0x1ba: {  	v21 =	vld [tilespmem:s1+$0x70]  }
0x1bb: {  	v22 =	vadd.s32 v15, v19  }
0x1bc: {  	v19 =	vadd.s32 v16, v19;
	_ =	sdelay $0x1  }
0x1bd: {  	s12 =	sshll.u32 s15, $0x14;
	v17 =	vadd.f32 v20, v17  }
0x1be: {  	s1 =	sor.u32 s7, s12;
	v18 =	vadd.f32 v21, v18  }
0x1bf: {  	s1 =	sshrl.u32 s1, $0x3;
	[tilespmem:v22+s21+$0x0] =	vst.idx.msk $0xffff, v17  }
0x1c0: {  	s1 =	sadd.s32 s2, s1;
	[tilespmem:v19+s21+$0x0] =	vst.idx.msk $0xffff, v18  }
0x1c1: {  	[hbm4b:s1+s3] =	stream.linear.scatter [tilespmem:s20], [sflag:$0x5], $0x80, $0x38;
	[tilespmem:$0x18500] =	vst v63  }
0x1c2: {  	s12 =	simm.s32 $0xE488;
	s23 =	sadd.s32 $0x10, s1  }
0x1c3: {  	[hbm4b:s23+s3] =	stream.linear.scatter [tilespmem:s12], [sflag:$0x5], $0x80, $0x38;
	[tilespmem:$0x18500] =	vst v63  }
0x1c4: {  	s12 =	sadd.s32 $0x20, s1;
	s23 =	simm.s32 $0xE510  }
0x1c5: {  	[hbm4b:s12+s3] =	stream.linear.scatter [tilespmem:s23], [sflag:$0x5], $0x80, $0x38;
	[tilespmem:$0x18500] =	vst v63  }
0x1c6: {  	s12 =	sadd.s32 $0x30, s1;
	s23 =	simm.s32 $0xE598  }
0x1c7: {  	[hbm4b:s12+s3] =	stream.linear.scatter [tilespmem:s23], [sflag:$0x5], $0x80, $0x38;
	[tilespmem:$0x18500] =	vst v63  }
0x1c8: {  	s12 =	sadd.s32 $0x40, s1;
	s23 =	simm.s32 $0xE620  }
0x1c9: {  	[hbm4b:s12+s3] =	stream.linear.scatter [tilespmem:s23], [sflag:$0x5], $0x80, $0x38;
	[tilespmem:$0x18500] =	vst v63  }
0x1ca: {  	s12 =	sadd.s32 $0x50, s1;
	s23 =	simm.s32 $0xE6A8  }
0x1cb: {  	[hbm4b:s12+s3] =	stream.linear.scatter [tilespmem:s23], [sflag:$0x5], $0x80, $0x38;
	[tilespmem:$0x18500] =	vst v63  }
0x1cc: {  	s12 =	sadd.s32 $0x60, s1;
	s23 =	simm.s32 $0xE730  }
0x1cd: {  	[hbm4b:s12+s3] =	stream.linear.scatter [tilespmem:s23], [sflag:$0x5], $0x80, $0x38;
	[tilespmem:$0x18500] =	vst v63  }
0x1ce: {  	s12 =	sadd.s32 $0x70, s1;
	s23 =	simm.s32 $0xE7B8  }
0x1cf: {  	[hbm4b:s12+s3] =	stream.linear.scatter [tilespmem:s23], [sflag:$0x5], $0x80, $0x38;
	[tilespmem:$0x18500] =	vst v63  }
0x1d0: {  	s12 =	sadd.s32 $0x1000, s1;
	s23 =	simm.s32 $0xE840  }
0x1d1: {  	[hbm4b:s12+s3] =	stream.linear.scatter [tilespmem:s23], [sflag:$0x5], $0x80, $0x38;
	[tilespmem:$0x18500] =	vst v63  }
0x1d2: {  	s12 =	sadd.s32 $0x1010, s1;
	s23 =	simm.s32 $0xE8C8  }
0x1d3: {  	[hbm4b:s12+s3] =	stream.linear.scatter [tilespmem:s23], [sflag:$0x5], $0x80, $0x38;
	[tilespmem:$0x18500] =	vst v63  }
0x1d4: {  	s12 =	sadd.s32 $0x1020, s1;
	s23 =	simm.s32 $0xE950  }
0x1d5: {  	[hbm4b:s12+s3] =	stream.linear.scatter [tilespmem:s23], [sflag:$0x5], $0x80, $0x38;
	[tilespmem:$0x18500] =	vst v63  }
0x1d6: {  	s12 =	sadd.s32 $0x1030, s1;
	s23 =	simm.s32 $0xE9D8  }
0x1d7: {  	[hbm4b:s12+s3] =	stream.linear.scatter [tilespmem:s23], [sflag:$0x5], $0x80, $0x38;
	[tilespmem:$0x18500] =	vst v63  }
0x1d8: {  	s12 =	sadd.s32 $0x1040, s1;
	s23 =	simm.s32 $0xEA60  }
0x1d9: {  	[hbm4b:s12+s3] =	stream.linear.scatter [tilespmem:s23], [sflag:$0x5], $0x80, $0x38;
	[tilespmem:$0x18500] =	vst v63  }
0x1da: {  	s12 =	sadd.s32 $0x1050, s1;
	s23 =	simm.s32 $0xEAE8  }
0x1db: {  	[hbm4b:s12+s3] =	stream.linear.scatter [tilespmem:s23], [sflag:$0x5], $0x80, $0x38;
	[tilespmem:$0x18500] =	vst v63  }
0x1dc: {  	s12 =	sadd.s32 $0x1060, s1;
	s23 =	simm.s32 $0xEB70  }
0x1dd: {  	[hbm4b:s12+s3] =	stream.linear.scatter [tilespmem:s23], [sflag:$0x5], $0x80, $0x38;
	[tilespmem:$0x18500] =	vst v63  }
0x1de: {  	s12 =	sadd.s32 $0x1070, s1;
	s23 =	simm.s32 $0xEBF8  }
0x1df: {  	[hbm4b:s12+s3] =	stream.linear.scatter [tilespmem:s23], [sflag:$0x5], $0x80, $0x38;
	[tilespmem:$0x18500] =	vst v63  }
0x1e0: {  	s12 =	sadd.s32 $0x2000, s1;
	s23 =	simm.s32 $0xEC80  }
0x1e1: {  	[hbm4b:s12+s3] =	stream.linear.scatter [tilespmem:s23], [sflag:$0x5], $0x80, $0x38;
	[tilespmem:$0x18500] =	vst v63  }
0x1e2: {  	s12 =	sadd.s32 $0x2010, s1;
	s23 =	simm.s32 $0xED08  }
0x1e3: {  	[hbm4b:s12+s3] =	stream.linear.scatter [tilespmem:s23], [sflag:$0x5], $0x80, $0x38;
	[tilespmem:$0x18500] =	vst v63  }
0x1e4: {  	s12 =	sadd.s32 $0x2020, s1;
	s23 =	simm.s32 $0xED90  }
0x1e5: {  	[hbm4b:s12+s3] =	stream.linear.scatter [tilespmem:s23], [sflag:$0x5], $0x80, $0x38;
	[tilespmem:$0x18500] =	vst v63  }
0x1e6: {  	s12 =	sadd.s32 $0x2030, s1;
	s23 =	simm.s32 $0xEE18  }
0x1e7: {  	[hbm4b:s12+s3] =	stream.linear.scatter [tilespmem:s23], [sflag:$0x5], $0x80, $0x38;
	[tilespmem:$0x18500] =	vst v63  }
0x1e8: {  	s12 =	sadd.s32 $0x2040, s1;
	s23 =	simm.s32 $0xEEA0  }
0x1e9: {  	[hbm4b:s12+s3] =	stream.linear.scatter [tilespmem:s23], [sflag:$0x5], $0x80, $0x38;
	[tilespmem:$0x18500] =	vst v63  }
0x1ea: {  	s12 =	sadd.s32 $0x2050, s1;
	s23 =	simm.s32 $0xEF28  }
0x1eb: {  	[hbm4b:s12+s3] =	stream.linear.scatter [tilespmem:s23], [sflag:$0x5], $0x80, $0x38;
	[tilespmem:$0x18500] =	vst v63  }
0x1ec: {  	s12 =	sadd.s32 $0x2060, s1;
	s23 =	simm.s32 $0xEFB0  }
0x1ed: {  	[hbm4b:s12+s3] =	stream.linear.scatter [tilespmem:s23], [sflag:$0x5], $0x80, $0x38;
	[tilespmem:$0x18500] =	vst v63  }
0x1ee: {  	s12 =	sadd.s32 $0x2070, s1;
	s23 =	simm.s32 $0xF038  }
0x1ef: {  	[hbm4b:s12+s3] =	stream.linear.scatter [tilespmem:s23], [sflag:$0x5], $0x80, $0x38;
	[tilespmem:$0x18500] =	vst v63  }
0x1f0: {  	s12 =	sadd.s32 $0x3000, s1;
	s23 =	simm.s32 $0xF0C0  }
0x1f1: {  	[hbm4b:s12+s3] =	stream.linear.scatter [tilespmem:s23], [sflag:$0x5], $0x80, $0x38;
	[tilespmem:$0x18500] =	vst v63  }
0x1f2: {  	s12 =	sadd.s32 $0x3010, s1;
	s23 =	simm.s32 $0xF148  }
0x1f3: {  	[hbm4b:s12+s3] =	stream.linear.scatter [tilespmem:s23], [sflag:$0x5], $0x80, $0x38;
	[tilespmem:$0x18500] =	vst v63  }
0x1f4: {  	s12 =	sadd.s32 $0x3020, s1;
	s23 =	simm.s32 $0xF1D0  }
0x1f5: {  	[hbm4b:s12+s3] =	stream.linear.scatter [tilespmem:s23], [sflag:$0x5], $0x80, $0x38;
	[tilespmem:$0x18500] =	vst v63  }
0x1f6: {  	s12 =	sadd.s32 $0x3030, s1;
	s23 =	simm.s32 $0xF258  }
0x1f7: {  	[hbm4b:s12+s3] =	stream.linear.scatter [tilespmem:s23], [sflag:$0x5], $0x80, $0x38;
	[tilespmem:$0x18500] =	vst v63  }
0x1f8: {  	s12 =	sadd.s32 $0x3040, s1;
	s23 =	simm.s32 $0xF2E0  }
0x1f9: {  	[hbm4b:s12+s3] =	stream.linear.scatter [tilespmem:s23], [sflag:$0x5], $0x80, $0x38;
	[tilespmem:$0x18500] =	vst v63  }
0x1fa: {  	s12 =	sadd.s32 $0x3050, s1;
	s23 =	simm.s32 $0xF368  }
0x1fb: {  	[hbm4b:s12+s3] =	stream.linear.scatter [tilespmem:s23], [sflag:$0x5], $0x80, $0x38;
	[tilespmem:$0x18500] =	vst v63  }
0x1fc: {  	s12 =	sadd.s32 $0x3060, s1;
	s23 =	simm.s32 $0xF3F0  }
0x1fd: {  	[hbm4b:s12+s3] =	stream.linear.scatter [tilespmem:s23], [sflag:$0x5], $0x80, $0x38;
	[tilespmem:$0x18500] =	vst v63  }
0x1fe: {  	s1 =	sadd.s32 $0x3070, s1;
	s23 =	simm.s32 $0xF478;
	s12 =	sshll.u32 s22, $0x11  }
0x1ff: {  	[hbm4b:s1+s3] =	stream.linear.scatter [tilespmem:s23], [sflag:$0x5], $0x80, $0x38;
	[tilespmem:$0x18500] =	vst v63  }
0x200: {  	s1 =	sor.u32 s7, s12  }
0x201: {  	s1 =	sshrl.u32 s1, $0x3  }
0x202: {  	s1 =	sadd.s32 s2, s1  }
0x203: {  	[hbm4b:s1+s3] =	stream.linear.scatter [tilespmem:s21], [sflag:$0x5], $0x80, $0x38;
	[tilespmem:$0x18500] =	vst v63  }
0x204: {  	s23 =	simm.s32 $0xF588;
	s22 =	sadd.s32 $0x10, s1  }
0x205: {  	[hbm4b:s22+s3] =	stream.linear.scatter [tilespmem:s23], [sflag:$0x5], $0x80, $0x38;
	[tilespmem:$0x18500] =	vst v63  }
0x206: {  	s22 =	sadd.s32 $0x20, s1;
	s23 =	simm.s32 $0xF610  }
0x207: {  	[hbm4b:s22+s3] =	stream.linear.scatter [tilespmem:s23], [sflag:$0x5], $0x80, $0x38;
	[tilespmem:$0x18500] =	vst v63  }
0x208: {  	s22 =	sadd.s32 $0x30, s1;
	s23 =	simm.s32 $0xF698  }
0x209: {  	[hbm4b:s22+s3] =	stream.linear.scatter [tilespmem:s23], [sflag:$0x5], $0x80, $0x38;
	[tilespmem:$0x18500] =	vst v63  }
0x20a: {  	s22 =	sadd.s32 $0x40, s1;
	s23 =	simm.s32 $0xF720  }
0x20b: {  	[hbm4b:s22+s3] =	stream.linear.scatter [tilespmem:s23], [sflag:$0x5], $0x80, $0x38;
	[tilespmem:$0x18500] =	vst v63  }
0x20c: {  	s22 =	sadd.s32 $0x50, s1;
	s23 =	simm.s32 $0xF7A8  }
0x20d: {  	[hbm4b:s22+s3] =	stream.linear.scatter [tilespmem:s23], [sflag:$0x5], $0x80, $0x38;
	[tilespmem:$0x18500] =	vst v63  }
0x20e: {  	s22 =	sadd.s32 $0x60, s1;
	s23 =	simm.s32 $0xF830  }
0x20f: {  	[hbm4b:s22+s3] =	stream.linear.scatter [tilespmem:s23], [sflag:$0x5], $0x80, $0x38;
	[tilespmem:$0x18500] =	vst v63  }
0x210: {  	s22 =	sadd.s32 $0x70, s1;
	s23 =	simm.s32 $0xF8B8  }
0x211: {  	[hbm4b:s22+s3] =	stream.linear.scatter [tilespmem:s23], [sflag:$0x5], $0x80, $0x38;
	[tilespmem:$0x18500] =	vst v63  }
0x212: {  	s22 =	sadd.s32 $0x1000, s1;
	s23 =	simm.s32 $0xF940  }
0x213: {  	[hbm4b:s22+s3] =	stream.linear.scatter [tilespmem:s23], [sflag:$0x5], $0x80, $0x38;
	[tilespmem:$0x18500] =	vst v63  }
0x214: {  	s22 =	sadd.s32 $0x1010, s1;
	s23 =	simm.s32 $0xF9C8  }
0x215: {  	[hbm4b:s22+s3] =	stream.linear.scatter [tilespmem:s23], [sflag:$0x5], $0x80, $0x38;
	[tilespmem:$0x18500] =	vst v63  }
0x216: {  	s22 =	sadd.s32 $0x1020, s1;
	s23 =	simm.s32 $0xFA50  }
0x217: {  	[hbm4b:s22+s3] =	stream.linear.scatter [tilespmem:s23], [sflag:$0x5], $0x80, $0x38;
	[tilespmem:$0x18500] =	vst v63  }
0x218: {  	s22 =	sadd.s32 $0x1030, s1;
	s23 =	simm.s32 $0xFAD8  }
0x219: {  	[hbm4b:s22+s3] =	stream.linear.scatter [tilespmem:s23], [sflag:$0x5], $0x80, $0x38;
	[tilespmem:$0x18500] =	vst v63  }
0x21a: {  	s22 =	sadd.s32 $0x1040, s1;
	s23 =	simm.s32 $0xFB60  }
0x21b: {  	[hbm4b:s22+s3] =	stream.linear.scatter [tilespmem:s23], [sflag:$0x5], $0x80, $0x38;
	[tilespmem:$0x18500] =	vst v63  }
0x21c: {  	s22 =	sadd.s32 $0x1050, s1;
	s23 =	simm.s32 $0xFBE8  }
0x21d: {  	[hbm4b:s22+s3] =	stream.linear.scatter [tilespmem:s23], [sflag:$0x5], $0x80, $0x38;
	[tilespmem:$0x18500] =	vst v63  }
0x21e: {  	s22 =	sadd.s32 $0x1060, s1;
	s23 =	simm.s32 $0xFC70  }
0x21f: {  	[hbm4b:s22+s3] =	stream.linear.scatter [tilespmem:s23], [sflag:$0x5], $0x80, $0x38;
	[tilespmem:$0x18500] =	vst v63  }
0x220: {  	s22 =	sadd.s32 $0x1070, s1;
	s23 =	simm.s32 $0xFCF8  }
0x221: {  	[hbm4b:s22+s3] =	stream.linear.scatter [tilespmem:s23], [sflag:$0x5], $0x80, $0x38;
	[tilespmem:$0x18500] =	vst v63  }
0x222: {  	s22 =	sadd.s32 $0x2000, s1;
	s23 =	simm.s32 $0xFD80  }
0x223: {  	[hbm4b:s22+s3] =	stream.linear.scatter [tilespmem:s23], [sflag:$0x5], $0x80, $0x38;
	[tilespmem:$0x18500] =	vst v63  }
0x224: {  	s22 =	sadd.s32 $0x2010, s1;
	s23 =	simm.s32 $0xFE08  }
0x225: {  	[hbm4b:s22+s3] =	stream.linear.scatter [tilespmem:s23], [sflag:$0x5], $0x80, $0x38;
	[tilespmem:$0x18500] =	vst v63  }
0x226: {  	s22 =	sadd.s32 $0x2020, s1;
	s23 =	simm.s32 $0xFE90  }
0x227: {  	[hbm4b:s22+s3] =	stream.linear.scatter [tilespmem:s23], [sflag:$0x5], $0x80, $0x38;
	[tilespmem:$0x18500] =	vst v63  }
0x228: {  	s22 =	sadd.s32 $0x2030, s1;
	s23 =	simm.s32 $0xFF18  }
0x229: {  	[hbm4b:s22+s3] =	stream.linear.scatter [tilespmem:s23], [sflag:$0x5], $0x80, $0x38;
	[tilespmem:$0x18500] =	vst v63  }
0x22a: {  	s22 =	sadd.s32 $0x2040, s1;
	s23 =	simm.s32 $0xFFA0  }
0x22b: {  	[hbm4b:s22+s3] =	stream.linear.scatter [tilespmem:s23], [sflag:$0x5], $0x80, $0x38;
	[tilespmem:$0x18500] =	vst v63  }
0x22c: {  	s22 =	sadd.s32 $0x2050, s1;
	s23 =	simm.s32 $0x10028  }
0x22d: {  	[hbm4b:s22+s3] =	stream.linear.scatter [tilespmem:s23], [sflag:$0x5], $0x80, $0x38;
	[tilespmem:$0x18500] =	vst v63  }
0x22e: {  	s22 =	sadd.s32 $0x2060, s1;
	s23 =	simm.s32 $0x100B0  }
0x22f: {  	[hbm4b:s22+s3] =	stream.linear.scatter [tilespmem:s23], [sflag:$0x5], $0x80, $0x38;
	[tilespmem:$0x18500] =	vst v63  }
0x230: {  	s22 =	sadd.s32 $0x2070, s1;
	s23 =	simm.s32 $0x10138  }
0x231: {  	[hbm4b:s22+s3] =	stream.linear.scatter [tilespmem:s23], [sflag:$0x5], $0x80, $0x38;
	[tilespmem:$0x18500] =	vst v63  }
0x232: {  	s22 =	sadd.s32 $0x3000, s1;
	s23 =	simm.s32 $0x101C0  }
0x233: {  	[hbm4b:s22+s3] =	stream.linear.scatter [tilespmem:s23], [sflag:$0x5], $0x80, $0x38;
	[tilespmem:$0x18500] =	vst v63  }
0x234: {  	s22 =	sadd.s32 $0x3010, s1;
	s23 =	simm.s32 $0x10248  }
0x235: {  	[hbm4b:s22+s3] =	stream.linear.scatter [tilespmem:s23], [sflag:$0x5], $0x80, $0x38;
	[tilespmem:$0x18500] =	vst v63  }
0x236: {  	s22 =	sadd.s32 $0x3020, s1;
	s23 =	simm.s32 $0x102D0  }
0x237: {  	[hbm4b:s22+s3] =	stream.linear.scatter [tilespmem:s23], [sflag:$0x5], $0x80, $0x38;
	[tilespmem:$0x18500] =	vst v63  }
0x238: {  	s22 =	sadd.s32 $0x3030, s1;
	s23 =	simm.s32 $0x10358  }
0x239: {  	[hbm4b:s22+s3] =	stream.linear.scatter [tilespmem:s23], [sflag:$0x5], $0x80, $0x38;
	[tilespmem:$0x18500] =	vst v63  }
0x23a: {  	s22 =	sadd.s32 $0x3040, s1;
	s23 =	simm.s32 $0x103E0  }
0x23b: {  	[hbm4b:s22+s3] =	stream.linear.scatter [tilespmem:s23], [sflag:$0x5], $0x80, $0x38;
	[tilespmem:$0x18500] =	vst v63  }
0x23c: {  	s22 =	sadd.s32 $0x3050, s1;
	s23 =	simm.s32 $0x10468  }
0x23d: {  	[hbm4b:s22+s3] =	stream.linear.scatter [tilespmem:s23], [sflag:$0x5], $0x80, $0x38;
	[tilespmem:$0x18500] =	vst v63  }
0x23e: {  	s12 =	sadd.s32 $0x3060, s1;
	s22 =	simm.s32 $0x104F0  }
0x23f: {  	[hbm4b:s12+s3] =	stream.linear.scatter [tilespmem:s22], [sflag:$0x5], $0x80, $0x38;
	[tilespmem:$0x18500] =	vst v63  }
0x240: {  	p0 =	seq.s32 s15, $0x0;
	s1 =	sadd.s32 $0x3070, s1;
	s23 =	simm.s32 $0x10578  }
0x241: {  	[hbm4b:s1+s3] =	stream.linear.scatter [tilespmem:s23], [sflag:$0x5], $0x80, $0x38;
	[tilespmem:$0x18500] =	vst v63  }
0x242: {  	s1 =	simm.s32 @!p0 $0x7  }
0x243: {  	_ =	swait.ge @!p0 [sflag:s1], $0x1000  }
0x244: {  	[sflag:s1] =	ssyncset.done @!p0 $0x0  }
0x245: {  	s22 =	sshll.u32 s15, $0x2;
	[sflag:s1] =	ssyncadd.s32 @!p0 $0xFFFFF000  }
0x246: {  	s23 =	sor.u32 $0x2, s22;
	_ =	swait.ge @!p0 [sflag:s1], $0x1000  }
0x247: {  	s12 =	sshll.u32 s23, $0x8;
	[sflag:s1] =	ssyncset.done @!p0 $0x0  }
0x248: {  	[sflag:s1] =	ssyncadd.s32 @!p0 $0xFFFFF000;
	s1 =	sand.u32 $0x3FFFFF00, s12;
	s12 =	simm.s32 $0xA400  }
0x249: {  	[tilespmem:s12], [sflag:$0x3] =	stream.indirect.gather [hbm4b:s4+s9], $0x20, s1, s9, $0xb8;
	[tilespmem:$0x18500] =	vst v63  }
0x24a: {  	s1 =	sor.u32 $0x80, s1;
	s12 =	simm.s32 $0xB400  }
0x24b: {  	[tilespmem:s12], [sflag:$0x3] =	stream.indirect.gather [hbm4b:s4+s9], $0x20, s1, s9, $0xb8;
	[tilespmem:$0x18500] =	vst v63  }
0x24c: {  	_ =	swait.ge [sflag:s6], $0x1000  }
0x24d: {  	[sflag:s6] =	ssyncset.done $0x0  }
0x24e: {  	[sflag:s6] =	ssyncadd.s32 $0xFFFFF000  }
0x24f: {  	s28 =	sor.u32 $0x1, s22;
	_ =	swait.ge [sflag:s6], $0x1000  }
0x250: {  	s10 =	sshll.u32 s28, $0x6;
	s12 =	simm.s32 $0x0;
	[sflag:s6] =	ssyncset.done $0x0  }
0x251: {  	s1 =	sand.u32 $0x3FFFFFC0, s10;
	v18 =	vmov s12;
	[sflag:s6] =	ssyncadd.s32 $0xFFFFF000  }
0x252: {  	v19 =	vshrl.u32 v18, $0x3;
	v17 =	vld [tilespmem:s1+$0x16C00]  }
0x253: {  	s29 =	simm.s32 $0x8480;
	v19 =	vshll.u32 v19, v1;
	v18 =	vld [tilespmem:s1+$0x16C10]  }
0x254: {  	v19 =	vbroadcast v19, $0x0;
	v20 =	vld [tilespmem:s29+$0xFFFFFF80]  }
0x255: {  	v21 =	vld [tilespmem:s29+$0xFFFFFF90]  }
0x256: {  	v22 =	vadd.s32 v0, v19  }
0x257: {  	v19 =	vadd.s32 v2, v19;
	_ =	sdelay $0x1  }
0x258: {  	s12 =	simm.s32 $0x1;
	v20 =	vadd.f32 v20, v17  }
0x259: {  	v23 =	vmov s12;
	v21 =	vadd.f32 v21, v18  }
0x25a: {  	[tilespmem:v22+s8+$0x0] =	vst.idx.msk $0xffff, v20;
	v20 =	vshrl.u32 v23, $0x3  }
0x25b: {  	[tilespmem:v19+s8+$0x0] =	vst.idx.msk $0xffff, v21;
	v19 =	vshll.u32 v20, v1  }
0x25c: {  	v20 =	vld [tilespmem:s29+$0xFFFFFFA0];
	v19 =	vbroadcast v19, $0x0  }
0x25d: {  	v21 =	vld [tilespmem:s29+$0xFFFFFFB0]  }
0x25e: {  	v22 =	vadd.s32 v3, v19  }
0x25f: {  	v19 =	vadd.s32 v4, v19;
	_ =	sdelay $0x1  }
0x260: {  	s10 =	simm.s32 $0x2;
	v20 =	vadd.f32 v20, v17  }
0x261: {  	v23 =	vmov s10;
	v21 =	vadd.f32 v21, v18  }
0x262: {  	[tilespmem:v22+s8+$0x0] =	vst.idx.msk $0xffff, v20;
	v20 =	vshrl.u32 v23, $0x3  }
0x263: {  	[tilespmem:v19+s8+$0x0] =	vst.idx.msk $0xffff, v21;
	v19 =	vshll.u32 v20, v1  }
0x264: {  	v20 =	vld [tilespmem:s29+$0xFFFFFFC0];
	v19 =	vbroadcast v19, $0x0  }
0x265: {  	v21 =	vld [tilespmem:s29+$0xFFFFFFD0]  }
0x266: {  	v22 =	vadd.s32 v5, v19  }
0x267: {  	v19 =	vadd.s32 v6, v19;
	_ =	sdelay $0x1  }
0x268: {  	s12 =	simm.s32 $0x3;
	v20 =	vadd.f32 v20, v17  }
0x269: {  	v23 =	vmov s12;
	v21 =	vadd.f32 v21, v18  }
0x26a: {  	[tilespmem:v22+s8+$0x0] =	vst.idx.msk $0xffff, v20;
	v20 =	vshrl.u32 v23, $0x3  }
0x26b: {  	[tilespmem:v19+s8+$0x0] =	vst.idx.msk $0xffff, v21;
	v19 =	vshll.u32 v20, v1  }
0x26c: {  	v20 =	vld [tilespmem:s29+$0xFFFFFFE0];
	v19 =	vbroadcast v19, $0x0  }
0x26d: {  	v21 =	vld [tilespmem:s29+$0xFFFFFFF0]  }
0x26e: {  	v22 =	vadd.s32 v7, v19  }
0x26f: {  	v19 =	vadd.s32 v8, v19;
	_ =	sdelay $0x1  }
0x270: {  	s10 =	simm.s32 $0x4;
	v20 =	vadd.f32 v20, v17  }
0x271: {  	v23 =	vmov s10;
	v21 =	vadd.f32 v21, v18  }
0x272: {  	[tilespmem:v22+s8+$0x0] =	vst.idx.msk $0xffff, v20;
	v20 =	vshrl.u32 v23, $0x3  }
0x273: {  	[tilespmem:v19+s8+$0x0] =	vst.idx.msk $0xffff, v21;
	v19 =	vshll.u32 v20, v1  }
0x274: {  	v20 =	vld [tilespmem:s29+$0x0];
	v19 =	vbroadcast v19, $0x0  }
0x275: {  	v21 =	vld [tilespmem:s29+$0x10]  }
0x276: {  	v22 =	vadd.s32 v9, v19  }
0x277: {  	v19 =	vadd.s32 v10, v19;
	_ =	sdelay $0x1  }
0x278: {  	s12 =	simm.s32 $0x5;
	v20 =	vadd.f32 v20, v17  }
0x279: {  	v23 =	vmov s12;
	v21 =	vadd.f32 v21, v18  }
0x27a: {  	[tilespmem:v22+s8+$0x0] =	vst.idx.msk $0xffff, v20;
	v20 =	vshrl.u32 v23, $0x3  }
0x27b: {  	[tilespmem:v19+s8+$0x0] =	vst.idx.msk $0xffff, v21;
	v19 =	vshll.u32 v20, v1  }
0x27c: {  	v20 =	vld [tilespmem:s29+$0x20];
	v19 =	vbroadcast v19, $0x0  }
0x27d: {  	v21 =	vld [tilespmem:s29+$0x30]  }
0x27e: {  	v22 =	vadd.s32 v11, v19  }
0x27f: {  	v19 =	vadd.s32 v12, v19;
	_ =	sdelay $0x1  }
0x280: {  	s10 =	simm.s32 $0x6;
	v20 =	vadd.f32 v20, v17  }
0x281: {  	v23 =	vmov s10;
	v21 =	vadd.f32 v21, v18  }
0x282: {  	[tilespmem:v22+s8+$0x0] =	vst.idx.msk $0xffff, v20;
	v20 =	vshrl.u32 v23, $0x3  }
0x283: {  	[tilespmem:v19+s8+$0x0] =	vst.idx.msk $0xffff, v21;
	v19 =	vshll.u32 v20, v1  }
0x284: {  	v20 =	vld [tilespmem:s29+$0x40];
	v19 =	vbroadcast v19, $0x0  }
0x285: {  	v21 =	vld [tilespmem:s29+$0x50]  }
0x286: {  	v22 =	vadd.s32 v13, v19  }
0x287: {  	v19 =	vadd.s32 v14, v19;
	_ =	sdelay $0x1  }
0x288: {  	s12 =	simm.s32 $0x7;
	v20 =	vadd.f32 v20, v17  }
0x289: {  	v23 =	vmov s12;
	v21 =	vadd.f32 v21, v18  }
0x28a: {  	[tilespmem:v22+s8+$0x0] =	vst.idx.msk $0xffff, v20;
	v20 =	vshrl.u32 v23, $0x3  }
0x28b: {  	[tilespmem:v19+s8+$0x0] =	vst.idx.msk $0xffff, v21;
	v19 =	vshll.u32 v20, v1  }
0x28c: {  	v20 =	vld [tilespmem:s29+$0x60];
	v19 =	vbroadcast v19, $0x0;
	_ =	sdelay $0x1  }
0x28d: {  	v21 =	vld [tilespmem:s29+$0x70];
	v22 =	vadd.s32 v15, v19;
	_ =	sdelay $0x1  }
0x28e: {  	v19 =	vadd.s32 v16, v19  }
0x28f: {  	s30 =	simm.s32 $0x8;
	v23 =	vadd.f32 v20, v17  }
0x290: {  	v24 =	vmov s30  }
0x291: {  	s31 =	simm.s32 $0x10;
	v20 =	vadd.f32 v21, v18;
	v21 =	vshrl.u32 v24, $0x3;
	[tilespmem:v22+s8+$0x0] =	vst.idx.msk $0xffff, v23  }
.LBB2_7:
0x292: {  	p1 =	slt.u32 s31, $0x78  }
0x293: {  	v21 =	vshll.u32 v21, v1;
	[tilespmem:v19+s8+$0x0] =	vst.idx.msk $0xffff, v20;
	s29 =	sadd.s32 $0x100, s29;
	s1 =	smov.u32 s31;
	s31 =	sadd.s32 $0x8, s31  }
0x294: {  	v19 =	vld [tilespmem:s29+$0xFFFFFF80];
	v20 =	vbroadcast v21, $0x0  }
0x295: {  	v21 =	vld [tilespmem:s29+$0xFFFFFF90]  }
0x296: {  	v22 =	vadd.s32 v0, v20  }
0x297: {  	v20 =	vadd.s32 v2, v20;
	_ =	sdelay $0x1  }
0x298: {  	s10 =	sadd.s32 $0x1, s30;
	v19 =	vadd.f32 v19, v17  }
0x299: {  	v23 =	vmov s10;
	v21 =	vadd.f32 v21, v18  }
0x29a: {  	[tilespmem:v22+s8+$0x0] =	vst.idx.msk $0xffff, v19;
	v19 =	vshrl.u32 v23, $0x3  }
0x29b: {  	[tilespmem:v20+s8+$0x0] =	vst.idx.msk $0xffff, v21;
	v19 =	vshll.u32 v19, v1  }
0x29c: {  	v20 =	vld [tilespmem:s29+$0xFFFFFFA0];
	v19 =	vbroadcast v19, $0x0  }
0x29d: {  	v21 =	vld [tilespmem:s29+$0xFFFFFFB0]  }
0x29e: {  	v22 =	vadd.s32 v3, v19  }
0x29f: {  	v19 =	vadd.s32 v4, v19;
	_ =	sdelay $0x1  }
0x2a0: {  	s10 =	sadd.s32 $0x2, s30;
	v20 =	vadd.f32 v20, v17  }
0x2a1: {  	v23 =	vmov s10;
	v21 =	vadd.f32 v21, v18  }
0x2a2: {  	[tilespmem:v22+s8+$0x0] =	vst.idx.msk $0xffff, v20;
	v20 =	vshrl.u32 v23, $0x3  }
0x2a3: {  	[tilespmem:v19+s8+$0x0] =	vst.idx.msk $0xffff, v21;
	v19 =	vshll.u32 v20, v1  }
0x2a4: {  	v20 =	vld [tilespmem:s29+$0xFFFFFFC0];
	v19 =	vbroadcast v19, $0x0  }
0x2a5: {  	v21 =	vld [tilespmem:s29+$0xFFFFFFD0]  }
0x2a6: {  	v22 =	vadd.s32 v5, v19  }
0x2a7: {  	v19 =	vadd.s32 v6, v19;
	_ =	sdelay $0x1  }
0x2a8: {  	s10 =	sadd.s32 $0x3, s30;
	v20 =	vadd.f32 v20, v17  }
0x2a9: {  	v23 =	vmov s10;
	v21 =	vadd.f32 v21, v18  }
0x2aa: {  	[tilespmem:v22+s8+$0x0] =	vst.idx.msk $0xffff, v20;
	v20 =	vshrl.u32 v23, $0x3  }
0x2ab: {  	[tilespmem:v19+s8+$0x0] =	vst.idx.msk $0xffff, v21;
	v19 =	vshll.u32 v20, v1  }
0x2ac: {  	v20 =	vld [tilespmem:s29+$0xFFFFFFE0];
	v19 =	vbroadcast v19, $0x0  }
0x2ad: {  	v21 =	vld [tilespmem:s29+$0xFFFFFFF0]  }
0x2ae: {  	v22 =	vadd.s32 v7, v19  }
0x2af: {  	v19 =	vadd.s32 v8, v19;
	_ =	sdelay $0x1  }
0x2b0: {  	s10 =	sadd.s32 $0x4, s30;
	v20 =	vadd.f32 v20, v17  }
0x2b1: {  	v23 =	vmov s10;
	v21 =	vadd.f32 v21, v18  }
0x2b2: {  	[tilespmem:v22+s8+$0x0] =	vst.idx.msk $0xffff, v20;
	v20 =	vshrl.u32 v23, $0x3  }
0x2b3: {  	[tilespmem:v19+s8+$0x0] =	vst.idx.msk $0xffff, v21;
	v19 =	vshll.u32 v20, v1  }
0x2b4: {  	v20 =	vld [tilespmem:s29+$0x0];
	v19 =	vbroadcast v19, $0x0  }
0x2b5: {  	v21 =	vld [tilespmem:s29+$0x10]  }
0x2b6: {  	v22 =	vadd.s32 v9, v19  }
0x2b7: {  	v19 =	vadd.s32 v10, v19;
	_ =	sdelay $0x1  }
0x2b8: {  	s10 =	sadd.s32 $0x5, s30;
	v20 =	vadd.f32 v20, v17  }
0x2b9: {  	v23 =	vmov s10;
	v21 =	vadd.f32 v21, v18  }
0x2ba: {  	[tilespmem:v22+s8+$0x0] =	vst.idx.msk $0xffff, v20;
	v20 =	vshrl.u32 v23, $0x3  }
0x2bb: {  	[tilespmem:v19+s8+$0x0] =	vst.idx.msk $0xffff, v21;
	v19 =	vshll.u32 v20, v1  }
0x2bc: {  	v20 =	vld [tilespmem:s29+$0x20];
	v19 =	vbroadcast v19, $0x0  }
0x2bd: {  	v21 =	vld [tilespmem:s29+$0x30]  }
0x2be: {  	v22 =	vadd.s32 v11, v19  }
0x2bf: {  	v19 =	vadd.s32 v12, v19;
	_ =	sdelay $0x1  }
0x2c0: {  	s10 =	sadd.s32 $0x6, s30;
	v20 =	vadd.f32 v20, v17  }
0x2c1: {  	v23 =	vmov s10;
	v21 =	vadd.f32 v21, v18  }
0x2c2: {  	[tilespmem:v22+s8+$0x0] =	vst.idx.msk $0xffff, v20;
	v20 =	vshrl.u32 v23, $0x3  }
0x2c3: {  	[tilespmem:v19+s8+$0x0] =	vst.idx.msk $0xffff, v21;
	v19 =	vshll.u32 v20, v1  }
0x2c4: {  	v20 =	vld [tilespmem:s29+$0x40];
	v19 =	vbroadcast v19, $0x0  }
0x2c5: {  	v21 =	vld [tilespmem:s29+$0x50]  }
0x2c6: {  	v22 =	vadd.s32 v13, v19  }
0x2c7: {  	v19 =	vadd.s32 v14, v19;
	_ =	sdelay $0x1  }
0x2c8: {  	s10 =	sadd.s32 $0x7, s30;
	s30 =	smov.u32 s1;
	v20 =	vadd.f32 v20, v17  }
0x2c9: {  	v23 =	vmov s10;
	v21 =	vadd.f32 v21, v18  }
0x2ca: {  	[tilespmem:v22+s8+$0x0] =	vst.idx.msk $0xffff, v20;
	v20 =	vshrl.u32 v23, $0x3  }
0x2cb: {  	[tilespmem:v19+s8+$0x0] =	vst.idx.msk $0xffff, v21;
	v19 =	vshll.u32 v20, v1  }
0x2cc: {  	v20 =	vld [tilespmem:s29+$0x60];
	v19 =	vbroadcast v19, $0x0  }
0x2cd: {  	v21 =	vld [tilespmem:s29+$0x70]  }
0x2ce: {  	v22 =	vadd.s32 v15, v19  }
.Ltmp4:
0x2cf: {  	v19 =	vadd.s32 v16, v19;
	(pc) =	sbr.rel @p1 .LBB2_7-.Ltmp4, $4  }
0x2d0: {  	_ = 	snop  }
0x2d1: {  	v23 =	vadd.f32 v20, v17  }
0x2d2: {  	v24 =	vmov s30;
	v20 =	vadd.f32 v21, v18  }
0x2d3: {  	v21 =	vshrl.u32 v24, $0x3;
	[tilespmem:v22+s8+$0x0] =	vst.idx.msk $0xffff, v23  }
0x2d4: {  	_ =	sdelay $0x3  }
0x2d5: {  	v21 =	vshll.u32 v21, v1;
	[tilespmem:v19+s8+$0x0] =	vst.idx.msk $0xffff, v20;
	s1 =	sadd.s32 $0x100, s29  }
0x2d6: {  	v19 =	vld [tilespmem:s1+$0xFFFFFF80];
	v20 =	vbroadcast v21, $0x0  }
0x2d7: {  	v21 =	vld [tilespmem:s1+$0xFFFFFF90]  }
0x2d8: {  	v22 =	vadd.s32 v0, v20  }
0x2d9: {  	v20 =	vadd.s32 v2, v20;
	_ =	sdelay $0x1  }
0x2da: {  	s10 =	sadd.s32 $0x1, s30;
	v19 =	vadd.f32 v19, v17  }
0x2db: {  	v23 =	vmov s10;
	v21 =	vadd.f32 v21, v18  }
0x2dc: {  	[tilespmem:v22+s8+$0x0] =	vst.idx.msk $0xffff, v19;
	v19 =	vshrl.u32 v23, $0x3  }
0x2dd: {  	[tilespmem:v20+s8+$0x0] =	vst.idx.msk $0xffff, v21;
	v19 =	vshll.u32 v19, v1  }
0x2de: {  	v20 =	vld [tilespmem:s1+$0xFFFFFFA0];
	v19 =	vbroadcast v19, $0x0  }
0x2df: {  	v21 =	vld [tilespmem:s1+$0xFFFFFFB0]  }
0x2e0: {  	v22 =	vadd.s32 v3, v19  }
0x2e1: {  	v19 =	vadd.s32 v4, v19;
	_ =	sdelay $0x1  }
0x2e2: {  	s12 =	sadd.s32 $0x2, s30;
	v20 =	vadd.f32 v20, v17  }
0x2e3: {  	v23 =	vmov s12;
	v21 =	vadd.f32 v21, v18  }
0x2e4: {  	[tilespmem:v22+s8+$0x0] =	vst.idx.msk $0xffff, v20;
	v20 =	vshrl.u32 v23, $0x3  }
0x2e5: {  	[tilespmem:v19+s8+$0x0] =	vst.idx.msk $0xffff, v21;
	v19 =	vshll.u32 v20, v1  }
0x2e6: {  	v20 =	vld [tilespmem:s1+$0xFFFFFFC0];
	v19 =	vbroadcast v19, $0x0  }
0x2e7: {  	v21 =	vld [tilespmem:s1+$0xFFFFFFD0]  }
0x2e8: {  	v22 =	vadd.s32 v5, v19  }
0x2e9: {  	v19 =	vadd.s32 v6, v19;
	_ =	sdelay $0x1  }
0x2ea: {  	s12 =	sadd.s32 $0x3, s30;
	v20 =	vadd.f32 v20, v17  }
0x2eb: {  	v23 =	vmov s12;
	v21 =	vadd.f32 v21, v18  }
0x2ec: {  	[tilespmem:v22+s8+$0x0] =	vst.idx.msk $0xffff, v20;
	v20 =	vshrl.u32 v23, $0x3  }
0x2ed: {  	[tilespmem:v19+s8+$0x0] =	vst.idx.msk $0xffff, v21;
	v19 =	vshll.u32 v20, v1  }
0x2ee: {  	v20 =	vld [tilespmem:s1+$0xFFFFFFE0];
	v19 =	vbroadcast v19, $0x0  }
0x2ef: {  	v21 =	vld [tilespmem:s1+$0xFFFFFFF0]  }
0x2f0: {  	v22 =	vadd.s32 v7, v19  }
0x2f1: {  	v19 =	vadd.s32 v8, v19;
	_ =	sdelay $0x1  }
0x2f2: {  	s12 =	sadd.s32 $0x4, s30;
	v20 =	vadd.f32 v20, v17  }
0x2f3: {  	v23 =	vmov s12;
	v21 =	vadd.f32 v21, v18  }
0x2f4: {  	[tilespmem:v22+s8+$0x0] =	vst.idx.msk $0xffff, v20;
	v20 =	vshrl.u32 v23, $0x3  }
0x2f5: {  	[tilespmem:v19+s8+$0x0] =	vst.idx.msk $0xffff, v21;
	v19 =	vshll.u32 v20, v1  }
0x2f6: {  	v20 =	vld [tilespmem:s1+$0x0];
	v19 =	vbroadcast v19, $0x0  }
0x2f7: {  	v21 =	vld [tilespmem:s1+$0x10]  }
0x2f8: {  	v22 =	vadd.s32 v9, v19  }
0x2f9: {  	v19 =	vadd.s32 v10, v19;
	_ =	sdelay $0x1  }
0x2fa: {  	s12 =	sadd.s32 $0x5, s30;
	v20 =	vadd.f32 v20, v17  }
0x2fb: {  	v23 =	vmov s12;
	v21 =	vadd.f32 v21, v18  }
0x2fc: {  	[tilespmem:v22+s8+$0x0] =	vst.idx.msk $0xffff, v20;
	v20 =	vshrl.u32 v23, $0x3  }
0x2fd: {  	[tilespmem:v19+s8+$0x0] =	vst.idx.msk $0xffff, v21;
	v19 =	vshll.u32 v20, v1  }
0x2fe: {  	v20 =	vld [tilespmem:s1+$0x20];
	v19 =	vbroadcast v19, $0x0  }
0x2ff: {  	v21 =	vld [tilespmem:s1+$0x30]  }
0x300: {  	v22 =	vadd.s32 v11, v19  }
0x301: {  	v19 =	vadd.s32 v12, v19;
	_ =	sdelay $0x1  }
0x302: {  	s12 =	sadd.s32 $0x6, s30;
	v20 =	vadd.f32 v20, v17  }
0x303: {  	v23 =	vmov s12;
	v21 =	vadd.f32 v21, v18  }
0x304: {  	[tilespmem:v22+s8+$0x0] =	vst.idx.msk $0xffff, v20;
	v20 =	vshrl.u32 v23, $0x3  }
0x305: {  	[tilespmem:v19+s8+$0x0] =	vst.idx.msk $0xffff, v21;
	v19 =	vshll.u32 v20, v1  }
0x306: {  	v20 =	vld [tilespmem:s1+$0x40];
	v19 =	vbroadcast v19, $0x0  }
0x307: {  	v21 =	vld [tilespmem:s1+$0x50]  }
0x308: {  	v22 =	vadd.s32 v13, v19  }
0x309: {  	v19 =	vadd.s32 v14, v19;
	_ =	sdelay $0x1  }
0x30a: {  	s12 =	sadd.s32 $0x7, s30;
	v20 =	vadd.f32 v20, v17  }
0x30b: {  	v23 =	vmov s12;
	v21 =	vadd.f32 v21, v18  }
0x30c: {  	[tilespmem:v22+s8+$0x0] =	vst.idx.msk $0xffff, v20;
	v20 =	vshrl.u32 v23, $0x3  }
0x30d: {  	[tilespmem:v19+s8+$0x0] =	vst.idx.msk $0xffff, v21;
	v19 =	vshll.u32 v20, v1  }
0x30e: {  	v20 =	vld [tilespmem:s1+$0x60];
	v19 =	vbroadcast v19, $0x0  }
0x30f: {  	v21 =	vld [tilespmem:s1+$0x70]  }
0x310: {  	v22 =	vadd.s32 v15, v19  }
0x311: {  	v19 =	vadd.s32 v16, v19;
	_ =	sdelay $0x1  }
0x312: {  	v17 =	vadd.f32 v20, v17  }
0x313: {  	s29 =	sshllo.u32 s28, $0x1;
	v18 =	vadd.f32 v21, v18  }
0x314: {  	s10 =	sshll.u32 s29, $0x5;
	s12 =	simm.s32 $0x0;
	[tilespmem:v22+s8+$0x0] =	vst.idx.msk $0xffff, v17  }
0x315: {  	s1 =	sand.u32 $0x3FFFFFE0, s10;
	[tilespmem:v19+s8+$0x0] =	vst.idx.msk $0xffff, v18;
	v18 =	vmov s12  }
0x316: {  	v17 =	vld [tilespmem:s1+$0x16C00];
	v19 =	vshrl.u32 v18, $0x3  }
0x317: {  	s30 =	simm.s32 $0x9480;
	v18 =	vld [tilespmem:s1+$0x16C10];
	v19 =	vshll.u32 v19, v1  }
0x318: {  	v20 =	vld [tilespmem:s30+$0xFFFFFF80];
	v19 =	vbroadcast v19, $0x0  }
0x319: {  	v21 =	vld [tilespmem:s30+$0xFFFFFF90]  }
0x31a: {  	v22 =	vadd.s32 v0, v19  }
0x31b: {  	v19 =	vadd.s32 v2, v19;
	_ =	sdelay $0x1  }
0x31c: {  	s12 =	simm.s32 $0x1;
	v20 =	vadd.f32 v20, v17  }
0x31d: {  	v23 =	vmov s12;
	v21 =	vadd.f32 v21, v18  }
0x31e: {  	[tilespmem:v22+s11+$0x0] =	vst.idx.msk $0xffff, v20;
	v20 =	vshrl.u32 v23, $0x3  }
0x31f: {  	[tilespmem:v19+s11+$0x0] =	vst.idx.msk $0xffff, v21;
	v19 =	vshll.u32 v20, v1  }
0x320: {  	v20 =	vld [tilespmem:s30+$0xFFFFFFA0];
	v19 =	vbroadcast v19, $0x0  }
0x321: {  	v21 =	vld [tilespmem:s30+$0xFFFFFFB0]  }
0x322: {  	v22 =	vadd.s32 v3, v19  }
0x323: {  	v19 =	vadd.s32 v4, v19;
	_ =	sdelay $0x1  }
0x324: {  	s10 =	simm.s32 $0x2;
	v20 =	vadd.f32 v20, v17  }
0x325: {  	v23 =	vmov s10;
	v21 =	vadd.f32 v21, v18  }
0x326: {  	[tilespmem:v22+s11+$0x0] =	vst.idx.msk $0xffff, v20;
	v20 =	vshrl.u32 v23, $0x3  }
0x327: {  	[tilespmem:v19+s11+$0x0] =	vst.idx.msk $0xffff, v21;
	v19 =	vshll.u32 v20, v1  }
0x328: {  	v20 =	vld [tilespmem:s30+$0xFFFFFFC0];
	v19 =	vbroadcast v19, $0x0  }
0x329: {  	v21 =	vld [tilespmem:s30+$0xFFFFFFD0]  }
0x32a: {  	v22 =	vadd.s32 v5, v19  }
0x32b: {  	v19 =	vadd.s32 v6, v19;
	_ =	sdelay $0x1  }
0x32c: {  	s12 =	simm.s32 $0x3;
	v20 =	vadd.f32 v20, v17  }
0x32d: {  	v23 =	vmov s12;
	v21 =	vadd.f32 v21, v18  }
0x32e: {  	[tilespmem:v22+s11+$0x0] =	vst.idx.msk $0xffff, v20;
	v20 =	vshrl.u32 v23, $0x3  }
0x32f: {  	[tilespmem:v19+s11+$0x0] =	vst.idx.msk $0xffff, v21;
	v19 =	vshll.u32 v20, v1  }
0x330: {  	v20 =	vld [tilespmem:s30+$0xFFFFFFE0];
	v19 =	vbroadcast v19, $0x0  }
0x331: {  	v21 =	vld [tilespmem:s30+$0xFFFFFFF0]  }
0x332: {  	v22 =	vadd.s32 v7, v19  }
0x333: {  	v19 =	vadd.s32 v8, v19;
	_ =	sdelay $0x1  }
0x334: {  	s10 =	simm.s32 $0x4;
	v20 =	vadd.f32 v20, v17  }
0x335: {  	v23 =	vmov s10;
	v21 =	vadd.f32 v21, v18  }
0x336: {  	[tilespmem:v22+s11+$0x0] =	vst.idx.msk $0xffff, v20;
	v20 =	vshrl.u32 v23, $0x3  }
0x337: {  	[tilespmem:v19+s11+$0x0] =	vst.idx.msk $0xffff, v21;
	v19 =	vshll.u32 v20, v1  }
0x338: {  	v20 =	vld [tilespmem:s30+$0x0];
	v19 =	vbroadcast v19, $0x0  }
0x339: {  	v21 =	vld [tilespmem:s30+$0x10]  }
0x33a: {  	v22 =	vadd.s32 v9, v19  }
0x33b: {  	v19 =	vadd.s32 v10, v19;
	_ =	sdelay $0x1  }
0x33c: {  	s12 =	simm.s32 $0x5;
	v20 =	vadd.f32 v20, v17  }
0x33d: {  	v23 =	vmov s12;
	v21 =	vadd.f32 v21, v18  }
0x33e: {  	[tilespmem:v22+s11+$0x0] =	vst.idx.msk $0xffff, v20;
	v20 =	vshrl.u32 v23, $0x3  }
0x33f: {  	[tilespmem:v19+s11+$0x0] =	vst.idx.msk $0xffff, v21;
	v19 =	vshll.u32 v20, v1  }
0x340: {  	v20 =	vld [tilespmem:s30+$0x20];
	v19 =	vbroadcast v19, $0x0  }
0x341: {  	v21 =	vld [tilespmem:s30+$0x30]  }
0x342: {  	v22 =	vadd.s32 v11, v19  }
0x343: {  	v19 =	vadd.s32 v12, v19;
	_ =	sdelay $0x1  }
0x344: {  	s10 =	simm.s32 $0x6;
	v20 =	vadd.f32 v20, v17  }
0x345: {  	v23 =	vmov s10;
	v21 =	vadd.f32 v21, v18  }
0x346: {  	[tilespmem:v22+s11+$0x0] =	vst.idx.msk $0xffff, v20;
	v20 =	vshrl.u32 v23, $0x3  }
0x347: {  	[tilespmem:v19+s11+$0x0] =	vst.idx.msk $0xffff, v21;
	v19 =	vshll.u32 v20, v1  }
0x348: {  	v20 =	vld [tilespmem:s30+$0x40];
	v19 =	vbroadcast v19, $0x0  }
0x349: {  	v21 =	vld [tilespmem:s30+$0x50]  }
0x34a: {  	v22 =	vadd.s32 v13, v19  }
0x34b: {  	v19 =	vadd.s32 v14, v19;
	_ =	sdelay $0x1  }
0x34c: {  	s12 =	simm.s32 $0x7;
	v20 =	vadd.f32 v20, v17  }
0x34d: {  	v23 =	vmov s12;
	v21 =	vadd.f32 v21, v18  }
0x34e: {  	[tilespmem:v22+s11+$0x0] =	vst.idx.msk $0xffff, v20;
	v20 =	vshrl.u32 v23, $0x3  }
0x34f: {  	[tilespmem:v19+s11+$0x0] =	vst.idx.msk $0xffff, v21;
	v19 =	vshll.u32 v20, v1  }
0x350: {  	v20 =	vld [tilespmem:s30+$0x60];
	v19 =	vbroadcast v19, $0x0;
	_ =	sdelay $0x1  }
0x351: {  	v21 =	vld [tilespmem:s30+$0x70];
	v22 =	vadd.s32 v15, v19;
	_ =	sdelay $0x1  }
0x352: {  	v19 =	vadd.s32 v16, v19  }
0x353: {  	s31 =	simm.s32 $0x8;
	v23 =	vadd.f32 v20, v17  }
0x354: {  	v24 =	vmov s31  }
0x355: {  	s1 =	simm.s32 $0x10;
	v20 =	vadd.f32 v21, v18;
	v21 =	vshrl.u32 v24, $0x3;
	[tilespmem:v22+s11+$0x0] =	vst.idx.msk $0xffff, v23  }
.LBB2_9:
0x356: {  	p1 =	slt.u32 s1, $0x78  }
0x357: {  	v21 =	vshll.u32 v21, v1;
	[tilespmem:v19+s11+$0x0] =	vst.idx.msk $0xffff, v20;
	s30 =	sadd.s32 $0x100, s30;
	s10 =	smov.u32 s1;
	s1 =	sadd.s32 $0x8, s1  }
0x358: {  	v19 =	vld [tilespmem:s30+$0xFFFFFF80];
	v20 =	vbroadcast v21, $0x0  }
0x359: {  	v21 =	vld [tilespmem:s30+$0xFFFFFF90]  }
0x35a: {  	v22 =	vadd.s32 v0, v20  }
0x35b: {  	v20 =	vadd.s32 v2, v20;
	_ =	sdelay $0x1  }
0x35c: {  	s12 =	sadd.s32 $0x1, s31;
	v19 =	vadd.f32 v19, v17  }
0x35d: {  	v23 =	vmov s12;
	v21 =	vadd.f32 v21, v18  }
0x35e: {  	[tilespmem:v22+s11+$0x0] =	vst.idx.msk $0xffff, v19;
	v19 =	vshrl.u32 v23, $0x3  }
0x35f: {  	[tilespmem:v20+s11+$0x0] =	vst.idx.msk $0xffff, v21;
	v19 =	vshll.u32 v19, v1  }
0x360: {  	v20 =	vld [tilespmem:s30+$0xFFFFFFA0];
	v19 =	vbroadcast v19, $0x0  }
0x361: {  	v21 =	vld [tilespmem:s30+$0xFFFFFFB0]  }
0x362: {  	v22 =	vadd.s32 v3, v19  }
0x363: {  	v19 =	vadd.s32 v4, v19;
	_ =	sdelay $0x1  }
0x364: {  	s12 =	sadd.s32 $0x2, s31;
	v20 =	vadd.f32 v20, v17  }
0x365: {  	v23 =	vmov s12;
	v21 =	vadd.f32 v21, v18  }
0x366: {  	[tilespmem:v22+s11+$0x0] =	vst.idx.msk $0xffff, v20;
	v20 =	vshrl.u32 v23, $0x3  }
0x367: {  	[tilespmem:v19+s11+$0x0] =	vst.idx.msk $0xffff, v21;
	v19 =	vshll.u32 v20, v1  }
0x368: {  	v20 =	vld [tilespmem:s30+$0xFFFFFFC0];
	v19 =	vbroadcast v19, $0x0  }
0x369: {  	v21 =	vld [tilespmem:s30+$0xFFFFFFD0]  }
0x36a: {  	v22 =	vadd.s32 v5, v19  }
0x36b: {  	v19 =	vadd.s32 v6, v19;
	_ =	sdelay $0x1  }
0x36c: {  	s12 =	sadd.s32 $0x3, s31;
	v20 =	vadd.f32 v20, v17  }
0x36d: {  	v23 =	vmov s12;
	v21 =	vadd.f32 v21, v18  }
0x36e: {  	[tilespmem:v22+s11+$0x0] =	vst.idx.msk $0xffff, v20;
	v20 =	vshrl.u32 v23, $0x3  }
0x36f: {  	[tilespmem:v19+s11+$0x0] =	vst.idx.msk $0xffff, v21;
	v19 =	vshll.u32 v20, v1  }
0x370: {  	v20 =	vld [tilespmem:s30+$0xFFFFFFE0];
	v19 =	vbroadcast v19, $0x0  }
0x371: {  	v21 =	vld [tilespmem:s30+$0xFFFFFFF0]  }
0x372: {  	v22 =	vadd.s32 v7, v19  }
0x373: {  	v19 =	vadd.s32 v8, v19;
	_ =	sdelay $0x1  }
0x374: {  	s12 =	sadd.s32 $0x4, s31;
	v20 =	vadd.f32 v20, v17  }
0x375: {  	v23 =	vmov s12;
	v21 =	vadd.f32 v21, v18  }
0x376: {  	[tilespmem:v22+s11+$0x0] =	vst.idx.msk $0xffff, v20;
	v20 =	vshrl.u32 v23, $0x3  }
0x377: {  	[tilespmem:v19+s11+$0x0] =	vst.idx.msk $0xffff, v21;
	v19 =	vshll.u32 v20, v1  }
0x378: {  	v20 =	vld [tilespmem:s30+$0x0];
	v19 =	vbroadcast v19, $0x0  }
0x379: {  	v21 =	vld [tilespmem:s30+$0x10]  }
0x37a: {  	v22 =	vadd.s32 v9, v19  }
0x37b: {  	v19 =	vadd.s32 v10, v19;
	_ =	sdelay $0x1  }
0x37c: {  	s12 =	sadd.s32 $0x5, s31;
	v20 =	vadd.f32 v20, v17  }
0x37d: {  	v23 =	vmov s12;
	v21 =	vadd.f32 v21, v18  }
0x37e: {  	[tilespmem:v22+s11+$0x0] =	vst.idx.msk $0xffff, v20;
	v20 =	vshrl.u32 v23, $0x3  }
0x37f: {  	[tilespmem:v19+s11+$0x0] =	vst.idx.msk $0xffff, v21;
	v19 =	vshll.u32 v20, v1  }
0x380: {  	v20 =	vld [tilespmem:s30+$0x20];
	v19 =	vbroadcast v19, $0x0  }
0x381: {  	v21 =	vld [tilespmem:s30+$0x30]  }
0x382: {  	v22 =	vadd.s32 v11, v19  }
0x383: {  	v19 =	vadd.s32 v12, v19;
	_ =	sdelay $0x1  }
0x384: {  	s12 =	sadd.s32 $0x6, s31;
	v20 =	vadd.f32 v20, v17  }
0x385: {  	v23 =	vmov s12;
	v21 =	vadd.f32 v21, v18  }
0x386: {  	[tilespmem:v22+s11+$0x0] =	vst.idx.msk $0xffff, v20;
	v20 =	vshrl.u32 v23, $0x3  }
0x387: {  	[tilespmem:v19+s11+$0x0] =	vst.idx.msk $0xffff, v21;
	v19 =	vshll.u32 v20, v1  }
0x388: {  	v20 =	vld [tilespmem:s30+$0x40];
	v19 =	vbroadcast v19, $0x0  }
0x389: {  	v21 =	vld [tilespmem:s30+$0x50]  }
0x38a: {  	v22 =	vadd.s32 v13, v19  }
0x38b: {  	v19 =	vadd.s32 v14, v19;
	_ =	sdelay $0x1  }
0x38c: {  	s12 =	sadd.s32 $0x7, s31;
	s31 =	smov.u32 s10;
	v20 =	vadd.f32 v20, v17  }
0x38d: {  	v23 =	vmov s12;
	v21 =	vadd.f32 v21, v18  }
0x38e: {  	[tilespmem:v22+s11+$0x0] =	vst.idx.msk $0xffff, v20;
	v20 =	vshrl.u32 v23, $0x3  }
0x38f: {  	[tilespmem:v19+s11+$0x0] =	vst.idx.msk $0xffff, v21;
	v19 =	vshll.u32 v20, v1  }
0x390: {  	v20 =	vld [tilespmem:s30+$0x60];
	v19 =	vbroadcast v19, $0x0  }
0x391: {  	v21 =	vld [tilespmem:s30+$0x70]  }
0x392: {  	v22 =	vadd.s32 v15, v19  }
.Ltmp5:
0x393: {  	v19 =	vadd.s32 v16, v19;
	(pc) =	sbr.rel @p1 .LBB2_9-.Ltmp5, $4  }
0x394: {  	_ = 	snop  }
0x395: {  	v23 =	vadd.f32 v20, v17  }
0x396: {  	v24 =	vmov s31;
	v20 =	vadd.f32 v21, v18  }
0x397: {  	v21 =	vshrl.u32 v24, $0x3;
	[tilespmem:v22+s11+$0x0] =	vst.idx.msk $0xffff, v23  }
0x398: {  	_ =	sdelay $0x3  }
0x399: {  	v21 =	vshll.u32 v21, v1;
	[tilespmem:v19+s11+$0x0] =	vst.idx.msk $0xffff, v20;
	s1 =	sadd.s32 $0x100, s30  }
0x39a: {  	v19 =	vld [tilespmem:s1+$0xFFFFFF80];
	v20 =	vbroadcast v21, $0x0  }
0x39b: {  	v21 =	vld [tilespmem:s1+$0xFFFFFF90]  }
0x39c: {  	v22 =	vadd.s32 v0, v20  }
0x39d: {  	v20 =	vadd.s32 v2, v20;
	_ =	sdelay $0x1  }
0x39e: {  	s10 =	sadd.s32 $0x1, s31;
	v19 =	vadd.f32 v19, v17  }
0x39f: {  	v23 =	vmov s10;
	v21 =	vadd.f32 v21, v18  }
0x3a0: {  	[tilespmem:v22+s11+$0x0] =	vst.idx.msk $0xffff, v19;
	v19 =	vshrl.u32 v23, $0x3  }
0x3a1: {  	[tilespmem:v20+s11+$0x0] =	vst.idx.msk $0xffff, v21;
	v19 =	vshll.u32 v19, v1  }
0x3a2: {  	v20 =	vld [tilespmem:s1+$0xFFFFFFA0];
	v19 =	vbroadcast v19, $0x0  }
0x3a3: {  	v21 =	vld [tilespmem:s1+$0xFFFFFFB0]  }
0x3a4: {  	v22 =	vadd.s32 v3, v19  }
0x3a5: {  	v19 =	vadd.s32 v4, v19;
	_ =	sdelay $0x1  }
0x3a6: {  	s30 =	sadd.s32 $0x2, s31;
	v20 =	vadd.f32 v20, v17  }
0x3a7: {  	v23 =	vmov s30;
	v21 =	vadd.f32 v21, v18  }
0x3a8: {  	[tilespmem:v22+s11+$0x0] =	vst.idx.msk $0xffff, v20;
	v20 =	vshrl.u32 v23, $0x3  }
0x3a9: {  	[tilespmem:v19+s11+$0x0] =	vst.idx.msk $0xffff, v21;
	v19 =	vshll.u32 v20, v1  }
0x3aa: {  	v20 =	vld [tilespmem:s1+$0xFFFFFFC0];
	v19 =	vbroadcast v19, $0x0  }
0x3ab: {  	v21 =	vld [tilespmem:s1+$0xFFFFFFD0]  }
0x3ac: {  	v22 =	vadd.s32 v5, v19  }
0x3ad: {  	v19 =	vadd.s32 v6, v19;
	_ =	sdelay $0x1  }
0x3ae: {  	s12 =	sadd.s32 $0x3, s31;
	v20 =	vadd.f32 v20, v17  }
0x3af: {  	v23 =	vmov s12;
	v21 =	vadd.f32 v21, v18  }
0x3b0: {  	[tilespmem:v22+s11+$0x0] =	vst.idx.msk $0xffff, v20;
	v20 =	vshrl.u32 v23, $0x3  }
0x3b1: {  	[tilespmem:v19+s11+$0x0] =	vst.idx.msk $0xffff, v21;
	v19 =	vshll.u32 v20, v1  }
0x3b2: {  	v20 =	vld [tilespmem:s1+$0xFFFFFFE0];
	v19 =	vbroadcast v19, $0x0  }
0x3b3: {  	v21 =	vld [tilespmem:s1+$0xFFFFFFF0]  }
0x3b4: {  	v22 =	vadd.s32 v7, v19  }
0x3b5: {  	v19 =	vadd.s32 v8, v19;
	_ =	sdelay $0x1  }
0x3b6: {  	s30 =	sadd.s32 $0x4, s31;
	v20 =	vadd.f32 v20, v17  }
0x3b7: {  	v23 =	vmov s30;
	v21 =	vadd.f32 v21, v18  }
0x3b8: {  	[tilespmem:v22+s11+$0x0] =	vst.idx.msk $0xffff, v20;
	v20 =	vshrl.u32 v23, $0x3  }
0x3b9: {  	[tilespmem:v19+s11+$0x0] =	vst.idx.msk $0xffff, v21;
	v19 =	vshll.u32 v20, v1  }
0x3ba: {  	v20 =	vld [tilespmem:s1+$0x0];
	v19 =	vbroadcast v19, $0x0  }
0x3bb: {  	v21 =	vld [tilespmem:s1+$0x10]  }
0x3bc: {  	v22 =	vadd.s32 v9, v19  }
0x3bd: {  	v19 =	vadd.s32 v10, v19;
	_ =	sdelay $0x1  }
0x3be: {  	s12 =	sadd.s32 $0x5, s31;
	v20 =	vadd.f32 v20, v17  }
0x3bf: {  	v23 =	vmov s12;
	v21 =	vadd.f32 v21, v18  }
0x3c0: {  	[tilespmem:v22+s11+$0x0] =	vst.idx.msk $0xffff, v20;
	v20 =	vshrl.u32 v23, $0x3  }
0x3c1: {  	[tilespmem:v19+s11+$0x0] =	vst.idx.msk $0xffff, v21;
	v19 =	vshll.u32 v20, v1  }
0x3c2: {  	v20 =	vld [tilespmem:s1+$0x20];
	v19 =	vbroadcast v19, $0x0  }
0x3c3: {  	v21 =	vld [tilespmem:s1+$0x30]  }
0x3c4: {  	v22 =	vadd.s32 v11, v19  }
0x3c5: {  	v19 =	vadd.s32 v12, v19;
	_ =	sdelay $0x1  }
0x3c6: {  	s30 =	sadd.s32 $0x6, s31;
	v20 =	vadd.f32 v20, v17  }
0x3c7: {  	v23 =	vmov s30;
	v21 =	vadd.f32 v21, v18  }
0x3c8: {  	[tilespmem:v22+s11+$0x0] =	vst.idx.msk $0xffff, v20;
	v20 =	vshrl.u32 v23, $0x3  }
0x3c9: {  	[tilespmem:v19+s11+$0x0] =	vst.idx.msk $0xffff, v21;
	v19 =	vshll.u32 v20, v1  }
0x3ca: {  	v20 =	vld [tilespmem:s1+$0x40];
	v19 =	vbroadcast v19, $0x0  }
0x3cb: {  	v21 =	vld [tilespmem:s1+$0x50]  }
0x3cc: {  	v22 =	vadd.s32 v13, v19  }
0x3cd: {  	v19 =	vadd.s32 v14, v19;
	_ =	sdelay $0x1  }
0x3ce: {  	s12 =	sadd.s32 $0x7, s31;
	v20 =	vadd.f32 v20, v17  }
0x3cf: {  	v23 =	vmov s12;
	v21 =	vadd.f32 v21, v18  }
0x3d0: {  	[tilespmem:v22+s11+$0x0] =	vst.idx.msk $0xffff, v20;
	v20 =	vshrl.u32 v23, $0x3  }
0x3d1: {  	[tilespmem:v19+s11+$0x0] =	vst.idx.msk $0xffff, v21;
	v19 =	vshll.u32 v20, v1  }
0x3d2: {  	v20 =	vld [tilespmem:s1+$0x60];
	v19 =	vbroadcast v19, $0x0  }
0x3d3: {  	v21 =	vld [tilespmem:s1+$0x70]  }
0x3d4: {  	v22 =	vadd.s32 v15, v19  }
0x3d5: {  	v19 =	vadd.s32 v16, v19;
	_ =	sdelay $0x1  }
0x3d6: {  	s30 =	sshll.u32 s28, $0x12;
	v17 =	vadd.f32 v20, v17  }
0x3d7: {  	s1 =	sor.u32 s7, s30;
	v18 =	vadd.f32 v21, v18  }
0x3d8: {  	s1 =	sshrl.u32 s1, $0x3;
	[tilespmem:v22+s11+$0x0] =	vst.idx.msk $0xffff, v17  }
0x3d9: {  	s1 =	sadd.s32 s2, s1;
	[tilespmem:v19+s11+$0x0] =	vst.idx.msk $0xffff, v18  }
0x3da: {  	[hbm4b:s1+s3] =	stream.linear.scatter [tilespmem:s8], [sflag:$0x6], $0x80, $0x38;
	[tilespmem:$0x18500] =	vst v63  }
0x3db: {  	s12 =	simm.s32 $0x10688;
	s31 =	sadd.s32 $0x10, s1  }
0x3dc: {  	[hbm4b:s31+s3] =	stream.linear.scatter [tilespmem:s12], [sflag:$0x6], $0x80, $0x38;
	[tilespmem:$0x18500] =	vst v63  }
0x3dd: {  	s30 =	sadd.s32 $0x20, s1;
	s31 =	simm.s32 $0x10710  }
0x3de: {  	[hbm4b:s30+s3] =	stream.linear.scatter [tilespmem:s31], [sflag:$0x6], $0x80, $0x38;
	[tilespmem:$0x18500] =	vst v63  }
0x3df: {  	s30 =	sadd.s32 $0x30, s1;
	s31 =	simm.s32 $0x10798  }
0x3e0: {  	[hbm4b:s30+s3] =	stream.linear.scatter [tilespmem:s31], [sflag:$0x6], $0x80, $0x38;
	[tilespmem:$0x18500] =	vst v63  }
0x3e1: {  	s30 =	sadd.s32 $0x40, s1;
	s31 =	simm.s32 $0x10820  }
0x3e2: {  	[hbm4b:s30+s3] =	stream.linear.scatter [tilespmem:s31], [sflag:$0x6], $0x80, $0x38;
	[tilespmem:$0x18500] =	vst v63  }
0x3e3: {  	s30 =	sadd.s32 $0x50, s1;
	s31 =	simm.s32 $0x108A8  }
0x3e4: {  	[hbm4b:s30+s3] =	stream.linear.scatter [tilespmem:s31], [sflag:$0x6], $0x80, $0x38;
	[tilespmem:$0x18500] =	vst v63  }
0x3e5: {  	s30 =	sadd.s32 $0x60, s1;
	s31 =	simm.s32 $0x10930  }
0x3e6: {  	[hbm4b:s30+s3] =	stream.linear.scatter [tilespmem:s31], [sflag:$0x6], $0x80, $0x38;
	[tilespmem:$0x18500] =	vst v63  }
0x3e7: {  	s30 =	sadd.s32 $0x70, s1;
	s31 =	simm.s32 $0x109B8  }
0x3e8: {  	[hbm4b:s30+s3] =	stream.linear.scatter [tilespmem:s31], [sflag:$0x6], $0x80, $0x38;
	[tilespmem:$0x18500] =	vst v63  }
0x3e9: {  	s30 =	sadd.s32 $0x1000, s1;
	s31 =	simm.s32 $0x10A40  }
0x3ea: {  	[hbm4b:s30+s3] =	stream.linear.scatter [tilespmem:s31], [sflag:$0x6], $0x80, $0x38;
	[tilespmem:$0x18500] =	vst v63  }
0x3eb: {  	s30 =	sadd.s32 $0x1010, s1;
	s31 =	simm.s32 $0x10AC8  }
0x3ec: {  	[hbm4b:s30+s3] =	stream.linear.scatter [tilespmem:s31], [sflag:$0x6], $0x80, $0x38;
	[tilespmem:$0x18500] =	vst v63  }
0x3ed: {  	s30 =	sadd.s32 $0x1020, s1;
	s31 =	simm.s32 $0x10B50  }
0x3ee: {  	[hbm4b:s30+s3] =	stream.linear.scatter [tilespmem:s31], [sflag:$0x6], $0x80, $0x38;
	[tilespmem:$0x18500] =	vst v63  }
0x3ef: {  	s30 =	sadd.s32 $0x1030, s1;
	s31 =	simm.s32 $0x10BD8  }
0x3f0: {  	[hbm4b:s30+s3] =	stream.linear.scatter [tilespmem:s31], [sflag:$0x6], $0x80, $0x38;
	[tilespmem:$0x18500] =	vst v63  }
0x3f1: {  	s30 =	sadd.s32 $0x1040, s1;
	s31 =	simm.s32 $0x10C60  }
0x3f2: {  	[hbm4b:s30+s3] =	stream.linear.scatter [tilespmem:s31], [sflag:$0x6], $0x80, $0x38;
	[tilespmem:$0x18500] =	vst v63  }
0x3f3: {  	s30 =	sadd.s32 $0x1050, s1;
	s31 =	simm.s32 $0x10CE8  }
0x3f4: {  	[hbm4b:s30+s3] =	stream.linear.scatter [tilespmem:s31], [sflag:$0x6], $0x80, $0x38;
	[tilespmem:$0x18500] =	vst v63  }
0x3f5: {  	s30 =	sadd.s32 $0x1060, s1;
	s31 =	simm.s32 $0x10D70  }
0x3f6: {  	[hbm4b:s30+s3] =	stream.linear.scatter [tilespmem:s31], [sflag:$0x6], $0x80, $0x38;
	[tilespmem:$0x18500] =	vst v63  }
0x3f7: {  	s30 =	sadd.s32 $0x1070, s1;
	s31 =	simm.s32 $0x10DF8  }
0x3f8: {  	[hbm4b:s30+s3] =	stream.linear.scatter [tilespmem:s31], [sflag:$0x6], $0x80, $0x38;
	[tilespmem:$0x18500] =	vst v63  }
0x3f9: {  	s30 =	sadd.s32 $0x2000, s1;
	s31 =	simm.s32 $0x10E80  }
0x3fa: {  	[hbm4b:s30+s3] =	stream.linear.scatter [tilespmem:s31], [sflag:$0x6], $0x80, $0x38;
	[tilespmem:$0x18500] =	vst v63  }
0x3fb: {  	s30 =	sadd.s32 $0x2010, s1;
	s31 =	simm.s32 $0x10F08  }
0x3fc: {  	[hbm4b:s30+s3] =	stream.linear.scatter [tilespmem:s31], [sflag:$0x6], $0x80, $0x38;
	[tilespmem:$0x18500] =	vst v63  }
0x3fd: {  	s30 =	sadd.s32 $0x2020, s1;
	s31 =	simm.s32 $0x10F90  }
0x3fe: {  	[hbm4b:s30+s3] =	stream.linear.scatter [tilespmem:s31], [sflag:$0x6], $0x80, $0x38;
	[tilespmem:$0x18500] =	vst v63  }
0x3ff: {  	s30 =	sadd.s32 $0x2030, s1;
	s31 =	simm.s32 $0x11018  }
0x400: {  	[hbm4b:s30+s3] =	stream.linear.scatter [tilespmem:s31], [sflag:$0x6], $0x80, $0x38;
	[tilespmem:$0x18500] =	vst v63  }
0x401: {  	s30 =	sadd.s32 $0x2040, s1;
	s31 =	simm.s32 $0x110A0  }
0x402: {  	[hbm4b:s30+s3] =	stream.linear.scatter [tilespmem:s31], [sflag:$0x6], $0x80, $0x38;
	[tilespmem:$0x18500] =	vst v63  }
0x403: {  	s30 =	sadd.s32 $0x2050, s1;
	s31 =	simm.s32 $0x11128  }
0x404: {  	[hbm4b:s30+s3] =	stream.linear.scatter [tilespmem:s31], [sflag:$0x6], $0x80, $0x38;
	[tilespmem:$0x18500] =	vst v63  }
0x405: {  	s30 =	sadd.s32 $0x2060, s1;
	s31 =	simm.s32 $0x111B0  }
0x406: {  	[hbm4b:s30+s3] =	stream.linear.scatter [tilespmem:s31], [sflag:$0x6], $0x80, $0x38;
	[tilespmem:$0x18500] =	vst v63  }
0x407: {  	s30 =	sadd.s32 $0x2070, s1;
	s31 =	simm.s32 $0x11238  }
0x408: {  	[hbm4b:s30+s3] =	stream.linear.scatter [tilespmem:s31], [sflag:$0x6], $0x80, $0x38;
	[tilespmem:$0x18500] =	vst v63  }
0x409: {  	s30 =	sadd.s32 $0x3000, s1;
	s31 =	simm.s32 $0x112C0  }
0x40a: {  	[hbm4b:s30+s3] =	stream.linear.scatter [tilespmem:s31], [sflag:$0x6], $0x80, $0x38;
	[tilespmem:$0x18500] =	vst v63  }
0x40b: {  	s30 =	sadd.s32 $0x3010, s1;
	s31 =	simm.s32 $0x11348  }
0x40c: {  	[hbm4b:s30+s3] =	stream.linear.scatter [tilespmem:s31], [sflag:$0x6], $0x80, $0x38;
	[tilespmem:$0x18500] =	vst v63  }
0x40d: {  	s30 =	sadd.s32 $0x3020, s1;
	s31 =	simm.s32 $0x113D0  }
0x40e: {  	[hbm4b:s30+s3] =	stream.linear.scatter [tilespmem:s31], [sflag:$0x6], $0x80, $0x38;
	[tilespmem:$0x18500] =	vst v63  }
0x40f: {  	s30 =	sadd.s32 $0x3030, s1;
	s31 =	simm.s32 $0x11458  }
0x410: {  	[hbm4b:s30+s3] =	stream.linear.scatter [tilespmem:s31], [sflag:$0x6], $0x80, $0x38;
	[tilespmem:$0x18500] =	vst v63  }
0x411: {  	s30 =	sadd.s32 $0x3040, s1;
	s31 =	simm.s32 $0x114E0  }
0x412: {  	[hbm4b:s30+s3] =	stream.linear.scatter [tilespmem:s31], [sflag:$0x6], $0x80, $0x38;
	[tilespmem:$0x18500] =	vst v63  }
0x413: {  	s30 =	sadd.s32 $0x3050, s1;
	s31 =	simm.s32 $0x11568  }
0x414: {  	[hbm4b:s30+s3] =	stream.linear.scatter [tilespmem:s31], [sflag:$0x6], $0x80, $0x38;
	[tilespmem:$0x18500] =	vst v63  }
0x415: {  	s12 =	sadd.s32 $0x3060, s1;
	s30 =	simm.s32 $0x115F0  }
0x416: {  	[hbm4b:s12+s3] =	stream.linear.scatter [tilespmem:s30], [sflag:$0x6], $0x80, $0x38;
	[tilespmem:$0x18500] =	vst v63  }
0x417: {  	s1 =	sadd.s32 $0x3070, s1;
	s31 =	simm.s32 $0x11678;
	s12 =	sshll.u32 s29, $0x11  }
0x418: {  	[hbm4b:s1+s3] =	stream.linear.scatter [tilespmem:s31], [sflag:$0x6], $0x80, $0x38;
	[tilespmem:$0x18500] =	vst v63  }
0x419: {  	s1 =	sor.u32 s7, s12  }
0x41a: {  	s1 =	sshrl.u32 s1, $0x3  }
0x41b: {  	s1 =	sadd.s32 s2, s1  }
0x41c: {  	[hbm4b:s1+s3] =	stream.linear.scatter [tilespmem:s11], [sflag:$0x6], $0x80, $0x38;
	[tilespmem:$0x18500] =	vst v63  }
0x41d: {  	s31 =	simm.s32 $0x11788;
	s30 =	sadd.s32 $0x10, s1  }
0x41e: {  	[hbm4b:s30+s3] =	stream.linear.scatter [tilespmem:s31], [sflag:$0x6], $0x80, $0x38;
	[tilespmem:$0x18500] =	vst v63  }
0x41f: {  	s30 =	sadd.s32 $0x20, s1;
	s31 =	simm.s32 $0x11810  }
0x420: {  	[hbm4b:s30+s3] =	stream.linear.scatter [tilespmem:s31], [sflag:$0x6], $0x80, $0x38;
	[tilespmem:$0x18500] =	vst v63  }
0x421: {  	s30 =	sadd.s32 $0x30, s1;
	s31 =	simm.s32 $0x11898  }
0x422: {  	[hbm4b:s30+s3] =	stream.linear.scatter [tilespmem:s31], [sflag:$0x6], $0x80, $0x38;
	[tilespmem:$0x18500] =	vst v63  }
0x423: {  	s30 =	sadd.s32 $0x40, s1;
	s31 =	simm.s32 $0x11920  }
0x424: {  	[hbm4b:s30+s3] =	stream.linear.scatter [tilespmem:s31], [sflag:$0x6], $0x80, $0x38;
	[tilespmem:$0x18500] =	vst v63  }
0x425: {  	s30 =	sadd.s32 $0x50, s1;
	s31 =	simm.s32 $0x119A8  }
0x426: {  	[hbm4b:s30+s3] =	stream.linear.scatter [tilespmem:s31], [sflag:$0x6], $0x80, $0x38;
	[tilespmem:$0x18500] =	vst v63  }
0x427: {  	s30 =	sadd.s32 $0x60, s1;
	s31 =	simm.s32 $0x11A30  }
0x428: {  	[hbm4b:s30+s3] =	stream.linear.scatter [tilespmem:s31], [sflag:$0x6], $0x80, $0x38;
	[tilespmem:$0x18500] =	vst v63  }
0x429: {  	s30 =	sadd.s32 $0x70, s1;
	s31 =	simm.s32 $0x11AB8  }
0x42a: {  	[hbm4b:s30+s3] =	stream.linear.scatter [tilespmem:s31], [sflag:$0x6], $0x80, $0x38;
	[tilespmem:$0x18500] =	vst v63  }
0x42b: {  	s30 =	sadd.s32 $0x1000, s1;
	s31 =	simm.s32 $0x11B40  }
0x42c: {  	[hbm4b:s30+s3] =	stream.linear.scatter [tilespmem:s31], [sflag:$0x6], $0x80, $0x38;
	[tilespmem:$0x18500] =	vst v63  }
0x42d: {  	s30 =	sadd.s32 $0x1010, s1;
	s31 =	simm.s32 $0x11BC8  }
0x42e: {  	[hbm4b:s30+s3] =	stream.linear.scatter [tilespmem:s31], [sflag:$0x6], $0x80, $0x38;
	[tilespmem:$0x18500] =	vst v63  }
0x42f: {  	s30 =	sadd.s32 $0x1020, s1;
	s31 =	simm.s32 $0x11C50  }
0x430: {  	[hbm4b:s30+s3] =	stream.linear.scatter [tilespmem:s31], [sflag:$0x6], $0x80, $0x38;
	[tilespmem:$0x18500] =	vst v63  }
0x431: {  	s30 =	sadd.s32 $0x1030, s1;
	s31 =	simm.s32 $0x11CD8  }
0x432: {  	[hbm4b:s30+s3] =	stream.linear.scatter [tilespmem:s31], [sflag:$0x6], $0x80, $0x38;
	[tilespmem:$0x18500] =	vst v63  }
0x433: {  	s30 =	sadd.s32 $0x1040, s1;
	s31 =	simm.s32 $0x11D60  }
0x434: {  	[hbm4b:s30+s3] =	stream.linear.scatter [tilespmem:s31], [sflag:$0x6], $0x80, $0x38;
	[tilespmem:$0x18500] =	vst v63  }
0x435: {  	s30 =	sadd.s32 $0x1050, s1;
	s31 =	simm.s32 $0x11DE8  }
0x436: {  	[hbm4b:s30+s3] =	stream.linear.scatter [tilespmem:s31], [sflag:$0x6], $0x80, $0x38;
	[tilespmem:$0x18500] =	vst v63  }
0x437: {  	s30 =	sadd.s32 $0x1060, s1;
	s31 =	simm.s32 $0x11E70  }
0x438: {  	[hbm4b:s30+s3] =	stream.linear.scatter [tilespmem:s31], [sflag:$0x6], $0x80, $0x38;
	[tilespmem:$0x18500] =	vst v63  }
0x439: {  	s30 =	sadd.s32 $0x1070, s1;
	s31 =	simm.s32 $0x11EF8  }
0x43a: {  	[hbm4b:s30+s3] =	stream.linear.scatter [tilespmem:s31], [sflag:$0x6], $0x80, $0x38;
	[tilespmem:$0x18500] =	vst v63  }
0x43b: {  	s30 =	sadd.s32 $0x2000, s1;
	s31 =	simm.s32 $0x11F80  }
0x43c: {  	[hbm4b:s30+s3] =	stream.linear.scatter [tilespmem:s31], [sflag:$0x6], $0x80, $0x38;
	[tilespmem:$0x18500] =	vst v63  }
0x43d: {  	s30 =	sadd.s32 $0x2010, s1;
	s31 =	simm.s32 $0x12008  }
0x43e: {  	[hbm4b:s30+s3] =	stream.linear.scatter [tilespmem:s31], [sflag:$0x6], $0x80, $0x38;
	[tilespmem:$0x18500] =	vst v63  }
0x43f: {  	s30 =	sadd.s32 $0x2020, s1;
	s31 =	simm.s32 $0x12090  }
0x440: {  	[hbm4b:s30+s3] =	stream.linear.scatter [tilespmem:s31], [sflag:$0x6], $0x80, $0x38;
	[tilespmem:$0x18500] =	vst v63  }
0x441: {  	s30 =	sadd.s32 $0x2030, s1;
	s31 =	simm.s32 $0x12118  }
0x442: {  	[hbm4b:s30+s3] =	stream.linear.scatter [tilespmem:s31], [sflag:$0x6], $0x80, $0x38;
	[tilespmem:$0x18500] =	vst v63  }
0x443: {  	s30 =	sadd.s32 $0x2040, s1;
	s31 =	simm.s32 $0x121A0  }
0x444: {  	[hbm4b:s30+s3] =	stream.linear.scatter [tilespmem:s31], [sflag:$0x6], $0x80, $0x38;
	[tilespmem:$0x18500] =	vst v63  }
0x445: {  	s30 =	sadd.s32 $0x2050, s1;
	s31 =	simm.s32 $0x12228  }
0x446: {  	[hbm4b:s30+s3] =	stream.linear.scatter [tilespmem:s31], [sflag:$0x6], $0x80, $0x38;
	[tilespmem:$0x18500] =	vst v63  }
0x447: {  	s30 =	sadd.s32 $0x2060, s1;
	s31 =	simm.s32 $0x122B0  }
0x448: {  	[hbm4b:s30+s3] =	stream.linear.scatter [tilespmem:s31], [sflag:$0x6], $0x80, $0x38;
	[tilespmem:$0x18500] =	vst v63  }
0x449: {  	s30 =	sadd.s32 $0x2070, s1;
	s31 =	simm.s32 $0x12338  }
0x44a: {  	[hbm4b:s30+s3] =	stream.linear.scatter [tilespmem:s31], [sflag:$0x6], $0x80, $0x38;
	[tilespmem:$0x18500] =	vst v63  }
0x44b: {  	s30 =	sadd.s32 $0x3000, s1;
	s31 =	simm.s32 $0x123C0  }
0x44c: {  	[hbm4b:s30+s3] =	stream.linear.scatter [tilespmem:s31], [sflag:$0x6], $0x80, $0x38;
	[tilespmem:$0x18500] =	vst v63  }
0x44d: {  	s30 =	sadd.s32 $0x3010, s1;
	s31 =	simm.s32 $0x12448  }
0x44e: {  	[hbm4b:s30+s3] =	stream.linear.scatter [tilespmem:s31], [sflag:$0x6], $0x80, $0x38;
	[tilespmem:$0x18500] =	vst v63  }
0x44f: {  	s30 =	sadd.s32 $0x3020, s1;
	s31 =	simm.s32 $0x124D0  }
0x450: {  	[hbm4b:s30+s3] =	stream.linear.scatter [tilespmem:s31], [sflag:$0x6], $0x80, $0x38;
	[tilespmem:$0x18500] =	vst v63  }
0x451: {  	s30 =	sadd.s32 $0x3030, s1;
	s31 =	simm.s32 $0x12558  }
0x452: {  	[hbm4b:s30+s3] =	stream.linear.scatter [tilespmem:s31], [sflag:$0x6], $0x80, $0x38;
	[tilespmem:$0x18500] =	vst v63  }
0x453: {  	s30 =	sadd.s32 $0x3040, s1;
	s31 =	simm.s32 $0x125E0  }
0x454: {  	[hbm4b:s30+s3] =	stream.linear.scatter [tilespmem:s31], [sflag:$0x6], $0x80, $0x38;
	[tilespmem:$0x18500] =	vst v63  }
0x455: {  	s30 =	sadd.s32 $0x3050, s1;
	s31 =	simm.s32 $0x12668  }
0x456: {  	[hbm4b:s30+s3] =	stream.linear.scatter [tilespmem:s31], [sflag:$0x6], $0x80, $0x38;
	[tilespmem:$0x18500] =	vst v63  }
0x457: {  	s12 =	sadd.s32 $0x3060, s1;
	s30 =	simm.s32 $0x126F0  }
0x458: {  	[hbm4b:s12+s3] =	stream.linear.scatter [tilespmem:s30], [sflag:$0x6], $0x80, $0x38;
	[tilespmem:$0x18500] =	vst v63  }
0x459: {  	s1 =	sadd.s32 $0x3070, s1;
	s31 =	simm.s32 $0x12778  }
0x45a: {  	[hbm4b:s1+s3] =	stream.linear.scatter [tilespmem:s31], [sflag:$0x6], $0x80, $0x38;
	[tilespmem:$0x18500] =	vst v63  }
0x45b: {  	s1 =	simm.s32 @!p0 $0x8  }
0x45c: {  	_ =	swait.ge @!p0 [sflag:s1], $0x1000  }
0x45d: {  	[sflag:s1] =	ssyncset.done @!p0 $0x0  }
0x45e: {  	[sflag:s1] =	ssyncadd.s32 @!p0 $0xFFFFF000  }
0x45f: {  	s22 =	sor.u32 $0x3, s22;
	_ =	swait.ge @!p0 [sflag:s1], $0x1000  }
0x460: {  	s12 =	sshll.u32 s22, $0x8;
	[sflag:s1] =	ssyncset.done @!p0 $0x0  }
0x461: {  	s30 =	sand.u32 $0x3FFFFF00, s12;
	s31 =	simm.s32 $0xC400;
	[sflag:s1] =	ssyncadd.s32 @!p0 $0xFFFFF000  }
0x462: {  	[tilespmem:s31], [sflag:$0x4] =	stream.indirect.gather [hbm4b:s4+s9], $0x20, s30, s9, $0xb8;
	[tilespmem:$0x18500] =	vst v63  }
0x463: {  	s12 =	simm.s32 $0xD400;
	s1 =	sor.u32 $0x80, s30  }
0x464: {  	[tilespmem:s12], [sflag:$0x4] =	stream.indirect.gather [hbm4b:s4+s9], $0x20, s1, s9, $0xb8;
	[tilespmem:$0x18500] =	vst v63  }
0x465: {  	_ =	swait.ge [sflag:s24], $0x1000  }
0x466: {  	[sflag:s24] =	ssyncset.done $0x0  }
0x467: {  	[sflag:s24] =	ssyncadd.s32 $0xFFFFF000  }
0x468: {  	_ =	swait.ge [sflag:s24], $0x1000  }
0x469: {  	s30 =	sshll.u32 s23, $0x6;
	s31 =	simm.s32 $0x0;
	[sflag:s24] =	ssyncset.done $0x0  }
0x46a: {  	v18 =	vmov s31;
	s1 =	sand.u32 $0x3FFFFFC0, s30;
	[sflag:s24] =	ssyncadd.s32 $0xFFFFF000  }
0x46b: {  	v19 =	vshrl.u32 v18, $0x3;
	v17 =	vld [tilespmem:s1+$0x16C00]  }
0x46c: {  	s28 =	simm.s32 $0xA480;
	v19 =	vshll.u32 v19, v1;
	v18 =	vld [tilespmem:s1+$0x16C10]  }
0x46d: {  	v19 =	vbroadcast v19, $0x0;
	v20 =	vld [tilespmem:s28+$0xFFFFFF80]  }
0x46e: {  	v21 =	vld [tilespmem:s28+$0xFFFFFF90]  }
0x46f: {  	v22 =	vadd.s32 v0, v19  }
0x470: {  	v19 =	vadd.s32 v2, v19;
	_ =	sdelay $0x1  }
0x471: {  	s12 =	simm.s32 $0x1;
	v20 =	vadd.f32 v20, v17  }
0x472: {  	v23 =	vmov s12;
	v21 =	vadd.f32 v21, v18  }
0x473: {  	[tilespmem:v22+s25+$0x0] =	vst.idx.msk $0xffff, v20;
	v20 =	vshrl.u32 v23, $0x3  }
0x474: {  	[tilespmem:v19+s25+$0x0] =	vst.idx.msk $0xffff, v21;
	v19 =	vshll.u32 v20, v1  }
0x475: {  	v20 =	vld [tilespmem:s28+$0xFFFFFFA0];
	v19 =	vbroadcast v19, $0x0  }
0x476: {  	v21 =	vld [tilespmem:s28+$0xFFFFFFB0]  }
0x477: {  	v22 =	vadd.s32 v3, v19  }
0x478: {  	v19 =	vadd.s32 v4, v19;
	_ =	sdelay $0x1  }
0x479: {  	s30 =	simm.s32 $0x2;
	v20 =	vadd.f32 v20, v17  }
0x47a: {  	v23 =	vmov s30;
	v21 =	vadd.f32 v21, v18  }
0x47b: {  	[tilespmem:v22+s25+$0x0] =	vst.idx.msk $0xffff, v20;
	v20 =	vshrl.u32 v23, $0x3  }
0x47c: {  	[tilespmem:v19+s25+$0x0] =	vst.idx.msk $0xffff, v21;
	v19 =	vshll.u32 v20, v1  }
0x47d: {  	v20 =	vld [tilespmem:s28+$0xFFFFFFC0];
	v19 =	vbroadcast v19, $0x0  }
0x47e: {  	v21 =	vld [tilespmem:s28+$0xFFFFFFD0]  }
0x47f: {  	v22 =	vadd.s32 v5, v19  }
0x480: {  	v19 =	vadd.s32 v6, v19;
	_ =	sdelay $0x1  }
0x481: {  	s31 =	simm.s32 $0x3;
	v20 =	vadd.f32 v20, v17  }
0x482: {  	v23 =	vmov s31;
	v21 =	vadd.f32 v21, v18  }
0x483: {  	[tilespmem:v22+s25+$0x0] =	vst.idx.msk $0xffff, v20;
	v20 =	vshrl.u32 v23, $0x3  }
0x484: {  	[tilespmem:v19+s25+$0x0] =	vst.idx.msk $0xffff, v21;
	v19 =	vshll.u32 v20, v1  }
0x485: {  	v20 =	vld [tilespmem:s28+$0xFFFFFFE0];
	v19 =	vbroadcast v19, $0x0  }
0x486: {  	v21 =	vld [tilespmem:s28+$0xFFFFFFF0]  }
0x487: {  	v22 =	vadd.s32 v7, v19  }
0x488: {  	v19 =	vadd.s32 v8, v19;
	_ =	sdelay $0x1  }
0x489: {  	s10 =	simm.s32 $0x4;
	v20 =	vadd.f32 v20, v17  }
0x48a: {  	v23 =	vmov s10;
	v21 =	vadd.f32 v21, v18  }
0x48b: {  	[tilespmem:v22+s25+$0x0] =	vst.idx.msk $0xffff, v20;
	v20 =	vshrl.u32 v23, $0x3  }
0x48c: {  	[tilespmem:v19+s25+$0x0] =	vst.idx.msk $0xffff, v21;
	v19 =	vshll.u32 v20, v1  }
0x48d: {  	v20 =	vld [tilespmem:s28+$0x0];
	v19 =	vbroadcast v19, $0x0  }
0x48e: {  	v21 =	vld [tilespmem:s28+$0x10]  }
0x48f: {  	v22 =	vadd.s32 v9, v19  }
0x490: {  	v19 =	vadd.s32 v10, v19;
	_ =	sdelay $0x1  }
0x491: {  	s12 =	simm.s32 $0x5;
	v20 =	vadd.f32 v20, v17  }
0x492: {  	v23 =	vmov s12;
	v21 =	vadd.f32 v21, v18  }
0x493: {  	[tilespmem:v22+s25+$0x0] =	vst.idx.msk $0xffff, v20;
	v20 =	vshrl.u32 v23, $0x3  }
0x494: {  	[tilespmem:v19+s25+$0x0] =	vst.idx.msk $0xffff, v21;
	v19 =	vshll.u32 v20, v1  }
0x495: {  	v20 =	vld [tilespmem:s28+$0x20];
	v19 =	vbroadcast v19, $0x0  }
0x496: {  	v21 =	vld [tilespmem:s28+$0x30]  }
0x497: {  	v22 =	vadd.s32 v11, v19  }
0x498: {  	v19 =	vadd.s32 v12, v19;
	_ =	sdelay $0x1  }
0x499: {  	s30 =	simm.s32 $0x6;
	v20 =	vadd.f32 v20, v17  }
0x49a: {  	v23 =	vmov s30;
	v21 =	vadd.f32 v21, v18  }
0x49b: {  	[tilespmem:v22+s25+$0x0] =	vst.idx.msk $0xffff, v20;
	v20 =	vshrl.u32 v23, $0x3  }
0x49c: {  	[tilespmem:v19+s25+$0x0] =	vst.idx.msk $0xffff, v21;
	v19 =	vshll.u32 v20, v1  }
0x49d: {  	v20 =	vld [tilespmem:s28+$0x40];
	v19 =	vbroadcast v19, $0x0  }
0x49e: {  	v21 =	vld [tilespmem:s28+$0x50]  }
0x49f: {  	v22 =	vadd.s32 v13, v19  }
0x4a0: {  	v19 =	vadd.s32 v14, v19;
	_ =	sdelay $0x1  }
0x4a1: {  	s31 =	simm.s32 $0x7;
	v20 =	vadd.f32 v20, v17  }
0x4a2: {  	v23 =	vmov s31;
	v21 =	vadd.f32 v21, v18  }
0x4a3: {  	[tilespmem:v22+s25+$0x0] =	vst.idx.msk $0xffff, v20;
	v20 =	vshrl.u32 v23, $0x3  }
0x4a4: {  	[tilespmem:v19+s25+$0x0] =	vst.idx.msk $0xffff, v21;
	v19 =	vshll.u32 v20, v1  }
0x4a5: {  	v20 =	vld [tilespmem:s28+$0x60];
	v19 =	vbroadcast v19, $0x0;
	_ =	sdelay $0x1  }
0x4a6: {  	v21 =	vld [tilespmem:s28+$0x70];
	v22 =	vadd.s32 v15, v19;
	_ =	sdelay $0x1  }
0x4a7: {  	v19 =	vadd.s32 v16, v19  }
0x4a8: {  	s29 =	simm.s32 $0x8;
	v23 =	vadd.f32 v20, v17  }
0x4a9: {  	v24 =	vmov s29  }
0x4aa: {  	s1 =	simm.s32 $0x10;
	v20 =	vadd.f32 v21, v18;
	v21 =	vshrl.u32 v24, $0x3;
	[tilespmem:v22+s25+$0x0] =	vst.idx.msk $0xffff, v23  }
.LBB2_11:
0x4ab: {  	p0 =	slt.u32 s1, $0x78  }
0x4ac: {  	v21 =	vshll.u32 v21, v1;
	[tilespmem:v19+s25+$0x0] =	vst.idx.msk $0xffff, v20;
	s28 =	sadd.s32 $0x100, s28;
	s10 =	smov.u32 s1;
	s1 =	sadd.s32 $0x8, s1  }
0x4ad: {  	v19 =	vld [tilespmem:s28+$0xFFFFFF80];
	v20 =	vbroadcast v21, $0x0  }
0x4ae: {  	v21 =	vld [tilespmem:s28+$0xFFFFFF90]  }
0x4af: {  	v22 =	vadd.s32 v0, v20  }
0x4b0: {  	v20 =	vadd.s32 v2, v20;
	_ =	sdelay $0x1  }
0x4b1: {  	s12 =	sadd.s32 $0x1, s29;
	v19 =	vadd.f32 v19, v17  }
0x4b2: {  	v23 =	vmov s12;
	v21 =	vadd.f32 v21, v18  }
0x4b3: {  	[tilespmem:v22+s25+$0x0] =	vst.idx.msk $0xffff, v19;
	v19 =	vshrl.u32 v23, $0x3  }
0x4b4: {  	[tilespmem:v20+s25+$0x0] =	vst.idx.msk $0xffff, v21;
	v19 =	vshll.u32 v19, v1  }
0x4b5: {  	v20 =	vld [tilespmem:s28+$0xFFFFFFA0];
	v19 =	vbroadcast v19, $0x0  }
0x4b6: {  	v21 =	vld [tilespmem:s28+$0xFFFFFFB0]  }
0x4b7: {  	v22 =	vadd.s32 v3, v19  }
0x4b8: {  	v19 =	vadd.s32 v4, v19;
	_ =	sdelay $0x1  }
0x4b9: {  	s12 =	sadd.s32 $0x2, s29;
	v20 =	vadd.f32 v20, v17  }
0x4ba: {  	v23 =	vmov s12;
	v21 =	vadd.f32 v21, v18  }
0x4bb: {  	[tilespmem:v22+s25+$0x0] =	vst.idx.msk $0xffff, v20;
	v20 =	vshrl.u32 v23, $0x3  }
0x4bc: {  	[tilespmem:v19+s25+$0x0] =	vst.idx.msk $0xffff, v21;
	v19 =	vshll.u32 v20, v1  }
0x4bd: {  	v20 =	vld [tilespmem:s28+$0xFFFFFFC0];
	v19 =	vbroadcast v19, $0x0  }
0x4be: {  	v21 =	vld [tilespmem:s28+$0xFFFFFFD0]  }
0x4bf: {  	v22 =	vadd.s32 v5, v19  }
0x4c0: {  	v19 =	vadd.s32 v6, v19;
	_ =	sdelay $0x1  }
0x4c1: {  	s12 =	sadd.s32 $0x3, s29;
	v20 =	vadd.f32 v20, v17  }
0x4c2: {  	v23 =	vmov s12;
	v21 =	vadd.f32 v21, v18  }
0x4c3: {  	[tilespmem:v22+s25+$0x0] =	vst.idx.msk $0xffff, v20;
	v20 =	vshrl.u32 v23, $0x3  }
0x4c4: {  	[tilespmem:v19+s25+$0x0] =	vst.idx.msk $0xffff, v21;
	v19 =	vshll.u32 v20, v1  }
0x4c5: {  	v20 =	vld [tilespmem:s28+$0xFFFFFFE0];
	v19 =	vbroadcast v19, $0x0  }
0x4c6: {  	v21 =	vld [tilespmem:s28+$0xFFFFFFF0]  }
0x4c7: {  	v22 =	vadd.s32 v7, v19  }
0x4c8: {  	v19 =	vadd.s32 v8, v19;
	_ =	sdelay $0x1  }
0x4c9: {  	s12 =	sadd.s32 $0x4, s29;
	v20 =	vadd.f32 v20, v17  }
0x4ca: {  	v23 =	vmov s12;
	v21 =	vadd.f32 v21, v18  }
0x4cb: {  	[tilespmem:v22+s25+$0x0] =	vst.idx.msk $0xffff, v20;
	v20 =	vshrl.u32 v23, $0x3  }
0x4cc: {  	[tilespmem:v19+s25+$0x0] =	vst.idx.msk $0xffff, v21;
	v19 =	vshll.u32 v20, v1  }
0x4cd: {  	v20 =	vld [tilespmem:s28+$0x0];
	v19 =	vbroadcast v19, $0x0  }
0x4ce: {  	v21 =	vld [tilespmem:s28+$0x10]  }
0x4cf: {  	v22 =	vadd.s32 v9, v19  }
0x4d0: {  	v19 =	vadd.s32 v10, v19;
	_ =	sdelay $0x1  }
0x4d1: {  	s12 =	sadd.s32 $0x5, s29;
	v20 =	vadd.f32 v20, v17  }
0x4d2: {  	v23 =	vmov s12;
	v21 =	vadd.f32 v21, v18  }
0x4d3: {  	[tilespmem:v22+s25+$0x0] =	vst.idx.msk $0xffff, v20;
	v20 =	vshrl.u32 v23, $0x3  }
0x4d4: {  	[tilespmem:v19+s25+$0x0] =	vst.idx.msk $0xffff, v21;
	v19 =	vshll.u32 v20, v1  }
0x4d5: {  	v20 =	vld [tilespmem:s28+$0x20];
	v19 =	vbroadcast v19, $0x0  }
0x4d6: {  	v21 =	vld [tilespmem:s28+$0x30]  }
0x4d7: {  	v22 =	vadd.s32 v11, v19  }
0x4d8: {  	v19 =	vadd.s32 v12, v19;
	_ =	sdelay $0x1  }
0x4d9: {  	s12 =	sadd.s32 $0x6, s29;
	v20 =	vadd.f32 v20, v17  }
0x4da: {  	v23 =	vmov s12;
	v21 =	vadd.f32 v21, v18  }
0x4db: {  	[tilespmem:v22+s25+$0x0] =	vst.idx.msk $0xffff, v20;
	v20 =	vshrl.u32 v23, $0x3  }
0x4dc: {  	[tilespmem:v19+s25+$0x0] =	vst.idx.msk $0xffff, v21;
	v19 =	vshll.u32 v20, v1  }
0x4dd: {  	v20 =	vld [tilespmem:s28+$0x40];
	v19 =	vbroadcast v19, $0x0  }
0x4de: {  	v21 =	vld [tilespmem:s28+$0x50]  }
0x4df: {  	v22 =	vadd.s32 v13, v19  }
0x4e0: {  	v19 =	vadd.s32 v14, v19;
	_ =	sdelay $0x1  }
0x4e1: {  	s12 =	sadd.s32 $0x7, s29;
	s29 =	smov.u32 s10;
	v20 =	vadd.f32 v20, v17  }
0x4e2: {  	v23 =	vmov s12;
	v21 =	vadd.f32 v21, v18  }
0x4e3: {  	[tilespmem:v22+s25+$0x0] =	vst.idx.msk $0xffff, v20;
	v20 =	vshrl.u32 v23, $0x3  }
0x4e4: {  	[tilespmem:v19+s25+$0x0] =	vst.idx.msk $0xffff, v21;
	v19 =	vshll.u32 v20, v1  }
0x4e5: {  	v20 =	vld [tilespmem:s28+$0x60];
	v19 =	vbroadcast v19, $0x0  }
0x4e6: {  	v21 =	vld [tilespmem:s28+$0x70]  }
0x4e7: {  	v22 =	vadd.s32 v15, v19  }
.Ltmp6:
0x4e8: {  	v19 =	vadd.s32 v16, v19;
	(pc) =	sbr.rel @p0 .LBB2_11-.Ltmp6, $4  }
0x4e9: {  	_ = 	snop  }
0x4ea: {  	v23 =	vadd.f32 v20, v17  }
0x4eb: {  	v24 =	vmov s29;
	v20 =	vadd.f32 v21, v18  }
0x4ec: {  	v21 =	vshrl.u32 v24, $0x3;
	[tilespmem:v22+s25+$0x0] =	vst.idx.msk $0xffff, v23  }
0x4ed: {  	_ =	sdelay $0x3  }
0x4ee: {  	v21 =	vshll.u32 v21, v1;
	[tilespmem:v19+s25+$0x0] =	vst.idx.msk $0xffff, v20;
	s1 =	sadd.s32 $0x100, s28  }
0x4ef: {  	v19 =	vld [tilespmem:s1+$0xFFFFFF80];
	v20 =	vbroadcast v21, $0x0  }
0x4f0: {  	v21 =	vld [tilespmem:s1+$0xFFFFFF90]  }
0x4f1: {  	v22 =	vadd.s32 v0, v20  }
0x4f2: {  	v20 =	vadd.s32 v2, v20;
	_ =	sdelay $0x1  }
0x4f3: {  	s10 =	sadd.s32 $0x1, s29;
	v19 =	vadd.f32 v19, v17  }
0x4f4: {  	v23 =	vmov s10;
	v21 =	vadd.f32 v21, v18  }
0x4f5: {  	[tilespmem:v22+s25+$0x0] =	vst.idx.msk $0xffff, v19;
	v19 =	vshrl.u32 v23, $0x3  }
0x4f6: {  	[tilespmem:v20+s25+$0x0] =	vst.idx.msk $0xffff, v21;
	v19 =	vshll.u32 v19, v1  }
0x4f7: {  	v20 =	vld [tilespmem:s1+$0xFFFFFFA0];
	v19 =	vbroadcast v19, $0x0  }
0x4f8: {  	v21 =	vld [tilespmem:s1+$0xFFFFFFB0]  }
0x4f9: {  	v22 =	vadd.s32 v3, v19  }
0x4fa: {  	v19 =	vadd.s32 v4, v19;
	_ =	sdelay $0x1  }
0x4fb: {  	s12 =	sadd.s32 $0x2, s29;
	v20 =	vadd.f32 v20, v17  }
0x4fc: {  	v23 =	vmov s12;
	v21 =	vadd.f32 v21, v18  }
0x4fd: {  	[tilespmem:v22+s25+$0x0] =	vst.idx.msk $0xffff, v20;
	v20 =	vshrl.u32 v23, $0x3  }
0x4fe: {  	[tilespmem:v19+s25+$0x0] =	vst.idx.msk $0xffff, v21;
	v19 =	vshll.u32 v20, v1  }
0x4ff: {  	v20 =	vld [tilespmem:s1+$0xFFFFFFC0];
	v19 =	vbroadcast v19, $0x0  }
0x500: {  	v21 =	vld [tilespmem:s1+$0xFFFFFFD0]  }
0x501: {  	v22 =	vadd.s32 v5, v19  }
0x502: {  	v19 =	vadd.s32 v6, v19;
	_ =	sdelay $0x1  }
0x503: {  	s31 =	sadd.s32 $0x3, s29;
	v20 =	vadd.f32 v20, v17  }
0x504: {  	v23 =	vmov s31;
	v21 =	vadd.f32 v21, v18  }
0x505: {  	[tilespmem:v22+s25+$0x0] =	vst.idx.msk $0xffff, v20;
	v20 =	vshrl.u32 v23, $0x3  }
0x506: {  	[tilespmem:v19+s25+$0x0] =	vst.idx.msk $0xffff, v21;
	v19 =	vshll.u32 v20, v1  }
0x507: {  	v20 =	vld [tilespmem:s1+$0xFFFFFFE0];
	v19 =	vbroadcast v19, $0x0  }
0x508: {  	v21 =	vld [tilespmem:s1+$0xFFFFFFF0]  }
0x509: {  	v22 =	vadd.s32 v7, v19  }
0x50a: {  	v19 =	vadd.s32 v8, v19;
	_ =	sdelay $0x1  }
0x50b: {  	s12 =	sadd.s32 $0x4, s29;
	v20 =	vadd.f32 v20, v17  }
0x50c: {  	v23 =	vmov s12;
	v21 =	vadd.f32 v21, v18  }
0x50d: {  	[tilespmem:v22+s25+$0x0] =	vst.idx.msk $0xffff, v20;
	v20 =	vshrl.u32 v23, $0x3  }
0x50e: {  	[tilespmem:v19+s25+$0x0] =	vst.idx.msk $0xffff, v21;
	v19 =	vshll.u32 v20, v1  }
0x50f: {  	v20 =	vld [tilespmem:s1+$0x0];
	v19 =	vbroadcast v19, $0x0  }
0x510: {  	v21 =	vld [tilespmem:s1+$0x10]  }
0x511: {  	v22 =	vadd.s32 v9, v19  }
0x512: {  	v19 =	vadd.s32 v10, v19;
	_ =	sdelay $0x1  }
0x513: {  	s31 =	sadd.s32 $0x5, s29;
	v20 =	vadd.f32 v20, v17  }
0x514: {  	v23 =	vmov s31;
	v21 =	vadd.f32 v21, v18  }
0x515: {  	[tilespmem:v22+s25+$0x0] =	vst.idx.msk $0xffff, v20;
	v20 =	vshrl.u32 v23, $0x3  }
0x516: {  	[tilespmem:v19+s25+$0x0] =	vst.idx.msk $0xffff, v21;
	v19 =	vshll.u32 v20, v1  }
0x517: {  	v20 =	vld [tilespmem:s1+$0x20];
	v19 =	vbroadcast v19, $0x0  }
0x518: {  	v21 =	vld [tilespmem:s1+$0x30]  }
0x519: {  	v22 =	vadd.s32 v11, v19  }
0x51a: {  	v19 =	vadd.s32 v12, v19;
	_ =	sdelay $0x1  }
0x51b: {  	s12 =	sadd.s32 $0x6, s29;
	v20 =	vadd.f32 v20, v17  }
0x51c: {  	v23 =	vmov s12;
	v21 =	vadd.f32 v21, v18  }
0x51d: {  	[tilespmem:v22+s25+$0x0] =	vst.idx.msk $0xffff, v20;
	v20 =	vshrl.u32 v23, $0x3  }
0x51e: {  	[tilespmem:v19+s25+$0x0] =	vst.idx.msk $0xffff, v21;
	v19 =	vshll.u32 v20, v1  }
0x51f: {  	v20 =	vld [tilespmem:s1+$0x40];
	v19 =	vbroadcast v19, $0x0  }
0x520: {  	v21 =	vld [tilespmem:s1+$0x50]  }
0x521: {  	v22 =	vadd.s32 v13, v19  }
0x522: {  	v19 =	vadd.s32 v14, v19;
	_ =	sdelay $0x1  }
0x523: {  	s31 =	sadd.s32 $0x7, s29;
	v20 =	vadd.f32 v20, v17  }
0x524: {  	v23 =	vmov s31;
	v21 =	vadd.f32 v21, v18  }
0x525: {  	[tilespmem:v22+s25+$0x0] =	vst.idx.msk $0xffff, v20;
	v20 =	vshrl.u32 v23, $0x3  }
0x526: {  	[tilespmem:v19+s25+$0x0] =	vst.idx.msk $0xffff, v21;
	v19 =	vshll.u32 v20, v1  }
0x527: {  	v20 =	vld [tilespmem:s1+$0x60];
	v19 =	vbroadcast v19, $0x0  }
0x528: {  	v21 =	vld [tilespmem:s1+$0x70]  }
0x529: {  	v22 =	vadd.s32 v15, v19  }
0x52a: {  	v19 =	vadd.s32 v16, v19;
	_ =	sdelay $0x1  }
0x52b: {  	v17 =	vadd.f32 v20, v17  }
0x52c: {  	s28 =	sshllo.u32 s23, $0x1;
	v18 =	vadd.f32 v21, v18  }
0x52d: {  	s10 =	sshll.u32 s28, $0x5;
	s12 =	simm.s32 $0x0;
	[tilespmem:v22+s25+$0x0] =	vst.idx.msk $0xffff, v17  }
0x52e: {  	s1 =	sand.u32 $0x3FFFFFE0, s10;
	[tilespmem:v19+s25+$0x0] =	vst.idx.msk $0xffff, v18;
	v18 =	vmov s12  }
0x52f: {  	v17 =	vld [tilespmem:s1+$0x16C00];
	v19 =	vshrl.u32 v18, $0x3  }
0x530: {  	s29 =	simm.s32 $0xB480;
	v18 =	vld [tilespmem:s1+$0x16C10];
	v19 =	vshll.u32 v19, v1  }
0x531: {  	v20 =	vld [tilespmem:s29+$0xFFFFFF80];
	v19 =	vbroadcast v19, $0x0  }
0x532: {  	v21 =	vld [tilespmem:s29+$0xFFFFFF90]  }
0x533: {  	v22 =	vadd.s32 v0, v19  }
0x534: {  	v19 =	vadd.s32 v2, v19;
	_ =	sdelay $0x1  }
0x535: {  	s31 =	simm.s32 $0x1;
	v20 =	vadd.f32 v20, v17  }
0x536: {  	v23 =	vmov s31;
	v21 =	vadd.f32 v21, v18  }
0x537: {  	[tilespmem:v22+s26+$0x0] =	vst.idx.msk $0xffff, v20;
	v20 =	vshrl.u32 v23, $0x3  }
0x538: {  	[tilespmem:v19+s26+$0x0] =	vst.idx.msk $0xffff, v21;
	v19 =	vshll.u32 v20, v1  }
0x539: {  	v20 =	vld [tilespmem:s29+$0xFFFFFFA0];
	v19 =	vbroadcast v19, $0x0  }
0x53a: {  	v21 =	vld [tilespmem:s29+$0xFFFFFFB0]  }
0x53b: {  	v22 =	vadd.s32 v3, v19  }
0x53c: {  	v19 =	vadd.s32 v4, v19;
	_ =	sdelay $0x1  }
0x53d: {  	s10 =	simm.s32 $0x2;
	v20 =	vadd.f32 v20, v17  }
0x53e: {  	v23 =	vmov s10;
	v21 =	vadd.f32 v21, v18  }
0x53f: {  	[tilespmem:v22+s26+$0x0] =	vst.idx.msk $0xffff, v20;
	v20 =	vshrl.u32 v23, $0x3  }
0x540: {  	[tilespmem:v19+s26+$0x0] =	vst.idx.msk $0xffff, v21;
	v19 =	vshll.u32 v20, v1  }
0x541: {  	v20 =	vld [tilespmem:s29+$0xFFFFFFC0];
	v19 =	vbroadcast v19, $0x0  }
0x542: {  	v21 =	vld [tilespmem:s29+$0xFFFFFFD0]  }
0x543: {  	v22 =	vadd.s32 v5, v19  }
0x544: {  	v19 =	vadd.s32 v6, v19;
	_ =	sdelay $0x1  }
0x545: {  	s12 =	simm.s32 $0x3;
	v20 =	vadd.f32 v20, v17  }
0x546: {  	v23 =	vmov s12;
	v21 =	vadd.f32 v21, v18  }
0x547: {  	[tilespmem:v22+s26+$0x0] =	vst.idx.msk $0xffff, v20;
	v20 =	vshrl.u32 v23, $0x3  }
0x548: {  	[tilespmem:v19+s26+$0x0] =	vst.idx.msk $0xffff, v21;
	v19 =	vshll.u32 v20, v1  }
0x549: {  	v20 =	vld [tilespmem:s29+$0xFFFFFFE0];
	v19 =	vbroadcast v19, $0x0  }
0x54a: {  	v21 =	vld [tilespmem:s29+$0xFFFFFFF0]  }
0x54b: {  	v22 =	vadd.s32 v7, v19  }
0x54c: {  	v19 =	vadd.s32 v8, v19;
	_ =	sdelay $0x1  }
0x54d: {  	s31 =	simm.s32 $0x4;
	v20 =	vadd.f32 v20, v17  }
0x54e: {  	v23 =	vmov s31;
	v21 =	vadd.f32 v21, v18  }
0x54f: {  	[tilespmem:v22+s26+$0x0] =	vst.idx.msk $0xffff, v20;
	v20 =	vshrl.u32 v23, $0x3  }
0x550: {  	[tilespmem:v19+s26+$0x0] =	vst.idx.msk $0xffff, v21;
	v19 =	vshll.u32 v20, v1  }
0x551: {  	v20 =	vld [tilespmem:s29+$0x0];
	v19 =	vbroadcast v19, $0x0  }
0x552: {  	v21 =	vld [tilespmem:s29+$0x10]  }
0x553: {  	v22 =	vadd.s32 v9, v19  }
0x554: {  	v19 =	vadd.s32 v10, v19;
	_ =	sdelay $0x1  }
0x555: {  	s10 =	simm.s32 $0x5;
	v20 =	vadd.f32 v20, v17  }
0x556: {  	v23 =	vmov s10;
	v21 =	vadd.f32 v21, v18  }
0x557: {  	[tilespmem:v22+s26+$0x0] =	vst.idx.msk $0xffff, v20;
	v20 =	vshrl.u32 v23, $0x3  }
0x558: {  	[tilespmem:v19+s26+$0x0] =	vst.idx.msk $0xffff, v21;
	v19 =	vshll.u32 v20, v1  }
0x559: {  	v20 =	vld [tilespmem:s29+$0x20];
	v19 =	vbroadcast v19, $0x0  }
0x55a: {  	v21 =	vld [tilespmem:s29+$0x30]  }
0x55b: {  	v22 =	vadd.s32 v11, v19  }
0x55c: {  	v19 =	vadd.s32 v12, v19;
	_ =	sdelay $0x1  }
0x55d: {  	s12 =	simm.s32 $0x6;
	v20 =	vadd.f32 v20, v17  }
0x55e: {  	v23 =	vmov s12;
	v21 =	vadd.f32 v21, v18  }
0x55f: {  	[tilespmem:v22+s26+$0x0] =	vst.idx.msk $0xffff, v20;
	v20 =	vshrl.u32 v23, $0x3  }
0x560: {  	[tilespmem:v19+s26+$0x0] =	vst.idx.msk $0xffff, v21;
	v19 =	vshll.u32 v20, v1  }
0x561: {  	v20 =	vld [tilespmem:s29+$0x40];
	v19 =	vbroadcast v19, $0x0  }
0x562: {  	v21 =	vld [tilespmem:s29+$0x50]  }
0x563: {  	v22 =	vadd.s32 v13, v19  }
0x564: {  	v19 =	vadd.s32 v14, v19;
	_ =	sdelay $0x1  }
0x565: {  	s31 =	simm.s32 $0x7;
	v20 =	vadd.f32 v20, v17  }
0x566: {  	v23 =	vmov s31;
	v21 =	vadd.f32 v21, v18  }
0x567: {  	[tilespmem:v22+s26+$0x0] =	vst.idx.msk $0xffff, v20;
	v20 =	vshrl.u32 v23, $0x3  }
0x568: {  	[tilespmem:v19+s26+$0x0] =	vst.idx.msk $0xffff, v21;
	v19 =	vshll.u32 v20, v1  }
0x569: {  	v20 =	vld [tilespmem:s29+$0x60];
	v19 =	vbroadcast v19, $0x0;
	_ =	sdelay $0x1  }
0x56a: {  	v21 =	vld [tilespmem:s29+$0x70];
	v22 =	vadd.s32 v15, v19;
	_ =	sdelay $0x1  }
0x56b: {  	v19 =	vadd.s32 v16, v19  }
0x56c: {  	s30 =	simm.s32 $0x8;
	v23 =	vadd.f32 v20, v17  }
0x56d: {  	v24 =	vmov s30  }
0x56e: {  	s1 =	simm.s32 $0x10;
	v20 =	vadd.f32 v21, v18;
	v21 =	vshrl.u32 v24, $0x3;
	[tilespmem:v22+s26+$0x0] =	vst.idx.msk $0xffff, v23  }
.LBB2_13:
0x56f: {  	p0 =	slt.u32 s1, $0x78  }
0x570: {  	v21 =	vshll.u32 v21, v1;
	[tilespmem:v19+s26+$0x0] =	vst.idx.msk $0xffff, v20;
	s29 =	sadd.s32 $0x100, s29;
	s10 =	smov.u32 s1;
	s1 =	sadd.s32 $0x8, s1  }
0x571: {  	v19 =	vld [tilespmem:s29+$0xFFFFFF80];
	v20 =	vbroadcast v21, $0x0  }
0x572: {  	v21 =	vld [tilespmem:s29+$0xFFFFFF90]  }
0x573: {  	v22 =	vadd.s32 v0, v20  }
0x574: {  	v20 =	vadd.s32 v2, v20;
	_ =	sdelay $0x1  }
0x575: {  	s12 =	sadd.s32 $0x1, s30;
	v19 =	vadd.f32 v19, v17  }
0x576: {  	v23 =	vmov s12;
	v21 =	vadd.f32 v21, v18  }
0x577: {  	[tilespmem:v22+s26+$0x0] =	vst.idx.msk $0xffff, v19;
	v19 =	vshrl.u32 v23, $0x3  }
0x578: {  	[tilespmem:v20+s26+$0x0] =	vst.idx.msk $0xffff, v21;
	v19 =	vshll.u32 v19, v1  }
0x579: {  	v20 =	vld [tilespmem:s29+$0xFFFFFFA0];
	v19 =	vbroadcast v19, $0x0  }
0x57a: {  	v21 =	vld [tilespmem:s29+$0xFFFFFFB0]  }
0x57b: {  	v22 =	vadd.s32 v3, v19  }
0x57c: {  	v19 =	vadd.s32 v4, v19;
	_ =	sdelay $0x1  }
0x57d: {  	s12 =	sadd.s32 $0x2, s30;
	v20 =	vadd.f32 v20, v17  }
0x57e: {  	v23 =	vmov s12;
	v21 =	vadd.f32 v21, v18  }
0x57f: {  	[tilespmem:v22+s26+$0x0] =	vst.idx.msk $0xffff, v20;
	v20 =	vshrl.u32 v23, $0x3  }
0x580: {  	[tilespmem:v19+s26+$0x0] =	vst.idx.msk $0xffff, v21;
	v19 =	vshll.u32 v20, v1  }
0x581: {  	v20 =	vld [tilespmem:s29+$0xFFFFFFC0];
	v19 =	vbroadcast v19, $0x0  }
0x582: {  	v21 =	vld [tilespmem:s29+$0xFFFFFFD0]  }
0x583: {  	v22 =	vadd.s32 v5, v19  }
0x584: {  	v19 =	vadd.s32 v6, v19;
	_ =	sdelay $0x1  }
0x585: {  	s12 =	sadd.s32 $0x3, s30;
	v20 =	vadd.f32 v20, v17  }
0x586: {  	v23 =	vmov s12;
	v21 =	vadd.f32 v21, v18  }
0x587: {  	[tilespmem:v22+s26+$0x0] =	vst.idx.msk $0xffff, v20;
	v20 =	vshrl.u32 v23, $0x3  }
0x588: {  	[tilespmem:v19+s26+$0x0] =	vst.idx.msk $0xffff, v21;
	v19 =	vshll.u32 v20, v1  }
0x589: {  	v20 =	vld [tilespmem:s29+$0xFFFFFFE0];
	v19 =	vbroadcast v19, $0x0  }
0x58a: {  	v21 =	vld [tilespmem:s29+$0xFFFFFFF0]  }
0x58b: {  	v22 =	vadd.s32 v7, v19  }
0x58c: {  	v19 =	vadd.s32 v8, v19;
	_ =	sdelay $0x1  }
0x58d: {  	s12 =	sadd.s32 $0x4, s30;
	v20 =	vadd.f32 v20, v17  }
0x58e: {  	v23 =	vmov s12;
	v21 =	vadd.f32 v21, v18  }
0x58f: {  	[tilespmem:v22+s26+$0x0] =	vst.idx.msk $0xffff, v20;
	v20 =	vshrl.u32 v23, $0x3  }
0x590: {  	[tilespmem:v19+s26+$0x0] =	vst.idx.msk $0xffff, v21;
	v19 =	vshll.u32 v20, v1  }
0x591: {  	v20 =	vld [tilespmem:s29+$0x0];
	v19 =	vbroadcast v19, $0x0  }
0x592: {  	v21 =	vld [tilespmem:s29+$0x10]  }
0x593: {  	v22 =	vadd.s32 v9, v19  }
0x594: {  	v19 =	vadd.s32 v10, v19;
	_ =	sdelay $0x1  }
0x595: {  	s12 =	sadd.s32 $0x5, s30;
	v20 =	vadd.f32 v20, v17  }
0x596: {  	v23 =	vmov s12;
	v21 =	vadd.f32 v21, v18  }
0x597: {  	[tilespmem:v22+s26+$0x0] =	vst.idx.msk $0xffff, v20;
	v20 =	vshrl.u32 v23, $0x3  }
0x598: {  	[tilespmem:v19+s26+$0x0] =	vst.idx.msk $0xffff, v21;
	v19 =	vshll.u32 v20, v1  }
0x599: {  	v20 =	vld [tilespmem:s29+$0x20];
	v19 =	vbroadcast v19, $0x0  }
0x59a: {  	v21 =	vld [tilespmem:s29+$0x30]  }
0x59b: {  	v22 =	vadd.s32 v11, v19  }
0x59c: {  	v19 =	vadd.s32 v12, v19;
	_ =	sdelay $0x1  }
0x59d: {  	s12 =	sadd.s32 $0x6, s30;
	v20 =	vadd.f32 v20, v17  }
0x59e: {  	v23 =	vmov s12;
	v21 =	vadd.f32 v21, v18  }
0x59f: {  	[tilespmem:v22+s26+$0x0] =	vst.idx.msk $0xffff, v20;
	v20 =	vshrl.u32 v23, $0x3  }
0x5a0: {  	[tilespmem:v19+s26+$0x0] =	vst.idx.msk $0xffff, v21;
	v19 =	vshll.u32 v20, v1  }
0x5a1: {  	v20 =	vld [tilespmem:s29+$0x40];
	v19 =	vbroadcast v19, $0x0  }
0x5a2: {  	v21 =	vld [tilespmem:s29+$0x50]  }
0x5a3: {  	v22 =	vadd.s32 v13, v19  }
0x5a4: {  	v19 =	vadd.s32 v14, v19;
	_ =	sdelay $0x1  }
0x5a5: {  	s12 =	sadd.s32 $0x7, s30;
	s30 =	smov.u32 s10;
	v20 =	vadd.f32 v20, v17  }
0x5a6: {  	v23 =	vmov s12;
	v21 =	vadd.f32 v21, v18  }
0x5a7: {  	[tilespmem:v22+s26+$0x0] =	vst.idx.msk $0xffff, v20;
	v20 =	vshrl.u32 v23, $0x3  }
0x5a8: {  	[tilespmem:v19+s26+$0x0] =	vst.idx.msk $0xffff, v21;
	v19 =	vshll.u32 v20, v1  }
0x5a9: {  	v20 =	vld [tilespmem:s29+$0x60];
	v19 =	vbroadcast v19, $0x0  }
0x5aa: {  	v21 =	vld [tilespmem:s29+$0x70]  }
0x5ab: {  	v22 =	vadd.s32 v15, v19  }
.Ltmp7:
0x5ac: {  	v19 =	vadd.s32 v16, v19;
	(pc) =	sbr.rel @p0 .LBB2_13-.Ltmp7, $4  }
0x5ad: {  	_ = 	snop  }
0x5ae: {  	v23 =	vadd.f32 v20, v17  }
0x5af: {  	v24 =	vmov s30;
	v20 =	vadd.f32 v21, v18  }
0x5b0: {  	v21 =	vshrl.u32 v24, $0x3;
	[tilespmem:v22+s26+$0x0] =	vst.idx.msk $0xffff, v23  }
0x5b1: {  	_ =	sdelay $0x3  }
0x5b2: {  	v21 =	vshll.u32 v21, v1;
	[tilespmem:v19+s26+$0x0] =	vst.idx.msk $0xffff, v20;
	s1 =	sadd.s32 $0x100, s29  }
0x5b3: {  	v19 =	vld [tilespmem:s1+$0xFFFFFF80];
	v20 =	vbroadcast v21, $0x0  }
0x5b4: {  	v21 =	vld [tilespmem:s1+$0xFFFFFF90]  }
0x5b5: {  	v22 =	vadd.s32 v0, v20  }
0x5b6: {  	v20 =	vadd.s32 v2, v20;
	_ =	sdelay $0x1  }
0x5b7: {  	s10 =	sadd.s32 $0x1, s30;
	v19 =	vadd.f32 v19, v17  }
0x5b8: {  	v23 =	vmov s10;
	v21 =	vadd.f32 v21, v18  }
0x5b9: {  	[tilespmem:v22+s26+$0x0] =	vst.idx.msk $0xffff, v19;
	v19 =	vshrl.u32 v23, $0x3  }
0x5ba: {  	[tilespmem:v20+s26+$0x0] =	vst.idx.msk $0xffff, v21;
	v19 =	vshll.u32 v19, v1  }
0x5bb: {  	v20 =	vld [tilespmem:s1+$0xFFFFFFA0];
	v19 =	vbroadcast v19, $0x0  }
0x5bc: {  	v21 =	vld [tilespmem:s1+$0xFFFFFFB0]  }
0x5bd: {  	v22 =	vadd.s32 v3, v19  }
0x5be: {  	v19 =	vadd.s32 v4, v19;
	_ =	sdelay $0x1  }
0x5bf: {  	s29 =	sadd.s32 $0x2, s30;
	v20 =	vadd.f32 v20, v17  }
0x5c0: {  	v23 =	vmov s29;
	v21 =	vadd.f32 v21, v18  }
0x5c1: {  	[tilespmem:v22+s26+$0x0] =	vst.idx.msk $0xffff, v20;
	v20 =	vshrl.u32 v23, $0x3  }
0x5c2: {  	[tilespmem:v19+s26+$0x0] =	vst.idx.msk $0xffff, v21;
	v19 =	vshll.u32 v20, v1  }
0x5c3: {  	v20 =	vld [tilespmem:s1+$0xFFFFFFC0];
	v19 =	vbroadcast v19, $0x0  }
0x5c4: {  	v21 =	vld [tilespmem:s1+$0xFFFFFFD0]  }
0x5c5: {  	v22 =	vadd.s32 v5, v19  }
0x5c6: {  	v19 =	vadd.s32 v6, v19;
	_ =	sdelay $0x1  }
0x5c7: {  	s31 =	sadd.s32 $0x3, s30;
	v20 =	vadd.f32 v20, v17  }
0x5c8: {  	v23 =	vmov s31;
	v21 =	vadd.f32 v21, v18  }
0x5c9: {  	[tilespmem:v22+s26+$0x0] =	vst.idx.msk $0xffff, v20;
	v20 =	vshrl.u32 v23, $0x3  }
0x5ca: {  	[tilespmem:v19+s26+$0x0] =	vst.idx.msk $0xffff, v21;
	v19 =	vshll.u32 v20, v1  }
0x5cb: {  	v20 =	vld [tilespmem:s1+$0xFFFFFFE0];
	v19 =	vbroadcast v19, $0x0  }
0x5cc: {  	v21 =	vld [tilespmem:s1+$0xFFFFFFF0]  }
0x5cd: {  	v22 =	vadd.s32 v7, v19  }
0x5ce: {  	v19 =	vadd.s32 v8, v19;
	_ =	sdelay $0x1  }
0x5cf: {  	s12 =	sadd.s32 $0x4, s30;
	v20 =	vadd.f32 v20, v17  }
0x5d0: {  	v23 =	vmov s12;
	v21 =	vadd.f32 v21, v18  }
0x5d1: {  	[tilespmem:v22+s26+$0x0] =	vst.idx.msk $0xffff, v20;
	v20 =	vshrl.u32 v23, $0x3  }
0x5d2: {  	[tilespmem:v19+s26+$0x0] =	vst.idx.msk $0xffff, v21;
	v19 =	vshll.u32 v20, v1  }
0x5d3: {  	v20 =	vld [tilespmem:s1+$0x0];
	v19 =	vbroadcast v19, $0x0  }
0x5d4: {  	v21 =	vld [tilespmem:s1+$0x10]  }
0x5d5: {  	v22 =	vadd.s32 v9, v19  }
0x5d6: {  	v19 =	vadd.s32 v10, v19;
	_ =	sdelay $0x1  }
0x5d7: {  	s29 =	sadd.s32 $0x5, s30;
	v20 =	vadd.f32 v20, v17  }
0x5d8: {  	v23 =	vmov s29;
	v21 =	vadd.f32 v21, v18  }
0x5d9: {  	[tilespmem:v22+s26+$0x0] =	vst.idx.msk $0xffff, v20;
	v20 =	vshrl.u32 v23, $0x3  }
0x5da: {  	[tilespmem:v19+s26+$0x0] =	vst.idx.msk $0xffff, v21;
	v19 =	vshll.u32 v20, v1  }
0x5db: {  	v20 =	vld [tilespmem:s1+$0x20];
	v19 =	vbroadcast v19, $0x0  }
0x5dc: {  	v21 =	vld [tilespmem:s1+$0x30]  }
0x5dd: {  	v22 =	vadd.s32 v11, v19  }
0x5de: {  	v19 =	vadd.s32 v12, v19;
	_ =	sdelay $0x1  }
0x5df: {  	s31 =	sadd.s32 $0x6, s30;
	v20 =	vadd.f32 v20, v17  }
0x5e0: {  	v23 =	vmov s31;
	v21 =	vadd.f32 v21, v18  }
0x5e1: {  	[tilespmem:v22+s26+$0x0] =	vst.idx.msk $0xffff, v20;
	v20 =	vshrl.u32 v23, $0x3  }
0x5e2: {  	[tilespmem:v19+s26+$0x0] =	vst.idx.msk $0xffff, v21;
	v19 =	vshll.u32 v20, v1  }
0x5e3: {  	v20 =	vld [tilespmem:s1+$0x40];
	v19 =	vbroadcast v19, $0x0  }
0x5e4: {  	v21 =	vld [tilespmem:s1+$0x50]  }
0x5e5: {  	v22 =	vadd.s32 v13, v19  }
0x5e6: {  	v19 =	vadd.s32 v14, v19;
	_ =	sdelay $0x1  }
0x5e7: {  	s12 =	sadd.s32 $0x7, s30;
	v20 =	vadd.f32 v20, v17  }
0x5e8: {  	v23 =	vmov s12;
	v21 =	vadd.f32 v21, v18  }
0x5e9: {  	[tilespmem:v22+s26+$0x0] =	vst.idx.msk $0xffff, v20;
	v20 =	vshrl.u32 v23, $0x3  }
0x5ea: {  	[tilespmem:v19+s26+$0x0] =	vst.idx.msk $0xffff, v21;
	v19 =	vshll.u32 v20, v1  }
0x5eb: {  	v20 =	vld [tilespmem:s1+$0x60];
	v19 =	vbroadcast v19, $0x0  }
0x5ec: {  	v21 =	vld [tilespmem:s1+$0x70]  }
0x5ed: {  	v22 =	vadd.s32 v15, v19  }
0x5ee: {  	v19 =	vadd.s32 v16, v19;
	_ =	sdelay $0x1  }
0x5ef: {  	s23 =	sshll.u32 s23, $0x12;
	v17 =	vadd.f32 v20, v17  }
0x5f0: {  	s1 =	sor.u32 s7, s23;
	v18 =	vadd.f32 v21, v18  }
0x5f1: {  	s1 =	sshrl.u32 s1, $0x3;
	[tilespmem:v22+s26+$0x0] =	vst.idx.msk $0xffff, v17  }
0x5f2: {  	s1 =	sadd.s32 s2, s1;
	[tilespmem:v19+s26+$0x0] =	vst.idx.msk $0xffff, v18  }
0x5f3: {  	[hbm4b:s1+s3] =	stream.linear.scatter [tilespmem:s25], [sflag:$0x7], $0x80, $0x38;
	[tilespmem:$0x18500] =	vst v63  }
0x5f4: {  	s12 =	simm.s32 $0x12888;
	s29 =	sadd.s32 $0x10, s1  }
0x5f5: {  	[hbm4b:s29+s3] =	stream.linear.scatter [tilespmem:s12], [sflag:$0x7], $0x80, $0x38;
	[tilespmem:$0x18500] =	vst v63  }
0x5f6: {  	s31 =	simm.s32 $0x12910;
	s30 =	sadd.s32 $0x20, s1  }
0x5f7: {  	[hbm4b:s30+s3] =	stream.linear.scatter [tilespmem:s31], [sflag:$0x7], $0x80, $0x38;
	[tilespmem:$0x18500] =	vst v63  }
0x5f8: {  	s23 =	sadd.s32 $0x30, s1;
	s29 =	simm.s32 $0x12998  }
0x5f9: {  	[hbm4b:s23+s3] =	stream.linear.scatter [tilespmem:s29], [sflag:$0x7], $0x80, $0x38;
	[tilespmem:$0x18500] =	vst v63  }
0x5fa: {  	s30 =	sadd.s32 $0x40, s1;
	s31 =	simm.s32 $0x12A20  }
0x5fb: {  	[hbm4b:s30+s3] =	stream.linear.scatter [tilespmem:s31], [sflag:$0x7], $0x80, $0x38;
	[tilespmem:$0x18500] =	vst v63  }
0x5fc: {  	s23 =	sadd.s32 $0x50, s1;
	s29 =	simm.s32 $0x12AA8  }
0x5fd: {  	[hbm4b:s23+s3] =	stream.linear.scatter [tilespmem:s29], [sflag:$0x7], $0x80, $0x38;
	[tilespmem:$0x18500] =	vst v63  }
0x5fe: {  	s30 =	sadd.s32 $0x60, s1;
	s31 =	simm.s32 $0x12B30  }
0x5ff: {  	[hbm4b:s30+s3] =	stream.linear.scatter [tilespmem:s31], [sflag:$0x7], $0x80, $0x38;
	[tilespmem:$0x18500] =	vst v63  }
0x600: {  	s23 =	sadd.s32 $0x70, s1;
	s29 =	simm.s32 $0x12BB8  }
0x601: {  	[hbm4b:s23+s3] =	stream.linear.scatter [tilespmem:s29], [sflag:$0x7], $0x80, $0x38;
	[tilespmem:$0x18500] =	vst v63  }
0x602: {  	s30 =	sadd.s32 $0x1000, s1;
	s31 =	simm.s32 $0x12C40  }
0x603: {  	[hbm4b:s30+s3] =	stream.linear.scatter [tilespmem:s31], [sflag:$0x7], $0x80, $0x38;
	[tilespmem:$0x18500] =	vst v63  }
0x604: {  	s23 =	sadd.s32 $0x1010, s1;
	s29 =	simm.s32 $0x12CC8  }
0x605: {  	[hbm4b:s23+s3] =	stream.linear.scatter [tilespmem:s29], [sflag:$0x7], $0x80, $0x38;
	[tilespmem:$0x18500] =	vst v63  }
0x606: {  	s30 =	sadd.s32 $0x1020, s1;
	s31 =	simm.s32 $0x12D50  }
0x607: {  	[hbm4b:s30+s3] =	stream.linear.scatter [tilespmem:s31], [sflag:$0x7], $0x80, $0x38;
	[tilespmem:$0x18500] =	vst v63  }
0x608: {  	s23 =	sadd.s32 $0x1030, s1;
	s29 =	simm.s32 $0x12DD8  }
0x609: {  	[hbm4b:s23+s3] =	stream.linear.scatter [tilespmem:s29], [sflag:$0x7], $0x80, $0x38;
	[tilespmem:$0x18500] =	vst v63  }
0x60a: {  	s30 =	sadd.s32 $0x1040, s1;
	s31 =	simm.s32 $0x12E60  }
0x60b: {  	[hbm4b:s30+s3] =	stream.linear.scatter [tilespmem:s31], [sflag:$0x7], $0x80, $0x38;
	[tilespmem:$0x18500] =	vst v63  }
0x60c: {  	s23 =	sadd.s32 $0x1050, s1;
	s29 =	simm.s32 $0x12EE8  }
0x60d: {  	[hbm4b:s23+s3] =	stream.linear.scatter [tilespmem:s29], [sflag:$0x7], $0x80, $0x38;
	[tilespmem:$0x18500] =	vst v63  }
0x60e: {  	s30 =	sadd.s32 $0x1060, s1;
	s31 =	simm.s32 $0x12F70  }
0x60f: {  	[hbm4b:s30+s3] =	stream.linear.scatter [tilespmem:s31], [sflag:$0x7], $0x80, $0x38;
	[tilespmem:$0x18500] =	vst v63  }
0x610: {  	s23 =	sadd.s32 $0x1070, s1;
	s29 =	simm.s32 $0x12FF8  }
0x611: {  	[hbm4b:s23+s3] =	stream.linear.scatter [tilespmem:s29], [sflag:$0x7], $0x80, $0x38;
	[tilespmem:$0x18500] =	vst v63  }
0x612: {  	s30 =	sadd.s32 $0x2000, s1;
	s31 =	simm.s32 $0x13080  }
0x613: {  	[hbm4b:s30+s3] =	stream.linear.scatter [tilespmem:s31], [sflag:$0x7], $0x80, $0x38;
	[tilespmem:$0x18500] =	vst v63  }
0x614: {  	s23 =	sadd.s32 $0x2010, s1;
	s29 =	simm.s32 $0x13108  }
0x615: {  	[hbm4b:s23+s3] =	stream.linear.scatter [tilespmem:s29], [sflag:$0x7], $0x80, $0x38;
	[tilespmem:$0x18500] =	vst v63  }
0x616: {  	s30 =	sadd.s32 $0x2020, s1;
	s31 =	simm.s32 $0x13190  }
0x617: {  	[hbm4b:s30+s3] =	stream.linear.scatter [tilespmem:s31], [sflag:$0x7], $0x80, $0x38;
	[tilespmem:$0x18500] =	vst v63  }
0x618: {  	s23 =	sadd.s32 $0x2030, s1;
	s29 =	simm.s32 $0x13218  }
0x619: {  	[hbm4b:s23+s3] =	stream.linear.scatter [tilespmem:s29], [sflag:$0x7], $0x80, $0x38;
	[tilespmem:$0x18500] =	vst v63  }
0x61a: {  	s30 =	sadd.s32 $0x2040, s1;
	s31 =	simm.s32 $0x132A0  }
0x61b: {  	[hbm4b:s30+s3] =	stream.linear.scatter [tilespmem:s31], [sflag:$0x7], $0x80, $0x38;
	[tilespmem:$0x18500] =	vst v63  }
0x61c: {  	s23 =	sadd.s32 $0x2050, s1;
	s29 =	simm.s32 $0x13328  }
0x61d: {  	[hbm4b:s23+s3] =	stream.linear.scatter [tilespmem:s29], [sflag:$0x7], $0x80, $0x38;
	[tilespmem:$0x18500] =	vst v63  }
0x61e: {  	s30 =	sadd.s32 $0x2060, s1;
	s31 =	simm.s32 $0x133B0  }
0x61f: {  	[hbm4b:s30+s3] =	stream.linear.scatter [tilespmem:s31], [sflag:$0x7], $0x80, $0x38;
	[tilespmem:$0x18500] =	vst v63  }
0x620: {  	s23 =	sadd.s32 $0x2070, s1;
	s29 =	simm.s32 $0x13438  }
0x621: {  	[hbm4b:s23+s3] =	stream.linear.scatter [tilespmem:s29], [sflag:$0x7], $0x80, $0x38;
	[tilespmem:$0x18500] =	vst v63  }
0x622: {  	s30 =	sadd.s32 $0x3000, s1;
	s31 =	simm.s32 $0x134C0  }
0x623: {  	[hbm4b:s30+s3] =	stream.linear.scatter [tilespmem:s31], [sflag:$0x7], $0x80, $0x38;
	[tilespmem:$0x18500] =	vst v63  }
0x624: {  	s23 =	sadd.s32 $0x3010, s1;
	s29 =	simm.s32 $0x13548  }
0x625: {  	[hbm4b:s23+s3] =	stream.linear.scatter [tilespmem:s29], [sflag:$0x7], $0x80, $0x38;
	[tilespmem:$0x18500] =	vst v63  }
0x626: {  	s30 =	sadd.s32 $0x3020, s1;
	s31 =	simm.s32 $0x135D0  }
0x627: {  	[hbm4b:s30+s3] =	stream.linear.scatter [tilespmem:s31], [sflag:$0x7], $0x80, $0x38;
	[tilespmem:$0x18500] =	vst v63  }
0x628: {  	s23 =	sadd.s32 $0x3030, s1;
	s29 =	simm.s32 $0x13658  }
0x629: {  	[hbm4b:s23+s3] =	stream.linear.scatter [tilespmem:s29], [sflag:$0x7], $0x80, $0x38;
	[tilespmem:$0x18500] =	vst v63  }
0x62a: {  	s30 =	sadd.s32 $0x3040, s1;
	s31 =	simm.s32 $0x136E0  }
0x62b: {  	[hbm4b:s30+s3] =	stream.linear.scatter [tilespmem:s31], [sflag:$0x7], $0x80, $0x38;
	[tilespmem:$0x18500] =	vst v63  }
0x62c: {  	s12 =	sadd.s32 $0x3050, s1;
	s23 =	simm.s32 $0x13768  }
0x62d: {  	[hbm4b:s12+s3] =	stream.linear.scatter [tilespmem:s23], [sflag:$0x7], $0x80, $0x38;
	[tilespmem:$0x18500] =	vst v63  }
0x62e: {  	s29 =	sadd.s32 $0x3060, s1;
	s30 =	simm.s32 $0x137F0  }
0x62f: {  	[hbm4b:s29+s3] =	stream.linear.scatter [tilespmem:s30], [sflag:$0x7], $0x80, $0x38;
	[tilespmem:$0x18500] =	vst v63  }
0x630: {  	s1 =	sadd.s32 $0x3070, s1;
	s31 =	simm.s32 $0x13878;
	s12 =	sshll.u32 s28, $0x11  }
0x631: {  	[hbm4b:s1+s3] =	stream.linear.scatter [tilespmem:s31], [sflag:$0x7], $0x80, $0x38;
	[tilespmem:$0x18500] =	vst v63  }
0x632: {  	s1 =	sor.u32 s7, s12  }
0x633: {  	s1 =	sshrl.u32 s1, $0x3  }
0x634: {  	s1 =	sadd.s32 s2, s1  }
0x635: {  	[hbm4b:s1+s3] =	stream.linear.scatter [tilespmem:s26], [sflag:$0x7], $0x80, $0x38;
	[tilespmem:$0x18500] =	vst v63  }
0x636: {  	s29 =	simm.s32 $0x13988;
	s23 =	sadd.s32 $0x10, s1  }
0x637: {  	[hbm4b:s23+s3] =	stream.linear.scatter [tilespmem:s29], [sflag:$0x7], $0x80, $0x38;
	[tilespmem:$0x18500] =	vst v63  }
0x638: {  	s31 =	simm.s32 $0x13A10;
	s30 =	sadd.s32 $0x20, s1  }
0x639: {  	[hbm4b:s30+s3] =	stream.linear.scatter [tilespmem:s31], [sflag:$0x7], $0x80, $0x38;
	[tilespmem:$0x18500] =	vst v63  }
0x63a: {  	s23 =	sadd.s32 $0x30, s1;
	s29 =	simm.s32 $0x13A98  }
0x63b: {  	[hbm4b:s23+s3] =	stream.linear.scatter [tilespmem:s29], [sflag:$0x7], $0x80, $0x38;
	[tilespmem:$0x18500] =	vst v63  }
0x63c: {  	s30 =	sadd.s32 $0x40, s1;
	s31 =	simm.s32 $0x13B20  }
0x63d: {  	[hbm4b:s30+s3] =	stream.linear.scatter [tilespmem:s31], [sflag:$0x7], $0x80, $0x38;
	[tilespmem:$0x18500] =	vst v63  }
0x63e: {  	s23 =	sadd.s32 $0x50, s1;
	s29 =	simm.s32 $0x13BA8  }
0x63f: {  	[hbm4b:s23+s3] =	stream.linear.scatter [tilespmem:s29], [sflag:$0x7], $0x80, $0x38;
	[tilespmem:$0x18500] =	vst v63  }
0x640: {  	s30 =	sadd.s32 $0x60, s1;
	s31 =	simm.s32 $0x13C30  }
0x641: {  	[hbm4b:s30+s3] =	stream.linear.scatter [tilespmem:s31], [sflag:$0x7], $0x80, $0x38;
	[tilespmem:$0x18500] =	vst v63  }
0x642: {  	s23 =	sadd.s32 $0x70, s1;
	s29 =	simm.s32 $0x13CB8  }
0x643: {  	[hbm4b:s23+s3] =	stream.linear.scatter [tilespmem:s29], [sflag:$0x7], $0x80, $0x38;
	[tilespmem:$0x18500] =	vst v63  }
0x644: {  	s30 =	sadd.s32 $0x1000, s1;
	s31 =	simm.s32 $0x13D40  }
0x645: {  	[hbm4b:s30+s3] =	stream.linear.scatter [tilespmem:s31], [sflag:$0x7], $0x80, $0x38;
	[tilespmem:$0x18500] =	vst v63  }
0x646: {  	s23 =	sadd.s32 $0x1010, s1;
	s29 =	simm.s32 $0x13DC8  }
0x647: {  	[hbm4b:s23+s3] =	stream.linear.scatter [tilespmem:s29], [sflag:$0x7], $0x80, $0x38;
	[tilespmem:$0x18500] =	vst v63  }
0x648: {  	s30 =	sadd.s32 $0x1020, s1;
	s31 =	simm.s32 $0x13E50  }
0x649: {  	[hbm4b:s30+s3] =	stream.linear.scatter [tilespmem:s31], [sflag:$0x7], $0x80, $0x38;
	[tilespmem:$0x18500] =	vst v63  }
0x64a: {  	s23 =	sadd.s32 $0x1030, s1;
	s29 =	simm.s32 $0x13ED8  }
0x64b: {  	[hbm4b:s23+s3] =	stream.linear.scatter [tilespmem:s29], [sflag:$0x7], $0x80, $0x38;
	[tilespmem:$0x18500] =	vst v63  }
0x64c: {  	s30 =	sadd.s32 $0x1040, s1;
	s31 =	simm.s32 $0x13F60  }
0x64d: {  	[hbm4b:s30+s3] =	stream.linear.scatter [tilespmem:s31], [sflag:$0x7], $0x80, $0x38;
	[tilespmem:$0x18500] =	vst v63  }
0x64e: {  	s23 =	sadd.s32 $0x1050, s1;
	s29 =	simm.s32 $0x13FE8  }
0x64f: {  	[hbm4b:s23+s3] =	stream.linear.scatter [tilespmem:s29], [sflag:$0x7], $0x80, $0x38;
	[tilespmem:$0x18500] =	vst v63  }
0x650: {  	s30 =	sadd.s32 $0x1060, s1;
	s31 =	simm.s32 $0x14070  }
0x651: {  	[hbm4b:s30+s3] =	stream.linear.scatter [tilespmem:s31], [sflag:$0x7], $0x80, $0x38;
	[tilespmem:$0x18500] =	vst v63  }
0x652: {  	s23 =	sadd.s32 $0x1070, s1;
	s29 =	simm.s32 $0x140F8  }
0x653: {  	[hbm4b:s23+s3] =	stream.linear.scatter [tilespmem:s29], [sflag:$0x7], $0x80, $0x38;
	[tilespmem:$0x18500] =	vst v63  }
0x654: {  	s30 =	sadd.s32 $0x2000, s1;
	s31 =	simm.s32 $0x14180  }
0x655: {  	[hbm4b:s30+s3] =	stream.linear.scatter [tilespmem:s31], [sflag:$0x7], $0x80, $0x38;
	[tilespmem:$0x18500] =	vst v63  }
0x656: {  	s23 =	sadd.s32 $0x2010, s1;
	s29 =	simm.s32 $0x14208  }
0x657: {  	[hbm4b:s23+s3] =	stream.linear.scatter [tilespmem:s29], [sflag:$0x7], $0x80, $0x38;
	[tilespmem:$0x18500] =	vst v63  }
0x658: {  	s30 =	sadd.s32 $0x2020, s1;
	s31 =	simm.s32 $0x14290  }
0x659: {  	[hbm4b:s30+s3] =	stream.linear.scatter [tilespmem:s31], [sflag:$0x7], $0x80, $0x38;
	[tilespmem:$0x18500] =	vst v63  }
0x65a: {  	s23 =	sadd.s32 $0x2030, s1;
	s29 =	simm.s32 $0x14318  }
0x65b: {  	[hbm4b:s23+s3] =	stream.linear.scatter [tilespmem:s29], [sflag:$0x7], $0x80, $0x38;
	[tilespmem:$0x18500] =	vst v63  }
0x65c: {  	s30 =	sadd.s32 $0x2040, s1;
	s31 =	simm.s32 $0x143A0  }
0x65d: {  	[hbm4b:s30+s3] =	stream.linear.scatter [tilespmem:s31], [sflag:$0x7], $0x80, $0x38;
	[tilespmem:$0x18500] =	vst v63  }
0x65e: {  	s23 =	sadd.s32 $0x2050, s1;
	s29 =	simm.s32 $0x14428  }
0x65f: {  	[hbm4b:s23+s3] =	stream.linear.scatter [tilespmem:s29], [sflag:$0x7], $0x80, $0x38;
	[tilespmem:$0x18500] =	vst v63  }
0x660: {  	s30 =	sadd.s32 $0x2060, s1;
	s31 =	simm.s32 $0x144B0  }
0x661: {  	[hbm4b:s30+s3] =	stream.linear.scatter [tilespmem:s31], [sflag:$0x7], $0x80, $0x38;
	[tilespmem:$0x18500] =	vst v63  }
0x662: {  	s23 =	sadd.s32 $0x2070, s1;
	s29 =	simm.s32 $0x14538  }
0x663: {  	[hbm4b:s23+s3] =	stream.linear.scatter [tilespmem:s29], [sflag:$0x7], $0x80, $0x38;
	[tilespmem:$0x18500] =	vst v63  }
0x664: {  	s30 =	sadd.s32 $0x3000, s1;
	s31 =	simm.s32 $0x145C0  }
0x665: {  	[hbm4b:s30+s3] =	stream.linear.scatter [tilespmem:s31], [sflag:$0x7], $0x80, $0x38;
	[tilespmem:$0x18500] =	vst v63  }
0x666: {  	s23 =	sadd.s32 $0x3010, s1;
	s29 =	simm.s32 $0x14648  }
0x667: {  	[hbm4b:s23+s3] =	stream.linear.scatter [tilespmem:s29], [sflag:$0x7], $0x80, $0x38;
	[tilespmem:$0x18500] =	vst v63  }
0x668: {  	s30 =	sadd.s32 $0x3020, s1;
	s31 =	simm.s32 $0x146D0  }
0x669: {  	[hbm4b:s30+s3] =	stream.linear.scatter [tilespmem:s31], [sflag:$0x7], $0x80, $0x38;
	[tilespmem:$0x18500] =	vst v63  }
0x66a: {  	s23 =	sadd.s32 $0x3030, s1;
	s29 =	simm.s32 $0x14758  }
0x66b: {  	[hbm4b:s23+s3] =	stream.linear.scatter [tilespmem:s29], [sflag:$0x7], $0x80, $0x38;
	[tilespmem:$0x18500] =	vst v63  }
0x66c: {  	s30 =	sadd.s32 $0x3040, s1;
	s31 =	simm.s32 $0x147E0  }
0x66d: {  	[hbm4b:s30+s3] =	stream.linear.scatter [tilespmem:s31], [sflag:$0x7], $0x80, $0x38;
	[tilespmem:$0x18500] =	vst v63  }
0x66e: {  	s23 =	sadd.s32 $0x3050, s1;
	s29 =	simm.s32 $0x14868  }
0x66f: {  	[hbm4b:s23+s3] =	stream.linear.scatter [tilespmem:s29], [sflag:$0x7], $0x80, $0x38;
	[tilespmem:$0x18500] =	vst v63  }
0x670: {  	s30 =	sadd.s32 $0x3060, s1;
	s31 =	simm.s32 $0x148F0  }
0x671: {  	[hbm4b:s30+s3] =	stream.linear.scatter [tilespmem:s31], [sflag:$0x7], $0x80, $0x38;
	[tilespmem:$0x18500] =	vst v63  }
0x672: {  	s12 =	simm.s32 $0x14978;
	s1 =	sadd.s32 $0x3070, s1  }
0x673: {  	[hbm4b:s1+s3] =	stream.linear.scatter [tilespmem:s12], [sflag:$0x7], $0x80, $0x38;
	[tilespmem:$0x18500] =	vst v63  }
0x674: {  	_ =	swait.ge [sflag:s17], $0x1000  }
0x675: {  	[sflag:s17] =	ssyncset.done $0x0  }
0x676: {  	p0 =	seq.s32 s15, $0x18;
	[sflag:s17] =	ssyncadd.s32 $0xFFFFF000  }
0x677: {  	s1 =	sshll.u32 @!p0 s15, $0xA;
	_ =	swait.ge [sflag:s17], $0x1000  }
0x678: {  	s23 =	simm.s32 @!p0 $0x6400;
	s1 =	sand.u32 @!p0 $0x3FFFFC00, s1;
	[sflag:s17] =	ssyncset.done $0x0  }
0x679: {  	s12 =	simm.s32 @!p0 $0x80;
	s10 =	sadd.s32 @!p0 $0x400, s1;
	[sflag:s17] =	ssyncadd.s32 $0xFFFFF000  }
0x67a: {  	[tilespmem:s23], [sflag:$0x1] =	stream.indirect.gather @!p0 [hbm4b:s4+s12], $0x20, s10, s12, $0xb8;
	[tilespmem:$0x18500] =	vst v63  }
0x67b: {  	s1 =	sadd.s32 @!p0 $0x480, s1;
	s10 =	simm.s32 @!p0 $0x7400  }
0x67c: {  	[tilespmem:s10], [sflag:$0x1] =	stream.indirect.gather @!p0 [hbm4b:s4+s12], $0x20, s1, s12, $0xb8;
	[tilespmem:$0x18500] =	vst v63  }
0x67d: {  	_ =	swait.ge [sflag:s5], $0x1000  }
0x67e: {  	[sflag:s5] =	ssyncset.done $0x0  }
0x67f: {  	[sflag:s5] =	ssyncadd.s32 $0xFFFFF000  }
0x680: {  	_ =	swait.ge [sflag:s5], $0x1000  }
0x681: {  	s29 =	simm.s32 $0x0;
	s23 =	sshll.u32 s22, $0x6;
	[sflag:s5] =	ssyncset.done $0x0  }
0x682: {  	v18 =	vmov s29;
	s1 =	sand.u32 $0x3FFFFFC0, s23;
	[sflag:s5] =	ssyncadd.s32 $0xFFFFF000  }
0x683: {  	v19 =	vshrl.u32 v18, $0x3;
	v17 =	vld [tilespmem:s1+$0x16C00]  }
0x684: {  	v19 =	vshll.u32 v19, v1;
	s23 =	simm.s32 $0xC480;
	v18 =	vld [tilespmem:s1+$0x16C10]  }
0x685: {  	v19 =	vbroadcast v19, $0x0;
	v20 =	vld [tilespmem:s23+$0xFFFFFF80]  }
0x686: {  	v21 =	vld [tilespmem:s23+$0xFFFFFF90]  }
0x687: {  	v22 =	vadd.s32 v0, v19  }
0x688: {  	v19 =	vadd.s32 v2, v19;
	_ =	sdelay $0x1  }
0x689: {  	s30 =	simm.s32 $0x1;
	v20 =	vadd.f32 v20, v17  }
0x68a: {  	v23 =	vmov s30;
	v21 =	vadd.f32 v21, v18  }
0x68b: {  	[tilespmem:v22+s16+$0x0] =	vst.idx.msk $0xffff, v20;
	v20 =	vshrl.u32 v23, $0x3  }
0x68c: {  	[tilespmem:v19+s16+$0x0] =	vst.idx.msk $0xffff, v21;
	v19 =	vshll.u32 v20, v1  }
0x68d: {  	v20 =	vld [tilespmem:s23+$0xFFFFFFA0];
	v19 =	vbroadcast v19, $0x0  }
0x68e: {  	v21 =	vld [tilespmem:s23+$0xFFFFFFB0]  }
0x68f: {  	v22 =	vadd.s32 v3, v19  }
0x690: {  	v19 =	vadd.s32 v4, v19;
	_ =	sdelay $0x1  }
0x691: {  	s31 =	simm.s32 $0x2;
	v20 =	vadd.f32 v20, v17  }
0x692: {  	v23 =	vmov s31;
	v21 =	vadd.f32 v21, v18  }
0x693: {  	[tilespmem:v22+s16+$0x0] =	vst.idx.msk $0xffff, v20;
	v20 =	vshrl.u32 v23, $0x3  }
0x694: {  	[tilespmem:v19+s16+$0x0] =	vst.idx.msk $0xffff, v21;
	v19 =	vshll.u32 v20, v1  }
0x695: {  	v20 =	vld [tilespmem:s23+$0xFFFFFFC0];
	v19 =	vbroadcast v19, $0x0  }
0x696: {  	v21 =	vld [tilespmem:s23+$0xFFFFFFD0]  }
0x697: {  	v22 =	vadd.s32 v5, v19  }
0x698: {  	v19 =	vadd.s32 v6, v19;
	_ =	sdelay $0x1  }
0x699: {  	s10 =	simm.s32 $0x3;
	v20 =	vadd.f32 v20, v17  }
0x69a: {  	v23 =	vmov s10;
	v21 =	vadd.f32 v21, v18  }
0x69b: {  	[tilespmem:v22+s16+$0x0] =	vst.idx.msk $0xffff, v20;
	v20 =	vshrl.u32 v23, $0x3  }
0x69c: {  	[tilespmem:v19+s16+$0x0] =	vst.idx.msk $0xffff, v21;
	v19 =	vshll.u32 v20, v1  }
0x69d: {  	v20 =	vld [tilespmem:s23+$0xFFFFFFE0];
	v19 =	vbroadcast v19, $0x0  }
0x69e: {  	v21 =	vld [tilespmem:s23+$0xFFFFFFF0]  }
0x69f: {  	v22 =	vadd.s32 v7, v19  }
0x6a0: {  	v19 =	vadd.s32 v8, v19;
	_ =	sdelay $0x1  }
0x6a1: {  	s12 =	simm.s32 $0x4;
	v20 =	vadd.f32 v20, v17  }
0x6a2: {  	v23 =	vmov s12;
	v21 =	vadd.f32 v21, v18  }
0x6a3: {  	[tilespmem:v22+s16+$0x0] =	vst.idx.msk $0xffff, v20;
	v20 =	vshrl.u32 v23, $0x3  }
0x6a4: {  	[tilespmem:v19+s16+$0x0] =	vst.idx.msk $0xffff, v21;
	v19 =	vshll.u32 v20, v1  }
0x6a5: {  	v20 =	vld [tilespmem:s23+$0x0];
	v19 =	vbroadcast v19, $0x0  }
0x6a6: {  	v21 =	vld [tilespmem:s23+$0x10]  }
0x6a7: {  	v22 =	vadd.s32 v9, v19  }
0x6a8: {  	v19 =	vadd.s32 v10, v19;
	_ =	sdelay $0x1  }
0x6a9: {  	s29 =	simm.s32 $0x5;
	v20 =	vadd.f32 v20, v17  }
0x6aa: {  	v23 =	vmov s29;
	v21 =	vadd.f32 v21, v18  }
0x6ab: {  	[tilespmem:v22+s16+$0x0] =	vst.idx.msk $0xffff, v20;
	v20 =	vshrl.u32 v23, $0x3  }
0x6ac: {  	[tilespmem:v19+s16+$0x0] =	vst.idx.msk $0xffff, v21;
	v19 =	vshll.u32 v20, v1  }
0x6ad: {  	v20 =	vld [tilespmem:s23+$0x20];
	v19 =	vbroadcast v19, $0x0  }
0x6ae: {  	v21 =	vld [tilespmem:s23+$0x30]  }
0x6af: {  	v22 =	vadd.s32 v11, v19  }
0x6b0: {  	v19 =	vadd.s32 v12, v19;
	_ =	sdelay $0x1  }
0x6b1: {  	s30 =	simm.s32 $0x6;
	v20 =	vadd.f32 v20, v17  }
0x6b2: {  	v23 =	vmov s30;
	v21 =	vadd.f32 v21, v18  }
0x6b3: {  	[tilespmem:v22+s16+$0x0] =	vst.idx.msk $0xffff, v20;
	v20 =	vshrl.u32 v23, $0x3  }
0x6b4: {  	[tilespmem:v19+s16+$0x0] =	vst.idx.msk $0xffff, v21;
	v19 =	vshll.u32 v20, v1  }
0x6b5: {  	v20 =	vld [tilespmem:s23+$0x40];
	v19 =	vbroadcast v19, $0x0  }
0x6b6: {  	v21 =	vld [tilespmem:s23+$0x50]  }
0x6b7: {  	v22 =	vadd.s32 v13, v19  }
0x6b8: {  	v19 =	vadd.s32 v14, v19;
	_ =	sdelay $0x1  }
0x6b9: {  	s31 =	simm.s32 $0x7;
	v20 =	vadd.f32 v20, v17  }
0x6ba: {  	v23 =	vmov s31;
	v21 =	vadd.f32 v21, v18  }
0x6bb: {  	[tilespmem:v22+s16+$0x0] =	vst.idx.msk $0xffff, v20;
	v20 =	vshrl.u32 v23, $0x3  }
0x6bc: {  	[tilespmem:v19+s16+$0x0] =	vst.idx.msk $0xffff, v21;
	v19 =	vshll.u32 v20, v1  }
0x6bd: {  	v20 =	vld [tilespmem:s23+$0x60];
	v19 =	vbroadcast v19, $0x0;
	_ =	sdelay $0x1  }
0x6be: {  	v21 =	vld [tilespmem:s23+$0x70];
	v22 =	vadd.s32 v15, v19;
	_ =	sdelay $0x1  }
0x6bf: {  	v19 =	vadd.s32 v16, v19  }
0x6c0: {  	s28 =	simm.s32 $0x8;
	v23 =	vadd.f32 v20, v17  }
0x6c1: {  	v24 =	vmov s28  }
0x6c2: {  	s1 =	simm.s32 $0x10;
	v20 =	vadd.f32 v21, v18;
	v21 =	vshrl.u32 v24, $0x3;
	[tilespmem:v22+s16+$0x0] =	vst.idx.msk $0xffff, v23  }
.LBB2_15:
0x6c3: {  	p1 =	slt.u32 s1, $0x78  }
0x6c4: {  	v21 =	vshll.u32 v21, v1;
	[tilespmem:v19+s16+$0x0] =	vst.idx.msk $0xffff, v20;
	s23 =	sadd.s32 $0x100, s23;
	s10 =	smov.u32 s1;
	s1 =	sadd.s32 $0x8, s1  }
0x6c5: {  	v19 =	vld [tilespmem:s23+$0xFFFFFF80];
	v20 =	vbroadcast v21, $0x0  }
0x6c6: {  	v21 =	vld [tilespmem:s23+$0xFFFFFF90]  }
0x6c7: {  	v22 =	vadd.s32 v0, v20  }
0x6c8: {  	v20 =	vadd.s32 v2, v20;
	_ =	sdelay $0x1  }
0x6c9: {  	s12 =	sadd.s32 $0x1, s28;
	v19 =	vadd.f32 v19, v17  }
0x6ca: {  	v23 =	vmov s12;
	v21 =	vadd.f32 v21, v18  }
0x6cb: {  	[tilespmem:v22+s16+$0x0] =	vst.idx.msk $0xffff, v19;
	v19 =	vshrl.u32 v23, $0x3  }
0x6cc: {  	[tilespmem:v20+s16+$0x0] =	vst.idx.msk $0xffff, v21;
	v19 =	vshll.u32 v19, v1  }
0x6cd: {  	v20 =	vld [tilespmem:s23+$0xFFFFFFA0];
	v19 =	vbroadcast v19, $0x0  }
0x6ce: {  	v21 =	vld [tilespmem:s23+$0xFFFFFFB0]  }
0x6cf: {  	v22 =	vadd.s32 v3, v19  }
0x6d0: {  	v19 =	vadd.s32 v4, v19;
	_ =	sdelay $0x1  }
0x6d1: {  	s12 =	sadd.s32 $0x2, s28;
	v20 =	vadd.f32 v20, v17  }
0x6d2: {  	v23 =	vmov s12;
	v21 =	vadd.f32 v21, v18  }
0x6d3: {  	[tilespmem:v22+s16+$0x0] =	vst.idx.msk $0xffff, v20;
	v20 =	vshrl.u32 v23, $0x3  }
0x6d4: {  	[tilespmem:v19+s16+$0x0] =	vst.idx.msk $0xffff, v21;
	v19 =	vshll.u32 v20, v1  }
0x6d5: {  	v20 =	vld [tilespmem:s23+$0xFFFFFFC0];
	v19 =	vbroadcast v19, $0x0  }
0x6d6: {  	v21 =	vld [tilespmem:s23+$0xFFFFFFD0]  }
0x6d7: {  	v22 =	vadd.s32 v5, v19  }
0x6d8: {  	v19 =	vadd.s32 v6, v19;
	_ =	sdelay $0x1  }
0x6d9: {  	s12 =	sadd.s32 $0x3, s28;
	v20 =	vadd.f32 v20, v17  }
0x6da: {  	v23 =	vmov s12;
	v21 =	vadd.f32 v21, v18  }
0x6db: {  	[tilespmem:v22+s16+$0x0] =	vst.idx.msk $0xffff, v20;
	v20 =	vshrl.u32 v23, $0x3  }
0x6dc: {  	[tilespmem:v19+s16+$0x0] =	vst.idx.msk $0xffff, v21;
	v19 =	vshll.u32 v20, v1  }
0x6dd: {  	v20 =	vld [tilespmem:s23+$0xFFFFFFE0];
	v19 =	vbroadcast v19, $0x0  }
0x6de: {  	v21 =	vld [tilespmem:s23+$0xFFFFFFF0]  }
0x6df: {  	v22 =	vadd.s32 v7, v19  }
0x6e0: {  	v19 =	vadd.s32 v8, v19;
	_ =	sdelay $0x1  }
0x6e1: {  	s12 =	sadd.s32 $0x4, s28;
	v20 =	vadd.f32 v20, v17  }
0x6e2: {  	v23 =	vmov s12;
	v21 =	vadd.f32 v21, v18  }
0x6e3: {  	[tilespmem:v22+s16+$0x0] =	vst.idx.msk $0xffff, v20;
	v20 =	vshrl.u32 v23, $0x3  }
0x6e4: {  	[tilespmem:v19+s16+$0x0] =	vst.idx.msk $0xffff, v21;
	v19 =	vshll.u32 v20, v1  }
0x6e5: {  	v20 =	vld [tilespmem:s23+$0x0];
	v19 =	vbroadcast v19, $0x0  }
0x6e6: {  	v21 =	vld [tilespmem:s23+$0x10]  }
0x6e7: {  	v22 =	vadd.s32 v9, v19  }
0x6e8: {  	v19 =	vadd.s32 v10, v19;
	_ =	sdelay $0x1  }
0x6e9: {  	s12 =	sadd.s32 $0x5, s28;
	v20 =	vadd.f32 v20, v17  }
0x6ea: {  	v23 =	vmov s12;
	v21 =	vadd.f32 v21, v18  }
0x6eb: {  	[tilespmem:v22+s16+$0x0] =	vst.idx.msk $0xffff, v20;
	v20 =	vshrl.u32 v23, $0x3  }
0x6ec: {  	[tilespmem:v19+s16+$0x0] =	vst.idx.msk $0xffff, v21;
	v19 =	vshll.u32 v20, v1  }
0x6ed: {  	v20 =	vld [tilespmem:s23+$0x20];
	v19 =	vbroadcast v19, $0x0  }
0x6ee: {  	v21 =	vld [tilespmem:s23+$0x30]  }
0x6ef: {  	v22 =	vadd.s32 v11, v19  }
0x6f0: {  	v19 =	vadd.s32 v12, v19;
	_ =	sdelay $0x1  }
0x6f1: {  	s12 =	sadd.s32 $0x6, s28;
	v20 =	vadd.f32 v20, v17  }
0x6f2: {  	v23 =	vmov s12;
	v21 =	vadd.f32 v21, v18  }
0x6f3: {  	[tilespmem:v22+s16+$0x0] =	vst.idx.msk $0xffff, v20;
	v20 =	vshrl.u32 v23, $0x3  }
0x6f4: {  	[tilespmem:v19+s16+$0x0] =	vst.idx.msk $0xffff, v21;
	v19 =	vshll.u32 v20, v1  }
0x6f5: {  	v20 =	vld [tilespmem:s23+$0x40];
	v19 =	vbroadcast v19, $0x0  }
0x6f6: {  	v21 =	vld [tilespmem:s23+$0x50]  }
0x6f7: {  	v22 =	vadd.s32 v13, v19  }
0x6f8: {  	v19 =	vadd.s32 v14, v19;
	_ =	sdelay $0x1  }
0x6f9: {  	s12 =	sadd.s32 $0x7, s28;
	s28 =	smov.u32 s10;
	v20 =	vadd.f32 v20, v17  }
0x6fa: {  	v23 =	vmov s12;
	v21 =	vadd.f32 v21, v18  }
0x6fb: {  	[tilespmem:v22+s16+$0x0] =	vst.idx.msk $0xffff, v20;
	v20 =	vshrl.u32 v23, $0x3  }
0x6fc: {  	[tilespmem:v19+s16+$0x0] =	vst.idx.msk $0xffff, v21;
	v19 =	vshll.u32 v20, v1  }
0x6fd: {  	v20 =	vld [tilespmem:s23+$0x60];
	v19 =	vbroadcast v19, $0x0  }
0x6fe: {  	v21 =	vld [tilespmem:s23+$0x70]  }
0x6ff: {  	v22 =	vadd.s32 v15, v19  }
.Ltmp8:
0x700: {  	v19 =	vadd.s32 v16, v19;
	(pc) =	sbr.rel @p1 .LBB2_15-.Ltmp8, $4  }
0x701: {  	_ = 	snop  }
0x702: {  	v23 =	vadd.f32 v20, v17  }
0x703: {  	v24 =	vmov s28;
	v20 =	vadd.f32 v21, v18  }
0x704: {  	v21 =	vshrl.u32 v24, $0x3;
	[tilespmem:v22+s16+$0x0] =	vst.idx.msk $0xffff, v23  }
0x705: {  	_ =	sdelay $0x3  }
0x706: {  	v21 =	vshll.u32 v21, v1;
	[tilespmem:v19+s16+$0x0] =	vst.idx.msk $0xffff, v20;
	s1 =	sadd.s32 $0x100, s23  }
0x707: {  	v19 =	vld [tilespmem:s1+$0xFFFFFF80];
	v20 =	vbroadcast v21, $0x0  }
0x708: {  	v21 =	vld [tilespmem:s1+$0xFFFFFF90]  }
0x709: {  	v22 =	vadd.s32 v0, v20  }
0x70a: {  	v20 =	vadd.s32 v2, v20;
	_ =	sdelay $0x1  }
0x70b: {  	s10 =	sadd.s32 $0x1, s28;
	v19 =	vadd.f32 v19, v17  }
0x70c: {  	v23 =	vmov s10;
	v21 =	vadd.f32 v21, v18  }
0x70d: {  	[tilespmem:v22+s16+$0x0] =	vst.idx.msk $0xffff, v19;
	v19 =	vshrl.u32 v23, $0x3  }
0x70e: {  	[tilespmem:v20+s16+$0x0] =	vst.idx.msk $0xffff, v21;
	v19 =	vshll.u32 v19, v1  }
0x70f: {  	v20 =	vld [tilespmem:s1+$0xFFFFFFA0];
	v19 =	vbroadcast v19, $0x0  }
0x710: {  	v21 =	vld [tilespmem:s1+$0xFFFFFFB0]  }
0x711: {  	v22 =	vadd.s32 v3, v19  }
0x712: {  	v19 =	vadd.s32 v4, v19;
	_ =	sdelay $0x1  }
0x713: {  	s12 =	sadd.s32 $0x2, s28;
	v20 =	vadd.f32 v20, v17  }
0x714: {  	v23 =	vmov s12;
	v21 =	vadd.f32 v21, v18  }
0x715: {  	[tilespmem:v22+s16+$0x0] =	vst.idx.msk $0xffff, v20;
	v20 =	vshrl.u32 v23, $0x3  }
0x716: {  	[tilespmem:v19+s16+$0x0] =	vst.idx.msk $0xffff, v21;
	v19 =	vshll.u32 v20, v1  }
0x717: {  	v20 =	vld [tilespmem:s1+$0xFFFFFFC0];
	v19 =	vbroadcast v19, $0x0  }
0x718: {  	v21 =	vld [tilespmem:s1+$0xFFFFFFD0]  }
0x719: {  	v22 =	vadd.s32 v5, v19  }
0x71a: {  	v19 =	vadd.s32 v6, v19;
	_ =	sdelay $0x1  }
0x71b: {  	s23 =	sadd.s32 $0x3, s28;
	v20 =	vadd.f32 v20, v17  }
0x71c: {  	v23 =	vmov s23;
	v21 =	vadd.f32 v21, v18  }
0x71d: {  	[tilespmem:v22+s16+$0x0] =	vst.idx.msk $0xffff, v20;
	v20 =	vshrl.u32 v23, $0x3  }
0x71e: {  	[tilespmem:v19+s16+$0x0] =	vst.idx.msk $0xffff, v21;
	v19 =	vshll.u32 v20, v1  }
0x71f: {  	v20 =	vld [tilespmem:s1+$0xFFFFFFE0];
	v19 =	vbroadcast v19, $0x0  }
0x720: {  	v21 =	vld [tilespmem:s1+$0xFFFFFFF0]  }
0x721: {  	v22 =	vadd.s32 v7, v19  }
0x722: {  	v19 =	vadd.s32 v8, v19;
	_ =	sdelay $0x1  }
0x723: {  	s30 =	sadd.s32 $0x4, s28;
	v20 =	vadd.f32 v20, v17  }
0x724: {  	v23 =	vmov s30;
	v21 =	vadd.f32 v21, v18  }
0x725: {  	[tilespmem:v22+s16+$0x0] =	vst.idx.msk $0xffff, v20;
	v20 =	vshrl.u32 v23, $0x3  }
0x726: {  	[tilespmem:v19+s16+$0x0] =	vst.idx.msk $0xffff, v21;
	v19 =	vshll.u32 v20, v1  }
0x727: {  	v20 =	vld [tilespmem:s1+$0x0];
	v19 =	vbroadcast v19, $0x0  }
0x728: {  	v21 =	vld [tilespmem:s1+$0x10]  }
0x729: {  	v22 =	vadd.s32 v9, v19  }
0x72a: {  	v19 =	vadd.s32 v10, v19;
	_ =	sdelay $0x1  }
0x72b: {  	s31 =	sadd.s32 $0x5, s28;
	v20 =	vadd.f32 v20, v17  }
0x72c: {  	v23 =	vmov s31;
	v21 =	vadd.f32 v21, v18  }
0x72d: {  	[tilespmem:v22+s16+$0x0] =	vst.idx.msk $0xffff, v20;
	v20 =	vshrl.u32 v23, $0x3  }
0x72e: {  	[tilespmem:v19+s16+$0x0] =	vst.idx.msk $0xffff, v21;
	v19 =	vshll.u32 v20, v1  }
0x72f: {  	v20 =	vld [tilespmem:s1+$0x20];
	v19 =	vbroadcast v19, $0x0  }
0x730: {  	v21 =	vld [tilespmem:s1+$0x30]  }
0x731: {  	v22 =	vadd.s32 v11, v19  }
0x732: {  	v19 =	vadd.s32 v12, v19;
	_ =	sdelay $0x1  }
0x733: {  	s12 =	sadd.s32 $0x6, s28;
	v20 =	vadd.f32 v20, v17  }
0x734: {  	v23 =	vmov s12;
	v21 =	vadd.f32 v21, v18  }
0x735: {  	[tilespmem:v22+s16+$0x0] =	vst.idx.msk $0xffff, v20;
	v20 =	vshrl.u32 v23, $0x3  }
0x736: {  	[tilespmem:v19+s16+$0x0] =	vst.idx.msk $0xffff, v21;
	v19 =	vshll.u32 v20, v1  }
0x737: {  	v20 =	vld [tilespmem:s1+$0x40];
	v19 =	vbroadcast v19, $0x0  }
0x738: {  	v21 =	vld [tilespmem:s1+$0x50]  }
0x739: {  	v22 =	vadd.s32 v13, v19  }
0x73a: {  	v19 =	vadd.s32 v14, v19;
	_ =	sdelay $0x1  }
0x73b: {  	s23 =	sadd.s32 $0x7, s28;
	v20 =	vadd.f32 v20, v17  }
0x73c: {  	v23 =	vmov s23;
	v21 =	vadd.f32 v21, v18  }
0x73d: {  	[tilespmem:v22+s16+$0x0] =	vst.idx.msk $0xffff, v20;
	v20 =	vshrl.u32 v23, $0x3  }
0x73e: {  	[tilespmem:v19+s16+$0x0] =	vst.idx.msk $0xffff, v21;
	v19 =	vshll.u32 v20, v1  }
0x73f: {  	v20 =	vld [tilespmem:s1+$0x60];
	v19 =	vbroadcast v19, $0x0  }
0x740: {  	v21 =	vld [tilespmem:s1+$0x70]  }
0x741: {  	v22 =	vadd.s32 v15, v19  }
0x742: {  	v19 =	vadd.s32 v16, v19;
	_ =	sdelay $0x1  }
0x743: {  	v17 =	vadd.f32 v20, v17  }
0x744: {  	s23 =	sshllo.u32 s22, $0x1;
	v18 =	vadd.f32 v21, v18  }
0x745: {  	s31 =	simm.s32 $0x0;
	s30 =	sshll.u32 s23, $0x5;
	[tilespmem:v22+s16+$0x0] =	vst.idx.msk $0xffff, v17  }
0x746: {  	s1 =	sand.u32 $0x3FFFFFE0, s30;
	[tilespmem:v19+s16+$0x0] =	vst.idx.msk $0xffff, v18;
	v18 =	vmov s31  }
0x747: {  	v17 =	vld [tilespmem:s1+$0x16C00];
	v19 =	vshrl.u32 v18, $0x3  }
0x748: {  	s28 =	simm.s32 $0xD480;
	v18 =	vld [tilespmem:s1+$0x16C10];
	v19 =	vshll.u32 v19, v1  }
0x749: {  	v20 =	vld [tilespmem:s28+$0xFFFFFF80];
	v19 =	vbroadcast v19, $0x0  }
0x74a: {  	v21 =	vld [tilespmem:s28+$0xFFFFFF90]  }
0x74b: {  	v22 =	vadd.s32 v0, v19  }
0x74c: {  	v19 =	vadd.s32 v2, v19;
	_ =	sdelay $0x1  }
0x74d: {  	s12 =	simm.s32 $0x1;
	v20 =	vadd.f32 v20, v17  }
0x74e: {  	v23 =	vmov s12;
	v21 =	vadd.f32 v21, v18  }
0x74f: {  	[tilespmem:v22+s18+$0x0] =	vst.idx.msk $0xffff, v20;
	v20 =	vshrl.u32 v23, $0x3  }
0x750: {  	[tilespmem:v19+s18+$0x0] =	vst.idx.msk $0xffff, v21;
	v19 =	vshll.u32 v20, v1  }
0x751: {  	v20 =	vld [tilespmem:s28+$0xFFFFFFA0];
	v19 =	vbroadcast v19, $0x0  }
0x752: {  	v21 =	vld [tilespmem:s28+$0xFFFFFFB0]  }
0x753: {  	v22 =	vadd.s32 v3, v19  }
0x754: {  	v19 =	vadd.s32 v4, v19;
	_ =	sdelay $0x1  }
0x755: {  	s30 =	simm.s32 $0x2;
	v20 =	vadd.f32 v20, v17  }
0x756: {  	v23 =	vmov s30;
	v21 =	vadd.f32 v21, v18  }
0x757: {  	[tilespmem:v22+s18+$0x0] =	vst.idx.msk $0xffff, v20;
	v20 =	vshrl.u32 v23, $0x3  }
0x758: {  	[tilespmem:v19+s18+$0x0] =	vst.idx.msk $0xffff, v21;
	v19 =	vshll.u32 v20, v1  }
0x759: {  	v20 =	vld [tilespmem:s28+$0xFFFFFFC0];
	v19 =	vbroadcast v19, $0x0  }
0x75a: {  	v21 =	vld [tilespmem:s28+$0xFFFFFFD0]  }
0x75b: {  	v22 =	vadd.s32 v5, v19  }
0x75c: {  	v19 =	vadd.s32 v6, v19;
	_ =	sdelay $0x1  }
0x75d: {  	s31 =	simm.s32 $0x3;
	v20 =	vadd.f32 v20, v17  }
0x75e: {  	v23 =	vmov s31;
	v21 =	vadd.f32 v21, v18  }
0x75f: {  	[tilespmem:v22+s18+$0x0] =	vst.idx.msk $0xffff, v20;
	v20 =	vshrl.u32 v23, $0x3  }
0x760: {  	[tilespmem:v19+s18+$0x0] =	vst.idx.msk $0xffff, v21;
	v19 =	vshll.u32 v20, v1  }
0x761: {  	v20 =	vld [tilespmem:s28+$0xFFFFFFE0];
	v19 =	vbroadcast v19, $0x0  }
0x762: {  	v21 =	vld [tilespmem:s28+$0xFFFFFFF0]  }
0x763: {  	v22 =	vadd.s32 v7, v19  }
0x764: {  	v19 =	vadd.s32 v8, v19;
	_ =	sdelay $0x1  }
0x765: {  	s10 =	simm.s32 $0x4;
	v20 =	vadd.f32 v20, v17  }
0x766: {  	v23 =	vmov s10;
	v21 =	vadd.f32 v21, v18  }
0x767: {  	[tilespmem:v22+s18+$0x0] =	vst.idx.msk $0xffff, v20;
	v20 =	vshrl.u32 v23, $0x3  }
0x768: {  	[tilespmem:v19+s18+$0x0] =	vst.idx.msk $0xffff, v21;
	v19 =	vshll.u32 v20, v1  }
0x769: {  	v20 =	vld [tilespmem:s28+$0x0];
	v19 =	vbroadcast v19, $0x0  }
0x76a: {  	v21 =	vld [tilespmem:s28+$0x10]  }
0x76b: {  	v22 =	vadd.s32 v9, v19  }
0x76c: {  	v19 =	vadd.s32 v10, v19;
	_ =	sdelay $0x1  }
0x76d: {  	s12 =	simm.s32 $0x5;
	v20 =	vadd.f32 v20, v17  }
0x76e: {  	v23 =	vmov s12;
	v21 =	vadd.f32 v21, v18  }
0x76f: {  	[tilespmem:v22+s18+$0x0] =	vst.idx.msk $0xffff, v20;
	v20 =	vshrl.u32 v23, $0x3  }
0x770: {  	[tilespmem:v19+s18+$0x0] =	vst.idx.msk $0xffff, v21;
	v19 =	vshll.u32 v20, v1  }
0x771: {  	v20 =	vld [tilespmem:s28+$0x20];
	v19 =	vbroadcast v19, $0x0  }
0x772: {  	v21 =	vld [tilespmem:s28+$0x30]  }
0x773: {  	v22 =	vadd.s32 v11, v19  }
0x774: {  	v19 =	vadd.s32 v12, v19;
	_ =	sdelay $0x1  }
0x775: {  	s30 =	simm.s32 $0x6;
	v20 =	vadd.f32 v20, v17  }
0x776: {  	v23 =	vmov s30;
	v21 =	vadd.f32 v21, v18  }
0x777: {  	[tilespmem:v22+s18+$0x0] =	vst.idx.msk $0xffff, v20;
	v20 =	vshrl.u32 v23, $0x3  }
0x778: {  	[tilespmem:v19+s18+$0x0] =	vst.idx.msk $0xffff, v21;
	v19 =	vshll.u32 v20, v1  }
0x779: {  	v20 =	vld [tilespmem:s28+$0x40];
	v19 =	vbroadcast v19, $0x0  }
0x77a: {  	v21 =	vld [tilespmem:s28+$0x50]  }
0x77b: {  	v22 =	vadd.s32 v13, v19  }
0x77c: {  	v19 =	vadd.s32 v14, v19;
	_ =	sdelay $0x1  }
0x77d: {  	s31 =	simm.s32 $0x7;
	v20 =	vadd.f32 v20, v17  }
0x77e: {  	v23 =	vmov s31;
	v21 =	vadd.f32 v21, v18  }
0x77f: {  	[tilespmem:v22+s18+$0x0] =	vst.idx.msk $0xffff, v20;
	v20 =	vshrl.u32 v23, $0x3  }
0x780: {  	[tilespmem:v19+s18+$0x0] =	vst.idx.msk $0xffff, v21;
	v19 =	vshll.u32 v20, v1  }
0x781: {  	v20 =	vld [tilespmem:s28+$0x60];
	v19 =	vbroadcast v19, $0x0;
	_ =	sdelay $0x1  }
0x782: {  	v21 =	vld [tilespmem:s28+$0x70];
	v22 =	vadd.s32 v15, v19;
	_ =	sdelay $0x1  }
0x783: {  	v19 =	vadd.s32 v16, v19  }
0x784: {  	s29 =	simm.s32 $0x8;
	v23 =	vadd.f32 v20, v17  }
0x785: {  	v24 =	vmov s29  }
0x786: {  	s1 =	simm.s32 $0x10;
	v20 =	vadd.f32 v21, v18;
	v21 =	vshrl.u32 v24, $0x3;
	[tilespmem:v22+s18+$0x0] =	vst.idx.msk $0xffff, v23  }
.LBB2_17:
0x787: {  	p1 =	slt.u32 s1, $0x78  }
0x788: {  	v21 =	vshll.u32 v21, v1;
	[tilespmem:v19+s18+$0x0] =	vst.idx.msk $0xffff, v20;
	s28 =	sadd.s32 $0x100, s28;
	s10 =	smov.u32 s1;
	s1 =	sadd.s32 $0x8, s1  }
0x789: {  	v19 =	vld [tilespmem:s28+$0xFFFFFF80];
	v20 =	vbroadcast v21, $0x0  }
0x78a: {  	v21 =	vld [tilespmem:s28+$0xFFFFFF90]  }
0x78b: {  	v22 =	vadd.s32 v0, v20  }
0x78c: {  	v20 =	vadd.s32 v2, v20;
	_ =	sdelay $0x1  }
0x78d: {  	s12 =	sadd.s32 $0x1, s29;
	v19 =	vadd.f32 v19, v17  }
0x78e: {  	v23 =	vmov s12;
	v21 =	vadd.f32 v21, v18  }
0x78f: {  	[tilespmem:v22+s18+$0x0] =	vst.idx.msk $0xffff, v19;
	v19 =	vshrl.u32 v23, $0x3  }
0x790: {  	[tilespmem:v20+s18+$0x0] =	vst.idx.msk $0xffff, v21;
	v19 =	vshll.u32 v19, v1  }
0x791: {  	v20 =	vld [tilespmem:s28+$0xFFFFFFA0];
	v19 =	vbroadcast v19, $0x0  }
0x792: {  	v21 =	vld [tilespmem:s28+$0xFFFFFFB0]  }
0x793: {  	v22 =	vadd.s32 v3, v19  }
0x794: {  	v19 =	vadd.s32 v4, v19;
	_ =	sdelay $0x1  }
0x795: {  	s12 =	sadd.s32 $0x2, s29;
	v20 =	vadd.f32 v20, v17  }
0x796: {  	v23 =	vmov s12;
	v21 =	vadd.f32 v21, v18  }
0x797: {  	[tilespmem:v22+s18+$0x0] =	vst.idx.msk $0xffff, v20;
	v20 =	vshrl.u32 v23, $0x3  }
0x798: {  	[tilespmem:v19+s18+$0x0] =	vst.idx.msk $0xffff, v21;
	v19 =	vshll.u32 v20, v1  }
0x799: {  	v20 =	vld [tilespmem:s28+$0xFFFFFFC0];
	v19 =	vbroadcast v19, $0x0  }
0x79a: {  	v21 =	vld [tilespmem:s28+$0xFFFFFFD0]  }
0x79b: {  	v22 =	vadd.s32 v5, v19  }
0x79c: {  	v19 =	vadd.s32 v6, v19;
	_ =	sdelay $0x1  }
0x79d: {  	s12 =	sadd.s32 $0x3, s29;
	v20 =	vadd.f32 v20, v17  }
0x79e: {  	v23 =	vmov s12;
	v21 =	vadd.f32 v21, v18  }
0x79f: {  	[tilespmem:v22+s18+$0x0] =	vst.idx.msk $0xffff, v20;
	v20 =	vshrl.u32 v23, $0x3  }
0x7a0: {  	[tilespmem:v19+s18+$0x0] =	vst.idx.msk $0xffff, v21;
	v19 =	vshll.u32 v20, v1  }
0x7a1: {  	v20 =	vld [tilespmem:s28+$0xFFFFFFE0];
	v19 =	vbroadcast v19, $0x0  }
0x7a2: {  	v21 =	vld [tilespmem:s28+$0xFFFFFFF0]  }
0x7a3: {  	v22 =	vadd.s32 v7, v19  }
0x7a4: {  	v19 =	vadd.s32 v8, v19;
	_ =	sdelay $0x1  }
0x7a5: {  	s12 =	sadd.s32 $0x4, s29;
	v20 =	vadd.f32 v20, v17  }
0x7a6: {  	v23 =	vmov s12;
	v21 =	vadd.f32 v21, v18  }
0x7a7: {  	[tilespmem:v22+s18+$0x0] =	vst.idx.msk $0xffff, v20;
	v20 =	vshrl.u32 v23, $0x3  }
0x7a8: {  	[tilespmem:v19+s18+$0x0] =	vst.idx.msk $0xffff, v21;
	v19 =	vshll.u32 v20, v1  }
0x7a9: {  	v20 =	vld [tilespmem:s28+$0x0];
	v19 =	vbroadcast v19, $0x0  }
0x7aa: {  	v21 =	vld [tilespmem:s28+$0x10]  }
0x7ab: {  	v22 =	vadd.s32 v9, v19  }
0x7ac: {  	v19 =	vadd.s32 v10, v19;
	_ =	sdelay $0x1  }
0x7ad: {  	s12 =	sadd.s32 $0x5, s29;
	v20 =	vadd.f32 v20, v17  }
0x7ae: {  	v23 =	vmov s12;
	v21 =	vadd.f32 v21, v18  }
0x7af: {  	[tilespmem:v22+s18+$0x0] =	vst.idx.msk $0xffff, v20;
	v20 =	vshrl.u32 v23, $0x3  }
0x7b0: {  	[tilespmem:v19+s18+$0x0] =	vst.idx.msk $0xffff, v21;
	v19 =	vshll.u32 v20, v1  }
0x7b1: {  	v20 =	vld [tilespmem:s28+$0x20];
	v19 =	vbroadcast v19, $0x0  }
0x7b2: {  	v21 =	vld [tilespmem:s28+$0x30]  }
0x7b3: {  	v22 =	vadd.s32 v11, v19  }
0x7b4: {  	v19 =	vadd.s32 v12, v19;
	_ =	sdelay $0x1  }
0x7b5: {  	s12 =	sadd.s32 $0x6, s29;
	v20 =	vadd.f32 v20, v17  }
0x7b6: {  	v23 =	vmov s12;
	v21 =	vadd.f32 v21, v18  }
0x7b7: {  	[tilespmem:v22+s18+$0x0] =	vst.idx.msk $0xffff, v20;
	v20 =	vshrl.u32 v23, $0x3  }
0x7b8: {  	[tilespmem:v19+s18+$0x0] =	vst.idx.msk $0xffff, v21;
	v19 =	vshll.u32 v20, v1  }
0x7b9: {  	v20 =	vld [tilespmem:s28+$0x40];
	v19 =	vbroadcast v19, $0x0  }
0x7ba: {  	v21 =	vld [tilespmem:s28+$0x50]  }
0x7bb: {  	v22 =	vadd.s32 v13, v19  }
0x7bc: {  	v19 =	vadd.s32 v14, v19;
	_ =	sdelay $0x1  }
0x7bd: {  	s12 =	sadd.s32 $0x7, s29;
	s29 =	smov.u32 s10;
	v20 =	vadd.f32 v20, v17  }
0x7be: {  	v23 =	vmov s12;
	v21 =	vadd.f32 v21, v18  }
0x7bf: {  	[tilespmem:v22+s18+$0x0] =	vst.idx.msk $0xffff, v20;
	v20 =	vshrl.u32 v23, $0x3  }
0x7c0: {  	[tilespmem:v19+s18+$0x0] =	vst.idx.msk $0xffff, v21;
	v19 =	vshll.u32 v20, v1  }
0x7c1: {  	v20 =	vld [tilespmem:s28+$0x60];
	v19 =	vbroadcast v19, $0x0  }
0x7c2: {  	v21 =	vld [tilespmem:s28+$0x70]  }
0x7c3: {  	v22 =	vadd.s32 v15, v19  }
.Ltmp9:
0x7c4: {  	v19 =	vadd.s32 v16, v19;
	(pc) =	sbr.rel @p1 .LBB2_17-.Ltmp9, $4  }
0x7c5: {  	_ = 	snop  }
0x7c6: {  	v23 =	vadd.f32 v20, v17  }
0x7c7: {  	v24 =	vmov s29;
	v20 =	vadd.f32 v21, v18  }
0x7c8: {  	v21 =	vshrl.u32 v24, $0x3;
	[tilespmem:v22+s18+$0x0] =	vst.idx.msk $0xffff, v23  }
0x7c9: {  	_ =	sdelay $0x3  }
0x7ca: {  	v21 =	vshll.u32 v21, v1;
	[tilespmem:v19+s18+$0x0] =	vst.idx.msk $0xffff, v20;
	s1 =	sadd.s32 $0x100, s28  }
0x7cb: {  	v19 =	vld [tilespmem:s1+$0xFFFFFF80];
	v37 =	vbroadcast v21, $0x0  }
0x7cc: {  	v38 =	vld [tilespmem:s1+$0xFFFFFF90]  }
0x7cd: {  	v22 =	vadd.s32 v0, v37  }
0x7ce: {  	v20 =	vadd.s32 v2, v37;
	_ =	sdelay $0x1  }
0x7cf: {  	s10 =	sadd.s32 $0x1, s29;
	v19 =	vadd.f32 v19, v17  }
0x7d0: {  	v23 =	vmov s10;
	v21 =	vadd.f32 v38, v18  }
0x7d1: {  	[tilespmem:v22+s18+$0x0] =	vst.idx.msk $0xffff, v19;
	v19 =	vshrl.u32 v23, $0x3  }
0x7d2: {  	[tilespmem:v20+s18+$0x0] =	vst.idx.msk $0xffff, v21;
	v19 =	vshll.u32 v19, v1  }
0x7d3: {  	v20 =	vld [tilespmem:s1+$0xFFFFFFA0];
	v19 =	vbroadcast v19, $0x0  }
0x7d4: {  	v21 =	vld [tilespmem:s1+$0xFFFFFFB0]  }
0x7d5: {  	v39 =	vadd.s32 v3, v19  }
0x7d6: {  	v19 =	vadd.s32 v4, v19;
	_ =	sdelay $0x1  }
0x7d7: {  	s31 =	sadd.s32 $0x2, s29;
	v20 =	vadd.f32 v20, v17  }
0x7d8: {  	v40 =	vmov s31;
	v21 =	vadd.f32 v21, v18  }
0x7d9: {  	v41 =	vshrl.u32 v40, $0x3;
	[tilespmem:v39+s18+$0x0] =	vst.idx.msk $0xffff, v20  }
0x7da: {  	[tilespmem:v19+s18+$0x0] =	vst.idx.msk $0xffff, v21;
	v19 =	vshll.u32 v41, v1  }
0x7db: {  	v42 =	vld [tilespmem:s1+$0xFFFFFFC0];
	v19 =	vbroadcast v19, $0x0  }
0x7dc: {  	v21 =	vld [tilespmem:s1+$0xFFFFFFD0]  }
0x7dd: {  	v43 =	vadd.s32 v5, v19  }
0x7de: {  	v19 =	vadd.s32 v6, v19;
	_ =	sdelay $0x1  }
0x7df: {  	s12 =	sadd.s32 $0x3, s29;
	v20 =	vadd.f32 v42, v17  }
0x7e0: {  	v44 =	vmov s12;
	v21 =	vadd.f32 v21, v18  }
0x7e1: {  	v45 =	vshrl.u32 v44, $0x3;
	[tilespmem:v43+s18+$0x0] =	vst.idx.msk $0xffff, v20  }
0x7e2: {  	[tilespmem:v19+s18+$0x0] =	vst.idx.msk $0xffff, v21;
	v19 =	vshll.u32 v45, v1  }
0x7e3: {  	v46 =	vld [tilespmem:s1+$0xFFFFFFE0];
	v19 =	vbroadcast v19, $0x0  }
0x7e4: {  	v21 =	vld [tilespmem:s1+$0xFFFFFFF0]  }
0x7e5: {  	v47 =	vadd.s32 v7, v19  }
0x7e6: {  	v19 =	vadd.s32 v8, v19;
	_ =	sdelay $0x1  }
0x7e7: {  	s28 =	sadd.s32 $0x4, s29;
	v20 =	vadd.f32 v46, v17  }
0x7e8: {  	v48 =	vmov s28;
	v21 =	vadd.f32 v21, v18  }
0x7e9: {  	v49 =	vshrl.u32 v48, $0x3;
	[tilespmem:v47+s18+$0x0] =	vst.idx.msk $0xffff, v20  }
0x7ea: {  	[tilespmem:v19+s18+$0x0] =	vst.idx.msk $0xffff, v21;
	v19 =	vshll.u32 v49, v1  }
0x7eb: {  	v50 =	vld [tilespmem:s1+$0x0];
	v19 =	vbroadcast v19, $0x0  }
0x7ec: {  	v21 =	vld [tilespmem:s1+$0x10]  }
0x7ed: {  	v51 =	vadd.s32 v9, v19  }
0x7ee: {  	v19 =	vadd.s32 v10, v19;
	_ =	sdelay $0x1  }
0x7ef: {  	s30 =	sadd.s32 $0x5, s29;
	v20 =	vadd.f32 v50, v17  }
0x7f0: {  	v52 =	vmov s30;
	v21 =	vadd.f32 v21, v18  }
0x7f1: {  	v53 =	vshrl.u32 v52, $0x3;
	[tilespmem:v51+s18+$0x0] =	vst.idx.msk $0xffff, v20  }
0x7f2: {  	[tilespmem:v19+s18+$0x0] =	vst.idx.msk $0xffff, v21;
	v19 =	vshll.u32 v53, v1  }
0x7f3: {  	v54 =	vld [tilespmem:s1+$0x20];
	v19 =	vbroadcast v19, $0x0  }
0x7f4: {  	v21 =	vld [tilespmem:s1+$0x30]  }
0x7f5: {  	v55 =	vadd.s32 v11, v19  }
0x7f6: {  	v19 =	vadd.s32 v12, v19;
	_ =	sdelay $0x1  }
0x7f7: {  	s31 =	sadd.s32 $0x6, s29;
	v20 =	vadd.f32 v54, v17  }
0x7f8: {  	v56 =	vmov s31;
	v21 =	vadd.f32 v21, v18  }
0x7f9: {  	v57 =	vshrl.u32 v56, $0x3;
	[tilespmem:v55+s18+$0x0] =	vst.idx.msk $0xffff, v20  }
0x7fa: {  	[tilespmem:v19+s18+$0x0] =	vst.idx.msk $0xffff, v21;
	v19 =	vshll.u32 v57, v1  }
0x7fb: {  	v58 =	vld [tilespmem:s1+$0x40];
	v19 =	vbroadcast v19, $0x0  }
0x7fc: {  	v21 =	vld [tilespmem:s1+$0x50]  }
0x7fd: {  	v59 =	vadd.s32 v13, v19  }
0x7fe: {  	v19 =	vadd.s32 v14, v19;
	_ =	sdelay $0x1  }
0x7ff: {  	s12 =	sadd.s32 $0x7, s29;
	v20 =	vadd.f32 v58, v17  }
0x800: {  	v60 =	vmov s12;
	v21 =	vadd.f32 v21, v18  }
0x801: {  	v61 =	vshrl.u32 v60, $0x3;
	[tilespmem:v59+s18+$0x0] =	vst.idx.msk $0xffff, v20  }
0x802: {  	[tilespmem:v19+s18+$0x0] =	vst.idx.msk $0xffff, v21;
	v19 =	vshll.u32 v61, v1  }
0x803: {  	v62 =	vld [tilespmem:s1+$0x60];
	v19 =	vbroadcast v19, $0x0  }
0x804: {  	v21 =	vld [tilespmem:s1+$0x70]  }
0x805: {  	v63 =	vadd.s32 v15, v19  }
0x806: {  	v19 =	vadd.s32 v16, v19;
	_ =	sdelay $0x1  }
0x807: {  	s28 =	sshll.u32 s22, $0x12;
	v17 =	vadd.f32 v62, v17  }
0x808: {  	s1 =	sor.u32 s7, s28;
	v18 =	vadd.f32 v21, v18  }
0x809: {  	s1 =	sshrl.u32 s1, $0x3;
	[tilespmem:v63+s18+$0x0] =	vst.idx.msk $0xffff, v17  }
0x80a: {  	s1 =	sadd.s32 s2, s1;
	[tilespmem:v19+s18+$0x0] =	vst.idx.msk $0xffff, v18  }
0x80b: {  	[hbm4b:s1+s3] =	stream.linear.scatter [tilespmem:s16], [sflag:$0x8], $0x80, $0x38;
	[tilespmem:$0x18500] =	vst v63  }
0x80c: {  	s12 =	simm.s32 $0x14A88;
	s29 =	sadd.s32 $0x10, s1  }
0x80d: {  	[hbm4b:s29+s3] =	stream.linear.scatter [tilespmem:s12], [sflag:$0x8], $0x80, $0x38;
	[tilespmem:$0x18500] =	vst v63  }
0x80e: {  	s31 =	simm.s32 $0x14B10;
	s30 =	sadd.s32 $0x20, s1  }
0x80f: {  	[hbm4b:s30+s3] =	stream.linear.scatter [tilespmem:s31], [sflag:$0x8], $0x80, $0x38;
	[tilespmem:$0x18500] =	vst v63  }
0x810: {  	s22 =	simm.s32 $0x14B98;
	s12 =	sadd.s32 $0x30, s1  }
0x811: {  	[hbm4b:s12+s3] =	stream.linear.scatter [tilespmem:s22], [sflag:$0x8], $0x80, $0x38;
	[tilespmem:$0x18500] =	vst v63  }
0x812: {  	s28 =	sadd.s32 $0x40, s1;
	s29 =	simm.s32 $0x14C20  }
0x813: {  	[hbm4b:s28+s3] =	stream.linear.scatter [tilespmem:s29], [sflag:$0x8], $0x80, $0x38;
	[tilespmem:$0x18500] =	vst v63  }
0x814: {  	s30 =	sadd.s32 $0x50, s1;
	s31 =	simm.s32 $0x14CA8  }
0x815: {  	[hbm4b:s30+s3] =	stream.linear.scatter [tilespmem:s31], [sflag:$0x8], $0x80, $0x38;
	[tilespmem:$0x18500] =	vst v63  }
0x816: {  	s12 =	sadd.s32 $0x60, s1;
	s22 =	simm.s32 $0x14D30  }
0x817: {  	[hbm4b:s12+s3] =	stream.linear.scatter [tilespmem:s22], [sflag:$0x8], $0x80, $0x38;
	[tilespmem:$0x18500] =	vst v63  }
0x818: {  	s28 =	sadd.s32 $0x70, s1;
	s29 =	simm.s32 $0x14DB8  }
0x819: {  	[hbm4b:s28+s3] =	stream.linear.scatter [tilespmem:s29], [sflag:$0x8], $0x80, $0x38;
	[tilespmem:$0x18500] =	vst v63  }
0x81a: {  	s30 =	sadd.s32 $0x1000, s1;
	s31 =	simm.s32 $0x14E40  }
0x81b: {  	[hbm4b:s30+s3] =	stream.linear.scatter [tilespmem:s31], [sflag:$0x8], $0x80, $0x38;
	[tilespmem:$0x18500] =	vst v63  }
0x81c: {  	s12 =	sadd.s32 $0x1010, s1;
	s22 =	simm.s32 $0x14EC8  }
0x81d: {  	[hbm4b:s12+s3] =	stream.linear.scatter [tilespmem:s22], [sflag:$0x8], $0x80, $0x38;
	[tilespmem:$0x18500] =	vst v63  }
0x81e: {  	s28 =	sadd.s32 $0x1020, s1;
	s29 =	simm.s32 $0x14F50  }
0x81f: {  	[hbm4b:s28+s3] =	stream.linear.scatter [tilespmem:s29], [sflag:$0x8], $0x80, $0x38;
	[tilespmem:$0x18500] =	vst v63  }
0x820: {  	s30 =	sadd.s32 $0x1030, s1;
	s31 =	simm.s32 $0x14FD8  }
0x821: {  	[hbm4b:s30+s3] =	stream.linear.scatter [tilespmem:s31], [sflag:$0x8], $0x80, $0x38;
	[tilespmem:$0x18500] =	vst v63  }
0x822: {  	s12 =	sadd.s32 $0x1040, s1;
	s22 =	simm.s32 $0x15060  }
0x823: {  	[hbm4b:s12+s3] =	stream.linear.scatter [tilespmem:s22], [sflag:$0x8], $0x80, $0x38;
	[tilespmem:$0x18500] =	vst v63  }
0x824: {  	s28 =	sadd.s32 $0x1050, s1;
	s29 =	simm.s32 $0x150E8  }
0x825: {  	[hbm4b:s28+s3] =	stream.linear.scatter [tilespmem:s29], [sflag:$0x8], $0x80, $0x38;
	[tilespmem:$0x18500] =	vst v63  }
0x826: {  	s30 =	sadd.s32 $0x1060, s1;
	s31 =	simm.s32 $0x15170  }
0x827: {  	[hbm4b:s30+s3] =	stream.linear.scatter [tilespmem:s31], [sflag:$0x8], $0x80, $0x38;
	[tilespmem:$0x18500] =	vst v63  }
0x828: {  	s12 =	sadd.s32 $0x1070, s1;
	s22 =	simm.s32 $0x151F8  }
0x829: {  	[hbm4b:s12+s3] =	stream.linear.scatter [tilespmem:s22], [sflag:$0x8], $0x80, $0x38;
	[tilespmem:$0x18500] =	vst v63  }
0x82a: {  	s28 =	sadd.s32 $0x2000, s1;
	s29 =	simm.s32 $0x15280  }
0x82b: {  	[hbm4b:s28+s3] =	stream.linear.scatter [tilespmem:s29], [sflag:$0x8], $0x80, $0x38;
	[tilespmem:$0x18500] =	vst v63  }
0x82c: {  	s30 =	sadd.s32 $0x2010, s1;
	s31 =	simm.s32 $0x15308  }
0x82d: {  	[hbm4b:s30+s3] =	stream.linear.scatter [tilespmem:s31], [sflag:$0x8], $0x80, $0x38;
	[tilespmem:$0x18500] =	vst v63  }
0x82e: {  	s12 =	sadd.s32 $0x2020, s1;
	s22 =	simm.s32 $0x15390  }
0x82f: {  	[hbm4b:s12+s3] =	stream.linear.scatter [tilespmem:s22], [sflag:$0x8], $0x80, $0x38;
	[tilespmem:$0x18500] =	vst v63  }
0x830: {  	s28 =	sadd.s32 $0x2030, s1;
	s29 =	simm.s32 $0x15418  }
0x831: {  	[hbm4b:s28+s3] =	stream.linear.scatter [tilespmem:s29], [sflag:$0x8], $0x80, $0x38;
	[tilespmem:$0x18500] =	vst v63  }
0x832: {  	s30 =	sadd.s32 $0x2040, s1;
	s31 =	simm.s32 $0x154A0  }
0x833: {  	[hbm4b:s30+s3] =	stream.linear.scatter [tilespmem:s31], [sflag:$0x8], $0x80, $0x38;
	[tilespmem:$0x18500] =	vst v63  }
0x834: {  	s12 =	sadd.s32 $0x2050, s1;
	s22 =	simm.s32 $0x15528  }
0x835: {  	[hbm4b:s12+s3] =	stream.linear.scatter [tilespmem:s22], [sflag:$0x8], $0x80, $0x38;
	[tilespmem:$0x18500] =	vst v63  }
0x836: {  	s28 =	sadd.s32 $0x2060, s1;
	s29 =	simm.s32 $0x155B0  }
0x837: {  	[hbm4b:s28+s3] =	stream.linear.scatter [tilespmem:s29], [sflag:$0x8], $0x80, $0x38;
	[tilespmem:$0x18500] =	vst v63  }
0x838: {  	s30 =	sadd.s32 $0x2070, s1;
	s31 =	simm.s32 $0x15638  }
0x839: {  	[hbm4b:s30+s3] =	stream.linear.scatter [tilespmem:s31], [sflag:$0x8], $0x80, $0x38;
	[tilespmem:$0x18500] =	vst v63  }
0x83a: {  	s12 =	sadd.s32 $0x3000, s1;
	s22 =	simm.s32 $0x156C0  }
0x83b: {  	[hbm4b:s12+s3] =	stream.linear.scatter [tilespmem:s22], [sflag:$0x8], $0x80, $0x38;
	[tilespmem:$0x18500] =	vst v63  }
0x83c: {  	s28 =	sadd.s32 $0x3010, s1;
	s29 =	simm.s32 $0x15748  }
0x83d: {  	[hbm4b:s28+s3] =	stream.linear.scatter [tilespmem:s29], [sflag:$0x8], $0x80, $0x38;
	[tilespmem:$0x18500] =	vst v63  }
0x83e: {  	s30 =	sadd.s32 $0x3020, s1;
	s31 =	simm.s32 $0x157D0  }
0x83f: {  	[hbm4b:s30+s3] =	stream.linear.scatter [tilespmem:s31], [sflag:$0x8], $0x80, $0x38;
	[tilespmem:$0x18500] =	vst v63  }
0x840: {  	s12 =	sadd.s32 $0x3030, s1;
	s22 =	simm.s32 $0x15858  }
0x841: {  	[hbm4b:s12+s3] =	stream.linear.scatter [tilespmem:s22], [sflag:$0x8], $0x80, $0x38;
	[tilespmem:$0x18500] =	vst v63  }
0x842: {  	s28 =	sadd.s32 $0x3040, s1;
	s29 =	simm.s32 $0x158E0  }
0x843: {  	[hbm4b:s28+s3] =	stream.linear.scatter [tilespmem:s29], [sflag:$0x8], $0x80, $0x38;
	[tilespmem:$0x18500] =	vst v63  }
0x844: {  	s30 =	sadd.s32 $0x3050, s1;
	s31 =	simm.s32 $0x15968  }
0x845: {  	[hbm4b:s30+s3] =	stream.linear.scatter [tilespmem:s31], [sflag:$0x8], $0x80, $0x38;
	[tilespmem:$0x18500] =	vst v63  }
0x846: {  	s12 =	sadd.s32 $0x3060, s1;
	s22 =	simm.s32 $0x159F0  }
0x847: {  	[hbm4b:s12+s3] =	stream.linear.scatter [tilespmem:s22], [sflag:$0x8], $0x80, $0x38;
	[tilespmem:$0x18500] =	vst v63  }
0x848: {  	s1 =	sadd.s32 $0x3070, s1;
	s28 =	simm.s32 $0x15A78;
	s29 =	sshll.u32 s23, $0x11  }
0x849: {  	[hbm4b:s1+s3] =	stream.linear.scatter [tilespmem:s28], [sflag:$0x8], $0x80, $0x38;
	[tilespmem:$0x18500] =	vst v63  }
0x84a: {  	s1 =	sor.u32 s7, s29  }
0x84b: {  	s1 =	sshrl.u32 s1, $0x3  }
0x84c: {  	s1 =	sadd.s32 s2, s1  }
0x84d: {  	[hbm4b:s1+s3] =	stream.linear.scatter [tilespmem:s18], [sflag:$0x8], $0x80, $0x38;
	[tilespmem:$0x18500] =	vst v63  }
0x84e: {  	s31 =	simm.s32 $0x15B88;
	s30 =	sadd.s32 $0x10, s1  }
0x84f: {  	[hbm4b:s30+s3] =	stream.linear.scatter [tilespmem:s31], [sflag:$0x8], $0x80, $0x38;
	[tilespmem:$0x18500] =	vst v63  }
0x850: {  	s23 =	simm.s32 $0x15C10;
	s22 =	sadd.s32 $0x20, s1  }
0x851: {  	[hbm4b:s22+s3] =	stream.linear.scatter [tilespmem:s23], [sflag:$0x8], $0x80, $0x38;
	[tilespmem:$0x18500] =	vst v63  }
0x852: {  	s29 =	simm.s32 $0x15C98;
	s28 =	sadd.s32 $0x30, s1  }
0x853: {  	[hbm4b:s28+s3] =	stream.linear.scatter [tilespmem:s29], [sflag:$0x8], $0x80, $0x38;
	[tilespmem:$0x18500] =	vst v63  }
0x854: {  	s30 =	sadd.s32 $0x40, s1;
	s31 =	simm.s32 $0x15D20  }
0x855: {  	[hbm4b:s30+s3] =	stream.linear.scatter [tilespmem:s31], [sflag:$0x8], $0x80, $0x38;
	[tilespmem:$0x18500] =	vst v63  }
0x856: {  	s22 =	sadd.s32 $0x50, s1;
	s23 =	simm.s32 $0x15DA8  }
0x857: {  	[hbm4b:s22+s3] =	stream.linear.scatter [tilespmem:s23], [sflag:$0x8], $0x80, $0x38;
	[tilespmem:$0x18500] =	vst v63  }
0x858: {  	s28 =	sadd.s32 $0x60, s1;
	s29 =	simm.s32 $0x15E30  }
0x859: {  	[hbm4b:s28+s3] =	stream.linear.scatter [tilespmem:s29], [sflag:$0x8], $0x80, $0x38;
	[tilespmem:$0x18500] =	vst v63  }
0x85a: {  	s30 =	sadd.s32 $0x70, s1;
	s31 =	simm.s32 $0x15EB8  }
0x85b: {  	[hbm4b:s30+s3] =	stream.linear.scatter [tilespmem:s31], [sflag:$0x8], $0x80, $0x38;
	[tilespmem:$0x18500] =	vst v63  }
0x85c: {  	s22 =	sadd.s32 $0x1000, s1;
	s23 =	simm.s32 $0x15F40  }
0x85d: {  	[hbm4b:s22+s3] =	stream.linear.scatter [tilespmem:s23], [sflag:$0x8], $0x80, $0x38;
	[tilespmem:$0x18500] =	vst v63  }
0x85e: {  	s28 =	sadd.s32 $0x1010, s1;
	s29 =	simm.s32 $0x15FC8  }
0x85f: {  	[hbm4b:s28+s3] =	stream.linear.scatter [tilespmem:s29], [sflag:$0x8], $0x80, $0x38;
	[tilespmem:$0x18500] =	vst v63  }
0x860: {  	s30 =	sadd.s32 $0x1020, s1;
	s31 =	simm.s32 $0x16050  }
0x861: {  	[hbm4b:s30+s3] =	stream.linear.scatter [tilespmem:s31], [sflag:$0x8], $0x80, $0x38;
	[tilespmem:$0x18500] =	vst v63  }
0x862: {  	s22 =	sadd.s32 $0x1030, s1;
	s23 =	simm.s32 $0x160D8  }
0x863: {  	[hbm4b:s22+s3] =	stream.linear.scatter [tilespmem:s23], [sflag:$0x8], $0x80, $0x38;
	[tilespmem:$0x18500] =	vst v63  }
0x864: {  	s28 =	sadd.s32 $0x1040, s1;
	s29 =	simm.s32 $0x16160  }
0x865: {  	[hbm4b:s28+s3] =	stream.linear.scatter [tilespmem:s29], [sflag:$0x8], $0x80, $0x38;
	[tilespmem:$0x18500] =	vst v63  }
0x866: {  	s30 =	sadd.s32 $0x1050, s1;
	s31 =	simm.s32 $0x161E8  }
0x867: {  	[hbm4b:s30+s3] =	stream.linear.scatter [tilespmem:s31], [sflag:$0x8], $0x80, $0x38;
	[tilespmem:$0x18500] =	vst v63  }
0x868: {  	s12 =	sadd.s32 $0x1060, s1;
	s22 =	simm.s32 $0x16270  }
0x869: {  	[hbm4b:s12+s3] =	stream.linear.scatter [tilespmem:s22], [sflag:$0x8], $0x80, $0x38;
	[tilespmem:$0x18500] =	vst v63  }
0x86a: {  	s23 =	sadd.s32 $0x1070, s1;
	s28 =	simm.s32 $0x162F8  }
0x86b: {  	[hbm4b:s23+s3] =	stream.linear.scatter [tilespmem:s28], [sflag:$0x8], $0x80, $0x38;
	[tilespmem:$0x18500] =	vst v63  }
0x86c: {  	s29 =	sadd.s32 $0x2000, s1;
	s30 =	simm.s32 $0x16380  }
0x86d: {  	[hbm4b:s29+s3] =	stream.linear.scatter [tilespmem:s30], [sflag:$0x8], $0x80, $0x38;
	[tilespmem:$0x18500] =	vst v63  }
0x86e: {  	s31 =	sadd.s32 $0x2010, s1  }
0x86f: {  	[hbm4b:s31+s3] =	stream.linear.scatter [tilespmem:s13], [sflag:$0x8], $0x80, $0x38;
	[tilespmem:$0x18500] =	vst v63  }
0x870: {  	s12 =	sadd.s32 $0x2020, s1  }
0x871: {  	[hbm4b:s12+s3] =	stream.linear.scatter [tilespmem:s14], [sflag:$0x8], $0x80, $0x38;
	[tilespmem:$0x18500] =	vst v63  }
0x872: {  	s22 =	sadd.s32 $0x2030, s1;
	s23 =	simm.s32 $0x16518  }
0x873: {  	[hbm4b:s22+s3] =	stream.linear.scatter [tilespmem:s23], [sflag:$0x8], $0x80, $0x38;
	[tilespmem:$0x18500] =	vst v63  }
0x874: {  	s28 =	sadd.s32 $0x2040, s1;
	s29 =	simm.s32 $0x165A0  }
0x875: {  	[hbm4b:s28+s3] =	stream.linear.scatter [tilespmem:s29], [sflag:$0x8], $0x80, $0x38;
	[tilespmem:$0x18500] =	vst v63  }
0x876: {  	s30 =	sadd.s32 $0x2050, s1;
	s31 =	simm.s32 $0x16628  }
0x877: {  	[hbm4b:s30+s3] =	stream.linear.scatter [tilespmem:s31], [sflag:$0x8], $0x80, $0x38;
	[tilespmem:$0x18500] =	vst v63  }
0x878: {  	s22 =	sadd.s32 $0x2060, s1;
	s23 =	simm.s32 $0x166B0  }
0x879: {  	[hbm4b:s22+s3] =	stream.linear.scatter [tilespmem:s23], [sflag:$0x8], $0x80, $0x38;
	[tilespmem:$0x18500] =	vst v63  }
0x87a: {  	s28 =	sadd.s32 $0x2070, s1;
	s29 =	simm.s32 $0x16738  }
0x87b: {  	[hbm4b:s28+s3] =	stream.linear.scatter [tilespmem:s29], [sflag:$0x8], $0x80, $0x38;
	[tilespmem:$0x18500] =	vst v63  }
0x87c: {  	s30 =	sadd.s32 $0x3000, s1;
	s31 =	simm.s32 $0x167C0  }
0x87d: {  	[hbm4b:s30+s3] =	stream.linear.scatter [tilespmem:s31], [sflag:$0x8], $0x80, $0x38;
	[tilespmem:$0x18500] =	vst v63  }
0x87e: {  	s22 =	sadd.s32 $0x3010, s1;
	s23 =	simm.s32 $0x16848  }
0x87f: {  	[hbm4b:s22+s3] =	stream.linear.scatter [tilespmem:s23], [sflag:$0x8], $0x80, $0x38;
	[tilespmem:$0x18500] =	vst v63  }
0x880: {  	s28 =	sadd.s32 $0x3020, s1;
	s29 =	simm.s32 $0x168D0  }
0x881: {  	[hbm4b:s28+s3] =	stream.linear.scatter [tilespmem:s29], [sflag:$0x8], $0x80, $0x38;
	[tilespmem:$0x18500] =	vst v63  }
0x882: {  	s30 =	sadd.s32 $0x3030, s1;
	s31 =	simm.s32 $0x16958  }
0x883: {  	[hbm4b:s30+s3] =	stream.linear.scatter [tilespmem:s31], [sflag:$0x8], $0x80, $0x38;
	[tilespmem:$0x18500] =	vst v63  }
0x884: {  	s12 =	sadd.s32 $0x3040, s1;
	s22 =	simm.s32 $0x169E0  }
0x885: {  	[hbm4b:s12+s3] =	stream.linear.scatter [tilespmem:s22], [sflag:$0x8], $0x80, $0x38;
	[tilespmem:$0x18500] =	vst v63  }
0x886: {  	s23 =	sadd.s32 $0x3050, s1;
	s28 =	simm.s32 $0x16A68  }
0x887: {  	[hbm4b:s23+s3] =	stream.linear.scatter [tilespmem:s28], [sflag:$0x8], $0x80, $0x38;
	[tilespmem:$0x18500] =	vst v63  }
0x888: {  	s29 =	sadd.s32 $0x3060, s1;
	s30 =	simm.s32 $0x16AF0  }
0x889: {  	[hbm4b:s29+s3] =	stream.linear.scatter [tilespmem:s30], [sflag:$0x8], $0x80, $0x38;
	[tilespmem:$0x18500] =	vst v63  }
0x88a: {  	s1 =	sadd.s32 $0x3070, s1;
	s31 =	simm.s32 $0x16B78  }
0x88b: {  	[hbm4b:s1+s3] =	stream.linear.scatter [tilespmem:s31], [sflag:$0x8], $0x80, $0x38;
	[tilespmem:$0x18500] =	vst v63  }
0x88c: {  	_ =	swait.ge [sflag:s0], $0x1000  }
.Ltmp10:
0x88d: {  	[sflag:s0] =	ssyncset.done $0x0;
	(pc) =	sbr.rel @p0 .LBB2_20-.Ltmp10, $4  }
0x88e: {  	[sflag:s0] =	ssyncadd.s32 $0xFFFFF000  }
0x88f: {  	_ =	swait.ge [sflag:s0], $0x1000  }
0x890: {  	[sflag:s0] =	ssyncset.done $0x0  }
0x891: {  	[sflag:s0] =	ssyncadd.s32 $0xFFFFF000  }
0x892: {  	s1 =	sshll.u32 s15, $0xA  }
.Ltmp11:
0x893: {  	s1 =	sand.u32 $0x3FFFFC00, s1;
	(pc) =	sbr.rel .LBB2_2-.Ltmp11, $4  }
0x894: {  	s12 =	simm.s32 $0x8400;
	s10 =	sadd.s32 $0x500, s1  }
0x895: {  	[tilespmem:s12], [sflag:$0x2] =	stream.indirect.gather [hbm4b:s4+s9], $0x20, s10, s9, $0xb8;
	[tilespmem:$0x18500] =	vst v63  }
0x896: {  	s31 =	simm.s32 $0x9400;
	s15 =	sadd.s32 $0x1, s15;
	s1 =	sadd.s32 $0x580, s1  }
0x897: {  	[tilespmem:s31], [sflag:$0x2] =	stream.indirect.gather [hbm4b:s4+s9], $0x20, s1, s9, $0xb8;
	[tilespmem:$0x18500] =	vst v63  }
.LBB2_21:
0x898: {  	_ =	sfence.sel $0x180000  }
0x899: {  	[bflag:$0x0] =	sbarrier.arrive $0xFFFF  }
0x89a: {  	_ =	strace $0x90000047  }
0x89b: {  	s0 =	stileid.u32;
	[bflag:$0x2] =	sbarrier.arrive $0xFFFF  }
0x89c: {  	p0 =	sne.s32 s0, $0x0;
	s0 =	rddreg [dreg:$0x2]  }
0x89d: {  	s0 =	sadd.s32 @!p0 $0x100000, s0  }
0x89e: {  	[sflag:s0] =	ssyncadd.tile.s32 @!p0 $0x1;
	_ =	shalt  }
.Lfunc_end2:
_tile_overlayer_lowered:
.L_overlay_start_2:
0x89f: {  	(tag) =	ssettag $0x2  }
0x8a0: {  	s0 =	rddreg [dreg:$0x0];
	s2 =	stileid.u32  }
0x8a1: {  	s1 =	rddreg [dreg:$0x1];
	p0 =	sne.s32 s2, $0x0  }
0x8a2: {  	s3 =	rddreg [dreg:$0x2];
	[bflag:$0x3] =	sbarrier.arrive $0xFFFF;
	s2 =	simm.s32 @!p0 $0x1C09  }
0x8a3: {  	[timem:s3], [sflag:s2] =	dma.local @!p0 [hbm:s0], s1  }
0x8a4: {  	s0 =	simm.s32 @!p0 $0x9  }
0x8a5: {  	_ =	swait.ge @!p0 [sflag:s0], s1  }
0x8a6: {  	s1 =	ssub.s32 @!p0 $0x0, s1;
	[sflag:s0] =	ssyncset.done @!p0 $0x0  }
0x8a7: {  	[sflag:s0] =	ssyncadd.s32 @!p0 s1  }
0x8a8: {  	[bflag:$0x3] =	sbarrier.arrive $0xFFFF  }
0x8a9: {  	_ =	shalt  }

</sc_bundles>
